<compile_context>
chip_gen: v7x
topology: tpu7x:2x2x1
jax: 0.10.2.dev20260603
libtpu: 0.0.44.dev20260713+nightly
codegen_flags: <defaults>
</compile_context>

<pallas_src>
import dataclasses
import functools

import jax
import jax.numpy as jnp
from jax import lax
from jax.experimental import pallas as pl
from jax.experimental.pallas import tpu as pltpu
from jax.experimental.pallas import tpu_sc as plsc

N = 100000
E = 6400000
NC, NS = 2, 16
NW = NC * NS
GRP = 128
K = 16
G = E // GRP
NCH = G // K
CHUNK_ITERS = (NCH + NW - 1) // NW
RPT = 6272
NP = RPT * NS
BLK = 6272
TGRID = NP // BLK
SCH = 784
NBUF = 4
LEAD = 2

_mesh = plsc.VectorSubcoreMesh(core_axis_name="c", subcore_axis_name="s")
_sc_params = pltpu.CompilerParams(use_tc_tiling_on_sc=False)
_sc_params_nolayout = dataclasses.replace(_sc_params, needs_layout_passes=False)


@functools.partial(
    pl.kernel,
    out_type=(jax.ShapeDtypeStruct((NC, NP), jnp.float32),
              jax.ShapeDtypeStruct((NC, NP), jnp.float32)),
    mesh=_mesh,
    compiler_params=_sc_params,
    scratch_types=[
        pltpu.VMEM_SHARED((NP,), jnp.float32),
        pltpu.VMEM_SHARED((NP,), jnp.float32),
        pltpu.VMEM((K, GRP), jnp.int32),
        pltpu.VMEM((K, GRP), jnp.int32),
        pltpu.VMEM((GRP,), jnp.float32),
        pltpu.VMEM((RPT,), jnp.float32),
        pltpu.SemaphoreType.DMA,
    ],
)
def _sc_degrees(edge_ref, dsrc_out, ddst_out,
                dsrc_acc, ddst_acc, sidx, didx, ones, zbuf, dsem):
    cid = lax.axis_index("c")
    sid = lax.axis_index("s")
    wid = cid * NS + sid
    r0 = sid * RPT

    @pl.loop(0, RPT, step=16)
    def _(i):
        zbuf[pl.ds(i, 16)] = jnp.zeros((16,), jnp.float32)

    @pl.loop(0, GRP, step=16)
    def _(i):
        ones[pl.ds(i, 16)] = jnp.full((16,), 1.0, jnp.float32)

    pltpu.sync_copy(zbuf, dsrc_acc.at[pl.ds(r0, RPT)])
    pltpu.sync_copy(zbuf, ddst_acc.at[pl.ds(r0, RPT)])
    plsc.subcore_barrier()

    @pl.loop(0, CHUNK_ITERS)
    def _(it):
        c = it * NW + wid

        @pl.when(c < NCH)
        def _():
            pltpu.sync_copy(edge_ref.at[0, pl.ds(c * K, K), :], sidx)
            pltpu.sync_copy(edge_ref.at[1, pl.ds(c * K, K), :], didx)
            descs = []
            for j in range(K):
                descs.append(
                    pltpu.async_copy(ones, dsrc_acc.at[sidx.at[j]], dsem, add=True))
                descs.append(
                    pltpu.async_copy(ones, ddst_acc.at[didx.at[j]], dsem, add=True))
            for dsc in descs:
                dsc.wait()

    plsc.subcore_barrier()
    pltpu.sync_copy(dsrc_acc.at[pl.ds(r0, RPT)], zbuf)
    pltpu.sync_copy(zbuf, dsrc_out.at[cid, pl.ds(r0, RPT)])
    pltpu.sync_copy(ddst_acc.at[pl.ds(r0, RPT)], zbuf)
    pltpu.sync_copy(zbuf, ddst_out.at[cid, pl.ds(r0, RPT)])


def _edge_loop(edge_ref, tbl, acc, sidx, didx, rows, gsems, ssems, wid):
    @pl.loop(0, CHUNK_ITERS)
    def _(it):
        c = it * NW + wid

        @pl.when(c < NCH)
        def _():
            pltpu.sync_copy(edge_ref.at[0, pl.ds(c * K, K), :], sidx)
            pltpu.sync_copy(edge_ref.at[1, pl.ds(c * K, K), :], didx)
            gds, sds = {}, {}

            def start_gather(j):
                b = j % NBUF
                gds[j] = pltpu.async_copy(
                    tbl.at[sidx.at[j]], rows.at[b], gsems.at[b])

            for j in range(LEAD):
                start_gather(j)
            for j in range(K):
                nj = j + LEAD
                if nj < K:
                    if nj >= NBUF:
                        sds[nj - NBUF].wait()
                    start_gather(nj)
                gds[j].wait()
                b = j % NBUF
                sds[j] = pltpu.async_copy(
                    rows.at[b], acc.at[didx.at[j]], ssems.at[b], add=True)
            for j in range(K - NBUF, K):
                sds[j].wait()


def _dump_acc(acc, out_ref, sbuf, cid, r0, schunk):
    @pl.loop(0, RPT, step=schunk)
    def _(rr):
        pltpu.sync_copy(acc.at[pl.ds(r0 + rr, schunk), :], sbuf)
        pltpu.sync_copy(sbuf, out_ref.at[cid, pl.ds(r0 + rr, schunk), :])


def _make_sc_aggregate(depth):
    @functools.partial(
        pl.kernel,
        out_type=jax.ShapeDtypeStruct((NC, NP, depth), jnp.float32),
        mesh=_mesh,
        compiler_params=_sc_params,
        scratch_types=[
            pltpu.VMEM_SHARED((NP, depth), jnp.float32),
            pltpu.VMEM_SHARED((NP, depth), jnp.float32),
            pltpu.VMEM((K, GRP), jnp.int32),
            pltpu.VMEM((K, GRP), jnp.int32),
            pltpu.VMEM((NBUF, GRP, depth), jnp.float32),
            pltpu.VMEM((SCH, depth), jnp.float32),
            pltpu.SemaphoreType.DMA((NBUF,)),
            pltpu.SemaphoreType.DMA((NBUF,)),
        ],
    )
    def agg(table_ref, edge_ref, zeros_ref, out_ref,
            tbl, acc, sidx, didx, rows, sbuf, gsems, ssems):
        cid = lax.axis_index("c")
        sid = lax.axis_index("s")
        wid = cid * NS + sid
        r0 = sid * RPT

        @pl.loop(0, RPT, step=SCH)
        def _(rr):
            pltpu.sync_copy(zeros_ref.at[pl.ds(r0 + rr, SCH), :], sbuf)
            pltpu.sync_copy(sbuf, acc.at[pl.ds(r0 + rr, SCH), :])
            pltpu.sync_copy(table_ref.at[pl.ds(r0 + rr, SCH), :], sbuf)
            pltpu.sync_copy(sbuf, tbl.at[pl.ds(r0 + rr, SCH), :])

        plsc.subcore_barrier()
        _edge_loop(edge_ref, tbl, acc, sidx, didx, rows, gsems, ssems, wid)
        plsc.subcore_barrier()
        _dump_acc(acc, out_ref, sbuf, cid, r0, SCH)

    return agg


SCH2 = 392


@functools.partial(
    pl.kernel,
    out_type=jax.ShapeDtypeStruct((NC, NP, 8), jnp.float32),
    mesh=_mesh,
    compiler_params=_sc_params_nolayout,
    scratch_types=[
        pltpu.VMEM_SHARED((NP, 8), jnp.float32),
        pltpu.VMEM_SHARED((NP, 8), jnp.float32),
        pltpu.VMEM((K, GRP), jnp.int32),
        pltpu.VMEM((K, GRP), jnp.int32),
        pltpu.VMEM((NBUF, GRP, 8), jnp.float32),
        pltpu.VMEM((SCH2, 8), jnp.float32),
        pltpu.VMEM((SCH2,), jnp.float32),
        pltpu.SemaphoreType.DMA((NBUF,)),
        pltpu.SemaphoreType.DMA((NBUF,)),
    ],
)
def _sc_agg_l1(h1_ref, ns_ref, edge_ref, zeros_ref, out_ref,
               tbl, acc, sidx, didx, rows, sbuf, nsb, gsems, ssems):
    cid = lax.axis_index("c")
    sid = lax.axis_index("s")
    wid = cid * NS + sid
    r0 = sid * RPT

    @pl.loop(0, RPT, step=SCH2)
    def _(rr):
        row0 = r0 + rr
        pltpu.sync_copy(zeros_ref.at[pl.ds(row0, SCH2), :], sbuf)
        pltpu.sync_copy(sbuf, acc.at[pl.ds(row0, SCH2), :])
        pltpu.sync_copy(h1_ref.at[pl.ds(row0, SCH2), :], sbuf)
        pltpu.sync_copy(ns_ref.at[pl.ds(row0, SCH2)], nsb)

        @pl.loop(0, SCH2 * 8, step=16)
        def _(i):
            w = i + lax.iota(jnp.int32, 16)
            r = lax.shift_right_logical(w, 3)
            cc = lax.bitwise_and(w, 7)
            v = plsc.load_gather(sbuf, [r, cc]) * plsc.load_gather(nsb, [r])
            plsc.store_scatter(sbuf, [r, cc], v)

        pltpu.sync_copy(sbuf, tbl.at[pl.ds(row0, SCH2), :])

    plsc.subcore_barrier()
    _edge_loop(edge_ref, tbl, acc, sidx, didx, rows, gsems, ssems, wid)
    plsc.subcore_barrier()
    _dump_acc(acc, out_ref, sbuf, cid, r0, SCH2)


@functools.partial(
    pl.kernel,
    out_type=jax.ShapeDtypeStruct((NC, NP, 8), jnp.float32),
    mesh=_mesh,
    compiler_params=_sc_params_nolayout,
    scratch_types=[
        pltpu.VMEM_SHARED((NP, 8), jnp.float32),
        pltpu.VMEM_SHARED((NP, 8), jnp.float32),
        pltpu.VMEM((K, GRP), jnp.int32),
        pltpu.VMEM((K, GRP), jnp.int32),
        pltpu.VMEM((NBUF, GRP, 8), jnp.float32),
        pltpu.VMEM((SCH2, 8), jnp.float32),
        pltpu.VMEM((SCH2, 8), jnp.float32),
        pltpu.VMEM((SCH2, 8), jnp.float32),
        pltpu.VMEM((SCH2,), jnp.float32),
        pltpu.VMEM((SCH2,), jnp.float32),
        pltpu.VMEM((8,), jnp.float32),
        pltpu.SemaphoreType.DMA((NBUF,)),
        pltpu.SemaphoreType.DMA((NBUF,)),
    ],
)
def _sc_agg_l2(agg1_ref, ns_ref, nd_ref, b1_ref, edge_ref, zeros_ref, out_ref,
               tbl, acc, sidx, didx, rows, sbuf, p0b, p1b, nsb, ndb, b1b,
               gsems, ssems):
    cid = lax.axis_index("c")
    sid = lax.axis_index("s")
    wid = cid * NS + sid
    r0 = sid * RPT

    pltpu.sync_copy(b1_ref, b1b)

    @pl.loop(0, RPT, step=SCH2)
    def _(rr):
        row0 = r0 + rr
        pltpu.sync_copy(zeros_ref.at[pl.ds(row0, SCH2), :], sbuf)
        pltpu.sync_copy(sbuf, acc.at[pl.ds(row0, SCH2), :])
        pltpu.sync_copy(agg1_ref.at[0, pl.ds(row0, SCH2), :], p0b)
        pltpu.sync_copy(agg1_ref.at[1, pl.ds(row0, SCH2), :], p1b)
        pltpu.sync_copy(ns_ref.at[pl.ds(row0, SCH2)], nsb)
        pltpu.sync_copy(nd_ref.at[pl.ds(row0, SCH2)], ndb)

        @pl.loop(0, SCH2 * 8, step=16)
        def _(i):
            w = i + lax.iota(jnp.int32, 16)
            r = lax.shift_right_logical(w, 3)
            cc = lax.bitwise_and(w, 7)
            v = plsc.load_gather(p0b, [r, cc]) + plsc.load_gather(p1b, [r, cc])
            x1 = jnp.maximum(
                v * plsc.load_gather(ndb, [r]) + plsc.load_gather(b1b, [cc]),
                0.0)
            plsc.store_scatter(sbuf, [r, cc], x1 * plsc.load_gather(nsb, [r]))

        pltpu.sync_copy(sbuf, tbl.at[pl.ds(row0, SCH2), :])

    plsc.subcore_barrier()
    _edge_loop(edge_ref, tbl, acc, sidx, didx, rows, gsems, ssems, wid)
    plsc.subcore_barrier()
    _dump_acc(acc, out_ref, sbuf, cid, r0, SCH2)


_sc_agg8 = _make_sc_aggregate(8)


def _tc_h1(features, W1):
    def body(f_ref, w1_ref, h_ref):
        h_ref[...] = jnp.dot(f_ref[...], w1_ref[...],
                             preferred_element_type=jnp.float32)

    return pl.pallas_call(
        body,
        grid=(TGRID,),
        in_specs=[
            pl.BlockSpec((BLK, 10), lambda i: (i, 0)),
            pl.BlockSpec((10, 8), lambda i: (0, 0)),
        ],
        out_specs=pl.BlockSpec((BLK, 8), lambda i: (i, 0)),
        out_shape=jax.ShapeDtypeStruct((NP, 8), jnp.float32),
    )(features, W1)


def _tc_norms(h1, dsrc_p, ddst_p):
    def body(h_ref, ds_ref, dd_ref, hn_ref, ns_ref, nd_ref):
        p = ds_ref[...]
        ns = lax.rsqrt(jnp.maximum(p[0] + p[1], 1.0))
        q = dd_ref[...]
        nd = lax.rsqrt(jnp.maximum(q[0] + q[1], 1.0))
        hn_ref[...] = h_ref[...] * ns[:, None]
        ns_ref[...] = ns[:, None]
        nd_ref[...] = nd[:, None]

    return pl.pallas_call(
        body,
        grid=(TGRID,),
        in_specs=[
            pl.BlockSpec((BLK, 8), lambda i: (i, 0)),
            pl.BlockSpec((NC, BLK), lambda i: (0, i)),
            pl.BlockSpec((NC, BLK), lambda i: (0, i)),
        ],
        out_specs=[
            pl.BlockSpec((BLK, 8), lambda i: (i, 0)),
            pl.BlockSpec((BLK, 1), lambda i: (i, 0)),
            pl.BlockSpec((BLK, 1), lambda i: (i, 0)),
        ],
        out_shape=[
            jax.ShapeDtypeStruct((NP, 8), jnp.float32),
            jax.ShapeDtypeStruct((NP, 1), jnp.float32),
            jax.ShapeDtypeStruct((NP, 1), jnp.float32),
        ],
    )(h1, dsrc_p, ddst_p)


def _tc_head(agg_p, nd, W2, b2, wo_row, bo):
    def body(ag_ref, nd_ref, w2_ref, b2_ref, wo_ref, bo_ref, out_ref, acc_ref):
        i = pl.program_id(0)

        @pl.when(i == 0)
        def _():
            acc_ref[...] = jnp.zeros_like(acc_ref)

        p = ag_ref[...]
        h2 = jnp.dot(p[0] + p[1], w2_ref[...],
                     preferred_element_type=jnp.float32)
        x2 = jnp.maximum(h2 * nd_ref[...] + b2_ref[...], 0.0)
        row = i * BLK + lax.broadcasted_iota(jnp.int32, (BLK, 1), 0)
        x2 = jnp.where(row < N, x2, 0.0)
        acc_ref[...] += jnp.sum(x2, axis=0, keepdims=True)

        @pl.when(i == TGRID - 1)
        def _():
            g = acc_ref[...] / jnp.float32(N)
            val = jnp.sum(g * wo_ref[...]) + bo_ref[0, 0]
            out_ref[...] = jnp.full((1,), jax.nn.sigmoid(val), jnp.float32)

    return pl.pallas_call(
        body,
        grid=(TGRID,),
        in_specs=[
            pl.BlockSpec((NC, BLK, 8), lambda i: (0, i, 0)),
            pl.BlockSpec((BLK, 1), lambda i: (i, 0)),
            pl.BlockSpec((8, 4), lambda i: (0, 0)),
            pl.BlockSpec((1, 4), lambda i: (0, 0)),
            pl.BlockSpec((1, 4), lambda i: (0, 0)),
            pl.BlockSpec((1, 1), lambda i: (0, 0)),
        ],
        out_specs=pl.BlockSpec((1,), lambda i: (0,)),
        out_shape=jax.ShapeDtypeStruct((1,), jnp.float32),
        scratch_shapes=[pltpu.VMEM((1, 4), jnp.float32)],
    )(agg_p, nd, W2, b2, wo_row, bo)


def kernel(features, edge_index, W1, b1, W2, b2, Wo, bo):
    edge_g = edge_index.reshape(2, G, GRP)
    zeros8 = jnp.zeros((NP, 8), jnp.float32)

    dsrc_p, ddst_p = _sc_degrees(edge_g)
    h1 = _tc_h1(features, W1)
    hn1, ns, nd = _tc_norms(h1, dsrc_p, ddst_p)
    agg1_p = _sc_agg8(hn1, edge_g, zeros8)

    agg2_p = _sc_agg_l2(agg1_p, ns.reshape(NP), nd.reshape(NP), b1,
                        edge_g, zeros8)

    return _tc_head(agg2_p, nd, W2, b2.reshape(1, 4), Wo.reshape(1, 4),
                    bo.reshape(1, 1))

# --- scband reference (transcript-rebuilt; emitter-appended) ---
"""Pipeline reference for scband-gconv-net-simple-26310969655869 (READ-ONLY COPY).

The authoritative reference and input builder live on the scoring server;
editing this copy changes nothing except your own understanding.
"""

import jax, jax.numpy as jnp
import numpy as np

N = 100000
E = 6400000


def setup_inputs(seed: int = 0) -> dict:
    key = jax.random.key(seed)
    ks = jax.random.split(key, 8)
    features = jax.random.normal(ks[0], (N, 10), dtype=jnp.float32)
    edge_index = jax.random.randint(ks[1], (2, E), 0, N, dtype=jnp.int32)
    # learned parameters (DGL GraphConv: weight [in, out], bias [out]; nn.Linear stored transposed here)
    W1 = jax.random.normal(ks[2], (10, 8), dtype=jnp.float32) * 0.3
    b1 = jnp.zeros((8,), dtype=jnp.float32)
    W2 = jax.random.normal(ks[3], (8, 4), dtype=jnp.float32) * 0.3
    b2 = jnp.zeros((4,), dtype=jnp.float32)
    Wo = jax.random.normal(ks[4], (4, 1), dtype=jnp.float32) * 0.3
    bo = jnp.zeros((1,), dtype=jnp.float32)
    return {"features": features, "edge_index": edge_index, "W1": W1, "b1": b1, "W2": W2, "b2": b2, "Wo": Wo, "bo": bo}


def _graph_conv(x, edge_index, W, b):
    # DGL GraphConv with norm='both': h = D_in^{-1/2} A D_out^{-1/2} (x W) + b
    # (weight applied before aggregation since in_feats > out_feats)
    src = edge_index[0]
    dst = edge_index[1]
    deg_out = jnp.clip(jnp.bincount(src, length=N), 1).astype(jnp.float32)
    deg_in = jnp.clip(jnp.bincount(dst, length=N), 1).astype(jnp.float32)
    norm_src = deg_out ** -0.5
    norm_dst = deg_in ** -0.5
    h = x @ W
    msg = h[src] * norm_src[src][:, None]
    agg = jax.ops.segment_sum(msg, dst, num_segments=N)
    return agg * norm_dst[:, None] + b


def reference(features, edge_index, W1, b1, W2, b2, Wo, bo):
    h = jax.nn.relu(_graph_conv(features, edge_index, W1, b1))
    h = jax.nn.relu(_graph_conv(h, edge_index, W2, b2))
    # dgl.mean_nodes over a single graph -> [1, 4]
    g = jnp.mean(h, axis=0, keepdims=True)
    out = jax.nn.sigmoid(g @ Wo + bo)
    return out.reshape(-1)

if __name__ == "__main__":
    import jax
    _d = setup_inputs()
    print(jax.jit(kernel)(*tuple(_d.values())))

</pallas_src>

<mosaic_0001>
#map = affine_map<(d0, d1) -> (0, 0, 0)>
#map1 = affine_map<(d0, d1) -> (0)>
#map2 = affine_map<(d0, d1) -> (0, 0)>
module attributes {stable_mosaic.version = 14 : i64} {
  func.func @_sc_agg_l2(%arg0: i32, %arg1: i32, %arg2: memref<2x100352x8xf32, #tpu.memory_space<hbm>>, %arg3: memref<100352xf32, #tpu.memory_space<hbm>>, %arg4: memref<100352xf32, #tpu.memory_space<hbm>>, %arg5: memref<8xf32, #tpu.memory_space<hbm>>, %arg6: memref<2x50000x128xi32, #tpu.memory_space<hbm>>, %arg7: memref<100352x8xf32, #tpu.memory_space<hbm>>, %arg8: memref<2x100352x8xf32, #tpu.memory_space<hbm>>, %arg9: memref<100352x8xf32, #tpu.memory_space<vmem_shared>>, %arg10: memref<100352x8xf32, #tpu.memory_space<vmem_shared>>, %arg11: memref<16x128xi32, #tpu.memory_space<vmem>>, %arg12: memref<16x128xi32, #tpu.memory_space<vmem>>, %arg13: memref<4x128x8xf32, #tpu.memory_space<vmem>>, %arg14: memref<392x8xf32, #tpu.memory_space<vmem>>, %arg15: memref<392x8xf32, #tpu.memory_space<vmem>>, %arg16: memref<392x8xf32, #tpu.memory_space<vmem>>, %arg17: memref<392xf32, #tpu.memory_space<vmem>>, %arg18: memref<392xf32, #tpu.memory_space<vmem>>, %arg19: memref<8xf32, #tpu.memory_space<vmem>>, %arg20: memref<4x!tpu.dma_semaphore, #tpu.memory_space<semaphore_mem>>, %arg21: memref<4x!tpu.dma_semaphore, #tpu.memory_space<semaphore_mem>>) attributes {dimension_semantics = [#tpu.dimension_semantics<core_parallel>, #tpu.dimension_semantics<subcore_parallel>], iteration_bounds = array<i64: 2, 16>, scalar_prefetch = 0 : i64, scratch_operands = 13 : i64, tpu.core_type = #tpu.core_type<sc_vector_subcore>, window_params = [{transform_indices = #map}, {transform_indices = #map1}, {transform_indices = #map1}, {transform_indices = #map1}, {transform_indices = #map}, {transform_indices = #map2}, {transform_indices = #map}]} {
    %mul3A = arith.constant 16 : i32
    %mul3A_0 = arith.muli %arg0, %mul3A : i32
    %add3A = arith.addi %mul3A_0, %arg1 : i32
    %mul3A_1 = arith.constant 6272 : i32
    %mul3A_2 = arith.muli %arg1, %mul3A_1 : i32
    "tpu.region"() ({
      %run_scoped3A = tpu.sem_alloc : memref<!tpu.dma_semaphore, #tpu.memory_space<semaphore_mem>>
      tpu.enqueue_dma source(%arg5 : memref<8xf32, #tpu.memory_space<hbm>>) target(%arg19 : memref<8xf32, #tpu.memory_space<vmem>>) target_semaphore(%run_scoped3A : memref<!tpu.dma_semaphore, #tpu.memory_space<semaphore_mem>>)
      tpu.wait_dma2 semaphore(%run_scoped3A : memref<!tpu.dma_semaphore, #tpu.memory_space<semaphore_mem>>) src(%arg5 : memref<8xf32, #tpu.memory_space<hbm>>) dst(%arg19 : memref<8xf32, #tpu.memory_space<vmem>>)
      tpu.yield
    }) : () -> ()
    %scan3A = arith.constant 0 : i32
    %scan3A_3 = arith.constant 16 : i32
    %scan3A_4 = arith.addi %scan3A, %scan3A_3 : i32
    %scan3A_5 = arith.constant 1 : i32
    scf.for %scan3A_18 = %scan3A to %scan3A_4 step %scan3A_5  : i32 {
      %mul3A_19 = arith.constant 392 : i32
      %mul3A_20 = arith.muli %scan3A_18, %mul3A_19 : i32
      %add3A_21 = arith.constant 0 : i32
      %add3A_22 = arith.addi %add3A_21, %mul3A_20 : i32
      %add3A_23 = arith.addi %mul3A_2, %add3A_22 : i32
      "tpu.region"() ({
        %run_scoped3A_30 = tpu.sem_alloc : memref<!tpu.dma_semaphore, #tpu.memory_space<semaphore_mem>>
        %dma_start3A = arith.constant 0 : i32
        %dma_start3A_31 = tpu.memref_slice %arg7[%add3A_23, %dma_start3A] : memref<100352x8xf32, #tpu.memory_space<hbm>> -> memref<392x8xf32, #tpu.memory_space<hbm>>
        %dma_start3A_32 = arith.constant 0 : i32
        %dma_start3A_33 = tpu.memref_slice %arg7[%add3A_23, %dma_start3A_32] : memref<100352x8xf32, #tpu.memory_space<hbm>> -> memref<392x8xf32, #tpu.memory_space<hbm>>
        tpu.enqueue_dma source(%dma_start3A_33 : memref<392x8xf32, #tpu.memory_space<hbm>>) target(%arg14 : memref<392x8xf32, #tpu.memory_space<vmem>>) target_semaphore(%run_scoped3A_30 : memref<!tpu.dma_semaphore, #tpu.memory_space<semaphore_mem>>)
        %dma_wait3A = arith.constant 0 : i32
        %dma_wait3A_34 = tpu.memref_slice %arg7[%add3A_23, %dma_wait3A] : memref<100352x8xf32, #tpu.memory_space<hbm>> -> memref<392x8xf32, #tpu.memory_space<hbm>>
        %dma_wait3A_35 = arith.constant 0 : i32
        %dma_wait3A_36 = tpu.memref_slice %arg7[%add3A_23, %dma_wait3A_35] : memref<100352x8xf32, #tpu.memory_space<hbm>> -> memref<392x8xf32, #tpu.memory_space<hbm>>
        tpu.wait_dma2 semaphore(%run_scoped3A_30 : memref<!tpu.dma_semaphore, #tpu.memory_space<semaphore_mem>>) src(%dma_wait3A_36 : memref<392x8xf32, #tpu.memory_space<hbm>>) dst(%arg14 : memref<392x8xf32, #tpu.memory_space<vmem>>)
        tpu.yield
      }) : () -> ()
      "tpu.region"() ({
        %run_scoped3A_30 = tpu.sem_alloc : memref<!tpu.dma_semaphore, #tpu.memory_space<semaphore_mem>>
        %dma_start3A = arith.constant 0 : i32
        %dma_start3A_31 = tpu.memref_slice %arg10[%add3A_23, %dma_start3A] : memref<100352x8xf32, #tpu.memory_space<vmem_shared>> -> memref<392x8xf32, #tpu.memory_space<vmem_shared>>
        %dma_start3A_32 = arith.constant 0 : i32
        %dma_start3A_33 = tpu.memref_slice %arg10[%add3A_23, %dma_start3A_32] : memref<100352x8xf32, #tpu.memory_space<vmem_shared>> -> memref<392x8xf32, #tpu.memory_space<vmem_shared>>
        tpu.enqueue_dma source(%arg14 : memref<392x8xf32, #tpu.memory_space<vmem>>) target(%dma_start3A_33 : memref<392x8xf32, #tpu.memory_space<vmem_shared>>) target_semaphore(%run_scoped3A_30 : memref<!tpu.dma_semaphore, #tpu.memory_space<semaphore_mem>>)
        %dma_wait3A = arith.constant 0 : i32
        %dma_wait3A_34 = tpu.memref_slice %arg10[%add3A_23, %dma_wait3A] : memref<100352x8xf32, #tpu.memory_space<vmem_shared>> -> memref<392x8xf32, #tpu.memory_space<vmem_shared>>
        %dma_wait3A_35 = arith.constant 0 : i32
        %dma_wait3A_36 = tpu.memref_slice %arg10[%add3A_23, %dma_wait3A_35] : memref<100352x8xf32, #tpu.memory_space<vmem_shared>> -> memref<392x8xf32, #tpu.memory_space<vmem_shared>>
        tpu.wait_dma2 semaphore(%run_scoped3A_30 : memref<!tpu.dma_semaphore, #tpu.memory_space<semaphore_mem>>) src(%arg14 : memref<392x8xf32, #tpu.memory_space<vmem>>) dst(%dma_wait3A_36 : memref<392x8xf32, #tpu.memory_space<vmem_shared>>)
        tpu.yield
      }) : () -> ()
      %run_scoped3A = arith.constant 0 : i32
      "tpu.region"() ({
        %run_scoped3A_30 = tpu.sem_alloc : memref<!tpu.dma_semaphore, #tpu.memory_space<semaphore_mem>>
        %dma_start3A = arith.constant 0 : i32
        %dma_start3A_31 = tpu.memref_slice %arg2[%run_scoped3A, %add3A_23, %dma_start3A] : memref<2x100352x8xf32, #tpu.memory_space<hbm>> -> memref<1x392x8xf32, #tpu.memory_space<hbm>>
        %dma_start3A_32 = tpu.memref_squeeze %dma_start3A_31 : memref<1x392x8xf32, #tpu.memory_space<hbm>> -> memref<392x8xf32, #tpu.memory_space<hbm>>
        %dma_start3A_33 = arith.constant 0 : i32
        %dma_start3A_34 = tpu.memref_slice %arg2[%run_scoped3A, %add3A_23, %dma_start3A_33] : memref<2x100352x8xf32, #tpu.memory_space<hbm>> -> memref<1x392x8xf32, #tpu.memory_space<hbm>>
        %dma_start3A_35 = tpu.memref_squeeze %dma_start3A_34 : memref<1x392x8xf32, #tpu.memory_space<hbm>> -> memref<392x8xf32, #tpu.memory_space<hbm>>
        tpu.enqueue_dma source(%dma_start3A_35 : memref<392x8xf32, #tpu.memory_space<hbm>>) target(%arg15 : memref<392x8xf32, #tpu.memory_space<vmem>>) target_semaphore(%run_scoped3A_30 : memref<!tpu.dma_semaphore, #tpu.memory_space<semaphore_mem>>)
        %dma_wait3A = arith.constant 0 : i32
        %dma_wait3A_36 = tpu.memref_slice %arg2[%run_scoped3A, %add3A_23, %dma_wait3A] : memref<2x100352x8xf32, #tpu.memory_space<hbm>> -> memref<1x392x8xf32, #tpu.memory_space<hbm>>
        %dma_wait3A_37 = tpu.memref_squeeze %dma_wait3A_36 : memref<1x392x8xf32, #tpu.memory_space<hbm>> -> memref<392x8xf32, #tpu.memory_space<hbm>>
        %dma_wait3A_38 = arith.constant 0 : i32
        %dma_wait3A_39 = tpu.memref_slice %arg2[%run_scoped3A, %add3A_23, %dma_wait3A_38] : memref<2x100352x8xf32, #tpu.memory_space<hbm>> -> memref<1x392x8xf32, #tpu.memory_space<hbm>>
        %dma_wait3A_40 = tpu.memref_squeeze %dma_wait3A_39 : memref<1x392x8xf32, #tpu.memory_space<hbm>> -> memref<392x8xf32, #tpu.memory_space<hbm>>
        tpu.wait_dma2 semaphore(%run_scoped3A_30 : memref<!tpu.dma_semaphore, #tpu.memory_space<semaphore_mem>>) src(%dma_wait3A_40 : memref<392x8xf32, #tpu.memory_space<hbm>>) dst(%arg15 : memref<392x8xf32, #tpu.memory_space<vmem>>)
        tpu.yield
      }) : () -> ()
      %run_scoped3A_24 = arith.constant 1 : i32
      "tpu.region"() ({
        %run_scoped3A_30 = tpu.sem_alloc : memref<!tpu.dma_semaphore, #tpu.memory_space<semaphore_mem>>
        %dma_start3A = arith.constant 0 : i32
        %dma_start3A_31 = tpu.memref_slice %arg2[%run_scoped3A_24, %add3A_23, %dma_start3A] : memref<2x100352x8xf32, #tpu.memory_space<hbm>> -> memref<1x392x8xf32, #tpu.memory_space<hbm>>
        %dma_start3A_32 = tpu.memref_squeeze %dma_start3A_31 : memref<1x392x8xf32, #tpu.memory_space<hbm>> -> memref<392x8xf32, #tpu.memory_space<hbm>>
        %dma_start3A_33 = arith.constant 0 : i32
        %dma_start3A_34 = tpu.memref_slice %arg2[%run_scoped3A_24, %add3A_23, %dma_start3A_33] : memref<2x100352x8xf32, #tpu.memory_space<hbm>> -> memref<1x392x8xf32, #tpu.memory_space<hbm>>
        %dma_start3A_35 = tpu.memref_squeeze %dma_start3A_34 : memref<1x392x8xf32, #tpu.memory_space<hbm>> -> memref<392x8xf32, #tpu.memory_space<hbm>>
        tpu.enqueue_dma source(%dma_start3A_35 : memref<392x8xf32, #tpu.memory_space<hbm>>) target(%arg16 : memref<392x8xf32, #tpu.memory_space<vmem>>) target_semaphore(%run_scoped3A_30 : memref<!tpu.dma_semaphore, #tpu.memory_space<semaphore_mem>>)
        %dma_wait3A = arith.constant 0 : i32
        %dma_wait3A_36 = tpu.memref_slice %arg2[%run_scoped3A_24, %add3A_23, %dma_wait3A] : memref<2x100352x8xf32, #tpu.memory_space<hbm>> -> memref<1x392x8xf32, #tpu.memory_space<hbm>>
        %dma_wait3A_37 = tpu.memref_squeeze %dma_wait3A_36 : memref<1x392x8xf32, #tpu.memory_space<hbm>> -> memref<392x8xf32, #tpu.memory_space<hbm>>
        %dma_wait3A_38 = arith.constant 0 : i32
        %dma_wait3A_39 = tpu.memref_slice %arg2[%run_scoped3A_24, %add3A_23, %dma_wait3A_38] : memref<2x100352x8xf32, #tpu.memory_space<hbm>> -> memref<1x392x8xf32, #tpu.memory_space<hbm>>
        %dma_wait3A_40 = tpu.memref_squeeze %dma_wait3A_39 : memref<1x392x8xf32, #tpu.memory_space<hbm>> -> memref<392x8xf32, #tpu.memory_space<hbm>>
        tpu.wait_dma2 semaphore(%run_scoped3A_30 : memref<!tpu.dma_semaphore, #tpu.memory_space<semaphore_mem>>) src(%dma_wait3A_40 : memref<392x8xf32, #tpu.memory_space<hbm>>) dst(%arg16 : memref<392x8xf32, #tpu.memory_space<vmem>>)
        tpu.yield
      }) : () -> ()
      "tpu.region"() ({
        %run_scoped3A_30 = tpu.sem_alloc : memref<!tpu.dma_semaphore, #tpu.memory_space<semaphore_mem>>
        %dma_start3A = tpu.memref_slice %arg3[%add3A_23] : memref<100352xf32, #tpu.memory_space<hbm>> -> memref<392xf32, #tpu.memory_space<hbm>>
        %dma_start3A_31 = tpu.memref_slice %arg3[%add3A_23] : memref<100352xf32, #tpu.memory_space<hbm>> -> memref<392xf32, #tpu.memory_space<hbm>>
        tpu.enqueue_dma source(%dma_start3A_31 : memref<392xf32, #tpu.memory_space<hbm>>) target(%arg17 : memref<392xf32, #tpu.memory_space<vmem>>) target_semaphore(%run_scoped3A_30 : memref<!tpu.dma_semaphore, #tpu.memory_space<semaphore_mem>>)
        %dma_wait3A = tpu.memref_slice %arg3[%add3A_23] : memref<100352xf32, #tpu.memory_space<hbm>> -> memref<392xf32, #tpu.memory_space<hbm>>
        %dma_wait3A_32 = tpu.memref_slice %arg3[%add3A_23] : memref<100352xf32, #tpu.memory_space<hbm>> -> memref<392xf32, #tpu.memory_space<hbm>>
        tpu.wait_dma2 semaphore(%run_scoped3A_30 : memref<!tpu.dma_semaphore, #tpu.memory_space<semaphore_mem>>) src(%dma_wait3A_32 : memref<392xf32, #tpu.memory_space<hbm>>) dst(%arg17 : memref<392xf32, #tpu.memory_space<vmem>>)
        tpu.yield
      }) : () -> ()
      "tpu.region"() ({
        %run_scoped3A_30 = tpu.sem_alloc : memref<!tpu.dma_semaphore, #tpu.memory_space<semaphore_mem>>
        %dma_start3A = tpu.memref_slice %arg4[%add3A_23] : memref<100352xf32, #tpu.memory_space<hbm>> -> memref<392xf32, #tpu.memory_space<hbm>>
        %dma_start3A_31 = tpu.memref_slice %arg4[%add3A_23] : memref<100352xf32, #tpu.memory_space<hbm>> -> memref<392xf32, #tpu.memory_space<hbm>>
        tpu.enqueue_dma source(%dma_start3A_31 : memref<392xf32, #tpu.memory_space<hbm>>) target(%arg18 : memref<392xf32, #tpu.memory_space<vmem>>) target_semaphore(%run_scoped3A_30 : memref<!tpu.dma_semaphore, #tpu.memory_space<semaphore_mem>>)
        %dma_wait3A = tpu.memref_slice %arg4[%add3A_23] : memref<100352xf32, #tpu.memory_space<hbm>> -> memref<392xf32, #tpu.memory_space<hbm>>
        %dma_wait3A_32 = tpu.memref_slice %arg4[%add3A_23] : memref<100352xf32, #tpu.memory_space<hbm>> -> memref<392xf32, #tpu.memory_space<hbm>>
        tpu.wait_dma2 semaphore(%run_scoped3A_30 : memref<!tpu.dma_semaphore, #tpu.memory_space<semaphore_mem>>) src(%dma_wait3A_32 : memref<392xf32, #tpu.memory_space<hbm>>) dst(%arg18 : memref<392xf32, #tpu.memory_space<vmem>>)
        tpu.yield
      }) : () -> ()
      %scan3A_25 = arith.constant 0 : i32
      %scan3A_26 = arith.constant 196 : i32
      %scan3A_27 = arith.addi %scan3A_25, %scan3A_26 : i32
      %scan3A_28 = arith.constant 1 : i32
      scf.for %scan3A_30 = %scan3A_25 to %scan3A_27 step %scan3A_28  : i32 {
        %mul3A_31 = arith.constant 16 : i32
        %mul3A_32 = arith.muli %scan3A_30, %mul3A_31 : i32
        %add3A_33 = arith.constant 0 : i32
        %add3A_34 = arith.addi %add3A_33, %mul3A_32 : i32
        %iota3A = tpu.iota {dimensions = array<i32: 0>} : vector<16xi32>
        %add3A_35 = vector.broadcast %add3A_34 : i32 to vector<16xi32>
        %add3A_36 = arith.addi %add3A_35, %iota3A : vector<16xi32>
        %shift_right_logical3A = arith.constant 3 : i32
        %shift_right_logical3A_37 = vector.broadcast %shift_right_logical3A : i32 to vector<16xi32>
        %shift_right_logical3A_38 = arith.shrui %add3A_36, %shift_right_logical3A_37 : vector<16xi32>
        %and3A = arith.constant 7 : i32
        %and3A_39 = vector.broadcast %and3A : i32 to vector<16xi32>
        %and3A_40 = arith.andi %add3A_36, %and3A_39 : vector<16xi32>
        %gather3A = tpu.vector_load_idx %arg15[%shift_right_logical3A_38, %and3A_40] : memref<392x8xf32, #tpu.memory_space<vmem>>[vector<16xi32>, vector<16xi32>], vector<16xf32>,
        %gather3A_41 = tpu.vector_load_idx %arg16[%shift_right_logical3A_38, %and3A_40] : memref<392x8xf32, #tpu.memory_space<vmem>>[vector<16xi32>, vector<16xi32>], vector<16xf32>,
        %add3A_42 = arith.addf %gather3A, %gather3A_41 : vector<16xf32>
        %gather3A_43 = tpu.vector_load_idx %arg18[%shift_right_logical3A_38] : memref<392xf32, #tpu.memory_space<vmem>>[vector<16xi32>], vector<16xf32>,
        %mul3A_44 = arith.mulf %add3A_42, %gather3A_43 : vector<16xf32>
        %gather3A_45 = tpu.vector_load_idx %arg19[%and3A_40] : memref<8xf32, #tpu.memory_space<vmem>>[vector<16xi32>], vector<16xf32>,
        %add3A_46 = arith.addf %mul3A_44, %gather3A_45 : vector<16xf32>
        %max3A = arith.constant 0.000000e+00 : f32
        %max3A_47 = vector.broadcast %max3A : f32 to vector<16xf32>
        %max3A_48 = arith.maximumf %add3A_46, %max3A_47 : vector<16xf32>
        %gather3A_49 = tpu.vector_load_idx %arg17[%shift_right_logical3A_38] : memref<392xf32, #tpu.memory_space<vmem>>[vector<16xi32>], vector<16xf32>,
        %mul3A_50 = arith.mulf %max3A_48, %gather3A_49 : vector<16xf32>
        tpu.vector_store_idx %arg14[%shift_right_logical3A_38, %and3A_40], %mul3A_50 : memref<392x8xf32, #tpu.memory_space<vmem>>[vector<16xi32>, vector<16xi32>], vector<16xf32>,
      }
      %scan3A_29 = arith.constant 196 : i32
      "tpu.region"() ({
        %run_scoped3A_30 = tpu.sem_alloc : memref<!tpu.dma_semaphore, #tpu.memory_space<semaphore_mem>>
        %dma_start3A = arith.constant 0 : i32
        %dma_start3A_31 = tpu.memref_slice %arg9[%add3A_23, %dma_start3A] : memref<100352x8xf32, #tpu.memory_space<vmem_shared>> -> memref<392x8xf32, #tpu.memory_space<vmem_shared>>
        %dma_start3A_32 = arith.constant 0 : i32
        %dma_start3A_33 = tpu.memref_slice %arg9[%add3A_23, %dma_start3A_32] : memref<100352x8xf32, #tpu.memory_space<vmem_shared>> -> memref<392x8xf32, #tpu.memory_space<vmem_shared>>
        tpu.enqueue_dma source(%arg14 : memref<392x8xf32, #tpu.memory_space<vmem>>) target(%dma_start3A_33 : memref<392x8xf32, #tpu.memory_space<vmem_shared>>) target_semaphore(%run_scoped3A_30 : memref<!tpu.dma_semaphore, #tpu.memory_space<semaphore_mem>>)
        %dma_wait3A = arith.constant 0 : i32
        %dma_wait3A_34 = tpu.memref_slice %arg9[%add3A_23, %dma_wait3A] : memref<100352x8xf32, #tpu.memory_space<vmem_shared>> -> memref<392x8xf32, #tpu.memory_space<vmem_shared>>
        %dma_wait3A_35 = arith.constant 0 : i32
        %dma_wait3A_36 = tpu.memref_slice %arg9[%add3A_23, %dma_wait3A_35] : memref<100352x8xf32, #tpu.memory_space<vmem_shared>> -> memref<392x8xf32, #tpu.memory_space<vmem_shared>>
        tpu.wait_dma2 semaphore(%run_scoped3A_30 : memref<!tpu.dma_semaphore, #tpu.memory_space<semaphore_mem>>) src(%arg14 : memref<392x8xf32, #tpu.memory_space<vmem>>) dst(%dma_wait3A_36 : memref<392x8xf32, #tpu.memory_space<vmem_shared>>)
        tpu.yield
      }) : () -> ()
    }
    %scan3A_6 = arith.constant 16 : i32
    %barrier3A = arith.constant 0 : index
    tpu.barrier barrier_id(%barrier3A)
    %scan3A_7 = arith.constant 0 : i32
    %scan3A_8 = arith.constant 98 : i32
    %scan3A_9 = arith.addi %scan3A_7, %scan3A_8 : i32
    %scan3A_10 = arith.constant 1 : i32
    scf.for %scan3A_18 = %scan3A_7 to %scan3A_9 step %scan3A_10  : i32 {
      %mul3A_19 = arith.constant 1 : i32
      %mul3A_20 = arith.muli %scan3A_18, %mul3A_19 : i32
      %add3A_21 = arith.constant 0 : i32
      %add3A_22 = arith.addi %add3A_21, %mul3A_20 : i32
      %mul3A_23 = arith.constant 32 : i32
      %mul3A_24 = arith.muli %add3A_22, %mul3A_23 : i32
      %add3A_25 = arith.addi %mul3A_24, %add3A : i32
      %lt3A = arith.constant 3125 : i32
      %lt3A_26 = arith.cmpi slt, %add3A_25, %lt3A : i32
      %convert_element_type3A = arith.extui %lt3A_26 : i1 to i32
      %cond3A = arith.constant 0 : i32
      %cond3A_27 = arith.cmpi ne, %convert_element_type3A, %cond3A : i32
      scf.if %cond3A_27 {
        %mul3A_28 = arith.constant 16 : i32
        %mul3A_29 = arith.muli %add3A_25, %mul3A_28 : i32
        %run_scoped3A = arith.constant 0 : i32
        "tpu.region"() ({
          %run_scoped3A_991 = tpu.sem_alloc : memref<!tpu.dma_semaphore, #tpu.memory_space<semaphore_mem>>
          %dma_start3A_992 = arith.constant 0 : i32
          %dma_start3A_993 = tpu.memref_slice %arg6[%run_scoped3A, %mul3A_29, %dma_start3A_992] : memref<2x50000x128xi32, #tpu.memory_space<hbm>> -> memref<1x16x128xi32, #tpu.memory_space<hbm>>
          %dma_start3A_994 = tpu.memref_squeeze %dma_start3A_993 : memref<1x16x128xi32, #tpu.memory_space<hbm>> -> memref<16x128xi32, #tpu.memory_space<hbm>>
          %dma_start3A_995 = arith.constant 0 : i32
          %dma_start3A_996 = tpu.memref_slice %arg6[%run_scoped3A, %mul3A_29, %dma_start3A_995] : memref<2x50000x128xi32, #tpu.memory_space<hbm>> -> memref<1x16x128xi32, #tpu.memory_space<hbm>>
          %dma_start3A_997 = tpu.memref_squeeze %dma_start3A_996 : memref<1x16x128xi32, #tpu.memory_space<hbm>> -> memref<16x128xi32, #tpu.memory_space<hbm>>
          tpu.enqueue_dma source(%dma_start3A_997 : memref<16x128xi32, #tpu.memory_space<hbm>>) target(%arg11 : memref<16x128xi32, #tpu.memory_space<vmem>>) target_semaphore(%run_scoped3A_991 : memref<!tpu.dma_semaphore, #tpu.memory_space<semaphore_mem>>)
          %dma_wait3A_998 = arith.constant 0 : i32
          %dma_wait3A_999 = tpu.memref_slice %arg6[%run_scoped3A, %mul3A_29, %dma_wait3A_998] : memref<2x50000x128xi32, #tpu.memory_space<hbm>> -> memref<1x16x128xi32, #tpu.memory_space<hbm>>
          %dma_wait3A_1000 = tpu.memref_squeeze %dma_wait3A_999 : memref<1x16x128xi32, #tpu.memory_space<hbm>> -> memref<16x128xi32, #tpu.memory_space<hbm>>
          %dma_wait3A_1001 = arith.constant 0 : i32
          %dma_wait3A_1002 = tpu.memref_slice %arg6[%run_scoped3A, %mul3A_29, %dma_wait3A_1001] : memref<2x50000x128xi32, #tpu.memory_space<hbm>> -> memref<1x16x128xi32, #tpu.memory_space<hbm>>
          %dma_wait3A_1003 = tpu.memref_squeeze %dma_wait3A_1002 : memref<1x16x128xi32, #tpu.memory_space<hbm>> -> memref<16x128xi32, #tpu.memory_space<hbm>>
          tpu.wait_dma2 semaphore(%run_scoped3A_991 : memref<!tpu.dma_semaphore, #tpu.memory_space<semaphore_mem>>) src(%dma_wait3A_1003 : memref<16x128xi32, #tpu.memory_space<hbm>>) dst(%arg11 : memref<16x128xi32, #tpu.memory_space<vmem>>)
          tpu.yield
        }) : () -> ()
        %mul3A_30 = arith.constant 16 : i32
        %mul3A_31 = arith.muli %add3A_25, %mul3A_30 : i32
        %run_scoped3A_32 = arith.constant 1 : i32
        "tpu.region"() ({
          %run_scoped3A_991 = tpu.sem_alloc : memref<!tpu.dma_semaphore, #tpu.memory_space<semaphore_mem>>
          %dma_start3A_992 = arith.constant 0 : i32
          %dma_start3A_993 = tpu.memref_slice %arg6[%run_scoped3A_32, %mul3A_31, %dma_start3A_992] : memref<2x50000x128xi32, #tpu.memory_space<hbm>> -> memref<1x16x128xi32, #tpu.memory_space<hbm>>
          %dma_start3A_994 = tpu.memref_squeeze %dma_start3A_993 : memref<1x16x128xi32, #tpu.memory_space<hbm>> -> memref<16x128xi32, #tpu.memory_space<hbm>>
          %dma_start3A_995 = arith.constant 0 : i32
          %dma_start3A_996 = tpu.memref_slice %arg6[%run_scoped3A_32, %mul3A_31, %dma_start3A_995] : memref<2x50000x128xi32, #tpu.memory_space<hbm>> -> memref<1x16x128xi32, #tpu.memory_space<hbm>>
          %dma_start3A_997 = tpu.memref_squeeze %dma_start3A_996 : memref<1x16x128xi32, #tpu.memory_space<hbm>> -> memref<16x128xi32, #tpu.memory_space<hbm>>
          tpu.enqueue_dma source(%dma_start3A_997 : memref<16x128xi32, #tpu.memory_space<hbm>>) target(%arg12 : memref<16x128xi32, #tpu.memory_space<vmem>>) target_semaphore(%run_scoped3A_991 : memref<!tpu.dma_semaphore, #tpu.memory_space<semaphore_mem>>)
          %dma_wait3A_998 = arith.constant 0 : i32
          %dma_wait3A_999 = tpu.memref_slice %arg6[%run_scoped3A_32, %mul3A_31, %dma_wait3A_998] : memref<2x50000x128xi32, #tpu.memory_space<hbm>> -> memref<1x16x128xi32, #tpu.memory_space<hbm>>
          %dma_wait3A_1000 = tpu.memref_squeeze %dma_wait3A_999 : memref<1x16x128xi32, #tpu.memory_space<hbm>> -> memref<16x128xi32, #tpu.memory_space<hbm>>
          %dma_wait3A_1001 = arith.constant 0 : i32
          %dma_wait3A_1002 = tpu.memref_slice %arg6[%run_scoped3A_32, %mul3A_31, %dma_wait3A_1001] : memref<2x50000x128xi32, #tpu.memory_space<hbm>> -> memref<1x16x128xi32, #tpu.memory_space<hbm>>
          %dma_wait3A_1003 = tpu.memref_squeeze %dma_wait3A_1002 : memref<1x16x128xi32, #tpu.memory_space<hbm>> -> memref<16x128xi32, #tpu.memory_space<hbm>>
          tpu.wait_dma2 semaphore(%run_scoped3A_991 : memref<!tpu.dma_semaphore, #tpu.memory_space<semaphore_mem>>) src(%dma_wait3A_1003 : memref<16x128xi32, #tpu.memory_space<hbm>>) dst(%arg12 : memref<16x128xi32, #tpu.memory_space<vmem>>)
          tpu.yield
        }) : () -> ()
        %dma_start3A = arith.constant 0 : i32
        %dma_start3A_33 = arith.constant 0 : i32
        %dma_start3A_34 = arith.constant 0 : i32
        %dma_start3A_35 = arith.constant 0 : i32
        %dma_start3A_36 = arith.constant 0 : i32
        %dma_start3A_37 = tpu.memref_slice %arg13[%dma_start3A_33, %dma_start3A_35, %dma_start3A_36] : memref<4x128x8xf32, #tpu.memory_space<vmem>> -> memref<1x128x8xf32, #tpu.memory_space<vmem>>
        %dma_start3A_38 = tpu.memref_squeeze %dma_start3A_37 : memref<1x128x8xf32, #tpu.memory_space<vmem>> -> memref<128x8xf32, #tpu.memory_space<vmem>>
        %dma_start3A_39 = arith.constant 0 : i32
        %dma_start3A_40 = tpu.memref_slice %arg11[%dma_start3A, %dma_start3A_39] : memref<16x128xi32, #tpu.memory_space<vmem>> -> memref<1x128xi32, #tpu.memory_space<vmem>>
        %dma_start3A_41 = tpu.memref_squeeze %dma_start3A_40 : memref<1x128xi32, #tpu.memory_space<vmem>> -> memref<128xi32, #tpu.memory_space<vmem>>
        %dma_start3A_42 = arith.constant 0 : i32
        %dma_start3A_43 = arith.constant 0 : i32
        %dma_start3A_44 = tpu.memref_slice %arg9[%dma_start3A_42, %dma_start3A_43] : memref<100352x8xf32, #tpu.memory_space<vmem_shared>> -> memref<100352x8xf32, #tpu.memory_space<vmem_shared>>
        %dma_start3A_45 = tpu.memref_slice %arg20[%dma_start3A_34] : memref<4x!tpu.dma_semaphore, #tpu.memory_space<semaphore_mem>> -> memref<1x!tpu.dma_semaphore, #tpu.memory_space<semaphore_mem>>
        %dma_start3A_46 = tpu.memref_squeeze %dma_start3A_45 : memref<1x!tpu.dma_semaphore, #tpu.memory_space<semaphore_mem>> -> memref<!tpu.dma_semaphore, #tpu.memory_space<semaphore_mem>>
        tpu.enqueue_indirect_dma source(%dma_start3A_44 : memref<100352x8xf32, #tpu.memory_space<vmem_shared>>) target(%dma_start3A_38 : memref<128x8xf32, #tpu.memory_space<vmem>>) offsets(%dma_start3A_41 : memref<128xi32, #tpu.memory_space<vmem>>) semaphore(%dma_start3A_46 : memref<!tpu.dma_semaphore, #tpu.memory_space<semaphore_mem>>)
        %dma_start3A_47 = arith.constant 1 : i32
        %dma_start3A_48 = arith.constant 1 : i32
        %dma_start3A_49 = arith.constant 1 : i32
        %dma_start3A_50 = arith.constant 0 : i32
        %dma_start3A_51 = arith.constant 0 : i32
        %dma_start3A_52 = tpu.memref_slice %arg13[%dma_start3A_48, %dma_start3A_50, %dma_start3A_51] : memref<4x128x8xf32, #tpu.memory_space<vmem>> -> memref<1x128x8xf32, #tpu.memory_space<vmem>>
        %dma_start3A_53 = tpu.memref_squeeze %dma_start3A_52 : memref<1x128x8xf32, #tpu.memory_space<vmem>> -> memref<128x8xf32, #tpu.memory_space<vmem>>
        %dma_start3A_54 = arith.constant 0 : i32
        %dma_start3A_55 = tpu.memref_slice %arg11[%dma_start3A_47, %dma_start3A_54] : memref<16x128xi32, #tpu.memory_space<vmem>> -> memref<1x128xi32, #tpu.memory_space<vmem>>
        %dma_start3A_56 = tpu.memref_squeeze %dma_start3A_55 : memref<1x128xi32, #tpu.memory_space<vmem>> -> memref<128xi32, #tpu.memory_space<vmem>>
        %dma_start3A_57 = arith.constant 0 : i32
        %dma_start3A_58 = arith.constant 0 : i32
        %dma_start3A_59 = tpu.memref_slice %arg9[%dma_start3A_57, %dma_start3A_58] : memref<100352x8xf32, #tpu.memory_space<vmem_shared>> -> memref<100352x8xf32, #tpu.memory_space<vmem_shared>>
        %dma_start3A_60 = tpu.memref_slice %arg20[%dma_start3A_49] : memref<4x!tpu.dma_semaphore, #tpu.memory_space<semaphore_mem>> -> memref<1x!tpu.dma_semaphore, #tpu.memory_space<semaphore_mem>>
        %dma_start3A_61 = tpu.memref_squeeze %dma_start3A_60 : memref<1x!tpu.dma_semaphore, #tpu.memory_space<semaphore_mem>> -> memref<!tpu.dma_semaphore, #tpu.memory_space<semaphore_mem>>
        tpu.enqueue_indirect_dma source(%dma_start3A_59 : memref<100352x8xf32, #tpu.memory_space<vmem_shared>>) target(%dma_start3A_53 : memref<128x8xf32, #tpu.memory_space<vmem>>) offsets(%dma_start3A_56 : memref<128xi32, #tpu.memory_space<vmem>>) semaphore(%dma_start3A_61 : memref<!tpu.dma_semaphore, #tpu.memory_space<semaphore_mem>>)
        %dma_start3A_62 = arith.constant 2 : i32
        %dma_start3A_63 = arith.constant 2 : i32
        %dma_start3A_64 = arith.constant 2 : i32
        %dma_start3A_65 = arith.constant 0 : i32
        %dma_start3A_66 = arith.constant 0 : i32
        %dma_start3A_67 = tpu.memref_slice %arg13[%dma_start3A_63, %dma_start3A_65, %dma_start3A_66] : memref<4x128x8xf32, #tpu.memory_space<vmem>> -> memref<1x128x8xf32, #tpu.memory_space<vmem>>
        %dma_start3A_68 = tpu.memref_squeeze %dma_start3A_67 : memref<1x128x8xf32, #tpu.memory_space<vmem>> -> memref<128x8xf32, #tpu.memory_space<vmem>>
        %dma_start3A_69 = arith.constant 0 : i32
        %dma_start3A_70 = tpu.memref_slice %arg11[%dma_start3A_62, %dma_start3A_69] : memref<16x128xi32, #tpu.memory_space<vmem>> -> memref<1x128xi32, #tpu.memory_space<vmem>>
        %dma_start3A_71 = tpu.memref_squeeze %dma_start3A_70 : memref<1x128xi32, #tpu.memory_space<vmem>> -> memref<128xi32, #tpu.memory_space<vmem>>
        %dma_start3A_72 = arith.constant 0 : i32
        %dma_start3A_73 = arith.constant 0 : i32
        %dma_start3A_74 = tpu.memref_slice %arg9[%dma_start3A_72, %dma_start3A_73] : memref<100352x8xf32, #tpu.memory_space<vmem_shared>> -> memref<100352x8xf32, #tpu.memory_space<vmem_shared>>
        %dma_start3A_75 = tpu.memref_slice %arg20[%dma_start3A_64] : memref<4x!tpu.dma_semaphore, #tpu.memory_space<semaphore_mem>> -> memref<1x!tpu.dma_semaphore, #tpu.memory_space<semaphore_mem>>
        %dma_start3A_76 = tpu.memref_squeeze %dma_start3A_75 : memref<1x!tpu.dma_semaphore, #tpu.memory_space<semaphore_mem>> -> memref<!tpu.dma_semaphore, #tpu.memory_space<semaphore_mem>>
        tpu.enqueue_indirect_dma source(%dma_start3A_74 : memref<100352x8xf32, #tpu.memory_space<vmem_shared>>) target(%dma_start3A_68 : memref<128x8xf32, #tpu.memory_space<vmem>>) offsets(%dma_start3A_71 : memref<128xi32, #tpu.memory_space<vmem>>) semaphore(%dma_start3A_76 : memref<!tpu.dma_semaphore, #tpu.memory_space<semaphore_mem>>)
        %dma_wait3A = arith.constant 0 : i32
        %dma_wait3A_77 = arith.constant 0 : i32
        %dma_wait3A_78 = arith.constant 0 : i32
        %dma_wait3A_79 = arith.constant 0 : i32
        %dma_wait3A_80 = arith.constant 0 : i32
        %dma_wait3A_81 = tpu.memref_slice %arg13[%dma_wait3A_77, %dma_wait3A_79, %dma_wait3A_80] : memref<4x128x8xf32, #tpu.memory_space<vmem>> -> memref<1x128x8xf32, #tpu.memory_space<vmem>>
        %dma_wait3A_82 = tpu.memref_squeeze %dma_wait3A_81 : memref<1x128x8xf32, #tpu.memory_space<vmem>> -> memref<128x8xf32, #tpu.memory_space<vmem>>
        %dma_wait3A_83 = arith.constant 0 : i32
        %dma_wait3A_84 = tpu.memref_slice %arg11[%dma_wait3A, %dma_wait3A_83] : memref<16x128xi32, #tpu.memory_space<vmem>> -> memref<1x128xi32, #tpu.memory_space<vmem>>
        %dma_wait3A_85 = tpu.memref_squeeze %dma_wait3A_84 : memref<1x128xi32, #tpu.memory_space<vmem>> -> memref<128xi32, #tpu.memory_space<vmem>>
        %dma_wait3A_86 = arith.constant 0 : i32
        %dma_wait3A_87 = arith.constant 0 : i32
        %dma_wait3A_88 = tpu.memref_slice %arg9[%dma_wait3A_86, %dma_wait3A_87] : memref<100352x8xf32, #tpu.memory_space<vmem_shared>> -> memref<100352x8xf32, #tpu.memory_space<vmem_shared>>
        %dma_wait3A_89 = tpu.memref_slice %arg20[%dma_wait3A_78] : memref<4x!tpu.dma_semaphore, #tpu.memory_space<semaphore_mem>> -> memref<1x!tpu.dma_semaphore, #tpu.memory_space<semaphore_mem>>
        %dma_wait3A_90 = tpu.memref_squeeze %dma_wait3A_89 : memref<1x!tpu.dma_semaphore, #tpu.memory_space<semaphore_mem>> -> memref<!tpu.dma_semaphore, #tpu.memory_space<semaphore_mem>>
        tpu.wait_indirect_dma semaphore(%dma_wait3A_90 : memref<!tpu.dma_semaphore, #tpu.memory_space<semaphore_mem>>) src(%dma_wait3A_88 : memref<100352x8xf32, #tpu.memory_space<vmem_shared>>) dst(%dma_wait3A_82 : memref<128x8xf32, #tpu.memory_space<vmem>>)
        %dma_start3A_91 = arith.constant 0 : i32
        %dma_start3A_92 = arith.constant 0 : i32
        %dma_start3A_93 = arith.constant 0 : i32
        %dma_start3A_94 = arith.constant 0 : i32
        %dma_start3A_95 = arith.constant 0 : i32
        %dma_start3A_96 = tpu.memref_slice %arg13[%dma_start3A_91, %dma_start3A_94, %dma_start3A_95] : memref<4x128x8xf32, #tpu.memory_space<vmem>> -> memref<1x128x8xf32, #tpu.memory_space<vmem>>
        %dma_start3A_97 = tpu.memref_squeeze %dma_start3A_96 : memref<1x128x8xf32, #tpu.memory_space<vmem>> -> memref<128x8xf32, #tpu.memory_space<vmem>>
        %dma_start3A_98 = arith.constant 0 : i32
        %dma_start3A_99 = tpu.memref_slice %arg12[%dma_start3A_92, %dma_start3A_98] : memref<16x128xi32, #tpu.memory_space<vmem>> -> memref<1x128xi32, #tpu.memory_space<vmem>>
        %dma_start3A_100 = tpu.memref_squeeze %dma_start3A_99 : memref<1x128xi32, #tpu.memory_space<vmem>> -> memref<128xi32, #tpu.memory_space<vmem>>
        %dma_start3A_101 = arith.constant 0 : i32
        %dma_start3A_102 = arith.constant 0 : i32
        %dma_start3A_103 = tpu.memref_slice %arg10[%dma_start3A_101, %dma_start3A_102] : memref<100352x8xf32, #tpu.memory_space<vmem_shared>> -> memref<100352x8xf32, #tpu.memory_space<vmem_shared>>
        %dma_start3A_104 = tpu.memref_slice %arg21[%dma_start3A_93] : memref<4x!tpu.dma_semaphore, #tpu.memory_space<semaphore_mem>> -> memref<1x!tpu.dma_semaphore, #tpu.memory_space<semaphore_mem>>
        %dma_start3A_105 = tpu.memref_squeeze %dma_start3A_104 : memref<1x!tpu.dma_semaphore, #tpu.memory_space<semaphore_mem>> -> memref<!tpu.dma_semaphore, #tpu.memory_space<semaphore_mem>>
        tpu.enqueue_indirect_dma source(%dma_start3A_97 : memref<128x8xf32, #tpu.memory_space<vmem>>) target(%dma_start3A_103 : memref<100352x8xf32, #tpu.memory_space<vmem_shared>>) offsets(%dma_start3A_100 : memref<128xi32, #tpu.memory_space<vmem>>) semaphore(%dma_start3A_105 : memref<!tpu.dma_semaphore, #tpu.memory_space<semaphore_mem>>) {add = true}
        %dma_start3A_106 = arith.constant 3 : i32
        %dma_start3A_107 = arith.constant 3 : i32
        %dma_start3A_108 = arith.constant 3 : i32
        %dma_start3A_109 = arith.constant 0 : i32
        %dma_start3A_110 = arith.constant 0 : i32
        %dma_start3A_111 = tpu.memref_slice %arg13[%dma_start3A_107, %dma_start3A_109, %dma_start3A_110] : memref<4x128x8xf32, #tpu.memory_space<vmem>> -> memref<1x128x8xf32, #tpu.memory_space<vmem>>
        %dma_start3A_112 = tpu.memref_squeeze %dma_start3A_111 : memref<1x128x8xf32, #tpu.memory_space<vmem>> -> memref<128x8xf32, #tpu.memory_space<vmem>>
        %dma_start3A_113 = arith.constant 0 : i32
        %dma_start3A_114 = tpu.memref_slice %arg11[%dma_start3A_106, %dma_start3A_113] : memref<16x128xi32, #tpu.memory_space<vmem>> -> memref<1x128xi32, #tpu.memory_space<vmem>>
        %dma_start3A_115 = tpu.memref_squeeze %dma_start3A_114 : memref<1x128xi32, #tpu.memory_space<vmem>> -> memref<128xi32, #tpu.memory_space<vmem>>
        %dma_start3A_116 = arith.constant 0 : i32
        %dma_start3A_117 = arith.constant 0 : i32
        %dma_start3A_118 = tpu.memref_slice %arg9[%dma_start3A_116, %dma_start3A_117] : memref<100352x8xf32, #tpu.memory_space<vmem_shared>> -> memref<100352x8xf32, #tpu.memory_space<vmem_shared>>
        %dma_start3A_119 = tpu.memref_slice %arg20[%dma_start3A_108] : memref<4x!tpu.dma_semaphore, #tpu.memory_space<semaphore_mem>> -> memref<1x!tpu.dma_semaphore, #tpu.memory_space<semaphore_mem>>
        %dma_start3A_120 = tpu.memref_squeeze %dma_start3A_119 : memref<1x!tpu.dma_semaphore, #tpu.memory_space<semaphore_mem>> -> memref<!tpu.dma_semaphore, #tpu.memory_space<semaphore_mem>>
        tpu.enqueue_indirect_dma source(%dma_start3A_118 : memref<100352x8xf32, #tpu.memory_space<vmem_shared>>) target(%dma_start3A_112 : memref<128x8xf32, #tpu.memory_space<vmem>>) offsets(%dma_start3A_115 : memref<128xi32, #tpu.memory_space<vmem>>) semaphore(%dma_start3A_120 : memref<!tpu.dma_semaphore, #tpu.memory_space<semaphore_mem>>)
        %dma_wait3A_121 = arith.constant 1 : i32
        %dma_wait3A_122 = arith.constant 1 : i32
        %dma_wait3A_123 = arith.constant 1 : i32
        %dma_wait3A_124 = arith.constant 0 : i32
        %dma_wait3A_125 = arith.constant 0 : i32
        %dma_wait3A_126 = tpu.memref_slice %arg13[%dma_wait3A_122, %dma_wait3A_124, %dma_wait3A_125] : memref<4x128x8xf32, #tpu.memory_space<vmem>> -> memref<1x128x8xf32, #tpu.memory_space<vmem>>
        %dma_wait3A_127 = tpu.memref_squeeze %dma_wait3A_126 : memref<1x128x8xf32, #tpu.memory_space<vmem>> -> memref<128x8xf32, #tpu.memory_space<vmem>>
        %dma_wait3A_128 = arith.constant 0 : i32
        %dma_wait3A_129 = tpu.memref_slice %arg11[%dma_wait3A_121, %dma_wait3A_128] : memref<16x128xi32, #tpu.memory_space<vmem>> -> memref<1x128xi32, #tpu.memory_space<vmem>>
        %dma_wait3A_130 = tpu.memref_squeeze %dma_wait3A_129 : memref<1x128xi32, #tpu.memory_space<vmem>> -> memref<128xi32, #tpu.memory_space<vmem>>
        %dma_wait3A_131 = arith.constant 0 : i32
        %dma_wait3A_132 = arith.constant 0 : i32
        %dma_wait3A_133 = tpu.memref_slice %arg9[%dma_wait3A_131, %dma_wait3A_132] : memref<100352x8xf32, #tpu.memory_space<vmem_shared>> -> memref<100352x8xf32, #tpu.memory_space<vmem_shared>>
        %dma_wait3A_134 = tpu.memref_slice %arg20[%dma_wait3A_123] : memref<4x!tpu.dma_semaphore, #tpu.memory_space<semaphore_mem>> -> memref<1x!tpu.dma_semaphore, #tpu.memory_space<semaphore_mem>>
        %dma_wait3A_135 = tpu.memref_squeeze %dma_wait3A_134 : memref<1x!tpu.dma_semaphore, #tpu.memory_space<semaphore_mem>> -> memref<!tpu.dma_semaphore, #tpu.memory_space<semaphore_mem>>
        tpu.wait_indirect_dma semaphore(%dma_wait3A_135 : memref<!tpu.dma_semaphore, #tpu.memory_space<semaphore_mem>>) src(%dma_wait3A_133 : memref<100352x8xf32, #tpu.memory_space<vmem_shared>>) dst(%dma_wait3A_127 : memref<128x8xf32, #tpu.memory_space<vmem>>)
        %dma_start3A_136 = arith.constant 1 : i32
        %dma_start3A_137 = arith.constant 1 : i32
        %dma_start3A_138 = arith.constant 1 : i32
        %dma_start3A_139 = arith.constant 0 : i32
        %dma_start3A_140 = arith.constant 0 : i32
        %dma_start3A_141 = tpu.memref_slice %arg13[%dma_start3A_136, %dma_start3A_139, %dma_start3A_140] : memref<4x128x8xf32, #tpu.memory_space<vmem>> -> memref<1x128x8xf32, #tpu.memory_space<vmem>>
        %dma_start3A_142 = tpu.memref_squeeze %dma_start3A_141 : memref<1x128x8xf32, #tpu.memory_space<vmem>> -> memref<128x8xf32, #tpu.memory_space<vmem>>
        %dma_start3A_143 = arith.constant 0 : i32
        %dma_start3A_144 = tpu.memref_slice %arg12[%dma_start3A_137, %dma_start3A_143] : memref<16x128xi32, #tpu.memory_space<vmem>> -> memref<1x128xi32, #tpu.memory_space<vmem>>
        %dma_start3A_145 = tpu.memref_squeeze %dma_start3A_144 : memref<1x128xi32, #tpu.memory_space<vmem>> -> memref<128xi32, #tpu.memory_space<vmem>>
        %dma_start3A_146 = arith.constant 0 : i32
        %dma_start3A_147 = arith.constant 0 : i32
        %dma_start3A_148 = tpu.memref_slice %arg10[%dma_start3A_146, %dma_start3A_147] : memref<100352x8xf32, #tpu.memory_space<vmem_shared>> -> memref<100352x8xf32, #tpu.memory_space<vmem_shared>>
        %dma_start3A_149 = tpu.memref_slice %arg21[%dma_start3A_138] : memref<4x!tpu.dma_semaphore, #tpu.memory_space<semaphore_mem>> -> memref<1x!tpu.dma_semaphore, #tpu.memory_space<semaphore_mem>>
        %dma_start3A_150 = tpu.memref_squeeze %dma_start3A_149 : memref<1x!tpu.dma_semaphore, #tpu.memory_space<semaphore_mem>> -> memref<!tpu.dma_semaphore, #tpu.memory_space<semaphore_mem>>
        tpu.enqueue_indirect_dma source(%dma_start3A_142 : memref<128x8xf32, #tpu.memory_space<vmem>>) target(%dma_start3A_148 : memref<100352x8xf32, #tpu.memory_space<vmem_shared>>) offsets(%dma_start3A_145 : memref<128xi32, #tpu.memory_space<vmem>>) semaphore(%dma_start3A_150 : memref<!tpu.dma_semaphore, #tpu.memory_space<semaphore_mem>>) {add = true}
        %dma_wait3A_151 = arith.constant 0 : i32
        %dma_wait3A_152 = arith.constant 0 : i32
        %dma_wait3A_153 = arith.constant 0 : i32
        %dma_wait3A_154 = arith.constant 0 : i32
        %dma_wait3A_155 = arith.constant 0 : i32
        %dma_wait3A_156 = tpu.memref_slice %arg13[%dma_wait3A_151, %dma_wait3A_154, %dma_wait3A_155] : memref<4x128x8xf32, #tpu.memory_space<vmem>> -> memref<1x128x8xf32, #tpu.memory_space<vmem>>
        %dma_wait3A_157 = tpu.memref_squeeze %dma_wait3A_156 : memref<1x128x8xf32, #tpu.memory_space<vmem>> -> memref<128x8xf32, #tpu.memory_space<vmem>>
        %dma_wait3A_158 = arith.constant 0 : i32
        %dma_wait3A_159 = tpu.memref_slice %arg12[%dma_wait3A_152, %dma_wait3A_158] : memref<16x128xi32, #tpu.memory_space<vmem>> -> memref<1x128xi32, #tpu.memory_space<vmem>>
        %dma_wait3A_160 = tpu.memref_squeeze %dma_wait3A_159 : memref<1x128xi32, #tpu.memory_space<vmem>> -> memref<128xi32, #tpu.memory_space<vmem>>
        %dma_wait3A_161 = arith.constant 0 : i32
        %dma_wait3A_162 = arith.constant 0 : i32
        %dma_wait3A_163 = tpu.memref_slice %arg10[%dma_wait3A_161, %dma_wait3A_162] : memref<100352x8xf32, #tpu.memory_space<vmem_shared>> -> memref<100352x8xf32, #tpu.memory_space<vmem_shared>>
        %dma_wait3A_164 = tpu.memref_slice %arg21[%dma_wait3A_153] : memref<4x!tpu.dma_semaphore, #tpu.memory_space<semaphore_mem>> -> memref<1x!tpu.dma_semaphore, #tpu.memory_space<semaphore_mem>>
        %dma_wait3A_165 = tpu.memref_squeeze %dma_wait3A_164 : memref<1x!tpu.dma_semaphore, #tpu.memory_space<semaphore_mem>> -> memref<!tpu.dma_semaphore, #tpu.memory_space<semaphore_mem>>
        tpu.wait_indirect_dma semaphore(%dma_wait3A_165 : memref<!tpu.dma_semaphore, #tpu.memory_space<semaphore_mem>>) src(%dma_wait3A_157 : memref<128x8xf32, #tpu.memory_space<vmem>>) dst(%dma_wait3A_163 : memref<100352x8xf32, #tpu.memory_space<vmem_shared>>)
        %dma_start3A_166 = arith.constant 4 : i32
        %dma_start3A_167 = arith.constant 0 : i32
        %dma_start3A_168 = arith.constant 0 : i32
        %dma_start3A_169 = arith.constant 0 : i32
        %dma_start3A_170 = arith.constant 0 : i32
        %dma_start3A_171 = tpu.memref_slice %arg13[%dma_start3A_167, %dma_start3A_169, %dma_start3A_170] : memref<4x128x8xf32, #tpu.memory_space<vmem>> -> memref<1x128x8xf32, #tpu.memory_space<vmem>>
        %dma_start3A_172 = tpu.memref_squeeze %dma_start3A_171 : memref<1x128x8xf32, #tpu.memory_space<vmem>> -> memref<128x8xf32, #tpu.memory_space<vmem>>
        %dma_start3A_173 = arith.constant 0 : i32
        %dma_start3A_174 = tpu.memref_slice %arg11[%dma_start3A_166, %dma_start3A_173] : memref<16x128xi32, #tpu.memory_space<vmem>> -> memref<1x128xi32, #tpu.memory_space<vmem>>
        %dma_start3A_175 = tpu.memref_squeeze %dma_start3A_174 : memref<1x128xi32, #tpu.memory_space<vmem>> -> memref<128xi32, #tpu.memory_space<vmem>>
        %dma_start3A_176 = arith.constant 0 : i32
        %dma_start3A_177 = arith.constant 0 : i32
        %dma_start3A_178 = tpu.memref_slice %arg9[%dma_start3A_176, %dma_start3A_177] : memref<100352x8xf32, #tpu.memory_space<vmem_shared>> -> memref<100352x8xf32, #tpu.memory_space<vmem_shared>>
        %dma_start3A_179 = tpu.memref_slice %arg20[%dma_start3A_168] : memref<4x!tpu.dma_semaphore, #tpu.memory_space<semaphore_mem>> -> memref<1x!tpu.dma_semaphore, #tpu.memory_space<semaphore_mem>>
        %dma_start3A_180 = tpu.memref_squeeze %dma_start3A_179 : memref<1x!tpu.dma_semaphore, #tpu.memory_space<semaphore_mem>> -> memref<!tpu.dma_semaphore, #tpu.memory_space<semaphore_mem>>
        tpu.enqueue_indirect_dma source(%dma_start3A_178 : memref<100352x8xf32, #tpu.memory_space<vmem_shared>>) target(%dma_start3A_172 : memref<128x8xf32, #tpu.memory_space<vmem>>) offsets(%dma_start3A_175 : memref<128xi32, #tpu.memory_space<vmem>>) semaphore(%dma_start3A_180 : memref<!tpu.dma_semaphore, #tpu.memory_space<semaphore_mem>>)
        %dma_wait3A_181 = arith.constant 2 : i32
        %dma_wait3A_182 = arith.constant 2 : i32
        %dma_wait3A_183 = arith.constant 2 : i32
        %dma_wait3A_184 = arith.constant 0 : i32
        %dma_wait3A_185 = arith.constant 0 : i32
        %dma_wait3A_186 = tpu.memref_slice %arg13[%dma_wait3A_182, %dma_wait3A_184, %dma_wait3A_185] : memref<4x128x8xf32, #tpu.memory_space<vmem>> -> memref<1x128x8xf32, #tpu.memory_space<vmem>>
        %dma_wait3A_187 = tpu.memref_squeeze %dma_wait3A_186 : memref<1x128x8xf32, #tpu.memory_space<vmem>> -> memref<128x8xf32, #tpu.memory_space<vmem>>
        %dma_wait3A_188 = arith.constant 0 : i32
        %dma_wait3A_189 = tpu.memref_slice %arg11[%dma_wait3A_181, %dma_wait3A_188] : memref<16x128xi32, #tpu.memory_space<vmem>> -> memref<1x128xi32, #tpu.memory_space<vmem>>
        %dma_wait3A_190 = tpu.memref_squeeze %dma_wait3A_189 : memref<1x128xi32, #tpu.memory_space<vmem>> -> memref<128xi32, #tpu.memory_space<vmem>>
        %dma_wait3A_191 = arith.constant 0 : i32
        %dma_wait3A_192 = arith.constant 0 : i32
        %dma_wait3A_193 = tpu.memref_slice %arg9[%dma_wait3A_191, %dma_wait3A_192] : memref<100352x8xf32, #tpu.memory_space<vmem_shared>> -> memref<100352x8xf32, #tpu.memory_space<vmem_shared>>
        %dma_wait3A_194 = tpu.memref_slice %arg20[%dma_wait3A_183] : memref<4x!tpu.dma_semaphore, #tpu.memory_space<semaphore_mem>> -> memref<1x!tpu.dma_semaphore, #tpu.memory_space<semaphore_mem>>
        %dma_wait3A_195 = tpu.memref_squeeze %dma_wait3A_194 : memref<1x!tpu.dma_semaphore, #tpu.memory_space<semaphore_mem>> -> memref<!tpu.dma_semaphore, #tpu.memory_space<semaphore_mem>>
        tpu.wait_indirect_dma semaphore(%dma_wait3A_195 : memref<!tpu.dma_semaphore, #tpu.memory_space<semaphore_mem>>) src(%dma_wait3A_193 : memref<100352x8xf32, #tpu.memory_space<vmem_shared>>) dst(%dma_wait3A_187 : memref<128x8xf32, #tpu.memory_space<vmem>>)
        %dma_start3A_196 = arith.constant 2 : i32
        %dma_start3A_197 = arith.constant 2 : i32
        %dma_start3A_198 = arith.constant 2 : i32
        %dma_start3A_199 = arith.constant 0 : i32
        %dma_start3A_200 = arith.constant 0 : i32
        %dma_start3A_201 = tpu.memref_slice %arg13[%dma_start3A_196, %dma_start3A_199, %dma_start3A_200] : memref<4x128x8xf32, #tpu.memory_space<vmem>> -> memref<1x128x8xf32, #tpu.memory_space<vmem>>
        %dma_start3A_202 = tpu.memref_squeeze %dma_start3A_201 : memref<1x128x8xf32, #tpu.memory_space<vmem>> -> memref<128x8xf32, #tpu.memory_space<vmem>>
        %dma_start3A_203 = arith.constant 0 : i32
        %dma_start3A_204 = tpu.memref_slice %arg12[%dma_start3A_197, %dma_start3A_203] : memref<16x128xi32, #tpu.memory_space<vmem>> -> memref<1x128xi32, #tpu.memory_space<vmem>>
        %dma_start3A_205 = tpu.memref_squeeze %dma_start3A_204 : memref<1x128xi32, #tpu.memory_space<vmem>> -> memref<128xi32, #tpu.memory_space<vmem>>
        %dma_start3A_206 = arith.constant 0 : i32
        %dma_start3A_207 = arith.constant 0 : i32
        %dma_start3A_208 = tpu.memref_slice %arg10[%dma_start3A_206, %dma_start3A_207] : memref<100352x8xf32, #tpu.memory_space<vmem_shared>> -> memref<100352x8xf32, #tpu.memory_space<vmem_shared>>
        %dma_start3A_209 = tpu.memref_slice %arg21[%dma_start3A_198] : memref<4x!tpu.dma_semaphore, #tpu.memory_space<semaphore_mem>> -> memref<1x!tpu.dma_semaphore, #tpu.memory_space<semaphore_mem>>
        %dma_start3A_210 = tpu.memref_squeeze %dma_start3A_209 : memref<1x!tpu.dma_semaphore, #tpu.memory_space<semaphore_mem>> -> memref<!tpu.dma_semaphore, #tpu.memory_space<semaphore_mem>>
        tpu.enqueue_indirect_dma source(%dma_start3A_202 : memref<128x8xf32, #tpu.memory_space<vmem>>) target(%dma_start3A_208 : memref<100352x8xf32, #tpu.memory_space<vmem_shared>>) offsets(%dma_start3A_205 : memref<128xi32, #tpu.memory_space<vmem>>) semaphore(%dma_start3A_210 : memref<!tpu.dma_semaphore, #tpu.memory_space<semaphore_mem>>) {add = true}
        %dma_wait3A_211 = arith.constant 1 : i32
        %dma_wait3A_212 = arith.constant 1 : i32
        %dma_wait3A_213 = arith.constant 1 : i32
        %dma_wait3A_214 = arith.constant 0 : i32
        %dma_wait3A_215 = arith.constant 0 : i32
        %dma_wait3A_216 = tpu.memref_slice %arg13[%dma_wait3A_211, %dma_wait3A_214, %dma_wait3A_215] : memref<4x128x8xf32, #tpu.memory_space<vmem>> -> memref<1x128x8xf32, #tpu.memory_space<vmem>>
        %dma_wait3A_217 = tpu.memref_squeeze %dma_wait3A_216 : memref<1x128x8xf32, #tpu.memory_space<vmem>> -> memref<128x8xf32, #tpu.memory_space<vmem>>
        %dma_wait3A_218 = arith.constant 0 : i32
        %dma_wait3A_219 = tpu.memref_slice %arg12[%dma_wait3A_212, %dma_wait3A_218] : memref<16x128xi32, #tpu.memory_space<vmem>> -> memref<1x128xi32, #tpu.memory_space<vmem>>
        %dma_wait3A_220 = tpu.memref_squeeze %dma_wait3A_219 : memref<1x128xi32, #tpu.memory_space<vmem>> -> memref<128xi32, #tpu.memory_space<vmem>>
        %dma_wait3A_221 = arith.constant 0 : i32
        %dma_wait3A_222 = arith.constant 0 : i32
        %dma_wait3A_223 = tpu.memref_slice %arg10[%dma_wait3A_221, %dma_wait3A_222] : memref<100352x8xf32, #tpu.memory_space<vmem_shared>> -> memref<100352x8xf32, #tpu.memory_space<vmem_shared>>
        %dma_wait3A_224 = tpu.memref_slice %arg21[%dma_wait3A_213] : memref<4x!tpu.dma_semaphore, #tpu.memory_space<semaphore_mem>> -> memref<1x!tpu.dma_semaphore, #tpu.memory_space<semaphore_mem>>
        %dma_wait3A_225 = tpu.memref_squeeze %dma_wait3A_224 : memref<1x!tpu.dma_semaphore, #tpu.memory_space<semaphore_mem>> -> memref<!tpu.dma_semaphore, #tpu.memory_space<semaphore_mem>>
        tpu.wait_indirect_dma semaphore(%dma_wait3A_225 : memref<!tpu.dma_semaphore, #tpu.memory_space<semaphore_mem>>) src(%dma_wait3A_217 : memref<128x8xf32, #tpu.memory_space<vmem>>) dst(%dma_wait3A_223 : memref<100352x8xf32, #tpu.memory_space<vmem_shared>>)
        %dma_start3A_226 = arith.constant 5 : i32
        %dma_start3A_227 = arith.constant 1 : i32
        %dma_start3A_228 = arith.constant 1 : i32
        %dma_start3A_229 = arith.constant 0 : i32
        %dma_start3A_230 = arith.constant 0 : i32
        %dma_start3A_231 = tpu.memref_slice %arg13[%dma_start3A_227, %dma_start3A_229, %dma_start3A_230] : memref<4x128x8xf32, #tpu.memory_space<vmem>> -> memref<1x128x8xf32, #tpu.memory_space<vmem>>
        %dma_start3A_232 = tpu.memref_squeeze %dma_start3A_231 : memref<1x128x8xf32, #tpu.memory_space<vmem>> -> memref<128x8xf32, #tpu.memory_space<vmem>>
        %dma_start3A_233 = arith.constant 0 : i32
        %dma_start3A_234 = tpu.memref_slice %arg11[%dma_start3A_226, %dma_start3A_233] : memref<16x128xi32, #tpu.memory_space<vmem>> -> memref<1x128xi32, #tpu.memory_space<vmem>>
        %dma_start3A_235 = tpu.memref_squeeze %dma_start3A_234 : memref<1x128xi32, #tpu.memory_space<vmem>> -> memref<128xi32, #tpu.memory_space<vmem>>
        %dma_start3A_236 = arith.constant 0 : i32
        %dma_start3A_237 = arith.constant 0 : i32
        %dma_start3A_238 = tpu.memref_slice %arg9[%dma_start3A_236, %dma_start3A_237] : memref<100352x8xf32, #tpu.memory_space<vmem_shared>> -> memref<100352x8xf32, #tpu.memory_space<vmem_shared>>
        %dma_start3A_239 = tpu.memref_slice %arg20[%dma_start3A_228] : memref<4x!tpu.dma_semaphore, #tpu.memory_space<semaphore_mem>> -> memref<1x!tpu.dma_semaphore, #tpu.memory_space<semaphore_mem>>
        %dma_start3A_240 = tpu.memref_squeeze %dma_start3A_239 : memref<1x!tpu.dma_semaphore, #tpu.memory_space<semaphore_mem>> -> memref<!tpu.dma_semaphore, #tpu.memory_space<semaphore_mem>>
        tpu.enqueue_indirect_dma source(%dma_start3A_238 : memref<100352x8xf32, #tpu.memory_space<vmem_shared>>) target(%dma_start3A_232 : memref<128x8xf32, #tpu.memory_space<vmem>>) offsets(%dma_start3A_235 : memref<128xi32, #tpu.memory_space<vmem>>) semaphore(%dma_start3A_240 : memref<!tpu.dma_semaphore, #tpu.memory_space<semaphore_mem>>)
        %dma_wait3A_241 = arith.constant 3 : i32
        %dma_wait3A_242 = arith.constant 3 : i32
        %dma_wait3A_243 = arith.constant 3 : i32
        %dma_wait3A_244 = arith.constant 0 : i32
        %dma_wait3A_245 = arith.constant 0 : i32
        %dma_wait3A_246 = tpu.memref_slice %arg13[%dma_wait3A_242, %dma_wait3A_244, %dma_wait3A_245] : memref<4x128x8xf32, #tpu.memory_space<vmem>> -> memref<1x128x8xf32, #tpu.memory_space<vmem>>
        %dma_wait3A_247 = tpu.memref_squeeze %dma_wait3A_246 : memref<1x128x8xf32, #tpu.memory_space<vmem>> -> memref<128x8xf32, #tpu.memory_space<vmem>>
        %dma_wait3A_248 = arith.constant 0 : i32
        %dma_wait3A_249 = tpu.memref_slice %arg11[%dma_wait3A_241, %dma_wait3A_248] : memref<16x128xi32, #tpu.memory_space<vmem>> -> memref<1x128xi32, #tpu.memory_space<vmem>>
        %dma_wait3A_250 = tpu.memref_squeeze %dma_wait3A_249 : memref<1x128xi32, #tpu.memory_space<vmem>> -> memref<128xi32, #tpu.memory_space<vmem>>
        %dma_wait3A_251 = arith.constant 0 : i32
        %dma_wait3A_252 = arith.constant 0 : i32
        %dma_wait3A_253 = tpu.memref_slice %arg9[%dma_wait3A_251, %dma_wait3A_252] : memref<100352x8xf32, #tpu.memory_space<vmem_shared>> -> memref<100352x8xf32, #tpu.memory_space<vmem_shared>>
        %dma_wait3A_254 = tpu.memref_slice %arg20[%dma_wait3A_243] : memref<4x!tpu.dma_semaphore, #tpu.memory_space<semaphore_mem>> -> memref<1x!tpu.dma_semaphore, #tpu.memory_space<semaphore_mem>>
        %dma_wait3A_255 = tpu.memref_squeeze %dma_wait3A_254 : memref<1x!tpu.dma_semaphore, #tpu.memory_space<semaphore_mem>> -> memref<!tpu.dma_semaphore, #tpu.memory_space<semaphore_mem>>
        tpu.wait_indirect_dma semaphore(%dma_wait3A_255 : memref<!tpu.dma_semaphore, #tpu.memory_space<semaphore_mem>>) src(%dma_wait3A_253 : memref<100352x8xf32, #tpu.memory_space<vmem_shared>>) dst(%dma_wait3A_247 : memref<128x8xf32, #tpu.memory_space<vmem>>)
        %dma_start3A_256 = arith.constant 3 : i32
        %dma_start3A_257 = arith.constant 3 : i32
        %dma_start3A_258 = arith.constant 3 : i32
        %dma_start3A_259 = arith.constant 0 : i32
        %dma_start3A_260 = arith.constant 0 : i32
        %dma_start3A_261 = tpu.memref_slice %arg13[%dma_start3A_256, %dma_start3A_259, %dma_start3A_260] : memref<4x128x8xf32, #tpu.memory_space<vmem>> -> memref<1x128x8xf32, #tpu.memory_space<vmem>>
        %dma_start3A_262 = tpu.memref_squeeze %dma_start3A_261 : memref<1x128x8xf32, #tpu.memory_space<vmem>> -> memref<128x8xf32, #tpu.memory_space<vmem>>
        %dma_start3A_263 = arith.constant 0 : i32
        %dma_start3A_264 = tpu.memref_slice %arg12[%dma_start3A_257, %dma_start3A_263] : memref<16x128xi32, #tpu.memory_space<vmem>> -> memref<1x128xi32, #tpu.memory_space<vmem>>
        %dma_start3A_265 = tpu.memref_squeeze %dma_start3A_264 : memref<1x128xi32, #tpu.memory_space<vmem>> -> memref<128xi32, #tpu.memory_space<vmem>>
        %dma_start3A_266 = arith.constant 0 : i32
        %dma_start3A_267 = arith.constant 0 : i32
        %dma_start3A_268 = tpu.memref_slice %arg10[%dma_start3A_266, %dma_start3A_267] : memref<100352x8xf32, #tpu.memory_space<vmem_shared>> -> memref<100352x8xf32, #tpu.memory_space<vmem_shared>>
        %dma_start3A_269 = tpu.memref_slice %arg21[%dma_start3A_258] : memref<4x!tpu.dma_semaphore, #tpu.memory_space<semaphore_mem>> -> memref<1x!tpu.dma_semaphore, #tpu.memory_space<semaphore_mem>>
        %dma_start3A_270 = tpu.memref_squeeze %dma_start3A_269 : memref<1x!tpu.dma_semaphore, #tpu.memory_space<semaphore_mem>> -> memref<!tpu.dma_semaphore, #tpu.memory_space<semaphore_mem>>
        tpu.enqueue_indirect_dma source(%dma_start3A_262 : memref<128x8xf32, #tpu.memory_space<vmem>>) target(%dma_start3A_268 : memref<100352x8xf32, #tpu.memory_space<vmem_shared>>) offsets(%dma_start3A_265 : memref<128xi32, #tpu.memory_space<vmem>>) semaphore(%dma_start3A_270 : memref<!tpu.dma_semaphore, #tpu.memory_space<semaphore_mem>>) {add = true}
        %dma_wait3A_271 = arith.constant 2 : i32
        %dma_wait3A_272 = arith.constant 2 : i32
        %dma_wait3A_273 = arith.constant 2 : i32
        %dma_wait3A_274 = arith.constant 0 : i32
        %dma_wait3A_275 = arith.constant 0 : i32
        %dma_wait3A_276 = tpu.memref_slice %arg13[%dma_wait3A_271, %dma_wait3A_274, %dma_wait3A_275] : memref<4x128x8xf32, #tpu.memory_space<vmem>> -> memref<1x128x8xf32, #tpu.memory_space<vmem>>
        %dma_wait3A_277 = tpu.memref_squeeze %dma_wait3A_276 : memref<1x128x8xf32, #tpu.memory_space<vmem>> -> memref<128x8xf32, #tpu.memory_space<vmem>>
        %dma_wait3A_278 = arith.constant 0 : i32
        %dma_wait3A_279 = tpu.memref_slice %arg12[%dma_wait3A_272, %dma_wait3A_278] : memref<16x128xi32, #tpu.memory_space<vmem>> -> memref<1x128xi32, #tpu.memory_space<vmem>>
        %dma_wait3A_280 = tpu.memref_squeeze %dma_wait3A_279 : memref<1x128xi32, #tpu.memory_space<vmem>> -> memref<128xi32, #tpu.memory_space<vmem>>
        %dma_wait3A_281 = arith.constant 0 : i32
        %dma_wait3A_282 = arith.constant 0 : i32
        %dma_wait3A_283 = tpu.memref_slice %arg10[%dma_wait3A_281, %dma_wait3A_282] : memref<100352x8xf32, #tpu.memory_space<vmem_shared>> -> memref<100352x8xf32, #tpu.memory_space<vmem_shared>>
        %dma_wait3A_284 = tpu.memref_slice %arg21[%dma_wait3A_273] : memref<4x!tpu.dma_semaphore, #tpu.memory_space<semaphore_mem>> -> memref<1x!tpu.dma_semaphore, #tpu.memory_space<semaphore_mem>>
        %dma_wait3A_285 = tpu.memref_squeeze %dma_wait3A_284 : memref<1x!tpu.dma_semaphore, #tpu.memory_space<semaphore_mem>> -> memref<!tpu.dma_semaphore, #tpu.memory_space<semaphore_mem>>
        tpu.wait_indirect_dma semaphore(%dma_wait3A_285 : memref<!tpu.dma_semaphore, #tpu.memory_space<semaphore_mem>>) src(%dma_wait3A_277 : memref<128x8xf32, #tpu.memory_space<vmem>>) dst(%dma_wait3A_283 : memref<100352x8xf32, #tpu.memory_space<vmem_shared>>)
        %dma_start3A_286 = arith.constant 6 : i32
        %dma_start3A_287 = arith.constant 2 : i32
        %dma_start3A_288 = arith.constant 2 : i32
        %dma_start3A_289 = arith.constant 0 : i32
        %dma_start3A_290 = arith.constant 0 : i32
        %dma_start3A_291 = tpu.memref_slice %arg13[%dma_start3A_287, %dma_start3A_289, %dma_start3A_290] : memref<4x128x8xf32, #tpu.memory_space<vmem>> -> memref<1x128x8xf32, #tpu.memory_space<vmem>>
        %dma_start3A_292 = tpu.memref_squeeze %dma_start3A_291 : memref<1x128x8xf32, #tpu.memory_space<vmem>> -> memref<128x8xf32, #tpu.memory_space<vmem>>
        %dma_start3A_293 = arith.constant 0 : i32
        %dma_start3A_294 = tpu.memref_slice %arg11[%dma_start3A_286, %dma_start3A_293] : memref<16x128xi32, #tpu.memory_space<vmem>> -> memref<1x128xi32, #tpu.memory_space<vmem>>
        %dma_start3A_295 = tpu.memref_squeeze %dma_start3A_294 : memref<1x128xi32, #tpu.memory_space<vmem>> -> memref<128xi32, #tpu.memory_space<vmem>>
        %dma_start3A_296 = arith.constant 0 : i32
        %dma_start3A_297 = arith.constant 0 : i32
        %dma_start3A_298 = tpu.memref_slice %arg9[%dma_start3A_296, %dma_start3A_297] : memref<100352x8xf32, #tpu.memory_space<vmem_shared>> -> memref<100352x8xf32, #tpu.memory_space<vmem_shared>>
        %dma_start3A_299 = tpu.memref_slice %arg20[%dma_start3A_288] : memref<4x!tpu.dma_semaphore, #tpu.memory_space<semaphore_mem>> -> memref<1x!tpu.dma_semaphore, #tpu.memory_space<semaphore_mem>>
        %dma_start3A_300 = tpu.memref_squeeze %dma_start3A_299 : memref<1x!tpu.dma_semaphore, #tpu.memory_space<semaphore_mem>> -> memref<!tpu.dma_semaphore, #tpu.memory_space<semaphore_mem>>
        tpu.enqueue_indirect_dma source(%dma_start3A_298 : memref<100352x8xf32, #tpu.memory_space<vmem_shared>>) target(%dma_start3A_292 : memref<128x8xf32, #tpu.memory_space<vmem>>) offsets(%dma_start3A_295 : memref<128xi32, #tpu.memory_space<vmem>>) semaphore(%dma_start3A_300 : memref<!tpu.dma_semaphore, #tpu.memory_space<semaphore_mem>>)
        %dma_wait3A_301 = arith.constant 4 : i32
        %dma_wait3A_302 = arith.constant 0 : i32
        %dma_wait3A_303 = arith.constant 0 : i32
        %dma_wait3A_304 = arith.constant 0 : i32
        %dma_wait3A_305 = arith.constant 0 : i32
        %dma_wait3A_306 = tpu.memref_slice %arg13[%dma_wait3A_302, %dma_wait3A_304, %dma_wait3A_305] : memref<4x128x8xf32, #tpu.memory_space<vmem>> -> memref<1x128x8xf32, #tpu.memory_space<vmem>>
        %dma_wait3A_307 = tpu.memref_squeeze %dma_wait3A_306 : memref<1x128x8xf32, #tpu.memory_space<vmem>> -> memref<128x8xf32, #tpu.memory_space<vmem>>
        %dma_wait3A_308 = arith.constant 0 : i32
        %dma_wait3A_309 = tpu.memref_slice %arg11[%dma_wait3A_301, %dma_wait3A_308] : memref<16x128xi32, #tpu.memory_space<vmem>> -> memref<1x128xi32, #tpu.memory_space<vmem>>
        %dma_wait3A_310 = tpu.memref_squeeze %dma_wait3A_309 : memref<1x128xi32, #tpu.memory_space<vmem>> -> memref<128xi32, #tpu.memory_space<vmem>>
        %dma_wait3A_311 = arith.constant 0 : i32
        %dma_wait3A_312 = arith.constant 0 : i32
        %dma_wait3A_313 = tpu.memref_slice %arg9[%dma_wait3A_311, %dma_wait3A_312] : memref<100352x8xf32, #tpu.memory_space<vmem_shared>> -> memref<100352x8xf32, #tpu.memory_space<vmem_shared>>
        %dma_wait3A_314 = tpu.memref_slice %arg20[%dma_wait3A_303] : memref<4x!tpu.dma_semaphore, #tpu.memory_space<semaphore_mem>> -> memref<1x!tpu.dma_semaphore, #tpu.memory_space<semaphore_mem>>
        %dma_wait3A_315 = tpu.memref_squeeze %dma_wait3A_314 : memref<1x!tpu.dma_semaphore, #tpu.memory_space<semaphore_mem>> -> memref<!tpu.dma_semaphore, #tpu.memory_space<semaphore_mem>>
        tpu.wait_indirect_dma semaphore(%dma_wait3A_315 : memref<!tpu.dma_semaphore, #tpu.memory_space<semaphore_mem>>) src(%dma_wait3A_313 : memref<100352x8xf32, #tpu.memory_space<vmem_shared>>) dst(%dma_wait3A_307 : memref<128x8xf32, #tpu.memory_space<vmem>>)
        %dma_start3A_316 = arith.constant 0 : i32
        %dma_start3A_317 = arith.constant 4 : i32
        %dma_start3A_318 = arith.constant 0 : i32
        %dma_start3A_319 = arith.constant 0 : i32
        %dma_start3A_320 = arith.constant 0 : i32
        %dma_start3A_321 = tpu.memref_slice %arg13[%dma_start3A_316, %dma_start3A_319, %dma_start3A_320] : memref<4x128x8xf32, #tpu.memory_space<vmem>> -> memref<1x128x8xf32, #tpu.memory_space<vmem>>
        %dma_start3A_322 = tpu.memref_squeeze %dma_start3A_321 : memref<1x128x8xf32, #tpu.memory_space<vmem>> -> memref<128x8xf32, #tpu.memory_space<vmem>>
        %dma_start3A_323 = arith.constant 0 : i32
        %dma_start3A_324 = tpu.memref_slice %arg12[%dma_start3A_317, %dma_start3A_323] : memref<16x128xi32, #tpu.memory_space<vmem>> -> memref<1x128xi32, #tpu.memory_space<vmem>>
        %dma_start3A_325 = tpu.memref_squeeze %dma_start3A_324 : memref<1x128xi32, #tpu.memory_space<vmem>> -> memref<128xi32, #tpu.memory_space<vmem>>
        %dma_start3A_326 = arith.constant 0 : i32
        %dma_start3A_327 = arith.constant 0 : i32
        %dma_start3A_328 = tpu.memref_slice %arg10[%dma_start3A_326, %dma_start3A_327] : memref<100352x8xf32, #tpu.memory_space<vmem_shared>> -> memref<100352x8xf32, #tpu.memory_space<vmem_shared>>
        %dma_start3A_329 = tpu.memref_slice %arg21[%dma_start3A_318] : memref<4x!tpu.dma_semaphore, #tpu.memory_space<semaphore_mem>> -> memref<1x!tpu.dma_semaphore, #tpu.memory_space<semaphore_mem>>
        %dma_start3A_330 = tpu.memref_squeeze %dma_start3A_329 : memref<1x!tpu.dma_semaphore, #tpu.memory_space<semaphore_mem>> -> memref<!tpu.dma_semaphore, #tpu.memory_space<semaphore_mem>>
        tpu.enqueue_indirect_dma source(%dma_start3A_322 : memref<128x8xf32, #tpu.memory_space<vmem>>) target(%dma_start3A_328 : memref<100352x8xf32, #tpu.memory_space<vmem_shared>>) offsets(%dma_start3A_325 : memref<128xi32, #tpu.memory_space<vmem>>) semaphore(%dma_start3A_330 : memref<!tpu.dma_semaphore, #tpu.memory_space<semaphore_mem>>) {add = true}
        %dma_wait3A_331 = arith.constant 3 : i32
        %dma_wait3A_332 = arith.constant 3 : i32
        %dma_wait3A_333 = arith.constant 3 : i32
        %dma_wait3A_334 = arith.constant 0 : i32
        %dma_wait3A_335 = arith.constant 0 : i32
        %dma_wait3A_336 = tpu.memref_slice %arg13[%dma_wait3A_331, %dma_wait3A_334, %dma_wait3A_335] : memref<4x128x8xf32, #tpu.memory_space<vmem>> -> memref<1x128x8xf32, #tpu.memory_space<vmem>>
        %dma_wait3A_337 = tpu.memref_squeeze %dma_wait3A_336 : memref<1x128x8xf32, #tpu.memory_space<vmem>> -> memref<128x8xf32, #tpu.memory_space<vmem>>
        %dma_wait3A_338 = arith.constant 0 : i32
        %dma_wait3A_339 = tpu.memref_slice %arg12[%dma_wait3A_332, %dma_wait3A_338] : memref<16x128xi32, #tpu.memory_space<vmem>> -> memref<1x128xi32, #tpu.memory_space<vmem>>
        %dma_wait3A_340 = tpu.memref_squeeze %dma_wait3A_339 : memref<1x128xi32, #tpu.memory_space<vmem>> -> memref<128xi32, #tpu.memory_space<vmem>>
        %dma_wait3A_341 = arith.constant 0 : i32
        %dma_wait3A_342 = arith.constant 0 : i32
        %dma_wait3A_343 = tpu.memref_slice %arg10[%dma_wait3A_341, %dma_wait3A_342] : memref<100352x8xf32, #tpu.memory_space<vmem_shared>> -> memref<100352x8xf32, #tpu.memory_space<vmem_shared>>
        %dma_wait3A_344 = tpu.memref_slice %arg21[%dma_wait3A_333] : memref<4x!tpu.dma_semaphore, #tpu.memory_space<semaphore_mem>> -> memref<1x!tpu.dma_semaphore, #tpu.memory_space<semaphore_mem>>
        %dma_wait3A_345 = tpu.memref_squeeze %dma_wait3A_344 : memref<1x!tpu.dma_semaphore, #tpu.memory_space<semaphore_mem>> -> memref<!tpu.dma_semaphore, #tpu.memory_space<semaphore_mem>>
        tpu.wait_indirect_dma semaphore(%dma_wait3A_345 : memref<!tpu.dma_semaphore, #tpu.memory_space<semaphore_mem>>) src(%dma_wait3A_337 : memref<128x8xf32, #tpu.memory_space<vmem>>) dst(%dma_wait3A_343 : memref<100352x8xf32, #tpu.memory_space<vmem_shared>>)
        %dma_start3A_346 = arith.constant 7 : i32
        %dma_start3A_347 = arith.constant 3 : i32
        %dma_start3A_348 = arith.constant 3 : i32
        %dma_start3A_349 = arith.constant 0 : i32
        %dma_start3A_350 = arith.constant 0 : i32
        %dma_start3A_351 = tpu.memref_slice %arg13[%dma_start3A_347, %dma_start3A_349, %dma_start3A_350] : memref<4x128x8xf32, #tpu.memory_space<vmem>> -> memref<1x128x8xf32, #tpu.memory_space<vmem>>
        %dma_start3A_352 = tpu.memref_squeeze %dma_start3A_351 : memref<1x128x8xf32, #tpu.memory_space<vmem>> -> memref<128x8xf32, #tpu.memory_space<vmem>>
        %dma_start3A_353 = arith.constant 0 : i32
        %dma_start3A_354 = tpu.memref_slice %arg11[%dma_start3A_346, %dma_start3A_353] : memref<16x128xi32, #tpu.memory_space<vmem>> -> memref<1x128xi32, #tpu.memory_space<vmem>>
        %dma_start3A_355 = tpu.memref_squeeze %dma_start3A_354 : memref<1x128xi32, #tpu.memory_space<vmem>> -> memref<128xi32, #tpu.memory_space<vmem>>
        %dma_start3A_356 = arith.constant 0 : i32
        %dma_start3A_357 = arith.constant 0 : i32
        %dma_start3A_358 = tpu.memref_slice %arg9[%dma_start3A_356, %dma_start3A_357] : memref<100352x8xf32, #tpu.memory_space<vmem_shared>> -> memref<100352x8xf32, #tpu.memory_space<vmem_shared>>
        %dma_start3A_359 = tpu.memref_slice %arg20[%dma_start3A_348] : memref<4x!tpu.dma_semaphore, #tpu.memory_space<semaphore_mem>> -> memref<1x!tpu.dma_semaphore, #tpu.memory_space<semaphore_mem>>
        %dma_start3A_360 = tpu.memref_squeeze %dma_start3A_359 : memref<1x!tpu.dma_semaphore, #tpu.memory_space<semaphore_mem>> -> memref<!tpu.dma_semaphore, #tpu.memory_space<semaphore_mem>>
        tpu.enqueue_indirect_dma source(%dma_start3A_358 : memref<100352x8xf32, #tpu.memory_space<vmem_shared>>) target(%dma_start3A_352 : memref<128x8xf32, #tpu.memory_space<vmem>>) offsets(%dma_start3A_355 : memref<128xi32, #tpu.memory_space<vmem>>) semaphore(%dma_start3A_360 : memref<!tpu.dma_semaphore, #tpu.memory_space<semaphore_mem>>)
        %dma_wait3A_361 = arith.constant 5 : i32
        %dma_wait3A_362 = arith.constant 1 : i32
        %dma_wait3A_363 = arith.constant 1 : i32
        %dma_wait3A_364 = arith.constant 0 : i32
        %dma_wait3A_365 = arith.constant 0 : i32
        %dma_wait3A_366 = tpu.memref_slice %arg13[%dma_wait3A_362, %dma_wait3A_364, %dma_wait3A_365] : memref<4x128x8xf32, #tpu.memory_space<vmem>> -> memref<1x128x8xf32, #tpu.memory_space<vmem>>
        %dma_wait3A_367 = tpu.memref_squeeze %dma_wait3A_366 : memref<1x128x8xf32, #tpu.memory_space<vmem>> -> memref<128x8xf32, #tpu.memory_space<vmem>>
        %dma_wait3A_368 = arith.constant 0 : i32
        %dma_wait3A_369 = tpu.memref_slice %arg11[%dma_wait3A_361, %dma_wait3A_368] : memref<16x128xi32, #tpu.memory_space<vmem>> -> memref<1x128xi32, #tpu.memory_space<vmem>>
        %dma_wait3A_370 = tpu.memref_squeeze %dma_wait3A_369 : memref<1x128xi32, #tpu.memory_space<vmem>> -> memref<128xi32, #tpu.memory_space<vmem>>
        %dma_wait3A_371 = arith.constant 0 : i32
        %dma_wait3A_372 = arith.constant 0 : i32
        %dma_wait3A_373 = tpu.memref_slice %arg9[%dma_wait3A_371, %dma_wait3A_372] : memref<100352x8xf32, #tpu.memory_space<vmem_shared>> -> memref<100352x8xf32, #tpu.memory_space<vmem_shared>>
        %dma_wait3A_374 = tpu.memref_slice %arg20[%dma_wait3A_363] : memref<4x!tpu.dma_semaphore, #tpu.memory_space<semaphore_mem>> -> memref<1x!tpu.dma_semaphore, #tpu.memory_space<semaphore_mem>>
        %dma_wait3A_375 = tpu.memref_squeeze %dma_wait3A_374 : memref<1x!tpu.dma_semaphore, #tpu.memory_space<semaphore_mem>> -> memref<!tpu.dma_semaphore, #tpu.memory_space<semaphore_mem>>
        tpu.wait_indirect_dma semaphore(%dma_wait3A_375 : memref<!tpu.dma_semaphore, #tpu.memory_space<semaphore_mem>>) src(%dma_wait3A_373 : memref<100352x8xf32, #tpu.memory_space<vmem_shared>>) dst(%dma_wait3A_367 : memref<128x8xf32, #tpu.memory_space<vmem>>)
        %dma_start3A_376 = arith.constant 1 : i32
        %dma_start3A_377 = arith.constant 5 : i32
        %dma_start3A_378 = arith.constant 1 : i32
        %dma_start3A_379 = arith.constant 0 : i32
        %dma_start3A_380 = arith.constant 0 : i32
        %dma_start3A_381 = tpu.memref_slice %arg13[%dma_start3A_376, %dma_start3A_379, %dma_start3A_380] : memref<4x128x8xf32, #tpu.memory_space<vmem>> -> memref<1x128x8xf32, #tpu.memory_space<vmem>>
        %dma_start3A_382 = tpu.memref_squeeze %dma_start3A_381 : memref<1x128x8xf32, #tpu.memory_space<vmem>> -> memref<128x8xf32, #tpu.memory_space<vmem>>
        %dma_start3A_383 = arith.constant 0 : i32
        %dma_start3A_384 = tpu.memref_slice %arg12[%dma_start3A_377, %dma_start3A_383] : memref<16x128xi32, #tpu.memory_space<vmem>> -> memref<1x128xi32, #tpu.memory_space<vmem>>
        %dma_start3A_385 = tpu.memref_squeeze %dma_start3A_384 : memref<1x128xi32, #tpu.memory_space<vmem>> -> memref<128xi32, #tpu.memory_space<vmem>>
        %dma_start3A_386 = arith.constant 0 : i32
        %dma_start3A_387 = arith.constant 0 : i32
        %dma_start3A_388 = tpu.memref_slice %arg10[%dma_start3A_386, %dma_start3A_387] : memref<100352x8xf32, #tpu.memory_space<vmem_shared>> -> memref<100352x8xf32, #tpu.memory_space<vmem_shared>>
        %dma_start3A_389 = tpu.memref_slice %arg21[%dma_start3A_378] : memref<4x!tpu.dma_semaphore, #tpu.memory_space<semaphore_mem>> -> memref<1x!tpu.dma_semaphore, #tpu.memory_space<semaphore_mem>>
        %dma_start3A_390 = tpu.memref_squeeze %dma_start3A_389 : memref<1x!tpu.dma_semaphore, #tpu.memory_space<semaphore_mem>> -> memref<!tpu.dma_semaphore, #tpu.memory_space<semaphore_mem>>
        tpu.enqueue_indirect_dma source(%dma_start3A_382 : memref<128x8xf32, #tpu.memory_space<vmem>>) target(%dma_start3A_388 : memref<100352x8xf32, #tpu.memory_space<vmem_shared>>) offsets(%dma_start3A_385 : memref<128xi32, #tpu.memory_space<vmem>>) semaphore(%dma_start3A_390 : memref<!tpu.dma_semaphore, #tpu.memory_space<semaphore_mem>>) {add = true}
        %dma_wait3A_391 = arith.constant 0 : i32
        %dma_wait3A_392 = arith.constant 4 : i32
        %dma_wait3A_393 = arith.constant 0 : i32
        %dma_wait3A_394 = arith.constant 0 : i32
        %dma_wait3A_395 = arith.constant 0 : i32
        %dma_wait3A_396 = tpu.memref_slice %arg13[%dma_wait3A_391, %dma_wait3A_394, %dma_wait3A_395] : memref<4x128x8xf32, #tpu.memory_space<vmem>> -> memref<1x128x8xf32, #tpu.memory_space<vmem>>
        %dma_wait3A_397 = tpu.memref_squeeze %dma_wait3A_396 : memref<1x128x8xf32, #tpu.memory_space<vmem>> -> memref<128x8xf32, #tpu.memory_space<vmem>>
        %dma_wait3A_398 = arith.constant 0 : i32
        %dma_wait3A_399 = tpu.memref_slice %arg12[%dma_wait3A_392, %dma_wait3A_398] : memref<16x128xi32, #tpu.memory_space<vmem>> -> memref<1x128xi32, #tpu.memory_space<vmem>>
        %dma_wait3A_400 = tpu.memref_squeeze %dma_wait3A_399 : memref<1x128xi32, #tpu.memory_space<vmem>> -> memref<128xi32, #tpu.memory_space<vmem>>
        %dma_wait3A_401 = arith.constant 0 : i32
        %dma_wait3A_402 = arith.constant 0 : i32
        %dma_wait3A_403 = tpu.memref_slice %arg10[%dma_wait3A_401, %dma_wait3A_402] : memref<100352x8xf32, #tpu.memory_space<vmem_shared>> -> memref<100352x8xf32, #tpu.memory_space<vmem_shared>>
        %dma_wait3A_404 = tpu.memref_slice %arg21[%dma_wait3A_393] : memref<4x!tpu.dma_semaphore, #tpu.memory_space<semaphore_mem>> -> memref<1x!tpu.dma_semaphore, #tpu.memory_space<semaphore_mem>>
        %dma_wait3A_405 = tpu.memref_squeeze %dma_wait3A_404 : memref<1x!tpu.dma_semaphore, #tpu.memory_space<semaphore_mem>> -> memref<!tpu.dma_semaphore, #tpu.memory_space<semaphore_mem>>
        tpu.wait_indirect_dma semaphore(%dma_wait3A_405 : memref<!tpu.dma_semaphore, #tpu.memory_space<semaphore_mem>>) src(%dma_wait3A_397 : memref<128x8xf32, #tpu.memory_space<vmem>>) dst(%dma_wait3A_403 : memref<100352x8xf32, #tpu.memory_space<vmem_shared>>)
        %dma_start3A_406 = arith.constant 8 : i32
        %dma_start3A_407 = arith.constant 0 : i32
        %dma_start3A_408 = arith.constant 0 : i32
        %dma_start3A_409 = arith.constant 0 : i32
        %dma_start3A_410 = arith.constant 0 : i32
        %dma_start3A_411 = tpu.memref_slice %arg13[%dma_start3A_407, %dma_start3A_409, %dma_start3A_410] : memref<4x128x8xf32, #tpu.memory_space<vmem>> -> memref<1x128x8xf32, #tpu.memory_space<vmem>>
        %dma_start3A_412 = tpu.memref_squeeze %dma_start3A_411 : memref<1x128x8xf32, #tpu.memory_space<vmem>> -> memref<128x8xf32, #tpu.memory_space<vmem>>
        %dma_start3A_413 = arith.constant 0 : i32
        %dma_start3A_414 = tpu.memref_slice %arg11[%dma_start3A_406, %dma_start3A_413] : memref<16x128xi32, #tpu.memory_space<vmem>> -> memref<1x128xi32, #tpu.memory_space<vmem>>
        %dma_start3A_415 = tpu.memref_squeeze %dma_start3A_414 : memref<1x128xi32, #tpu.memory_space<vmem>> -> memref<128xi32, #tpu.memory_space<vmem>>
        %dma_start3A_416 = arith.constant 0 : i32
        %dma_start3A_417 = arith.constant 0 : i32
        %dma_start3A_418 = tpu.memref_slice %arg9[%dma_start3A_416, %dma_start3A_417] : memref<100352x8xf32, #tpu.memory_space<vmem_shared>> -> memref<100352x8xf32, #tpu.memory_space<vmem_shared>>
        %dma_start3A_419 = tpu.memref_slice %arg20[%dma_start3A_408] : memref<4x!tpu.dma_semaphore, #tpu.memory_space<semaphore_mem>> -> memref<1x!tpu.dma_semaphore, #tpu.memory_space<semaphore_mem>>
        %dma_start3A_420 = tpu.memref_squeeze %dma_start3A_419 : memref<1x!tpu.dma_semaphore, #tpu.memory_space<semaphore_mem>> -> memref<!tpu.dma_semaphore, #tpu.memory_space<semaphore_mem>>
        tpu.enqueue_indirect_dma source(%dma_start3A_418 : memref<100352x8xf32, #tpu.memory_space<vmem_shared>>) target(%dma_start3A_412 : memref<128x8xf32, #tpu.memory_space<vmem>>) offsets(%dma_start3A_415 : memref<128xi32, #tpu.memory_space<vmem>>) semaphore(%dma_start3A_420 : memref<!tpu.dma_semaphore, #tpu.memory_space<semaphore_mem>>)
        %dma_wait3A_421 = arith.constant 6 : i32
        %dma_wait3A_422 = arith.constant 2 : i32
        %dma_wait3A_423 = arith.constant 2 : i32
        %dma_wait3A_424 = arith.constant 0 : i32
        %dma_wait3A_425 = arith.constant 0 : i32
        %dma_wait3A_426 = tpu.memref_slice %arg13[%dma_wait3A_422, %dma_wait3A_424, %dma_wait3A_425] : memref<4x128x8xf32, #tpu.memory_space<vmem>> -> memref<1x128x8xf32, #tpu.memory_space<vmem>>
        %dma_wait3A_427 = tpu.memref_squeeze %dma_wait3A_426 : memref<1x128x8xf32, #tpu.memory_space<vmem>> -> memref<128x8xf32, #tpu.memory_space<vmem>>
        %dma_wait3A_428 = arith.constant 0 : i32
        %dma_wait3A_429 = tpu.memref_slice %arg11[%dma_wait3A_421, %dma_wait3A_428] : memref<16x128xi32, #tpu.memory_space<vmem>> -> memref<1x128xi32, #tpu.memory_space<vmem>>
        %dma_wait3A_430 = tpu.memref_squeeze %dma_wait3A_429 : memref<1x128xi32, #tpu.memory_space<vmem>> -> memref<128xi32, #tpu.memory_space<vmem>>
        %dma_wait3A_431 = arith.constant 0 : i32
        %dma_wait3A_432 = arith.constant 0 : i32
        %dma_wait3A_433 = tpu.memref_slice %arg9[%dma_wait3A_431, %dma_wait3A_432] : memref<100352x8xf32, #tpu.memory_space<vmem_shared>> -> memref<100352x8xf32, #tpu.memory_space<vmem_shared>>
        %dma_wait3A_434 = tpu.memref_slice %arg20[%dma_wait3A_423] : memref<4x!tpu.dma_semaphore, #tpu.memory_space<semaphore_mem>> -> memref<1x!tpu.dma_semaphore, #tpu.memory_space<semaphore_mem>>
        %dma_wait3A_435 = tpu.memref_squeeze %dma_wait3A_434 : memref<1x!tpu.dma_semaphore, #tpu.memory_space<semaphore_mem>> -> memref<!tpu.dma_semaphore, #tpu.memory_space<semaphore_mem>>
        tpu.wait_indirect_dma semaphore(%dma_wait3A_435 : memref<!tpu.dma_semaphore, #tpu.memory_space<semaphore_mem>>) src(%dma_wait3A_433 : memref<100352x8xf32, #tpu.memory_space<vmem_shared>>) dst(%dma_wait3A_427 : memref<128x8xf32, #tpu.memory_space<vmem>>)
        %dma_start3A_436 = arith.constant 2 : i32
        %dma_start3A_437 = arith.constant 6 : i32
        %dma_start3A_438 = arith.constant 2 : i32
        %dma_start3A_439 = arith.constant 0 : i32
        %dma_start3A_440 = arith.constant 0 : i32
        %dma_start3A_441 = tpu.memref_slice %arg13[%dma_start3A_436, %dma_start3A_439, %dma_start3A_440] : memref<4x128x8xf32, #tpu.memory_space<vmem>> -> memref<1x128x8xf32, #tpu.memory_space<vmem>>
        %dma_start3A_442 = tpu.memref_squeeze %dma_start3A_441 : memref<1x128x8xf32, #tpu.memory_space<vmem>> -> memref<128x8xf32, #tpu.memory_space<vmem>>
        %dma_start3A_443 = arith.constant 0 : i32
        %dma_start3A_444 = tpu.memref_slice %arg12[%dma_start3A_437, %dma_start3A_443] : memref<16x128xi32, #tpu.memory_space<vmem>> -> memref<1x128xi32, #tpu.memory_space<vmem>>
        %dma_start3A_445 = tpu.memref_squeeze %dma_start3A_444 : memref<1x128xi32, #tpu.memory_space<vmem>> -> memref<128xi32, #tpu.memory_space<vmem>>
        %dma_start3A_446 = arith.constant 0 : i32
        %dma_start3A_447 = arith.constant 0 : i32
        %dma_start3A_448 = tpu.memref_slice %arg10[%dma_start3A_446, %dma_start3A_447] : memref<100352x8xf32, #tpu.memory_space<vmem_shared>> -> memref<100352x8xf32, #tpu.memory_space<vmem_shared>>
        %dma_start3A_449 = tpu.memref_slice %arg21[%dma_start3A_438] : memref<4x!tpu.dma_semaphore, #tpu.memory_space<semaphore_mem>> -> memref<1x!tpu.dma_semaphore, #tpu.memory_space<semaphore_mem>>
        %dma_start3A_450 = tpu.memref_squeeze %dma_start3A_449 : memref<1x!tpu.dma_semaphore, #tpu.memory_space<semaphore_mem>> -> memref<!tpu.dma_semaphore, #tpu.memory_space<semaphore_mem>>
        tpu.enqueue_indirect_dma source(%dma_start3A_442 : memref<128x8xf32, #tpu.memory_space<vmem>>) target(%dma_start3A_448 : memref<100352x8xf32, #tpu.memory_space<vmem_shared>>) offsets(%dma_start3A_445 : memref<128xi32, #tpu.memory_space<vmem>>) semaphore(%dma_start3A_450 : memref<!tpu.dma_semaphore, #tpu.memory_space<semaphore_mem>>) {add = true}
        %dma_wait3A_451 = arith.constant 1 : i32
        %dma_wait3A_452 = arith.constant 5 : i32
        %dma_wait3A_453 = arith.constant 1 : i32
        %dma_wait3A_454 = arith.constant 0 : i32
        %dma_wait3A_455 = arith.constant 0 : i32
        %dma_wait3A_456 = tpu.memref_slice %arg13[%dma_wait3A_451, %dma_wait3A_454, %dma_wait3A_455] : memref<4x128x8xf32, #tpu.memory_space<vmem>> -> memref<1x128x8xf32, #tpu.memory_space<vmem>>
        %dma_wait3A_457 = tpu.memref_squeeze %dma_wait3A_456 : memref<1x128x8xf32, #tpu.memory_space<vmem>> -> memref<128x8xf32, #tpu.memory_space<vmem>>
        %dma_wait3A_458 = arith.constant 0 : i32
        %dma_wait3A_459 = tpu.memref_slice %arg12[%dma_wait3A_452, %dma_wait3A_458] : memref<16x128xi32, #tpu.memory_space<vmem>> -> memref<1x128xi32, #tpu.memory_space<vmem>>
        %dma_wait3A_460 = tpu.memref_squeeze %dma_wait3A_459 : memref<1x128xi32, #tpu.memory_space<vmem>> -> memref<128xi32, #tpu.memory_space<vmem>>
        %dma_wait3A_461 = arith.constant 0 : i32
        %dma_wait3A_462 = arith.constant 0 : i32
        %dma_wait3A_463 = tpu.memref_slice %arg10[%dma_wait3A_461, %dma_wait3A_462] : memref<100352x8xf32, #tpu.memory_space<vmem_shared>> -> memref<100352x8xf32, #tpu.memory_space<vmem_shared>>
        %dma_wait3A_464 = tpu.memref_slice %arg21[%dma_wait3A_453] : memref<4x!tpu.dma_semaphore, #tpu.memory_space<semaphore_mem>> -> memref<1x!tpu.dma_semaphore, #tpu.memory_space<semaphore_mem>>
        %dma_wait3A_465 = tpu.memref_squeeze %dma_wait3A_464 : memref<1x!tpu.dma_semaphore, #tpu.memory_space<semaphore_mem>> -> memref<!tpu.dma_semaphore, #tpu.memory_space<semaphore_mem>>
        tpu.wait_indirect_dma semaphore(%dma_wait3A_465 : memref<!tpu.dma_semaphore, #tpu.memory_space<semaphore_mem>>) src(%dma_wait3A_457 : memref<128x8xf32, #tpu.memory_space<vmem>>) dst(%dma_wait3A_463 : memref<100352x8xf32, #tpu.memory_space<vmem_shared>>)
        %dma_start3A_466 = arith.constant 9 : i32
        %dma_start3A_467 = arith.constant 1 : i32
        %dma_start3A_468 = arith.constant 1 : i32
        %dma_start3A_469 = arith.constant 0 : i32
        %dma_start3A_470 = arith.constant 0 : i32
        %dma_start3A_471 = tpu.memref_slice %arg13[%dma_start3A_467, %dma_start3A_469, %dma_start3A_470] : memref<4x128x8xf32, #tpu.memory_space<vmem>> -> memref<1x128x8xf32, #tpu.memory_space<vmem>>
        %dma_start3A_472 = tpu.memref_squeeze %dma_start3A_471 : memref<1x128x8xf32, #tpu.memory_space<vmem>> -> memref<128x8xf32, #tpu.memory_space<vmem>>
        %dma_start3A_473 = arith.constant 0 : i32
        %dma_start3A_474 = tpu.memref_slice %arg11[%dma_start3A_466, %dma_start3A_473] : memref<16x128xi32, #tpu.memory_space<vmem>> -> memref<1x128xi32, #tpu.memory_space<vmem>>
        %dma_start3A_475 = tpu.memref_squeeze %dma_start3A_474 : memref<1x128xi32, #tpu.memory_space<vmem>> -> memref<128xi32, #tpu.memory_space<vmem>>
        %dma_start3A_476 = arith.constant 0 : i32
        %dma_start3A_477 = arith.constant 0 : i32
        %dma_start3A_478 = tpu.memref_slice %arg9[%dma_start3A_476, %dma_start3A_477] : memref<100352x8xf32, #tpu.memory_space<vmem_shared>> -> memref<100352x8xf32, #tpu.memory_space<vmem_shared>>
        %dma_start3A_479 = tpu.memref_slice %arg20[%dma_start3A_468] : memref<4x!tpu.dma_semaphore, #tpu.memory_space<semaphore_mem>> -> memref<1x!tpu.dma_semaphore, #tpu.memory_space<semaphore_mem>>
        %dma_start3A_480 = tpu.memref_squeeze %dma_start3A_479 : memref<1x!tpu.dma_semaphore, #tpu.memory_space<semaphore_mem>> -> memref<!tpu.dma_semaphore, #tpu.memory_space<semaphore_mem>>
        tpu.enqueue_indirect_dma source(%dma_start3A_478 : memref<100352x8xf32, #tpu.memory_space<vmem_shared>>) target(%dma_start3A_472 : memref<128x8xf32, #tpu.memory_space<vmem>>) offsets(%dma_start3A_475 : memref<128xi32, #tpu.memory_space<vmem>>) semaphore(%dma_start3A_480 : memref<!tpu.dma_semaphore, #tpu.memory_space<semaphore_mem>>)
        %dma_wait3A_481 = arith.constant 7 : i32
        %dma_wait3A_482 = arith.constant 3 : i32
        %dma_wait3A_483 = arith.constant 3 : i32
        %dma_wait3A_484 = arith.constant 0 : i32
        %dma_wait3A_485 = arith.constant 0 : i32
        %dma_wait3A_486 = tpu.memref_slice %arg13[%dma_wait3A_482, %dma_wait3A_484, %dma_wait3A_485] : memref<4x128x8xf32, #tpu.memory_space<vmem>> -> memref<1x128x8xf32, #tpu.memory_space<vmem>>
        %dma_wait3A_487 = tpu.memref_squeeze %dma_wait3A_486 : memref<1x128x8xf32, #tpu.memory_space<vmem>> -> memref<128x8xf32, #tpu.memory_space<vmem>>
        %dma_wait3A_488 = arith.constant 0 : i32
        %dma_wait3A_489 = tpu.memref_slice %arg11[%dma_wait3A_481, %dma_wait3A_488] : memref<16x128xi32, #tpu.memory_space<vmem>> -> memref<1x128xi32, #tpu.memory_space<vmem>>
        %dma_wait3A_490 = tpu.memref_squeeze %dma_wait3A_489 : memref<1x128xi32, #tpu.memory_space<vmem>> -> memref<128xi32, #tpu.memory_space<vmem>>
        %dma_wait3A_491 = arith.constant 0 : i32
        %dma_wait3A_492 = arith.constant 0 : i32
        %dma_wait3A_493 = tpu.memref_slice %arg9[%dma_wait3A_491, %dma_wait3A_492] : memref<100352x8xf32, #tpu.memory_space<vmem_shared>> -> memref<100352x8xf32, #tpu.memory_space<vmem_shared>>
        %dma_wait3A_494 = tpu.memref_slice %arg20[%dma_wait3A_483] : memref<4x!tpu.dma_semaphore, #tpu.memory_space<semaphore_mem>> -> memref<1x!tpu.dma_semaphore, #tpu.memory_space<semaphore_mem>>
        %dma_wait3A_495 = tpu.memref_squeeze %dma_wait3A_494 : memref<1x!tpu.dma_semaphore, #tpu.memory_space<semaphore_mem>> -> memref<!tpu.dma_semaphore, #tpu.memory_space<semaphore_mem>>
        tpu.wait_indirect_dma semaphore(%dma_wait3A_495 : memref<!tpu.dma_semaphore, #tpu.memory_space<semaphore_mem>>) src(%dma_wait3A_493 : memref<100352x8xf32, #tpu.memory_space<vmem_shared>>) dst(%dma_wait3A_487 : memref<128x8xf32, #tpu.memory_space<vmem>>)
        %dma_start3A_496 = arith.constant 3 : i32
        %dma_start3A_497 = arith.constant 7 : i32
        %dma_start3A_498 = arith.constant 3 : i32
        %dma_start3A_499 = arith.constant 0 : i32
        %dma_start3A_500 = arith.constant 0 : i32
        %dma_start3A_501 = tpu.memref_slice %arg13[%dma_start3A_496, %dma_start3A_499, %dma_start3A_500] : memref<4x128x8xf32, #tpu.memory_space<vmem>> -> memref<1x128x8xf32, #tpu.memory_space<vmem>>
        %dma_start3A_502 = tpu.memref_squeeze %dma_start3A_501 : memref<1x128x8xf32, #tpu.memory_space<vmem>> -> memref<128x8xf32, #tpu.memory_space<vmem>>
        %dma_start3A_503 = arith.constant 0 : i32
        %dma_start3A_504 = tpu.memref_slice %arg12[%dma_start3A_497, %dma_start3A_503] : memref<16x128xi32, #tpu.memory_space<vmem>> -> memref<1x128xi32, #tpu.memory_space<vmem>>
        %dma_start3A_505 = tpu.memref_squeeze %dma_start3A_504 : memref<1x128xi32, #tpu.memory_space<vmem>> -> memref<128xi32, #tpu.memory_space<vmem>>
        %dma_start3A_506 = arith.constant 0 : i32
        %dma_start3A_507 = arith.constant 0 : i32
        %dma_start3A_508 = tpu.memref_slice %arg10[%dma_start3A_506, %dma_start3A_507] : memref<100352x8xf32, #tpu.memory_space<vmem_shared>> -> memref<100352x8xf32, #tpu.memory_space<vmem_shared>>
        %dma_start3A_509 = tpu.memref_slice %arg21[%dma_start3A_498] : memref<4x!tpu.dma_semaphore, #tpu.memory_space<semaphore_mem>> -> memref<1x!tpu.dma_semaphore, #tpu.memory_space<semaphore_mem>>
        %dma_start3A_510 = tpu.memref_squeeze %dma_start3A_509 : memref<1x!tpu.dma_semaphore, #tpu.memory_space<semaphore_mem>> -> memref<!tpu.dma_semaphore, #tpu.memory_space<semaphore_mem>>
        tpu.enqueue_indirect_dma source(%dma_start3A_502 : memref<128x8xf32, #tpu.memory_space<vmem>>) target(%dma_start3A_508 : memref<100352x8xf32, #tpu.memory_space<vmem_shared>>) offsets(%dma_start3A_505 : memref<128xi32, #tpu.memory_space<vmem>>) semaphore(%dma_start3A_510 : memref<!tpu.dma_semaphore, #tpu.memory_space<semaphore_mem>>) {add = true}
        %dma_wait3A_511 = arith.constant 2 : i32
        %dma_wait3A_512 = arith.constant 6 : i32
        %dma_wait3A_513 = arith.constant 2 : i32
        %dma_wait3A_514 = arith.constant 0 : i32
        %dma_wait3A_515 = arith.constant 0 : i32
        %dma_wait3A_516 = tpu.memref_slice %arg13[%dma_wait3A_511, %dma_wait3A_514, %dma_wait3A_515] : memref<4x128x8xf32, #tpu.memory_space<vmem>> -> memref<1x128x8xf32, #tpu.memory_space<vmem>>
        %dma_wait3A_517 = tpu.memref_squeeze %dma_wait3A_516 : memref<1x128x8xf32, #tpu.memory_space<vmem>> -> memref<128x8xf32, #tpu.memory_space<vmem>>
        %dma_wait3A_518 = arith.constant 0 : i32
        %dma_wait3A_519 = tpu.memref_slice %arg12[%dma_wait3A_512, %dma_wait3A_518] : memref<16x128xi32, #tpu.memory_space<vmem>> -> memref<1x128xi32, #tpu.memory_space<vmem>>
        %dma_wait3A_520 = tpu.memref_squeeze %dma_wait3A_519 : memref<1x128xi32, #tpu.memory_space<vmem>> -> memref<128xi32, #tpu.memory_space<vmem>>
        %dma_wait3A_521 = arith.constant 0 : i32
        %dma_wait3A_522 = arith.constant 0 : i32
        %dma_wait3A_523 = tpu.memref_slice %arg10[%dma_wait3A_521, %dma_wait3A_522] : memref<100352x8xf32, #tpu.memory_space<vmem_shared>> -> memref<100352x8xf32, #tpu.memory_space<vmem_shared>>
        %dma_wait3A_524 = tpu.memref_slice %arg21[%dma_wait3A_513] : memref<4x!tpu.dma_semaphore, #tpu.memory_space<semaphore_mem>> -> memref<1x!tpu.dma_semaphore, #tpu.memory_space<semaphore_mem>>
        %dma_wait3A_525 = tpu.memref_squeeze %dma_wait3A_524 : memref<1x!tpu.dma_semaphore, #tpu.memory_space<semaphore_mem>> -> memref<!tpu.dma_semaphore, #tpu.memory_space<semaphore_mem>>
        tpu.wait_indirect_dma semaphore(%dma_wait3A_525 : memref<!tpu.dma_semaphore, #tpu.memory_space<semaphore_mem>>) src(%dma_wait3A_517 : memref<128x8xf32, #tpu.memory_space<vmem>>) dst(%dma_wait3A_523 : memref<100352x8xf32, #tpu.memory_space<vmem_shared>>)
        %dma_start3A_526 = arith.constant 10 : i32
        %dma_start3A_527 = arith.constant 2 : i32
        %dma_start3A_528 = arith.constant 2 : i32
        %dma_start3A_529 = arith.constant 0 : i32
        %dma_start3A_530 = arith.constant 0 : i32
        %dma_start3A_531 = tpu.memref_slice %arg13[%dma_start3A_527, %dma_start3A_529, %dma_start3A_530] : memref<4x128x8xf32, #tpu.memory_space<vmem>> -> memref<1x128x8xf32, #tpu.memory_space<vmem>>
        %dma_start3A_532 = tpu.memref_squeeze %dma_start3A_531 : memref<1x128x8xf32, #tpu.memory_space<vmem>> -> memref<128x8xf32, #tpu.memory_space<vmem>>
        %dma_start3A_533 = arith.constant 0 : i32
        %dma_start3A_534 = tpu.memref_slice %arg11[%dma_start3A_526, %dma_start3A_533] : memref<16x128xi32, #tpu.memory_space<vmem>> -> memref<1x128xi32, #tpu.memory_space<vmem>>
        %dma_start3A_535 = tpu.memref_squeeze %dma_start3A_534 : memref<1x128xi32, #tpu.memory_space<vmem>> -> memref<128xi32, #tpu.memory_space<vmem>>
        %dma_start3A_536 = arith.constant 0 : i32
        %dma_start3A_537 = arith.constant 0 : i32
        %dma_start3A_538 = tpu.memref_slice %arg9[%dma_start3A_536, %dma_start3A_537] : memref<100352x8xf32, #tpu.memory_space<vmem_shared>> -> memref<100352x8xf32, #tpu.memory_space<vmem_shared>>
        %dma_start3A_539 = tpu.memref_slice %arg20[%dma_start3A_528] : memref<4x!tpu.dma_semaphore, #tpu.memory_space<semaphore_mem>> -> memref<1x!tpu.dma_semaphore, #tpu.memory_space<semaphore_mem>>
        %dma_start3A_540 = tpu.memref_squeeze %dma_start3A_539 : memref<1x!tpu.dma_semaphore, #tpu.memory_space<semaphore_mem>> -> memref<!tpu.dma_semaphore, #tpu.memory_space<semaphore_mem>>
        tpu.enqueue_indirect_dma source(%dma_start3A_538 : memref<100352x8xf32, #tpu.memory_space<vmem_shared>>) target(%dma_start3A_532 : memref<128x8xf32, #tpu.memory_space<vmem>>) offsets(%dma_start3A_535 : memref<128xi32, #tpu.memory_space<vmem>>) semaphore(%dma_start3A_540 : memref<!tpu.dma_semaphore, #tpu.memory_space<semaphore_mem>>)
        %dma_wait3A_541 = arith.constant 8 : i32
        %dma_wait3A_542 = arith.constant 0 : i32
        %dma_wait3A_543 = arith.constant 0 : i32
        %dma_wait3A_544 = arith.constant 0 : i32
        %dma_wait3A_545 = arith.constant 0 : i32
        %dma_wait3A_546 = tpu.memref_slice %arg13[%dma_wait3A_542, %dma_wait3A_544, %dma_wait3A_545] : memref<4x128x8xf32, #tpu.memory_space<vmem>> -> memref<1x128x8xf32, #tpu.memory_space<vmem>>
        %dma_wait3A_547 = tpu.memref_squeeze %dma_wait3A_546 : memref<1x128x8xf32, #tpu.memory_space<vmem>> -> memref<128x8xf32, #tpu.memory_space<vmem>>
        %dma_wait3A_548 = arith.constant 0 : i32
        %dma_wait3A_549 = tpu.memref_slice %arg11[%dma_wait3A_541, %dma_wait3A_548] : memref<16x128xi32, #tpu.memory_space<vmem>> -> memref<1x128xi32, #tpu.memory_space<vmem>>
        %dma_wait3A_550 = tpu.memref_squeeze %dma_wait3A_549 : memref<1x128xi32, #tpu.memory_space<vmem>> -> memref<128xi32, #tpu.memory_space<vmem>>
        %dma_wait3A_551 = arith.constant 0 : i32
        %dma_wait3A_552 = arith.constant 0 : i32
        %dma_wait3A_553 = tpu.memref_slice %arg9[%dma_wait3A_551, %dma_wait3A_552] : memref<100352x8xf32, #tpu.memory_space<vmem_shared>> -> memref<100352x8xf32, #tpu.memory_space<vmem_shared>>
        %dma_wait3A_554 = tpu.memref_slice %arg20[%dma_wait3A_543] : memref<4x!tpu.dma_semaphore, #tpu.memory_space<semaphore_mem>> -> memref<1x!tpu.dma_semaphore, #tpu.memory_space<semaphore_mem>>
        %dma_wait3A_555 = tpu.memref_squeeze %dma_wait3A_554 : memref<1x!tpu.dma_semaphore, #tpu.memory_space<semaphore_mem>> -> memref<!tpu.dma_semaphore, #tpu.memory_space<semaphore_mem>>
        tpu.wait_indirect_dma semaphore(%dma_wait3A_555 : memref<!tpu.dma_semaphore, #tpu.memory_space<semaphore_mem>>) src(%dma_wait3A_553 : memref<100352x8xf32, #tpu.memory_space<vmem_shared>>) dst(%dma_wait3A_547 : memref<128x8xf32, #tpu.memory_space<vmem>>)
        %dma_start3A_556 = arith.constant 0 : i32
        %dma_start3A_557 = arith.constant 8 : i32
        %dma_start3A_558 = arith.constant 0 : i32
        %dma_start3A_559 = arith.constant 0 : i32
        %dma_start3A_560 = arith.constant 0 : i32
        %dma_start3A_561 = tpu.memref_slice %arg13[%dma_start3A_556, %dma_start3A_559, %dma_start3A_560] : memref<4x128x8xf32, #tpu.memory_space<vmem>> -> memref<1x128x8xf32, #tpu.memory_space<vmem>>
        %dma_start3A_562 = tpu.memref_squeeze %dma_start3A_561 : memref<1x128x8xf32, #tpu.memory_space<vmem>> -> memref<128x8xf32, #tpu.memory_space<vmem>>
        %dma_start3A_563 = arith.constant 0 : i32
        %dma_start3A_564 = tpu.memref_slice %arg12[%dma_start3A_557, %dma_start3A_563] : memref<16x128xi32, #tpu.memory_space<vmem>> -> memref<1x128xi32, #tpu.memory_space<vmem>>
        %dma_start3A_565 = tpu.memref_squeeze %dma_start3A_564 : memref<1x128xi32, #tpu.memory_space<vmem>> -> memref<128xi32, #tpu.memory_space<vmem>>
        %dma_start3A_566 = arith.constant 0 : i32
        %dma_start3A_567 = arith.constant 0 : i32
        %dma_start3A_568 = tpu.memref_slice %arg10[%dma_start3A_566, %dma_start3A_567] : memref<100352x8xf32, #tpu.memory_space<vmem_shared>> -> memref<100352x8xf32, #tpu.memory_space<vmem_shared>>
        %dma_start3A_569 = tpu.memref_slice %arg21[%dma_start3A_558] : memref<4x!tpu.dma_semaphore, #tpu.memory_space<semaphore_mem>> -> memref<1x!tpu.dma_semaphore, #tpu.memory_space<semaphore_mem>>
        %dma_start3A_570 = tpu.memref_squeeze %dma_start3A_569 : memref<1x!tpu.dma_semaphore, #tpu.memory_space<semaphore_mem>> -> memref<!tpu.dma_semaphore, #tpu.memory_space<semaphore_mem>>
        tpu.enqueue_indirect_dma source(%dma_start3A_562 : memref<128x8xf32, #tpu.memory_space<vmem>>) target(%dma_start3A_568 : memref<100352x8xf32, #tpu.memory_space<vmem_shared>>) offsets(%dma_start3A_565 : memref<128xi32, #tpu.memory_space<vmem>>) semaphore(%dma_start3A_570 : memref<!tpu.dma_semaphore, #tpu.memory_space<semaphore_mem>>) {add = true}
        %dma_wait3A_571 = arith.constant 3 : i32
        %dma_wait3A_572 = arith.constant 7 : i32
        %dma_wait3A_573 = arith.constant 3 : i32
        %dma_wait3A_574 = arith.constant 0 : i32
        %dma_wait3A_575 = arith.constant 0 : i32
        %dma_wait3A_576 = tpu.memref_slice %arg13[%dma_wait3A_571, %dma_wait3A_574, %dma_wait3A_575] : memref<4x128x8xf32, #tpu.memory_space<vmem>> -> memref<1x128x8xf32, #tpu.memory_space<vmem>>
        %dma_wait3A_577 = tpu.memref_squeeze %dma_wait3A_576 : memref<1x128x8xf32, #tpu.memory_space<vmem>> -> memref<128x8xf32, #tpu.memory_space<vmem>>
        %dma_wait3A_578 = arith.constant 0 : i32
        %dma_wait3A_579 = tpu.memref_slice %arg12[%dma_wait3A_572, %dma_wait3A_578] : memref<16x128xi32, #tpu.memory_space<vmem>> -> memref<1x128xi32, #tpu.memory_space<vmem>>
        %dma_wait3A_580 = tpu.memref_squeeze %dma_wait3A_579 : memref<1x128xi32, #tpu.memory_space<vmem>> -> memref<128xi32, #tpu.memory_space<vmem>>
        %dma_wait3A_581 = arith.constant 0 : i32
        %dma_wait3A_582 = arith.constant 0 : i32
        %dma_wait3A_583 = tpu.memref_slice %arg10[%dma_wait3A_581, %dma_wait3A_582] : memref<100352x8xf32, #tpu.memory_space<vmem_shared>> -> memref<100352x8xf32, #tpu.memory_space<vmem_shared>>
        %dma_wait3A_584 = tpu.memref_slice %arg21[%dma_wait3A_573] : memref<4x!tpu.dma_semaphore, #tpu.memory_space<semaphore_mem>> -> memref<1x!tpu.dma_semaphore, #tpu.memory_space<semaphore_mem>>
        %dma_wait3A_585 = tpu.memref_squeeze %dma_wait3A_584 : memref<1x!tpu.dma_semaphore, #tpu.memory_space<semaphore_mem>> -> memref<!tpu.dma_semaphore, #tpu.memory_space<semaphore_mem>>
        tpu.wait_indirect_dma semaphore(%dma_wait3A_585 : memref<!tpu.dma_semaphore, #tpu.memory_space<semaphore_mem>>) src(%dma_wait3A_577 : memref<128x8xf32, #tpu.memory_space<vmem>>) dst(%dma_wait3A_583 : memref<100352x8xf32, #tpu.memory_space<vmem_shared>>)
        %dma_start3A_586 = arith.constant 11 : i32
        %dma_start3A_587 = arith.constant 3 : i32
        %dma_start3A_588 = arith.constant 3 : i32
        %dma_start3A_589 = arith.constant 0 : i32
        %dma_start3A_590 = arith.constant 0 : i32
        %dma_start3A_591 = tpu.memref_slice %arg13[%dma_start3A_587, %dma_start3A_589, %dma_start3A_590] : memref<4x128x8xf32, #tpu.memory_space<vmem>> -> memref<1x128x8xf32, #tpu.memory_space<vmem>>
        %dma_start3A_592 = tpu.memref_squeeze %dma_start3A_591 : memref<1x128x8xf32, #tpu.memory_space<vmem>> -> memref<128x8xf32, #tpu.memory_space<vmem>>
        %dma_start3A_593 = arith.constant 0 : i32
        %dma_start3A_594 = tpu.memref_slice %arg11[%dma_start3A_586, %dma_start3A_593] : memref<16x128xi32, #tpu.memory_space<vmem>> -> memref<1x128xi32, #tpu.memory_space<vmem>>
        %dma_start3A_595 = tpu.memref_squeeze %dma_start3A_594 : memref<1x128xi32, #tpu.memory_space<vmem>> -> memref<128xi32, #tpu.memory_space<vmem>>
        %dma_start3A_596 = arith.constant 0 : i32
        %dma_start3A_597 = arith.constant 0 : i32
        %dma_start3A_598 = tpu.memref_slice %arg9[%dma_start3A_596, %dma_start3A_597] : memref<100352x8xf32, #tpu.memory_space<vmem_shared>> -> memref<100352x8xf32, #tpu.memory_space<vmem_shared>>
        %dma_start3A_599 = tpu.memref_slice %arg20[%dma_start3A_588] : memref<4x!tpu.dma_semaphore, #tpu.memory_space<semaphore_mem>> -> memref<1x!tpu.dma_semaphore, #tpu.memory_space<semaphore_mem>>
        %dma_start3A_600 = tpu.memref_squeeze %dma_start3A_599 : memref<1x!tpu.dma_semaphore, #tpu.memory_space<semaphore_mem>> -> memref<!tpu.dma_semaphore, #tpu.memory_space<semaphore_mem>>
        tpu.enqueue_indirect_dma source(%dma_start3A_598 : memref<100352x8xf32, #tpu.memory_space<vmem_shared>>) target(%dma_start3A_592 : memref<128x8xf32, #tpu.memory_space<vmem>>) offsets(%dma_start3A_595 : memref<128xi32, #tpu.memory_space<vmem>>) semaphore(%dma_start3A_600 : memref<!tpu.dma_semaphore, #tpu.memory_space<semaphore_mem>>)
        %dma_wait3A_601 = arith.constant 9 : i32
        %dma_wait3A_602 = arith.constant 1 : i32
        %dma_wait3A_603 = arith.constant 1 : i32
        %dma_wait3A_604 = arith.constant 0 : i32
        %dma_wait3A_605 = arith.constant 0 : i32
        %dma_wait3A_606 = tpu.memref_slice %arg13[%dma_wait3A_602, %dma_wait3A_604, %dma_wait3A_605] : memref<4x128x8xf32, #tpu.memory_space<vmem>> -> memref<1x128x8xf32, #tpu.memory_space<vmem>>
        %dma_wait3A_607 = tpu.memref_squeeze %dma_wait3A_606 : memref<1x128x8xf32, #tpu.memory_space<vmem>> -> memref<128x8xf32, #tpu.memory_space<vmem>>
        %dma_wait3A_608 = arith.constant 0 : i32
        %dma_wait3A_609 = tpu.memref_slice %arg11[%dma_wait3A_601, %dma_wait3A_608] : memref<16x128xi32, #tpu.memory_space<vmem>> -> memref<1x128xi32, #tpu.memory_space<vmem>>
        %dma_wait3A_610 = tpu.memref_squeeze %dma_wait3A_609 : memref<1x128xi32, #tpu.memory_space<vmem>> -> memref<128xi32, #tpu.memory_space<vmem>>
        %dma_wait3A_611 = arith.constant 0 : i32
        %dma_wait3A_612 = arith.constant 0 : i32
        %dma_wait3A_613 = tpu.memref_slice %arg9[%dma_wait3A_611, %dma_wait3A_612] : memref<100352x8xf32, #tpu.memory_space<vmem_shared>> -> memref<100352x8xf32, #tpu.memory_space<vmem_shared>>
        %dma_wait3A_614 = tpu.memref_slice %arg20[%dma_wait3A_603] : memref<4x!tpu.dma_semaphore, #tpu.memory_space<semaphore_mem>> -> memref<1x!tpu.dma_semaphore, #tpu.memory_space<semaphore_mem>>
        %dma_wait3A_615 = tpu.memref_squeeze %dma_wait3A_614 : memref<1x!tpu.dma_semaphore, #tpu.memory_space<semaphore_mem>> -> memref<!tpu.dma_semaphore, #tpu.memory_space<semaphore_mem>>
        tpu.wait_indirect_dma semaphore(%dma_wait3A_615 : memref<!tpu.dma_semaphore, #tpu.memory_space<semaphore_mem>>) src(%dma_wait3A_613 : memref<100352x8xf32, #tpu.memory_space<vmem_shared>>) dst(%dma_wait3A_607 : memref<128x8xf32, #tpu.memory_space<vmem>>)
        %dma_start3A_616 = arith.constant 1 : i32
        %dma_start3A_617 = arith.constant 9 : i32
        %dma_start3A_618 = arith.constant 1 : i32
        %dma_start3A_619 = arith.constant 0 : i32
        %dma_start3A_620 = arith.constant 0 : i32
        %dma_start3A_621 = tpu.memref_slice %arg13[%dma_start3A_616, %dma_start3A_619, %dma_start3A_620] : memref<4x128x8xf32, #tpu.memory_space<vmem>> -> memref<1x128x8xf32, #tpu.memory_space<vmem>>
        %dma_start3A_622 = tpu.memref_squeeze %dma_start3A_621 : memref<1x128x8xf32, #tpu.memory_space<vmem>> -> memref<128x8xf32, #tpu.memory_space<vmem>>
        %dma_start3A_623 = arith.constant 0 : i32
        %dma_start3A_624 = tpu.memref_slice %arg12[%dma_start3A_617, %dma_start3A_623] : memref<16x128xi32, #tpu.memory_space<vmem>> -> memref<1x128xi32, #tpu.memory_space<vmem>>
        %dma_start3A_625 = tpu.memref_squeeze %dma_start3A_624 : memref<1x128xi32, #tpu.memory_space<vmem>> -> memref<128xi32, #tpu.memory_space<vmem>>
        %dma_start3A_626 = arith.constant 0 : i32
        %dma_start3A_627 = arith.constant 0 : i32
        %dma_start3A_628 = tpu.memref_slice %arg10[%dma_start3A_626, %dma_start3A_627] : memref<100352x8xf32, #tpu.memory_space<vmem_shared>> -> memref<100352x8xf32, #tpu.memory_space<vmem_shared>>
        %dma_start3A_629 = tpu.memref_slice %arg21[%dma_start3A_618] : memref<4x!tpu.dma_semaphore, #tpu.memory_space<semaphore_mem>> -> memref<1x!tpu.dma_semaphore, #tpu.memory_space<semaphore_mem>>
        %dma_start3A_630 = tpu.memref_squeeze %dma_start3A_629 : memref<1x!tpu.dma_semaphore, #tpu.memory_space<semaphore_mem>> -> memref<!tpu.dma_semaphore, #tpu.memory_space<semaphore_mem>>
        tpu.enqueue_indirect_dma source(%dma_start3A_622 : memref<128x8xf32, #tpu.memory_space<vmem>>) target(%dma_start3A_628 : memref<100352x8xf32, #tpu.memory_space<vmem_shared>>) offsets(%dma_start3A_625 : memref<128xi32, #tpu.memory_space<vmem>>) semaphore(%dma_start3A_630 : memref<!tpu.dma_semaphore, #tpu.memory_space<semaphore_mem>>) {add = true}
        %dma_wait3A_631 = arith.constant 0 : i32
        %dma_wait3A_632 = arith.constant 8 : i32
        %dma_wait3A_633 = arith.constant 0 : i32
        %dma_wait3A_634 = arith.constant 0 : i32
        %dma_wait3A_635 = arith.constant 0 : i32
        %dma_wait3A_636 = tpu.memref_slice %arg13[%dma_wait3A_631, %dma_wait3A_634, %dma_wait3A_635] : memref<4x128x8xf32, #tpu.memory_space<vmem>> -> memref<1x128x8xf32, #tpu.memory_space<vmem>>
        %dma_wait3A_637 = tpu.memref_squeeze %dma_wait3A_636 : memref<1x128x8xf32, #tpu.memory_space<vmem>> -> memref<128x8xf32, #tpu.memory_space<vmem>>
        %dma_wait3A_638 = arith.constant 0 : i32
        %dma_wait3A_639 = tpu.memref_slice %arg12[%dma_wait3A_632, %dma_wait3A_638] : memref<16x128xi32, #tpu.memory_space<vmem>> -> memref<1x128xi32, #tpu.memory_space<vmem>>
        %dma_wait3A_640 = tpu.memref_squeeze %dma_wait3A_639 : memref<1x128xi32, #tpu.memory_space<vmem>> -> memref<128xi32, #tpu.memory_space<vmem>>
        %dma_wait3A_641 = arith.constant 0 : i32
        %dma_wait3A_642 = arith.constant 0 : i32
        %dma_wait3A_643 = tpu.memref_slice %arg10[%dma_wait3A_641, %dma_wait3A_642] : memref<100352x8xf32, #tpu.memory_space<vmem_shared>> -> memref<100352x8xf32, #tpu.memory_space<vmem_shared>>
        %dma_wait3A_644 = tpu.memref_slice %arg21[%dma_wait3A_633] : memref<4x!tpu.dma_semaphore, #tpu.memory_space<semaphore_mem>> -> memref<1x!tpu.dma_semaphore, #tpu.memory_space<semaphore_mem>>
        %dma_wait3A_645 = tpu.memref_squeeze %dma_wait3A_644 : memref<1x!tpu.dma_semaphore, #tpu.memory_space<semaphore_mem>> -> memref<!tpu.dma_semaphore, #tpu.memory_space<semaphore_mem>>
        tpu.wait_indirect_dma semaphore(%dma_wait3A_645 : memref<!tpu.dma_semaphore, #tpu.memory_space<semaphore_mem>>) src(%dma_wait3A_637 : memref<128x8xf32, #tpu.memory_space<vmem>>) dst(%dma_wait3A_643 : memref<100352x8xf32, #tpu.memory_space<vmem_shared>>)
        %dma_start3A_646 = arith.constant 12 : i32
        %dma_start3A_647 = arith.constant 0 : i32
        %dma_start3A_648 = arith.constant 0 : i32
        %dma_start3A_649 = arith.constant 0 : i32
        %dma_start3A_650 = arith.constant 0 : i32
        %dma_start3A_651 = tpu.memref_slice %arg13[%dma_start3A_647, %dma_start3A_649, %dma_start3A_650] : memref<4x128x8xf32, #tpu.memory_space<vmem>> -> memref<1x128x8xf32, #tpu.memory_space<vmem>>
        %dma_start3A_652 = tpu.memref_squeeze %dma_start3A_651 : memref<1x128x8xf32, #tpu.memory_space<vmem>> -> memref<128x8xf32, #tpu.memory_space<vmem>>
        %dma_start3A_653 = arith.constant 0 : i32
        %dma_start3A_654 = tpu.memref_slice %arg11[%dma_start3A_646, %dma_start3A_653] : memref<16x128xi32, #tpu.memory_space<vmem>> -> memref<1x128xi32, #tpu.memory_space<vmem>>
        %dma_start3A_655 = tpu.memref_squeeze %dma_start3A_654 : memref<1x128xi32, #tpu.memory_space<vmem>> -> memref<128xi32, #tpu.memory_space<vmem>>
        %dma_start3A_656 = arith.constant 0 : i32
        %dma_start3A_657 = arith.constant 0 : i32
        %dma_start3A_658 = tpu.memref_slice %arg9[%dma_start3A_656, %dma_start3A_657] : memref<100352x8xf32, #tpu.memory_space<vmem_shared>> -> memref<100352x8xf32, #tpu.memory_space<vmem_shared>>
        %dma_start3A_659 = tpu.memref_slice %arg20[%dma_start3A_648] : memref<4x!tpu.dma_semaphore, #tpu.memory_space<semaphore_mem>> -> memref<1x!tpu.dma_semaphore, #tpu.memory_space<semaphore_mem>>
        %dma_start3A_660 = tpu.memref_squeeze %dma_start3A_659 : memref<1x!tpu.dma_semaphore, #tpu.memory_space<semaphore_mem>> -> memref<!tpu.dma_semaphore, #tpu.memory_space<semaphore_mem>>
        tpu.enqueue_indirect_dma source(%dma_start3A_658 : memref<100352x8xf32, #tpu.memory_space<vmem_shared>>) target(%dma_start3A_652 : memref<128x8xf32, #tpu.memory_space<vmem>>) offsets(%dma_start3A_655 : memref<128xi32, #tpu.memory_space<vmem>>) semaphore(%dma_start3A_660 : memref<!tpu.dma_semaphore, #tpu.memory_space<semaphore_mem>>)
        %dma_wait3A_661 = arith.constant 10 : i32
        %dma_wait3A_662 = arith.constant 2 : i32
        %dma_wait3A_663 = arith.constant 2 : i32
        %dma_wait3A_664 = arith.constant 0 : i32
        %dma_wait3A_665 = arith.constant 0 : i32
        %dma_wait3A_666 = tpu.memref_slice %arg13[%dma_wait3A_662, %dma_wait3A_664, %dma_wait3A_665] : memref<4x128x8xf32, #tpu.memory_space<vmem>> -> memref<1x128x8xf32, #tpu.memory_space<vmem>>
        %dma_wait3A_667 = tpu.memref_squeeze %dma_wait3A_666 : memref<1x128x8xf32, #tpu.memory_space<vmem>> -> memref<128x8xf32, #tpu.memory_space<vmem>>
        %dma_wait3A_668 = arith.constant 0 : i32
        %dma_wait3A_669 = tpu.memref_slice %arg11[%dma_wait3A_661, %dma_wait3A_668] : memref<16x128xi32, #tpu.memory_space<vmem>> -> memref<1x128xi32, #tpu.memory_space<vmem>>
        %dma_wait3A_670 = tpu.memref_squeeze %dma_wait3A_669 : memref<1x128xi32, #tpu.memory_space<vmem>> -> memref<128xi32, #tpu.memory_space<vmem>>
        %dma_wait3A_671 = arith.constant 0 : i32
        %dma_wait3A_672 = arith.constant 0 : i32
        %dma_wait3A_673 = tpu.memref_slice %arg9[%dma_wait3A_671, %dma_wait3A_672] : memref<100352x8xf32, #tpu.memory_space<vmem_shared>> -> memref<100352x8xf32, #tpu.memory_space<vmem_shared>>
        %dma_wait3A_674 = tpu.memref_slice %arg20[%dma_wait3A_663] : memref<4x!tpu.dma_semaphore, #tpu.memory_space<semaphore_mem>> -> memref<1x!tpu.dma_semaphore, #tpu.memory_space<semaphore_mem>>
        %dma_wait3A_675 = tpu.memref_squeeze %dma_wait3A_674 : memref<1x!tpu.dma_semaphore, #tpu.memory_space<semaphore_mem>> -> memref<!tpu.dma_semaphore, #tpu.memory_space<semaphore_mem>>
        tpu.wait_indirect_dma semaphore(%dma_wait3A_675 : memref<!tpu.dma_semaphore, #tpu.memory_space<semaphore_mem>>) src(%dma_wait3A_673 : memref<100352x8xf32, #tpu.memory_space<vmem_shared>>) dst(%dma_wait3A_667 : memref<128x8xf32, #tpu.memory_space<vmem>>)
        %dma_start3A_676 = arith.constant 2 : i32
        %dma_start3A_677 = arith.constant 10 : i32
        %dma_start3A_678 = arith.constant 2 : i32
        %dma_start3A_679 = arith.constant 0 : i32
        %dma_start3A_680 = arith.constant 0 : i32
        %dma_start3A_681 = tpu.memref_slice %arg13[%dma_start3A_676, %dma_start3A_679, %dma_start3A_680] : memref<4x128x8xf32, #tpu.memory_space<vmem>> -> memref<1x128x8xf32, #tpu.memory_space<vmem>>
        %dma_start3A_682 = tpu.memref_squeeze %dma_start3A_681 : memref<1x128x8xf32, #tpu.memory_space<vmem>> -> memref<128x8xf32, #tpu.memory_space<vmem>>
        %dma_start3A_683 = arith.constant 0 : i32
        %dma_start3A_684 = tpu.memref_slice %arg12[%dma_start3A_677, %dma_start3A_683] : memref<16x128xi32, #tpu.memory_space<vmem>> -> memref<1x128xi32, #tpu.memory_space<vmem>>
        %dma_start3A_685 = tpu.memref_squeeze %dma_start3A_684 : memref<1x128xi32, #tpu.memory_space<vmem>> -> memref<128xi32, #tpu.memory_space<vmem>>
        %dma_start3A_686 = arith.constant 0 : i32
        %dma_start3A_687 = arith.constant 0 : i32
        %dma_start3A_688 = tpu.memref_slice %arg10[%dma_start3A_686, %dma_start3A_687] : memref<100352x8xf32, #tpu.memory_space<vmem_shared>> -> memref<100352x8xf32, #tpu.memory_space<vmem_shared>>
        %dma_start3A_689 = tpu.memref_slice %arg21[%dma_start3A_678] : memref<4x!tpu.dma_semaphore, #tpu.memory_space<semaphore_mem>> -> memref<1x!tpu.dma_semaphore, #tpu.memory_space<semaphore_mem>>
        %dma_start3A_690 = tpu.memref_squeeze %dma_start3A_689 : memref<1x!tpu.dma_semaphore, #tpu.memory_space<semaphore_mem>> -> memref<!tpu.dma_semaphore, #tpu.memory_space<semaphore_mem>>
        tpu.enqueue_indirect_dma source(%dma_start3A_682 : memref<128x8xf32, #tpu.memory_space<vmem>>) target(%dma_start3A_688 : memref<100352x8xf32, #tpu.memory_space<vmem_shared>>) offsets(%dma_start3A_685 : memref<128xi32, #tpu.memory_space<vmem>>) semaphore(%dma_start3A_690 : memref<!tpu.dma_semaphore, #tpu.memory_space<semaphore_mem>>) {add = true}
        %dma_wait3A_691 = arith.constant 1 : i32
        %dma_wait3A_692 = arith.constant 9 : i32
        %dma_wait3A_693 = arith.constant 1 : i32
        %dma_wait3A_694 = arith.constant 0 : i32
        %dma_wait3A_695 = arith.constant 0 : i32
        %dma_wait3A_696 = tpu.memref_slice %arg13[%dma_wait3A_691, %dma_wait3A_694, %dma_wait3A_695] : memref<4x128x8xf32, #tpu.memory_space<vmem>> -> memref<1x128x8xf32, #tpu.memory_space<vmem>>
        %dma_wait3A_697 = tpu.memref_squeeze %dma_wait3A_696 : memref<1x128x8xf32, #tpu.memory_space<vmem>> -> memref<128x8xf32, #tpu.memory_space<vmem>>
        %dma_wait3A_698 = arith.constant 0 : i32
        %dma_wait3A_699 = tpu.memref_slice %arg12[%dma_wait3A_692, %dma_wait3A_698] : memref<16x128xi32, #tpu.memory_space<vmem>> -> memref<1x128xi32, #tpu.memory_space<vmem>>
        %dma_wait3A_700 = tpu.memref_squeeze %dma_wait3A_699 : memref<1x128xi32, #tpu.memory_space<vmem>> -> memref<128xi32, #tpu.memory_space<vmem>>
        %dma_wait3A_701 = arith.constant 0 : i32
        %dma_wait3A_702 = arith.constant 0 : i32
        %dma_wait3A_703 = tpu.memref_slice %arg10[%dma_wait3A_701, %dma_wait3A_702] : memref<100352x8xf32, #tpu.memory_space<vmem_shared>> -> memref<100352x8xf32, #tpu.memory_space<vmem_shared>>
        %dma_wait3A_704 = tpu.memref_slice %arg21[%dma_wait3A_693] : memref<4x!tpu.dma_semaphore, #tpu.memory_space<semaphore_mem>> -> memref<1x!tpu.dma_semaphore, #tpu.memory_space<semaphore_mem>>
        %dma_wait3A_705 = tpu.memref_squeeze %dma_wait3A_704 : memref<1x!tpu.dma_semaphore, #tpu.memory_space<semaphore_mem>> -> memref<!tpu.dma_semaphore, #tpu.memory_space<semaphore_mem>>
        tpu.wait_indirect_dma semaphore(%dma_wait3A_705 : memref<!tpu.dma_semaphore, #tpu.memory_space<semaphore_mem>>) src(%dma_wait3A_697 : memref<128x8xf32, #tpu.memory_space<vmem>>) dst(%dma_wait3A_703 : memref<100352x8xf32, #tpu.memory_space<vmem_shared>>)
        %dma_start3A_706 = arith.constant 13 : i32
        %dma_start3A_707 = arith.constant 1 : i32
        %dma_start3A_708 = arith.constant 1 : i32
        %dma_start3A_709 = arith.constant 0 : i32
        %dma_start3A_710 = arith.constant 0 : i32
        %dma_start3A_711 = tpu.memref_slice %arg13[%dma_start3A_707, %dma_start3A_709, %dma_start3A_710] : memref<4x128x8xf32, #tpu.memory_space<vmem>> -> memref<1x128x8xf32, #tpu.memory_space<vmem>>
        %dma_start3A_712 = tpu.memref_squeeze %dma_start3A_711 : memref<1x128x8xf32, #tpu.memory_space<vmem>> -> memref<128x8xf32, #tpu.memory_space<vmem>>
        %dma_start3A_713 = arith.constant 0 : i32
        %dma_start3A_714 = tpu.memref_slice %arg11[%dma_start3A_706, %dma_start3A_713] : memref<16x128xi32, #tpu.memory_space<vmem>> -> memref<1x128xi32, #tpu.memory_space<vmem>>
        %dma_start3A_715 = tpu.memref_squeeze %dma_start3A_714 : memref<1x128xi32, #tpu.memory_space<vmem>> -> memref<128xi32, #tpu.memory_space<vmem>>
        %dma_start3A_716 = arith.constant 0 : i32
        %dma_start3A_717 = arith.constant 0 : i32
        %dma_start3A_718 = tpu.memref_slice %arg9[%dma_start3A_716, %dma_start3A_717] : memref<100352x8xf32, #tpu.memory_space<vmem_shared>> -> memref<100352x8xf32, #tpu.memory_space<vmem_shared>>
        %dma_start3A_719 = tpu.memref_slice %arg20[%dma_start3A_708] : memref<4x!tpu.dma_semaphore, #tpu.memory_space<semaphore_mem>> -> memref<1x!tpu.dma_semaphore, #tpu.memory_space<semaphore_mem>>
        %dma_start3A_720 = tpu.memref_squeeze %dma_start3A_719 : memref<1x!tpu.dma_semaphore, #tpu.memory_space<semaphore_mem>> -> memref<!tpu.dma_semaphore, #tpu.memory_space<semaphore_mem>>
        tpu.enqueue_indirect_dma source(%dma_start3A_718 : memref<100352x8xf32, #tpu.memory_space<vmem_shared>>) target(%dma_start3A_712 : memref<128x8xf32, #tpu.memory_space<vmem>>) offsets(%dma_start3A_715 : memref<128xi32, #tpu.memory_space<vmem>>) semaphore(%dma_start3A_720 : memref<!tpu.dma_semaphore, #tpu.memory_space<semaphore_mem>>)
        %dma_wait3A_721 = arith.constant 11 : i32
        %dma_wait3A_722 = arith.constant 3 : i32
        %dma_wait3A_723 = arith.constant 3 : i32
        %dma_wait3A_724 = arith.constant 0 : i32
        %dma_wait3A_725 = arith.constant 0 : i32
        %dma_wait3A_726 = tpu.memref_slice %arg13[%dma_wait3A_722, %dma_wait3A_724, %dma_wait3A_725] : memref<4x128x8xf32, #tpu.memory_space<vmem>> -> memref<1x128x8xf32, #tpu.memory_space<vmem>>
        %dma_wait3A_727 = tpu.memref_squeeze %dma_wait3A_726 : memref<1x128x8xf32, #tpu.memory_space<vmem>> -> memref<128x8xf32, #tpu.memory_space<vmem>>
        %dma_wait3A_728 = arith.constant 0 : i32
        %dma_wait3A_729 = tpu.memref_slice %arg11[%dma_wait3A_721, %dma_wait3A_728] : memref<16x128xi32, #tpu.memory_space<vmem>> -> memref<1x128xi32, #tpu.memory_space<vmem>>
        %dma_wait3A_730 = tpu.memref_squeeze %dma_wait3A_729 : memref<1x128xi32, #tpu.memory_space<vmem>> -> memref<128xi32, #tpu.memory_space<vmem>>
        %dma_wait3A_731 = arith.constant 0 : i32
        %dma_wait3A_732 = arith.constant 0 : i32
        %dma_wait3A_733 = tpu.memref_slice %arg9[%dma_wait3A_731, %dma_wait3A_732] : memref<100352x8xf32, #tpu.memory_space<vmem_shared>> -> memref<100352x8xf32, #tpu.memory_space<vmem_shared>>
        %dma_wait3A_734 = tpu.memref_slice %arg20[%dma_wait3A_723] : memref<4x!tpu.dma_semaphore, #tpu.memory_space<semaphore_mem>> -> memref<1x!tpu.dma_semaphore, #tpu.memory_space<semaphore_mem>>
        %dma_wait3A_735 = tpu.memref_squeeze %dma_wait3A_734 : memref<1x!tpu.dma_semaphore, #tpu.memory_space<semaphore_mem>> -> memref<!tpu.dma_semaphore, #tpu.memory_space<semaphore_mem>>
        tpu.wait_indirect_dma semaphore(%dma_wait3A_735 : memref<!tpu.dma_semaphore, #tpu.memory_space<semaphore_mem>>) src(%dma_wait3A_733 : memref<100352x8xf32, #tpu.memory_space<vmem_shared>>) dst(%dma_wait3A_727 : memref<128x8xf32, #tpu.memory_space<vmem>>)
        %dma_start3A_736 = arith.constant 3 : i32
        %dma_start3A_737 = arith.constant 11 : i32
        %dma_start3A_738 = arith.constant 3 : i32
        %dma_start3A_739 = arith.constant 0 : i32
        %dma_start3A_740 = arith.constant 0 : i32
        %dma_start3A_741 = tpu.memref_slice %arg13[%dma_start3A_736, %dma_start3A_739, %dma_start3A_740] : memref<4x128x8xf32, #tpu.memory_space<vmem>> -> memref<1x128x8xf32, #tpu.memory_space<vmem>>
        %dma_start3A_742 = tpu.memref_squeeze %dma_start3A_741 : memref<1x128x8xf32, #tpu.memory_space<vmem>> -> memref<128x8xf32, #tpu.memory_space<vmem>>
        %dma_start3A_743 = arith.constant 0 : i32
        %dma_start3A_744 = tpu.memref_slice %arg12[%dma_start3A_737, %dma_start3A_743] : memref<16x128xi32, #tpu.memory_space<vmem>> -> memref<1x128xi32, #tpu.memory_space<vmem>>
        %dma_start3A_745 = tpu.memref_squeeze %dma_start3A_744 : memref<1x128xi32, #tpu.memory_space<vmem>> -> memref<128xi32, #tpu.memory_space<vmem>>
        %dma_start3A_746 = arith.constant 0 : i32
        %dma_start3A_747 = arith.constant 0 : i32
        %dma_start3A_748 = tpu.memref_slice %arg10[%dma_start3A_746, %dma_start3A_747] : memref<100352x8xf32, #tpu.memory_space<vmem_shared>> -> memref<100352x8xf32, #tpu.memory_space<vmem_shared>>
        %dma_start3A_749 = tpu.memref_slice %arg21[%dma_start3A_738] : memref<4x!tpu.dma_semaphore, #tpu.memory_space<semaphore_mem>> -> memref<1x!tpu.dma_semaphore, #tpu.memory_space<semaphore_mem>>
        %dma_start3A_750 = tpu.memref_squeeze %dma_start3A_749 : memref<1x!tpu.dma_semaphore, #tpu.memory_space<semaphore_mem>> -> memref<!tpu.dma_semaphore, #tpu.memory_space<semaphore_mem>>
        tpu.enqueue_indirect_dma source(%dma_start3A_742 : memref<128x8xf32, #tpu.memory_space<vmem>>) target(%dma_start3A_748 : memref<100352x8xf32, #tpu.memory_space<vmem_shared>>) offsets(%dma_start3A_745 : memref<128xi32, #tpu.memory_space<vmem>>) semaphore(%dma_start3A_750 : memref<!tpu.dma_semaphore, #tpu.memory_space<semaphore_mem>>) {add = true}
        %dma_wait3A_751 = arith.constant 2 : i32
        %dma_wait3A_752 = arith.constant 10 : i32
        %dma_wait3A_753 = arith.constant 2 : i32
        %dma_wait3A_754 = arith.constant 0 : i32
        %dma_wait3A_755 = arith.constant 0 : i32
        %dma_wait3A_756 = tpu.memref_slice %arg13[%dma_wait3A_751, %dma_wait3A_754, %dma_wait3A_755] : memref<4x128x8xf32, #tpu.memory_space<vmem>> -> memref<1x128x8xf32, #tpu.memory_space<vmem>>
        %dma_wait3A_757 = tpu.memref_squeeze %dma_wait3A_756 : memref<1x128x8xf32, #tpu.memory_space<vmem>> -> memref<128x8xf32, #tpu.memory_space<vmem>>
        %dma_wait3A_758 = arith.constant 0 : i32
        %dma_wait3A_759 = tpu.memref_slice %arg12[%dma_wait3A_752, %dma_wait3A_758] : memref<16x128xi32, #tpu.memory_space<vmem>> -> memref<1x128xi32, #tpu.memory_space<vmem>>
        %dma_wait3A_760 = tpu.memref_squeeze %dma_wait3A_759 : memref<1x128xi32, #tpu.memory_space<vmem>> -> memref<128xi32, #tpu.memory_space<vmem>>
        %dma_wait3A_761 = arith.constant 0 : i32
        %dma_wait3A_762 = arith.constant 0 : i32
        %dma_wait3A_763 = tpu.memref_slice %arg10[%dma_wait3A_761, %dma_wait3A_762] : memref<100352x8xf32, #tpu.memory_space<vmem_shared>> -> memref<100352x8xf32, #tpu.memory_space<vmem_shared>>
        %dma_wait3A_764 = tpu.memref_slice %arg21[%dma_wait3A_753] : memref<4x!tpu.dma_semaphore, #tpu.memory_space<semaphore_mem>> -> memref<1x!tpu.dma_semaphore, #tpu.memory_space<semaphore_mem>>
        %dma_wait3A_765 = tpu.memref_squeeze %dma_wait3A_764 : memref<1x!tpu.dma_semaphore, #tpu.memory_space<semaphore_mem>> -> memref<!tpu.dma_semaphore, #tpu.memory_space<semaphore_mem>>
        tpu.wait_indirect_dma semaphore(%dma_wait3A_765 : memref<!tpu.dma_semaphore, #tpu.memory_space<semaphore_mem>>) src(%dma_wait3A_757 : memref<128x8xf32, #tpu.memory_space<vmem>>) dst(%dma_wait3A_763 : memref<100352x8xf32, #tpu.memory_space<vmem_shared>>)
        %dma_start3A_766 = arith.constant 14 : i32
        %dma_start3A_767 = arith.constant 2 : i32
        %dma_start3A_768 = arith.constant 2 : i32
        %dma_start3A_769 = arith.constant 0 : i32
        %dma_start3A_770 = arith.constant 0 : i32
        %dma_start3A_771 = tpu.memref_slice %arg13[%dma_start3A_767, %dma_start3A_769, %dma_start3A_770] : memref<4x128x8xf32, #tpu.memory_space<vmem>> -> memref<1x128x8xf32, #tpu.memory_space<vmem>>
        %dma_start3A_772 = tpu.memref_squeeze %dma_start3A_771 : memref<1x128x8xf32, #tpu.memory_space<vmem>> -> memref<128x8xf32, #tpu.memory_space<vmem>>
        %dma_start3A_773 = arith.constant 0 : i32
        %dma_start3A_774 = tpu.memref_slice %arg11[%dma_start3A_766, %dma_start3A_773] : memref<16x128xi32, #tpu.memory_space<vmem>> -> memref<1x128xi32, #tpu.memory_space<vmem>>
        %dma_start3A_775 = tpu.memref_squeeze %dma_start3A_774 : memref<1x128xi32, #tpu.memory_space<vmem>> -> memref<128xi32, #tpu.memory_space<vmem>>
        %dma_start3A_776 = arith.constant 0 : i32
        %dma_start3A_777 = arith.constant 0 : i32
        %dma_start3A_778 = tpu.memref_slice %arg9[%dma_start3A_776, %dma_start3A_777] : memref<100352x8xf32, #tpu.memory_space<vmem_shared>> -> memref<100352x8xf32, #tpu.memory_space<vmem_shared>>
        %dma_start3A_779 = tpu.memref_slice %arg20[%dma_start3A_768] : memref<4x!tpu.dma_semaphore, #tpu.memory_space<semaphore_mem>> -> memref<1x!tpu.dma_semaphore, #tpu.memory_space<semaphore_mem>>
        %dma_start3A_780 = tpu.memref_squeeze %dma_start3A_779 : memref<1x!tpu.dma_semaphore, #tpu.memory_space<semaphore_mem>> -> memref<!tpu.dma_semaphore, #tpu.memory_space<semaphore_mem>>
        tpu.enqueue_indirect_dma source(%dma_start3A_778 : memref<100352x8xf32, #tpu.memory_space<vmem_shared>>) target(%dma_start3A_772 : memref<128x8xf32, #tpu.memory_space<vmem>>) offsets(%dma_start3A_775 : memref<128xi32, #tpu.memory_space<vmem>>) semaphore(%dma_start3A_780 : memref<!tpu.dma_semaphore, #tpu.memory_space<semaphore_mem>>)
        %dma_wait3A_781 = arith.constant 12 : i32
        %dma_wait3A_782 = arith.constant 0 : i32
        %dma_wait3A_783 = arith.constant 0 : i32
        %dma_wait3A_784 = arith.constant 0 : i32
        %dma_wait3A_785 = arith.constant 0 : i32
        %dma_wait3A_786 = tpu.memref_slice %arg13[%dma_wait3A_782, %dma_wait3A_784, %dma_wait3A_785] : memref<4x128x8xf32, #tpu.memory_space<vmem>> -> memref<1x128x8xf32, #tpu.memory_space<vmem>>
        %dma_wait3A_787 = tpu.memref_squeeze %dma_wait3A_786 : memref<1x128x8xf32, #tpu.memory_space<vmem>> -> memref<128x8xf32, #tpu.memory_space<vmem>>
        %dma_wait3A_788 = arith.constant 0 : i32
        %dma_wait3A_789 = tpu.memref_slice %arg11[%dma_wait3A_781, %dma_wait3A_788] : memref<16x128xi32, #tpu.memory_space<vmem>> -> memref<1x128xi32, #tpu.memory_space<vmem>>
        %dma_wait3A_790 = tpu.memref_squeeze %dma_wait3A_789 : memref<1x128xi32, #tpu.memory_space<vmem>> -> memref<128xi32, #tpu.memory_space<vmem>>
        %dma_wait3A_791 = arith.constant 0 : i32
        %dma_wait3A_792 = arith.constant 0 : i32
        %dma_wait3A_793 = tpu.memref_slice %arg9[%dma_wait3A_791, %dma_wait3A_792] : memref<100352x8xf32, #tpu.memory_space<vmem_shared>> -> memref<100352x8xf32, #tpu.memory_space<vmem_shared>>
        %dma_wait3A_794 = tpu.memref_slice %arg20[%dma_wait3A_783] : memref<4x!tpu.dma_semaphore, #tpu.memory_space<semaphore_mem>> -> memref<1x!tpu.dma_semaphore, #tpu.memory_space<semaphore_mem>>
        %dma_wait3A_795 = tpu.memref_squeeze %dma_wait3A_794 : memref<1x!tpu.dma_semaphore, #tpu.memory_space<semaphore_mem>> -> memref<!tpu.dma_semaphore, #tpu.memory_space<semaphore_mem>>
        tpu.wait_indirect_dma semaphore(%dma_wait3A_795 : memref<!tpu.dma_semaphore, #tpu.memory_space<semaphore_mem>>) src(%dma_wait3A_793 : memref<100352x8xf32, #tpu.memory_space<vmem_shared>>) dst(%dma_wait3A_787 : memref<128x8xf32, #tpu.memory_space<vmem>>)
        %dma_start3A_796 = arith.constant 0 : i32
        %dma_start3A_797 = arith.constant 12 : i32
        %dma_start3A_798 = arith.constant 0 : i32
        %dma_start3A_799 = arith.constant 0 : i32
        %dma_start3A_800 = arith.constant 0 : i32
        %dma_start3A_801 = tpu.memref_slice %arg13[%dma_start3A_796, %dma_start3A_799, %dma_start3A_800] : memref<4x128x8xf32, #tpu.memory_space<vmem>> -> memref<1x128x8xf32, #tpu.memory_space<vmem>>
        %dma_start3A_802 = tpu.memref_squeeze %dma_start3A_801 : memref<1x128x8xf32, #tpu.memory_space<vmem>> -> memref<128x8xf32, #tpu.memory_space<vmem>>
        %dma_start3A_803 = arith.constant 0 : i32
        %dma_start3A_804 = tpu.memref_slice %arg12[%dma_start3A_797, %dma_start3A_803] : memref<16x128xi32, #tpu.memory_space<vmem>> -> memref<1x128xi32, #tpu.memory_space<vmem>>
        %dma_start3A_805 = tpu.memref_squeeze %dma_start3A_804 : memref<1x128xi32, #tpu.memory_space<vmem>> -> memref<128xi32, #tpu.memory_space<vmem>>
        %dma_start3A_806 = arith.constant 0 : i32
        %dma_start3A_807 = arith.constant 0 : i32
        %dma_start3A_808 = tpu.memref_slice %arg10[%dma_start3A_806, %dma_start3A_807] : memref<100352x8xf32, #tpu.memory_space<vmem_shared>> -> memref<100352x8xf32, #tpu.memory_space<vmem_shared>>
        %dma_start3A_809 = tpu.memref_slice %arg21[%dma_start3A_798] : memref<4x!tpu.dma_semaphore, #tpu.memory_space<semaphore_mem>> -> memref<1x!tpu.dma_semaphore, #tpu.memory_space<semaphore_mem>>
        %dma_start3A_810 = tpu.memref_squeeze %dma_start3A_809 : memref<1x!tpu.dma_semaphore, #tpu.memory_space<semaphore_mem>> -> memref<!tpu.dma_semaphore, #tpu.memory_space<semaphore_mem>>
        tpu.enqueue_indirect_dma source(%dma_start3A_802 : memref<128x8xf32, #tpu.memory_space<vmem>>) target(%dma_start3A_808 : memref<100352x8xf32, #tpu.memory_space<vmem_shared>>) offsets(%dma_start3A_805 : memref<128xi32, #tpu.memory_space<vmem>>) semaphore(%dma_start3A_810 : memref<!tpu.dma_semaphore, #tpu.memory_space<semaphore_mem>>) {add = true}
        %dma_wait3A_811 = arith.constant 3 : i32
        %dma_wait3A_812 = arith.constant 11 : i32
        %dma_wait3A_813 = arith.constant 3 : i32
        %dma_wait3A_814 = arith.constant 0 : i32
        %dma_wait3A_815 = arith.constant 0 : i32
        %dma_wait3A_816 = tpu.memref_slice %arg13[%dma_wait3A_811, %dma_wait3A_814, %dma_wait3A_815] : memref<4x128x8xf32, #tpu.memory_space<vmem>> -> memref<1x128x8xf32, #tpu.memory_space<vmem>>
        %dma_wait3A_817 = tpu.memref_squeeze %dma_wait3A_816 : memref<1x128x8xf32, #tpu.memory_space<vmem>> -> memref<128x8xf32, #tpu.memory_space<vmem>>
        %dma_wait3A_818 = arith.constant 0 : i32
        %dma_wait3A_819 = tpu.memref_slice %arg12[%dma_wait3A_812, %dma_wait3A_818] : memref<16x128xi32, #tpu.memory_space<vmem>> -> memref<1x128xi32, #tpu.memory_space<vmem>>
        %dma_wait3A_820 = tpu.memref_squeeze %dma_wait3A_819 : memref<1x128xi32, #tpu.memory_space<vmem>> -> memref<128xi32, #tpu.memory_space<vmem>>
        %dma_wait3A_821 = arith.constant 0 : i32
        %dma_wait3A_822 = arith.constant 0 : i32
        %dma_wait3A_823 = tpu.memref_slice %arg10[%dma_wait3A_821, %dma_wait3A_822] : memref<100352x8xf32, #tpu.memory_space<vmem_shared>> -> memref<100352x8xf32, #tpu.memory_space<vmem_shared>>
        %dma_wait3A_824 = tpu.memref_slice %arg21[%dma_wait3A_813] : memref<4x!tpu.dma_semaphore, #tpu.memory_space<semaphore_mem>> -> memref<1x!tpu.dma_semaphore, #tpu.memory_space<semaphore_mem>>
        %dma_wait3A_825 = tpu.memref_squeeze %dma_wait3A_824 : memref<1x!tpu.dma_semaphore, #tpu.memory_space<semaphore_mem>> -> memref<!tpu.dma_semaphore, #tpu.memory_space<semaphore_mem>>
        tpu.wait_indirect_dma semaphore(%dma_wait3A_825 : memref<!tpu.dma_semaphore, #tpu.memory_space<semaphore_mem>>) src(%dma_wait3A_817 : memref<128x8xf32, #tpu.memory_space<vmem>>) dst(%dma_wait3A_823 : memref<100352x8xf32, #tpu.memory_space<vmem_shared>>)
        %dma_start3A_826 = arith.constant 15 : i32
        %dma_start3A_827 = arith.constant 3 : i32
        %dma_start3A_828 = arith.constant 3 : i32
        %dma_start3A_829 = arith.constant 0 : i32
        %dma_start3A_830 = arith.constant 0 : i32
        %dma_start3A_831 = tpu.memref_slice %arg13[%dma_start3A_827, %dma_start3A_829, %dma_start3A_830] : memref<4x128x8xf32, #tpu.memory_space<vmem>> -> memref<1x128x8xf32, #tpu.memory_space<vmem>>
        %dma_start3A_832 = tpu.memref_squeeze %dma_start3A_831 : memref<1x128x8xf32, #tpu.memory_space<vmem>> -> memref<128x8xf32, #tpu.memory_space<vmem>>
        %dma_start3A_833 = arith.constant 0 : i32
        %dma_start3A_834 = tpu.memref_slice %arg11[%dma_start3A_826, %dma_start3A_833] : memref<16x128xi32, #tpu.memory_space<vmem>> -> memref<1x128xi32, #tpu.memory_space<vmem>>
        %dma_start3A_835 = tpu.memref_squeeze %dma_start3A_834 : memref<1x128xi32, #tpu.memory_space<vmem>> -> memref<128xi32, #tpu.memory_space<vmem>>
        %dma_start3A_836 = arith.constant 0 : i32
        %dma_start3A_837 = arith.constant 0 : i32
        %dma_start3A_838 = tpu.memref_slice %arg9[%dma_start3A_836, %dma_start3A_837] : memref<100352x8xf32, #tpu.memory_space<vmem_shared>> -> memref<100352x8xf32, #tpu.memory_space<vmem_shared>>
        %dma_start3A_839 = tpu.memref_slice %arg20[%dma_start3A_828] : memref<4x!tpu.dma_semaphore, #tpu.memory_space<semaphore_mem>> -> memref<1x!tpu.dma_semaphore, #tpu.memory_space<semaphore_mem>>
        %dma_start3A_840 = tpu.memref_squeeze %dma_start3A_839 : memref<1x!tpu.dma_semaphore, #tpu.memory_space<semaphore_mem>> -> memref<!tpu.dma_semaphore, #tpu.memory_space<semaphore_mem>>
        tpu.enqueue_indirect_dma source(%dma_start3A_838 : memref<100352x8xf32, #tpu.memory_space<vmem_shared>>) target(%dma_start3A_832 : memref<128x8xf32, #tpu.memory_space<vmem>>) offsets(%dma_start3A_835 : memref<128xi32, #tpu.memory_space<vmem>>) semaphore(%dma_start3A_840 : memref<!tpu.dma_semaphore, #tpu.memory_space<semaphore_mem>>)
        %dma_wait3A_841 = arith.constant 13 : i32
        %dma_wait3A_842 = arith.constant 1 : i32
        %dma_wait3A_843 = arith.constant 1 : i32
        %dma_wait3A_844 = arith.constant 0 : i32
        %dma_wait3A_845 = arith.constant 0 : i32
        %dma_wait3A_846 = tpu.memref_slice %arg13[%dma_wait3A_842, %dma_wait3A_844, %dma_wait3A_845] : memref<4x128x8xf32, #tpu.memory_space<vmem>> -> memref<1x128x8xf32, #tpu.memory_space<vmem>>
        %dma_wait3A_847 = tpu.memref_squeeze %dma_wait3A_846 : memref<1x128x8xf32, #tpu.memory_space<vmem>> -> memref<128x8xf32, #tpu.memory_space<vmem>>
        %dma_wait3A_848 = arith.constant 0 : i32
        %dma_wait3A_849 = tpu.memref_slice %arg11[%dma_wait3A_841, %dma_wait3A_848] : memref<16x128xi32, #tpu.memory_space<vmem>> -> memref<1x128xi32, #tpu.memory_space<vmem>>
        %dma_wait3A_850 = tpu.memref_squeeze %dma_wait3A_849 : memref<1x128xi32, #tpu.memory_space<vmem>> -> memref<128xi32, #tpu.memory_space<vmem>>
        %dma_wait3A_851 = arith.constant 0 : i32
        %dma_wait3A_852 = arith.constant 0 : i32
        %dma_wait3A_853 = tpu.memref_slice %arg9[%dma_wait3A_851, %dma_wait3A_852] : memref<100352x8xf32, #tpu.memory_space<vmem_shared>> -> memref<100352x8xf32, #tpu.memory_space<vmem_shared>>
        %dma_wait3A_854 = tpu.memref_slice %arg20[%dma_wait3A_843] : memref<4x!tpu.dma_semaphore, #tpu.memory_space<semaphore_mem>> -> memref<1x!tpu.dma_semaphore, #tpu.memory_space<semaphore_mem>>
        %dma_wait3A_855 = tpu.memref_squeeze %dma_wait3A_854 : memref<1x!tpu.dma_semaphore, #tpu.memory_space<semaphore_mem>> -> memref<!tpu.dma_semaphore, #tpu.memory_space<semaphore_mem>>
        tpu.wait_indirect_dma semaphore(%dma_wait3A_855 : memref<!tpu.dma_semaphore, #tpu.memory_space<semaphore_mem>>) src(%dma_wait3A_853 : memref<100352x8xf32, #tpu.memory_space<vmem_shared>>) dst(%dma_wait3A_847 : memref<128x8xf32, #tpu.memory_space<vmem>>)
        %dma_start3A_856 = arith.constant 1 : i32
        %dma_start3A_857 = arith.constant 13 : i32
        %dma_start3A_858 = arith.constant 1 : i32
        %dma_start3A_859 = arith.constant 0 : i32
        %dma_start3A_860 = arith.constant 0 : i32
        %dma_start3A_861 = tpu.memref_slice %arg13[%dma_start3A_856, %dma_start3A_859, %dma_start3A_860] : memref<4x128x8xf32, #tpu.memory_space<vmem>> -> memref<1x128x8xf32, #tpu.memory_space<vmem>>
        %dma_start3A_862 = tpu.memref_squeeze %dma_start3A_861 : memref<1x128x8xf32, #tpu.memory_space<vmem>> -> memref<128x8xf32, #tpu.memory_space<vmem>>
        %dma_start3A_863 = arith.constant 0 : i32
        %dma_start3A_864 = tpu.memref_slice %arg12[%dma_start3A_857, %dma_start3A_863] : memref<16x128xi32, #tpu.memory_space<vmem>> -> memref<1x128xi32, #tpu.memory_space<vmem>>
        %dma_start3A_865 = tpu.memref_squeeze %dma_start3A_864 : memref<1x128xi32, #tpu.memory_space<vmem>> -> memref<128xi32, #tpu.memory_space<vmem>>
        %dma_start3A_866 = arith.constant 0 : i32
        %dma_start3A_867 = arith.constant 0 : i32
        %dma_start3A_868 = tpu.memref_slice %arg10[%dma_start3A_866, %dma_start3A_867] : memref<100352x8xf32, #tpu.memory_space<vmem_shared>> -> memref<100352x8xf32, #tpu.memory_space<vmem_shared>>
        %dma_start3A_869 = tpu.memref_slice %arg21[%dma_start3A_858] : memref<4x!tpu.dma_semaphore, #tpu.memory_space<semaphore_mem>> -> memref<1x!tpu.dma_semaphore, #tpu.memory_space<semaphore_mem>>
        %dma_start3A_870 = tpu.memref_squeeze %dma_start3A_869 : memref<1x!tpu.dma_semaphore, #tpu.memory_space<semaphore_mem>> -> memref<!tpu.dma_semaphore, #tpu.memory_space<semaphore_mem>>
        tpu.enqueue_indirect_dma source(%dma_start3A_862 : memref<128x8xf32, #tpu.memory_space<vmem>>) target(%dma_start3A_868 : memref<100352x8xf32, #tpu.memory_space<vmem_shared>>) offsets(%dma_start3A_865 : memref<128xi32, #tpu.memory_space<vmem>>) semaphore(%dma_start3A_870 : memref<!tpu.dma_semaphore, #tpu.memory_space<semaphore_mem>>) {add = true}
        %dma_wait3A_871 = arith.constant 14 : i32
        %dma_wait3A_872 = arith.constant 2 : i32
        %dma_wait3A_873 = arith.constant 2 : i32
        %dma_wait3A_874 = arith.constant 0 : i32
        %dma_wait3A_875 = arith.constant 0 : i32
        %dma_wait3A_876 = tpu.memref_slice %arg13[%dma_wait3A_872, %dma_wait3A_874, %dma_wait3A_875] : memref<4x128x8xf32, #tpu.memory_space<vmem>> -> memref<1x128x8xf32, #tpu.memory_space<vmem>>
        %dma_wait3A_877 = tpu.memref_squeeze %dma_wait3A_876 : memref<1x128x8xf32, #tpu.memory_space<vmem>> -> memref<128x8xf32, #tpu.memory_space<vmem>>
        %dma_wait3A_878 = arith.constant 0 : i32
        %dma_wait3A_879 = tpu.memref_slice %arg11[%dma_wait3A_871, %dma_wait3A_878] : memref<16x128xi32, #tpu.memory_space<vmem>> -> memref<1x128xi32, #tpu.memory_space<vmem>>
        %dma_wait3A_880 = tpu.memref_squeeze %dma_wait3A_879 : memref<1x128xi32, #tpu.memory_space<vmem>> -> memref<128xi32, #tpu.memory_space<vmem>>
        %dma_wait3A_881 = arith.constant 0 : i32
        %dma_wait3A_882 = arith.constant 0 : i32
        %dma_wait3A_883 = tpu.memref_slice %arg9[%dma_wait3A_881, %dma_wait3A_882] : memref<100352x8xf32, #tpu.memory_space<vmem_shared>> -> memref<100352x8xf32, #tpu.memory_space<vmem_shared>>
        %dma_wait3A_884 = tpu.memref_slice %arg20[%dma_wait3A_873] : memref<4x!tpu.dma_semaphore, #tpu.memory_space<semaphore_mem>> -> memref<1x!tpu.dma_semaphore, #tpu.memory_space<semaphore_mem>>
        %dma_wait3A_885 = tpu.memref_squeeze %dma_wait3A_884 : memref<1x!tpu.dma_semaphore, #tpu.memory_space<semaphore_mem>> -> memref<!tpu.dma_semaphore, #tpu.memory_space<semaphore_mem>>
        tpu.wait_indirect_dma semaphore(%dma_wait3A_885 : memref<!tpu.dma_semaphore, #tpu.memory_space<semaphore_mem>>) src(%dma_wait3A_883 : memref<100352x8xf32, #tpu.memory_space<vmem_shared>>) dst(%dma_wait3A_877 : memref<128x8xf32, #tpu.memory_space<vmem>>)
        %dma_start3A_886 = arith.constant 2 : i32
        %dma_start3A_887 = arith.constant 14 : i32
        %dma_start3A_888 = arith.constant 2 : i32
        %dma_start3A_889 = arith.constant 0 : i32
        %dma_start3A_890 = arith.constant 0 : i32
        %dma_start3A_891 = tpu.memref_slice %arg13[%dma_start3A_886, %dma_start3A_889, %dma_start3A_890] : memref<4x128x8xf32, #tpu.memory_space<vmem>> -> memref<1x128x8xf32, #tpu.memory_space<vmem>>
        %dma_start3A_892 = tpu.memref_squeeze %dma_start3A_891 : memref<1x128x8xf32, #tpu.memory_space<vmem>> -> memref<128x8xf32, #tpu.memory_space<vmem>>
        %dma_start3A_893 = arith.constant 0 : i32
        %dma_start3A_894 = tpu.memref_slice %arg12[%dma_start3A_887, %dma_start3A_893] : memref<16x128xi32, #tpu.memory_space<vmem>> -> memref<1x128xi32, #tpu.memory_space<vmem>>
        %dma_start3A_895 = tpu.memref_squeeze %dma_start3A_894 : memref<1x128xi32, #tpu.memory_space<vmem>> -> memref<128xi32, #tpu.memory_space<vmem>>
        %dma_start3A_896 = arith.constant 0 : i32
        %dma_start3A_897 = arith.constant 0 : i32
        %dma_start3A_898 = tpu.memref_slice %arg10[%dma_start3A_896, %dma_start3A_897] : memref<100352x8xf32, #tpu.memory_space<vmem_shared>> -> memref<100352x8xf32, #tpu.memory_space<vmem_shared>>
        %dma_start3A_899 = tpu.memref_slice %arg21[%dma_start3A_888] : memref<4x!tpu.dma_semaphore, #tpu.memory_space<semaphore_mem>> -> memref<1x!tpu.dma_semaphore, #tpu.memory_space<semaphore_mem>>
        %dma_start3A_900 = tpu.memref_squeeze %dma_start3A_899 : memref<1x!tpu.dma_semaphore, #tpu.memory_space<semaphore_mem>> -> memref<!tpu.dma_semaphore, #tpu.memory_space<semaphore_mem>>
        tpu.enqueue_indirect_dma source(%dma_start3A_892 : memref<128x8xf32, #tpu.memory_space<vmem>>) target(%dma_start3A_898 : memref<100352x8xf32, #tpu.memory_space<vmem_shared>>) offsets(%dma_start3A_895 : memref<128xi32, #tpu.memory_space<vmem>>) semaphore(%dma_start3A_900 : memref<!tpu.dma_semaphore, #tpu.memory_space<semaphore_mem>>) {add = true}
        %dma_wait3A_901 = arith.constant 15 : i32
        %dma_wait3A_902 = arith.constant 3 : i32
        %dma_wait3A_903 = arith.constant 3 : i32
        %dma_wait3A_904 = arith.constant 0 : i32
        %dma_wait3A_905 = arith.constant 0 : i32
        %dma_wait3A_906 = tpu.memref_slice %arg13[%dma_wait3A_902, %dma_wait3A_904, %dma_wait3A_905] : memref<4x128x8xf32, #tpu.memory_space<vmem>> -> memref<1x128x8xf32, #tpu.memory_space<vmem>>
        %dma_wait3A_907 = tpu.memref_squeeze %dma_wait3A_906 : memref<1x128x8xf32, #tpu.memory_space<vmem>> -> memref<128x8xf32, #tpu.memory_space<vmem>>
        %dma_wait3A_908 = arith.constant 0 : i32
        %dma_wait3A_909 = tpu.memref_slice %arg11[%dma_wait3A_901, %dma_wait3A_908] : memref<16x128xi32, #tpu.memory_space<vmem>> -> memref<1x128xi32, #tpu.memory_space<vmem>>
        %dma_wait3A_910 = tpu.memref_squeeze %dma_wait3A_909 : memref<1x128xi32, #tpu.memory_space<vmem>> -> memref<128xi32, #tpu.memory_space<vmem>>
        %dma_wait3A_911 = arith.constant 0 : i32
        %dma_wait3A_912 = arith.constant 0 : i32
        %dma_wait3A_913 = tpu.memref_slice %arg9[%dma_wait3A_911, %dma_wait3A_912] : memref<100352x8xf32, #tpu.memory_space<vmem_shared>> -> memref<100352x8xf32, #tpu.memory_space<vmem_shared>>
        %dma_wait3A_914 = tpu.memref_slice %arg20[%dma_wait3A_903] : memref<4x!tpu.dma_semaphore, #tpu.memory_space<semaphore_mem>> -> memref<1x!tpu.dma_semaphore, #tpu.memory_space<semaphore_mem>>
        %dma_wait3A_915 = tpu.memref_squeeze %dma_wait3A_914 : memref<1x!tpu.dma_semaphore, #tpu.memory_space<semaphore_mem>> -> memref<!tpu.dma_semaphore, #tpu.memory_space<semaphore_mem>>
        tpu.wait_indirect_dma semaphore(%dma_wait3A_915 : memref<!tpu.dma_semaphore, #tpu.memory_space<semaphore_mem>>) src(%dma_wait3A_913 : memref<100352x8xf32, #tpu.memory_space<vmem_shared>>) dst(%dma_wait3A_907 : memref<128x8xf32, #tpu.memory_space<vmem>>)
        %dma_start3A_916 = arith.constant 3 : i32
        %dma_start3A_917 = arith.constant 15 : i32
        %dma_start3A_918 = arith.constant 3 : i32
        %dma_start3A_919 = arith.constant 0 : i32
        %dma_start3A_920 = arith.constant 0 : i32
        %dma_start3A_921 = tpu.memref_slice %arg13[%dma_start3A_916, %dma_start3A_919, %dma_start3A_920] : memref<4x128x8xf32, #tpu.memory_space<vmem>> -> memref<1x128x8xf32, #tpu.memory_space<vmem>>
        %dma_start3A_922 = tpu.memref_squeeze %dma_start3A_921 : memref<1x128x8xf32, #tpu.memory_space<vmem>> -> memref<128x8xf32, #tpu.memory_space<vmem>>
        %dma_start3A_923 = arith.constant 0 : i32
        %dma_start3A_924 = tpu.memref_slice %arg12[%dma_start3A_917, %dma_start3A_923] : memref<16x128xi32, #tpu.memory_space<vmem>> -> memref<1x128xi32, #tpu.memory_space<vmem>>
        %dma_start3A_925 = tpu.memref_squeeze %dma_start3A_924 : memref<1x128xi32, #tpu.memory_space<vmem>> -> memref<128xi32, #tpu.memory_space<vmem>>
        %dma_start3A_926 = arith.constant 0 : i32
        %dma_start3A_927 = arith.constant 0 : i32
        %dma_start3A_928 = tpu.memref_slice %arg10[%dma_start3A_926, %dma_start3A_927] : memref<100352x8xf32, #tpu.memory_space<vmem_shared>> -> memref<100352x8xf32, #tpu.memory_space<vmem_shared>>
        %dma_start3A_929 = tpu.memref_slice %arg21[%dma_start3A_918] : memref<4x!tpu.dma_semaphore, #tpu.memory_space<semaphore_mem>> -> memref<1x!tpu.dma_semaphore, #tpu.memory_space<semaphore_mem>>
        %dma_start3A_930 = tpu.memref_squeeze %dma_start3A_929 : memref<1x!tpu.dma_semaphore, #tpu.memory_space<semaphore_mem>> -> memref<!tpu.dma_semaphore, #tpu.memory_space<semaphore_mem>>
        tpu.enqueue_indirect_dma source(%dma_start3A_922 : memref<128x8xf32, #tpu.memory_space<vmem>>) target(%dma_start3A_928 : memref<100352x8xf32, #tpu.memory_space<vmem_shared>>) offsets(%dma_start3A_925 : memref<128xi32, #tpu.memory_space<vmem>>) semaphore(%dma_start3A_930 : memref<!tpu.dma_semaphore, #tpu.memory_space<semaphore_mem>>) {add = true}
        %dma_wait3A_931 = arith.constant 0 : i32
        %dma_wait3A_932 = arith.constant 12 : i32
        %dma_wait3A_933 = arith.constant 0 : i32
        %dma_wait3A_934 = arith.constant 0 : i32
        %dma_wait3A_935 = arith.constant 0 : i32
        %dma_wait3A_936 = tpu.memref_slice %arg13[%dma_wait3A_931, %dma_wait3A_934, %dma_wait3A_935] : memref<4x128x8xf32, #tpu.memory_space<vmem>> -> memref<1x128x8xf32, #tpu.memory_space<vmem>>
        %dma_wait3A_937 = tpu.memref_squeeze %dma_wait3A_936 : memref<1x128x8xf32, #tpu.memory_space<vmem>> -> memref<128x8xf32, #tpu.memory_space<vmem>>
        %dma_wait3A_938 = arith.constant 0 : i32
        %dma_wait3A_939 = tpu.memref_slice %arg12[%dma_wait3A_932, %dma_wait3A_938] : memref<16x128xi32, #tpu.memory_space<vmem>> -> memref<1x128xi32, #tpu.memory_space<vmem>>
        %dma_wait3A_940 = tpu.memref_squeeze %dma_wait3A_939 : memref<1x128xi32, #tpu.memory_space<vmem>> -> memref<128xi32, #tpu.memory_space<vmem>>
        %dma_wait3A_941 = arith.constant 0 : i32
        %dma_wait3A_942 = arith.constant 0 : i32
        %dma_wait3A_943 = tpu.memref_slice %arg10[%dma_wait3A_941, %dma_wait3A_942] : memref<100352x8xf32, #tpu.memory_space<vmem_shared>> -> memref<100352x8xf32, #tpu.memory_space<vmem_shared>>
        %dma_wait3A_944 = tpu.memref_slice %arg21[%dma_wait3A_933] : memref<4x!tpu.dma_semaphore, #tpu.memory_space<semaphore_mem>> -> memref<1x!tpu.dma_semaphore, #tpu.memory_space<semaphore_mem>>
        %dma_wait3A_945 = tpu.memref_squeeze %dma_wait3A_944 : memref<1x!tpu.dma_semaphore, #tpu.memory_space<semaphore_mem>> -> memref<!tpu.dma_semaphore, #tpu.memory_space<semaphore_mem>>
        tpu.wait_indirect_dma semaphore(%dma_wait3A_945 : memref<!tpu.dma_semaphore, #tpu.memory_space<semaphore_mem>>) src(%dma_wait3A_937 : memref<128x8xf32, #tpu.memory_space<vmem>>) dst(%dma_wait3A_943 : memref<100352x8xf32, #tpu.memory_space<vmem_shared>>)
        %dma_wait3A_946 = arith.constant 1 : i32
        %dma_wait3A_947 = arith.constant 13 : i32
        %dma_wait3A_948 = arith.constant 1 : i32
        %dma_wait3A_949 = arith.constant 0 : i32
        %dma_wait3A_950 = arith.constant 0 : i32
        %dma_wait3A_951 = tpu.memref_slice %arg13[%dma_wait3A_946, %dma_wait3A_949, %dma_wait3A_950] : memref<4x128x8xf32, #tpu.memory_space<vmem>> -> memref<1x128x8xf32, #tpu.memory_space<vmem>>
        %dma_wait3A_952 = tpu.memref_squeeze %dma_wait3A_951 : memref<1x128x8xf32, #tpu.memory_space<vmem>> -> memref<128x8xf32, #tpu.memory_space<vmem>>
        %dma_wait3A_953 = arith.constant 0 : i32
        %dma_wait3A_954 = tpu.memref_slice %arg12[%dma_wait3A_947, %dma_wait3A_953] : memref<16x128xi32, #tpu.memory_space<vmem>> -> memref<1x128xi32, #tpu.memory_space<vmem>>
        %dma_wait3A_955 = tpu.memref_squeeze %dma_wait3A_954 : memref<1x128xi32, #tpu.memory_space<vmem>> -> memref<128xi32, #tpu.memory_space<vmem>>
        %dma_wait3A_956 = arith.constant 0 : i32
        %dma_wait3A_957 = arith.constant 0 : i32
        %dma_wait3A_958 = tpu.memref_slice %arg10[%dma_wait3A_956, %dma_wait3A_957] : memref<100352x8xf32, #tpu.memory_space<vmem_shared>> -> memref<100352x8xf32, #tpu.memory_space<vmem_shared>>
        %dma_wait3A_959 = tpu.memref_slice %arg21[%dma_wait3A_948] : memref<4x!tpu.dma_semaphore, #tpu.memory_space<semaphore_mem>> -> memref<1x!tpu.dma_semaphore, #tpu.memory_space<semaphore_mem>>
        %dma_wait3A_960 = tpu.memref_squeeze %dma_wait3A_959 : memref<1x!tpu.dma_semaphore, #tpu.memory_space<semaphore_mem>> -> memref<!tpu.dma_semaphore, #tpu.memory_space<semaphore_mem>>
        tpu.wait_indirect_dma semaphore(%dma_wait3A_960 : memref<!tpu.dma_semaphore, #tpu.memory_space<semaphore_mem>>) src(%dma_wait3A_952 : memref<128x8xf32, #tpu.memory_space<vmem>>) dst(%dma_wait3A_958 : memref<100352x8xf32, #tpu.memory_space<vmem_shared>>)
        %dma_wait3A_961 = arith.constant 2 : i32
        %dma_wait3A_962 = arith.constant 14 : i32
        %dma_wait3A_963 = arith.constant 2 : i32
        %dma_wait3A_964 = arith.constant 0 : i32
        %dma_wait3A_965 = arith.constant 0 : i32
        %dma_wait3A_966 = tpu.memref_slice %arg13[%dma_wait3A_961, %dma_wait3A_964, %dma_wait3A_965] : memref<4x128x8xf32, #tpu.memory_space<vmem>> -> memref<1x128x8xf32, #tpu.memory_space<vmem>>
        %dma_wait3A_967 = tpu.memref_squeeze %dma_wait3A_966 : memref<1x128x8xf32, #tpu.memory_space<vmem>> -> memref<128x8xf32, #tpu.memory_space<vmem>>
        %dma_wait3A_968 = arith.constant 0 : i32
        %dma_wait3A_969 = tpu.memref_slice %arg12[%dma_wait3A_962, %dma_wait3A_968] : memref<16x128xi32, #tpu.memory_space<vmem>> -> memref<1x128xi32, #tpu.memory_space<vmem>>
        %dma_wait3A_970 = tpu.memref_squeeze %dma_wait3A_969 : memref<1x128xi32, #tpu.memory_space<vmem>> -> memref<128xi32, #tpu.memory_space<vmem>>
        %dma_wait3A_971 = arith.constant 0 : i32
        %dma_wait3A_972 = arith.constant 0 : i32
        %dma_wait3A_973 = tpu.memref_slice %arg10[%dma_wait3A_971, %dma_wait3A_972] : memref<100352x8xf32, #tpu.memory_space<vmem_shared>> -> memref<100352x8xf32, #tpu.memory_space<vmem_shared>>
        %dma_wait3A_974 = tpu.memref_slice %arg21[%dma_wait3A_963] : memref<4x!tpu.dma_semaphore, #tpu.memory_space<semaphore_mem>> -> memref<1x!tpu.dma_semaphore, #tpu.memory_space<semaphore_mem>>
        %dma_wait3A_975 = tpu.memref_squeeze %dma_wait3A_974 : memref<1x!tpu.dma_semaphore, #tpu.memory_space<semaphore_mem>> -> memref<!tpu.dma_semaphore, #tpu.memory_space<semaphore_mem>>
        tpu.wait_indirect_dma semaphore(%dma_wait3A_975 : memref<!tpu.dma_semaphore, #tpu.memory_space<semaphore_mem>>) src(%dma_wait3A_967 : memref<128x8xf32, #tpu.memory_space<vmem>>) dst(%dma_wait3A_973 : memref<100352x8xf32, #tpu.memory_space<vmem_shared>>)
        %dma_wait3A_976 = arith.constant 3 : i32
        %dma_wait3A_977 = arith.constant 15 : i32
        %dma_wait3A_978 = arith.constant 3 : i32
        %dma_wait3A_979 = arith.constant 0 : i32
        %dma_wait3A_980 = arith.constant 0 : i32
        %dma_wait3A_981 = tpu.memref_slice %arg13[%dma_wait3A_976, %dma_wait3A_979, %dma_wait3A_980] : memref<4x128x8xf32, #tpu.memory_space<vmem>> -> memref<1x128x8xf32, #tpu.memory_space<vmem>>
        %dma_wait3A_982 = tpu.memref_squeeze %dma_wait3A_981 : memref<1x128x8xf32, #tpu.memory_space<vmem>> -> memref<128x8xf32, #tpu.memory_space<vmem>>
        %dma_wait3A_983 = arith.constant 0 : i32
        %dma_wait3A_984 = tpu.memref_slice %arg12[%dma_wait3A_977, %dma_wait3A_983] : memref<16x128xi32, #tpu.memory_space<vmem>> -> memref<1x128xi32, #tpu.memory_space<vmem>>
        %dma_wait3A_985 = tpu.memref_squeeze %dma_wait3A_984 : memref<1x128xi32, #tpu.memory_space<vmem>> -> memref<128xi32, #tpu.memory_space<vmem>>
        %dma_wait3A_986 = arith.constant 0 : i32
        %dma_wait3A_987 = arith.constant 0 : i32
        %dma_wait3A_988 = tpu.memref_slice %arg10[%dma_wait3A_986, %dma_wait3A_987] : memref<100352x8xf32, #tpu.memory_space<vmem_shared>> -> memref<100352x8xf32, #tpu.memory_space<vmem_shared>>
        %dma_wait3A_989 = tpu.memref_slice %arg21[%dma_wait3A_978] : memref<4x!tpu.dma_semaphore, #tpu.memory_space<semaphore_mem>> -> memref<1x!tpu.dma_semaphore, #tpu.memory_space<semaphore_mem>>
        %dma_wait3A_990 = tpu.memref_squeeze %dma_wait3A_989 : memref<1x!tpu.dma_semaphore, #tpu.memory_space<semaphore_mem>> -> memref<!tpu.dma_semaphore, #tpu.memory_space<semaphore_mem>>
        tpu.wait_indirect_dma semaphore(%dma_wait3A_990 : memref<!tpu.dma_semaphore, #tpu.memory_space<semaphore_mem>>) src(%dma_wait3A_982 : memref<128x8xf32, #tpu.memory_space<vmem>>) dst(%dma_wait3A_988 : memref<100352x8xf32, #tpu.memory_space<vmem_shared>>)
      } else {
      }
    }
    %scan3A_11 = arith.constant 98 : i32
    %barrier3A_12 = arith.constant 0 : index
    tpu.barrier barrier_id(%barrier3A_12)
    %scan3A_13 = arith.constant 0 : i32
    %scan3A_14 = arith.constant 16 : i32
    %scan3A_15 = arith.addi %scan3A_13, %scan3A_14 : i32
    %scan3A_16 = arith.constant 1 : i32
    scf.for %scan3A_18 = %scan3A_13 to %scan3A_15 step %scan3A_16  : i32 {
      %mul3A_19 = arith.constant 392 : i32
      %mul3A_20 = arith.muli %scan3A_18, %mul3A_19 : i32
      %add3A_21 = arith.constant 0 : i32
      %add3A_22 = arith.addi %add3A_21, %mul3A_20 : i32
      %add3A_23 = arith.addi %mul3A_2, %add3A_22 : i32
      "tpu.region"() ({
        %run_scoped3A = tpu.sem_alloc : memref<!tpu.dma_semaphore, #tpu.memory_space<semaphore_mem>>
        %dma_start3A = arith.constant 0 : i32
        %dma_start3A_25 = tpu.memref_slice %arg10[%add3A_23, %dma_start3A] : memref<100352x8xf32, #tpu.memory_space<vmem_shared>> -> memref<392x8xf32, #tpu.memory_space<vmem_shared>>
        %dma_start3A_26 = arith.constant 0 : i32
        %dma_start3A_27 = tpu.memref_slice %arg10[%add3A_23, %dma_start3A_26] : memref<100352x8xf32, #tpu.memory_space<vmem_shared>> -> memref<392x8xf32, #tpu.memory_space<vmem_shared>>
        tpu.enqueue_dma source(%dma_start3A_27 : memref<392x8xf32, #tpu.memory_space<vmem_shared>>) target(%arg14 : memref<392x8xf32, #tpu.memory_space<vmem>>) target_semaphore(%run_scoped3A : memref<!tpu.dma_semaphore, #tpu.memory_space<semaphore_mem>>)
        %dma_wait3A = arith.constant 0 : i32
        %dma_wait3A_28 = tpu.memref_slice %arg10[%add3A_23, %dma_wait3A] : memref<100352x8xf32, #tpu.memory_space<vmem_shared>> -> memref<392x8xf32, #tpu.memory_space<vmem_shared>>
        %dma_wait3A_29 = arith.constant 0 : i32
        %dma_wait3A_30 = tpu.memref_slice %arg10[%add3A_23, %dma_wait3A_29] : memref<100352x8xf32, #tpu.memory_space<vmem_shared>> -> memref<392x8xf32, #tpu.memory_space<vmem_shared>>
        tpu.wait_dma2 semaphore(%run_scoped3A : memref<!tpu.dma_semaphore, #tpu.memory_space<semaphore_mem>>) src(%dma_wait3A_30 : memref<392x8xf32, #tpu.memory_space<vmem_shared>>) dst(%arg14 : memref<392x8xf32, #tpu.memory_space<vmem>>)
        tpu.yield
      }) : () -> ()
      %add3A_24 = arith.addi %mul3A_2, %add3A_22 : i32
      "tpu.region"() ({
        %run_scoped3A = tpu.sem_alloc : memref<!tpu.dma_semaphore, #tpu.memory_space<semaphore_mem>>
        %dma_start3A = arith.constant 0 : i32
        %dma_start3A_25 = tpu.memref_slice %arg8[%arg0, %add3A_24, %dma_start3A] : memref<2x100352x8xf32, #tpu.memory_space<hbm>> -> memref<1x392x8xf32, #tpu.memory_space<hbm>>
        %dma_start3A_26 = tpu.memref_squeeze %dma_start3A_25 : memref<1x392x8xf32, #tpu.memory_space<hbm>> -> memref<392x8xf32, #tpu.memory_space<hbm>>
        %dma_start3A_27 = arith.constant 0 : i32
        %dma_start3A_28 = tpu.memref_slice %arg8[%arg0, %add3A_24, %dma_start3A_27] : memref<2x100352x8xf32, #tpu.memory_space<hbm>> -> memref<1x392x8xf32, #tpu.memory_space<hbm>>
        %dma_start3A_29 = tpu.memref_squeeze %dma_start3A_28 : memref<1x392x8xf32, #tpu.memory_space<hbm>> -> memref<392x8xf32, #tpu.memory_space<hbm>>
        tpu.enqueue_dma source(%arg14 : memref<392x8xf32, #tpu.memory_space<vmem>>) target(%dma_start3A_29 : memref<392x8xf32, #tpu.memory_space<hbm>>) target_semaphore(%run_scoped3A : memref<!tpu.dma_semaphore, #tpu.memory_space<semaphore_mem>>)
        %dma_wait3A = arith.constant 0 : i32
        %dma_wait3A_30 = tpu.memref_slice %arg8[%arg0, %add3A_24, %dma_wait3A] : memref<2x100352x8xf32, #tpu.memory_space<hbm>> -> memref<1x392x8xf32, #tpu.memory_space<hbm>>
        %dma_wait3A_31 = tpu.memref_squeeze %dma_wait3A_30 : memref<1x392x8xf32, #tpu.memory_space<hbm>> -> memref<392x8xf32, #tpu.memory_space<hbm>>
        %dma_wait3A_32 = arith.constant 0 : i32
        %dma_wait3A_33 = tpu.memref_slice %arg8[%arg0, %add3A_24, %dma_wait3A_32] : memref<2x100352x8xf32, #tpu.memory_space<hbm>> -> memref<1x392x8xf32, #tpu.memory_space<hbm>>
        %dma_wait3A_34 = tpu.memref_squeeze %dma_wait3A_33 : memref<1x392x8xf32, #tpu.memory_space<hbm>> -> memref<392x8xf32, #tpu.memory_space<hbm>>
        tpu.wait_dma2 semaphore(%run_scoped3A : memref<!tpu.dma_semaphore, #tpu.memory_space<semaphore_mem>>) src(%arg14 : memref<392x8xf32, #tpu.memory_space<vmem>>) dst(%dma_wait3A_34 : memref<392x8xf32, #tpu.memory_space<hbm>>)
        tpu.yield
      }) : () -> ()
    }
    %scan3A_17 = arith.constant 16 : i32
    return
  }
}

#map = affine_map<(d0, d1) -> (0, 0)>
#map1 = affine_map<(d0, d1) -> (0, 0, 0)>
module attributes {stable_mosaic.version = 14 : i64} {
  func.func @agg(%arg0: i32, %arg1: i32, %arg2: memref<100352x8xf32, #tpu.memory_space<hbm>>, %arg3: memref<2x50000x128xi32, #tpu.memory_space<hbm>>, %arg4: memref<100352x8xf32, #tpu.memory_space<hbm>>, %arg5: memref<2x100352x8xf32, #tpu.memory_space<hbm>>, %arg6: memref<100352x8xf32, #tpu.memory_space<vmem_shared>>, %arg7: memref<100352x8xf32, #tpu.memory_space<vmem_shared>>, %arg8: memref<16x128xi32, #tpu.memory_space<vmem>>, %arg9: memref<16x128xi32, #tpu.memory_space<vmem>>, %arg10: memref<4x128x8xf32, #tpu.memory_space<vmem>>, %arg11: memref<784x8xf32, #tpu.memory_space<vmem>>, %arg12: memref<4x!tpu.dma_semaphore, #tpu.memory_space<semaphore_mem>>, %arg13: memref<4x!tpu.dma_semaphore, #tpu.memory_space<semaphore_mem>>) attributes {dimension_semantics = [#tpu.dimension_semantics<core_parallel>, #tpu.dimension_semantics<subcore_parallel>], iteration_bounds = array<i64: 2, 16>, scalar_prefetch = 0 : i64, scratch_operands = 8 : i64, tpu.core_type = #tpu.core_type<sc_vector_subcore>, window_params = [{transform_indices = #map}, {transform_indices = #map1}, {transform_indices = #map}, {transform_indices = #map1}]} {
    %mul3A = arith.constant 16 : i32
    %mul3A_0 = arith.muli %arg0, %mul3A : i32
    %add3A = arith.addi %mul3A_0, %arg1 : i32
    %mul3A_1 = arith.constant 6272 : i32
    %mul3A_2 = arith.muli %arg1, %mul3A_1 : i32
    %scan3A = arith.constant 0 : i32
    %scan3A_3 = arith.constant 8 : i32
    %scan3A_4 = arith.addi %scan3A, %scan3A_3 : i32
    %scan3A_5 = arith.constant 1 : i32
    scf.for %scan3A_18 = %scan3A to %scan3A_4 step %scan3A_5  : i32 {
      %mul3A_19 = arith.constant 784 : i32
      %mul3A_20 = arith.muli %scan3A_18, %mul3A_19 : i32
      %add3A_21 = arith.constant 0 : i32
      %add3A_22 = arith.addi %add3A_21, %mul3A_20 : i32
      %add3A_23 = arith.addi %mul3A_2, %add3A_22 : i32
      "tpu.region"() ({
        %run_scoped3A = tpu.sem_alloc : memref<!tpu.dma_semaphore, #tpu.memory_space<semaphore_mem>>
        %dma_start3A = arith.constant 0 : i32
        %dma_start3A_27 = tpu.memref_slice %arg4[%add3A_23, %dma_start3A] : memref<100352x8xf32, #tpu.memory_space<hbm>> -> memref<784x8xf32, #tpu.memory_space<hbm>>
        %dma_start3A_28 = arith.constant 0 : i32
        %dma_start3A_29 = tpu.memref_slice %arg4[%add3A_23, %dma_start3A_28] : memref<100352x8xf32, #tpu.memory_space<hbm>> -> memref<784x8xf32, #tpu.memory_space<hbm>>
        tpu.enqueue_dma source(%dma_start3A_29 : memref<784x8xf32, #tpu.memory_space<hbm>>) target(%arg11 : memref<784x8xf32, #tpu.memory_space<vmem>>) target_semaphore(%run_scoped3A : memref<!tpu.dma_semaphore, #tpu.memory_space<semaphore_mem>>)
        %dma_wait3A = arith.constant 0 : i32
        %dma_wait3A_30 = tpu.memref_slice %arg4[%add3A_23, %dma_wait3A] : memref<100352x8xf32, #tpu.memory_space<hbm>> -> memref<784x8xf32, #tpu.memory_space<hbm>>
        %dma_wait3A_31 = arith.constant 0 : i32
        %dma_wait3A_32 = tpu.memref_slice %arg4[%add3A_23, %dma_wait3A_31] : memref<100352x8xf32, #tpu.memory_space<hbm>> -> memref<784x8xf32, #tpu.memory_space<hbm>>
        tpu.wait_dma2 semaphore(%run_scoped3A : memref<!tpu.dma_semaphore, #tpu.memory_space<semaphore_mem>>) src(%dma_wait3A_32 : memref<784x8xf32, #tpu.memory_space<hbm>>) dst(%arg11 : memref<784x8xf32, #tpu.memory_space<vmem>>)
        tpu.yield
      }) : () -> ()
      %add3A_24 = arith.addi %mul3A_2, %add3A_22 : i32
      "tpu.region"() ({
        %run_scoped3A = tpu.sem_alloc : memref<!tpu.dma_semaphore, #tpu.memory_space<semaphore_mem>>
        %dma_start3A = arith.constant 0 : i32
        %dma_start3A_27 = tpu.memref_slice %arg7[%add3A_24, %dma_start3A] : memref<100352x8xf32, #tpu.memory_space<vmem_shared>> -> memref<784x8xf32, #tpu.memory_space<vmem_shared>>
        %dma_start3A_28 = arith.constant 0 : i32
        %dma_start3A_29 = tpu.memref_slice %arg7[%add3A_24, %dma_start3A_28] : memref<100352x8xf32, #tpu.memory_space<vmem_shared>> -> memref<784x8xf32, #tpu.memory_space<vmem_shared>>
        tpu.enqueue_dma source(%arg11 : memref<784x8xf32, #tpu.memory_space<vmem>>) target(%dma_start3A_29 : memref<784x8xf32, #tpu.memory_space<vmem_shared>>) target_semaphore(%run_scoped3A : memref<!tpu.dma_semaphore, #tpu.memory_space<semaphore_mem>>)
        %dma_wait3A = arith.constant 0 : i32
        %dma_wait3A_30 = tpu.memref_slice %arg7[%add3A_24, %dma_wait3A] : memref<100352x8xf32, #tpu.memory_space<vmem_shared>> -> memref<784x8xf32, #tpu.memory_space<vmem_shared>>
        %dma_wait3A_31 = arith.constant 0 : i32
        %dma_wait3A_32 = tpu.memref_slice %arg7[%add3A_24, %dma_wait3A_31] : memref<100352x8xf32, #tpu.memory_space<vmem_shared>> -> memref<784x8xf32, #tpu.memory_space<vmem_shared>>
        tpu.wait_dma2 semaphore(%run_scoped3A : memref<!tpu.dma_semaphore, #tpu.memory_space<semaphore_mem>>) src(%arg11 : memref<784x8xf32, #tpu.memory_space<vmem>>) dst(%dma_wait3A_32 : memref<784x8xf32, #tpu.memory_space<vmem_shared>>)
        tpu.yield
      }) : () -> ()
      %add3A_25 = arith.addi %mul3A_2, %add3A_22 : i32
      "tpu.region"() ({
        %run_scoped3A = tpu.sem_alloc : memref<!tpu.dma_semaphore, #tpu.memory_space<semaphore_mem>>
        %dma_start3A = arith.constant 0 : i32
        %dma_start3A_27 = tpu.memref_slice %arg2[%add3A_25, %dma_start3A] : memref<100352x8xf32, #tpu.memory_space<hbm>> -> memref<784x8xf32, #tpu.memory_space<hbm>>
        %dma_start3A_28 = arith.constant 0 : i32
        %dma_start3A_29 = tpu.memref_slice %arg2[%add3A_25, %dma_start3A_28] : memref<100352x8xf32, #tpu.memory_space<hbm>> -> memref<784x8xf32, #tpu.memory_space<hbm>>
        tpu.enqueue_dma source(%dma_start3A_29 : memref<784x8xf32, #tpu.memory_space<hbm>>) target(%arg11 : memref<784x8xf32, #tpu.memory_space<vmem>>) target_semaphore(%run_scoped3A : memref<!tpu.dma_semaphore, #tpu.memory_space<semaphore_mem>>)
        %dma_wait3A = arith.constant 0 : i32
        %dma_wait3A_30 = tpu.memref_slice %arg2[%add3A_25, %dma_wait3A] : memref<100352x8xf32, #tpu.memory_space<hbm>> -> memref<784x8xf32, #tpu.memory_space<hbm>>
        %dma_wait3A_31 = arith.constant 0 : i32
        %dma_wait3A_32 = tpu.memref_slice %arg2[%add3A_25, %dma_wait3A_31] : memref<100352x8xf32, #tpu.memory_space<hbm>> -> memref<784x8xf32, #tpu.memory_space<hbm>>
        tpu.wait_dma2 semaphore(%run_scoped3A : memref<!tpu.dma_semaphore, #tpu.memory_space<semaphore_mem>>) src(%dma_wait3A_32 : memref<784x8xf32, #tpu.memory_space<hbm>>) dst(%arg11 : memref<784x8xf32, #tpu.memory_space<vmem>>)
        tpu.yield
      }) : () -> ()
      %add3A_26 = arith.addi %mul3A_2, %add3A_22 : i32
      "tpu.region"() ({
        %run_scoped3A = tpu.sem_alloc : memref<!tpu.dma_semaphore, #tpu.memory_space<semaphore_mem>>
        %dma_start3A = arith.constant 0 : i32
        %dma_start3A_27 = tpu.memref_slice %arg6[%add3A_26, %dma_start3A] : memref<100352x8xf32, #tpu.memory_space<vmem_shared>> -> memref<784x8xf32, #tpu.memory_space<vmem_shared>>
        %dma_start3A_28 = arith.constant 0 : i32
        %dma_start3A_29 = tpu.memref_slice %arg6[%add3A_26, %dma_start3A_28] : memref<100352x8xf32, #tpu.memory_space<vmem_shared>> -> memref<784x8xf32, #tpu.memory_space<vmem_shared>>
        tpu.enqueue_dma source(%arg11 : memref<784x8xf32, #tpu.memory_space<vmem>>) target(%dma_start3A_29 : memref<784x8xf32, #tpu.memory_space<vmem_shared>>) target_semaphore(%run_scoped3A : memref<!tpu.dma_semaphore, #tpu.memory_space<semaphore_mem>>)
        %dma_wait3A = arith.constant 0 : i32
        %dma_wait3A_30 = tpu.memref_slice %arg6[%add3A_26, %dma_wait3A] : memref<100352x8xf32, #tpu.memory_space<vmem_shared>> -> memref<784x8xf32, #tpu.memory_space<vmem_shared>>
        %dma_wait3A_31 = arith.constant 0 : i32
        %dma_wait3A_32 = tpu.memref_slice %arg6[%add3A_26, %dma_wait3A_31] : memref<100352x8xf32, #tpu.memory_space<vmem_shared>> -> memref<784x8xf32, #tpu.memory_space<vmem_shared>>
        tpu.wait_dma2 semaphore(%run_scoped3A : memref<!tpu.dma_semaphore, #tpu.memory_space<semaphore_mem>>) src(%arg11 : memref<784x8xf32, #tpu.memory_space<vmem>>) dst(%dma_wait3A_32 : memref<784x8xf32, #tpu.memory_space<vmem_shared>>)
        tpu.yield
      }) : () -> ()
    }
    %scan3A_6 = arith.constant 8 : i32
    %barrier3A = arith.constant 0 : index
    tpu.barrier barrier_id(%barrier3A)
    %scan3A_7 = arith.constant 0 : i32
    %scan3A_8 = arith.constant 98 : i32
    %scan3A_9 = arith.addi %scan3A_7, %scan3A_8 : i32
    %scan3A_10 = arith.constant 1 : i32
    scf.for %scan3A_18 = %scan3A_7 to %scan3A_9 step %scan3A_10  : i32 {
      %mul3A_19 = arith.constant 1 : i32
      %mul3A_20 = arith.muli %scan3A_18, %mul3A_19 : i32
      %add3A_21 = arith.constant 0 : i32
      %add3A_22 = arith.addi %add3A_21, %mul3A_20 : i32
      %mul3A_23 = arith.constant 32 : i32
      %mul3A_24 = arith.muli %add3A_22, %mul3A_23 : i32
      %add3A_25 = arith.addi %mul3A_24, %add3A : i32
      %lt3A = arith.constant 3125 : i32
      %lt3A_26 = arith.cmpi slt, %add3A_25, %lt3A : i32
      %convert_element_type3A = arith.extui %lt3A_26 : i1 to i32
      %cond3A = arith.constant 0 : i32
      %cond3A_27 = arith.cmpi ne, %convert_element_type3A, %cond3A : i32
      scf.if %cond3A_27 {
        %mul3A_28 = arith.constant 16 : i32
        %mul3A_29 = arith.muli %add3A_25, %mul3A_28 : i32
        %run_scoped3A = arith.constant 0 : i32
        "tpu.region"() ({
          %run_scoped3A_991 = tpu.sem_alloc : memref<!tpu.dma_semaphore, #tpu.memory_space<semaphore_mem>>
          %dma_start3A_992 = arith.constant 0 : i32
          %dma_start3A_993 = tpu.memref_slice %arg3[%run_scoped3A, %mul3A_29, %dma_start3A_992] : memref<2x50000x128xi32, #tpu.memory_space<hbm>> -> memref<1x16x128xi32, #tpu.memory_space<hbm>>
          %dma_start3A_994 = tpu.memref_squeeze %dma_start3A_993 : memref<1x16x128xi32, #tpu.memory_space<hbm>> -> memref<16x128xi32, #tpu.memory_space<hbm>>
          %dma_start3A_995 = arith.constant 0 : i32
          %dma_start3A_996 = tpu.memref_slice %arg3[%run_scoped3A, %mul3A_29, %dma_start3A_995] : memref<2x50000x128xi32, #tpu.memory_space<hbm>> -> memref<1x16x128xi32, #tpu.memory_space<hbm>>
          %dma_start3A_997 = tpu.memref_squeeze %dma_start3A_996 : memref<1x16x128xi32, #tpu.memory_space<hbm>> -> memref<16x128xi32, #tpu.memory_space<hbm>>
          tpu.enqueue_dma source(%dma_start3A_997 : memref<16x128xi32, #tpu.memory_space<hbm>>) target(%arg8 : memref<16x128xi32, #tpu.memory_space<vmem>>) target_semaphore(%run_scoped3A_991 : memref<!tpu.dma_semaphore, #tpu.memory_space<semaphore_mem>>)
          %dma_wait3A_998 = arith.constant 0 : i32
          %dma_wait3A_999 = tpu.memref_slice %arg3[%run_scoped3A, %mul3A_29, %dma_wait3A_998] : memref<2x50000x128xi32, #tpu.memory_space<hbm>> -> memref<1x16x128xi32, #tpu.memory_space<hbm>>
          %dma_wait3A_1000 = tpu.memref_squeeze %dma_wait3A_999 : memref<1x16x128xi32, #tpu.memory_space<hbm>> -> memref<16x128xi32, #tpu.memory_space<hbm>>
          %dma_wait3A_1001 = arith.constant 0 : i32
          %dma_wait3A_1002 = tpu.memref_slice %arg3[%run_scoped3A, %mul3A_29, %dma_wait3A_1001] : memref<2x50000x128xi32, #tpu.memory_space<hbm>> -> memref<1x16x128xi32, #tpu.memory_space<hbm>>
          %dma_wait3A_1003 = tpu.memref_squeeze %dma_wait3A_1002 : memref<1x16x128xi32, #tpu.memory_space<hbm>> -> memref<16x128xi32, #tpu.memory_space<hbm>>
          tpu.wait_dma2 semaphore(%run_scoped3A_991 : memref<!tpu.dma_semaphore, #tpu.memory_space<semaphore_mem>>) src(%dma_wait3A_1003 : memref<16x128xi32, #tpu.memory_space<hbm>>) dst(%arg8 : memref<16x128xi32, #tpu.memory_space<vmem>>)
          tpu.yield
        }) : () -> ()
        %mul3A_30 = arith.constant 16 : i32
        %mul3A_31 = arith.muli %add3A_25, %mul3A_30 : i32
        %run_scoped3A_32 = arith.constant 1 : i32
        "tpu.region"() ({
          %run_scoped3A_991 = tpu.sem_alloc : memref<!tpu.dma_semaphore, #tpu.memory_space<semaphore_mem>>
          %dma_start3A_992 = arith.constant 0 : i32
          %dma_start3A_993 = tpu.memref_slice %arg3[%run_scoped3A_32, %mul3A_31, %dma_start3A_992] : memref<2x50000x128xi32, #tpu.memory_space<hbm>> -> memref<1x16x128xi32, #tpu.memory_space<hbm>>
          %dma_start3A_994 = tpu.memref_squeeze %dma_start3A_993 : memref<1x16x128xi32, #tpu.memory_space<hbm>> -> memref<16x128xi32, #tpu.memory_space<hbm>>
          %dma_start3A_995 = arith.constant 0 : i32
          %dma_start3A_996 = tpu.memref_slice %arg3[%run_scoped3A_32, %mul3A_31, %dma_start3A_995] : memref<2x50000x128xi32, #tpu.memory_space<hbm>> -> memref<1x16x128xi32, #tpu.memory_space<hbm>>
          %dma_start3A_997 = tpu.memref_squeeze %dma_start3A_996 : memref<1x16x128xi32, #tpu.memory_space<hbm>> -> memref<16x128xi32, #tpu.memory_space<hbm>>
          tpu.enqueue_dma source(%dma_start3A_997 : memref<16x128xi32, #tpu.memory_space<hbm>>) target(%arg9 : memref<16x128xi32, #tpu.memory_space<vmem>>) target_semaphore(%run_scoped3A_991 : memref<!tpu.dma_semaphore, #tpu.memory_space<semaphore_mem>>)
          %dma_wait3A_998 = arith.constant 0 : i32
          %dma_wait3A_999 = tpu.memref_slice %arg3[%run_scoped3A_32, %mul3A_31, %dma_wait3A_998] : memref<2x50000x128xi32, #tpu.memory_space<hbm>> -> memref<1x16x128xi32, #tpu.memory_space<hbm>>
          %dma_wait3A_1000 = tpu.memref_squeeze %dma_wait3A_999 : memref<1x16x128xi32, #tpu.memory_space<hbm>> -> memref<16x128xi32, #tpu.memory_space<hbm>>
          %dma_wait3A_1001 = arith.constant 0 : i32
          %dma_wait3A_1002 = tpu.memref_slice %arg3[%run_scoped3A_32, %mul3A_31, %dma_wait3A_1001] : memref<2x50000x128xi32, #tpu.memory_space<hbm>> -> memref<1x16x128xi32, #tpu.memory_space<hbm>>
          %dma_wait3A_1003 = tpu.memref_squeeze %dma_wait3A_1002 : memref<1x16x128xi32, #tpu.memory_space<hbm>> -> memref<16x128xi32, #tpu.memory_space<hbm>>
          tpu.wait_dma2 semaphore(%run_scoped3A_991 : memref<!tpu.dma_semaphore, #tpu.memory_space<semaphore_mem>>) src(%dma_wait3A_1003 : memref<16x128xi32, #tpu.memory_space<hbm>>) dst(%arg9 : memref<16x128xi32, #tpu.memory_space<vmem>>)
          tpu.yield
        }) : () -> ()
        %dma_start3A = arith.constant 0 : i32
        %dma_start3A_33 = arith.constant 0 : i32
        %dma_start3A_34 = arith.constant 0 : i32
        %dma_start3A_35 = arith.constant 0 : i32
        %dma_start3A_36 = arith.constant 0 : i32
        %dma_start3A_37 = tpu.memref_slice %arg10[%dma_start3A_33, %dma_start3A_35, %dma_start3A_36] : memref<4x128x8xf32, #tpu.memory_space<vmem>> -> memref<1x128x8xf32, #tpu.memory_space<vmem>>
        %dma_start3A_38 = tpu.memref_squeeze %dma_start3A_37 : memref<1x128x8xf32, #tpu.memory_space<vmem>> -> memref<128x8xf32, #tpu.memory_space<vmem>>
        %dma_start3A_39 = arith.constant 0 : i32
        %dma_start3A_40 = tpu.memref_slice %arg8[%dma_start3A, %dma_start3A_39] : memref<16x128xi32, #tpu.memory_space<vmem>> -> memref<1x128xi32, #tpu.memory_space<vmem>>
        %dma_start3A_41 = tpu.memref_squeeze %dma_start3A_40 : memref<1x128xi32, #tpu.memory_space<vmem>> -> memref<128xi32, #tpu.memory_space<vmem>>
        %dma_start3A_42 = arith.constant 0 : i32
        %dma_start3A_43 = arith.constant 0 : i32
        %dma_start3A_44 = tpu.memref_slice %arg6[%dma_start3A_42, %dma_start3A_43] : memref<100352x8xf32, #tpu.memory_space<vmem_shared>> -> memref<100352x8xf32, #tpu.memory_space<vmem_shared>>
        %dma_start3A_45 = tpu.memref_slice %arg12[%dma_start3A_34] : memref<4x!tpu.dma_semaphore, #tpu.memory_space<semaphore_mem>> -> memref<1x!tpu.dma_semaphore, #tpu.memory_space<semaphore_mem>>
        %dma_start3A_46 = tpu.memref_squeeze %dma_start3A_45 : memref<1x!tpu.dma_semaphore, #tpu.memory_space<semaphore_mem>> -> memref<!tpu.dma_semaphore, #tpu.memory_space<semaphore_mem>>
        tpu.enqueue_indirect_dma source(%dma_start3A_44 : memref<100352x8xf32, #tpu.memory_space<vmem_shared>>) target(%dma_start3A_38 : memref<128x8xf32, #tpu.memory_space<vmem>>) offsets(%dma_start3A_41 : memref<128xi32, #tpu.memory_space<vmem>>) semaphore(%dma_start3A_46 : memref<!tpu.dma_semaphore, #tpu.memory_space<semaphore_mem>>)
        %dma_start3A_47 = arith.constant 1 : i32
        %dma_start3A_48 = arith.constant 1 : i32
        %dma_start3A_49 = arith.constant 1 : i32
        %dma_start3A_50 = arith.constant 0 : i32
        %dma_start3A_51 = arith.constant 0 : i32
        %dma_start3A_52 = tpu.memref_slice %arg10[%dma_start3A_48, %dma_start3A_50, %dma_start3A_51] : memref<4x128x8xf32, #tpu.memory_space<vmem>> -> memref<1x128x8xf32, #tpu.memory_space<vmem>>
        %dma_start3A_53 = tpu.memref_squeeze %dma_start3A_52 : memref<1x128x8xf32, #tpu.memory_space<vmem>> -> memref<128x8xf32, #tpu.memory_space<vmem>>
        %dma_start3A_54 = arith.constant 0 : i32
        %dma_start3A_55 = tpu.memref_slice %arg8[%dma_start3A_47, %dma_start3A_54] : memref<16x128xi32, #tpu.memory_space<vmem>> -> memref<1x128xi32, #tpu.memory_space<vmem>>
        %dma_start3A_56 = tpu.memref_squeeze %dma_start3A_55 : memref<1x128xi32, #tpu.memory_space<vmem>> -> memref<128xi32, #tpu.memory_space<vmem>>
        %dma_start3A_57 = arith.constant 0 : i32
        %dma_start3A_58 = arith.constant 0 : i32
        %dma_start3A_59 = tpu.memref_slice %arg6[%dma_start3A_57, %dma_start3A_58] : memref<100352x8xf32, #tpu.memory_space<vmem_shared>> -> memref<100352x8xf32, #tpu.memory_space<vmem_shared>>
        %dma_start3A_60 = tpu.memref_slice %arg12[%dma_start3A_49] : memref<4x!tpu.dma_semaphore, #tpu.memory_space<semaphore_mem>> -> memref<1x!tpu.dma_semaphore, #tpu.memory_space<semaphore_mem>>
        %dma_start3A_61 = tpu.memref_squeeze %dma_start3A_60 : memref<1x!tpu.dma_semaphore, #tpu.memory_space<semaphore_mem>> -> memref<!tpu.dma_semaphore, #tpu.memory_space<semaphore_mem>>
        tpu.enqueue_indirect_dma source(%dma_start3A_59 : memref<100352x8xf32, #tpu.memory_space<vmem_shared>>) target(%dma_start3A_53 : memref<128x8xf32, #tpu.memory_space<vmem>>) offsets(%dma_start3A_56 : memref<128xi32, #tpu.memory_space<vmem>>) semaphore(%dma_start3A_61 : memref<!tpu.dma_semaphore, #tpu.memory_space<semaphore_mem>>)
        %dma_start3A_62 = arith.constant 2 : i32
        %dma_start3A_63 = arith.constant 2 : i32
        %dma_start3A_64 = arith.constant 2 : i32
        %dma_start3A_65 = arith.constant 0 : i32
        %dma_start3A_66 = arith.constant 0 : i32
        %dma_start3A_67 = tpu.memref_slice %arg10[%dma_start3A_63, %dma_start3A_65, %dma_start3A_66] : memref<4x128x8xf32, #tpu.memory_space<vmem>> -> memref<1x128x8xf32, #tpu.memory_space<vmem>>
        %dma_start3A_68 = tpu.memref_squeeze %dma_start3A_67 : memref<1x128x8xf32, #tpu.memory_space<vmem>> -> memref<128x8xf32, #tpu.memory_space<vmem>>
        %dma_start3A_69 = arith.constant 0 : i32
        %dma_start3A_70 = tpu.memref_slice %arg8[%dma_start3A_62, %dma_start3A_69] : memref<16x128xi32, #tpu.memory_space<vmem>> -> memref<1x128xi32, #tpu.memory_space<vmem>>
        %dma_start3A_71 = tpu.memref_squeeze %dma_start3A_70 : memref<1x128xi32, #tpu.memory_space<vmem>> -> memref<128xi32, #tpu.memory_space<vmem>>
        %dma_start3A_72 = arith.constant 0 : i32
        %dma_start3A_73 = arith.constant 0 : i32
        %dma_start3A_74 = tpu.memref_slice %arg6[%dma_start3A_72, %dma_start3A_73] : memref<100352x8xf32, #tpu.memory_space<vmem_shared>> -> memref<100352x8xf32, #tpu.memory_space<vmem_shared>>
        %dma_start3A_75 = tpu.memref_slice %arg12[%dma_start3A_64] : memref<4x!tpu.dma_semaphore, #tpu.memory_space<semaphore_mem>> -> memref<1x!tpu.dma_semaphore, #tpu.memory_space<semaphore_mem>>
        %dma_start3A_76 = tpu.memref_squeeze %dma_start3A_75 : memref<1x!tpu.dma_semaphore, #tpu.memory_space<semaphore_mem>> -> memref<!tpu.dma_semaphore, #tpu.memory_space<semaphore_mem>>
        tpu.enqueue_indirect_dma source(%dma_start3A_74 : memref<100352x8xf32, #tpu.memory_space<vmem_shared>>) target(%dma_start3A_68 : memref<128x8xf32, #tpu.memory_space<vmem>>) offsets(%dma_start3A_71 : memref<128xi32, #tpu.memory_space<vmem>>) semaphore(%dma_start3A_76 : memref<!tpu.dma_semaphore, #tpu.memory_space<semaphore_mem>>)
        %dma_wait3A = arith.constant 0 : i32
        %dma_wait3A_77 = arith.constant 0 : i32
        %dma_wait3A_78 = arith.constant 0 : i32
        %dma_wait3A_79 = arith.constant 0 : i32
        %dma_wait3A_80 = arith.constant 0 : i32
        %dma_wait3A_81 = tpu.memref_slice %arg10[%dma_wait3A_77, %dma_wait3A_79, %dma_wait3A_80] : memref<4x128x8xf32, #tpu.memory_space<vmem>> -> memref<1x128x8xf32, #tpu.memory_space<vmem>>
        %dma_wait3A_82 = tpu.memref_squeeze %dma_wait3A_81 : memref<1x128x8xf32, #tpu.memory_space<vmem>> -> memref<128x8xf32, #tpu.memory_space<vmem>>
        %dma_wait3A_83 = arith.constant 0 : i32
        %dma_wait3A_84 = tpu.memref_slice %arg8[%dma_wait3A, %dma_wait3A_83] : memref<16x128xi32, #tpu.memory_space<vmem>> -> memref<1x128xi32, #tpu.memory_space<vmem>>
        %dma_wait3A_85 = tpu.memref_squeeze %dma_wait3A_84 : memref<1x128xi32, #tpu.memory_space<vmem>> -> memref<128xi32, #tpu.memory_space<vmem>>
        %dma_wait3A_86 = arith.constant 0 : i32
        %dma_wait3A_87 = arith.constant 0 : i32
        %dma_wait3A_88 = tpu.memref_slice %arg6[%dma_wait3A_86, %dma_wait3A_87] : memref<100352x8xf32, #tpu.memory_space<vmem_shared>> -> memref<100352x8xf32, #tpu.memory_space<vmem_shared>>
        %dma_wait3A_89 = tpu.memref_slice %arg12[%dma_wait3A_78] : memref<4x!tpu.dma_semaphore, #tpu.memory_space<semaphore_mem>> -> memref<1x!tpu.dma_semaphore, #tpu.memory_space<semaphore_mem>>
        %dma_wait3A_90 = tpu.memref_squeeze %dma_wait3A_89 : memref<1x!tpu.dma_semaphore, #tpu.memory_space<semaphore_mem>> -> memref<!tpu.dma_semaphore, #tpu.memory_space<semaphore_mem>>
        tpu.wait_indirect_dma semaphore(%dma_wait3A_90 : memref<!tpu.dma_semaphore, #tpu.memory_space<semaphore_mem>>) src(%dma_wait3A_88 : memref<100352x8xf32, #tpu.memory_space<vmem_shared>>) dst(%dma_wait3A_82 : memref<128x8xf32, #tpu.memory_space<vmem>>)
        %dma_start3A_91 = arith.constant 0 : i32
        %dma_start3A_92 = arith.constant 0 : i32
        %dma_start3A_93 = arith.constant 0 : i32
        %dma_start3A_94 = arith.constant 0 : i32
        %dma_start3A_95 = arith.constant 0 : i32
        %dma_start3A_96 = tpu.memref_slice %arg10[%dma_start3A_91, %dma_start3A_94, %dma_start3A_95] : memref<4x128x8xf32, #tpu.memory_space<vmem>> -> memref<1x128x8xf32, #tpu.memory_space<vmem>>
        %dma_start3A_97 = tpu.memref_squeeze %dma_start3A_96 : memref<1x128x8xf32, #tpu.memory_space<vmem>> -> memref<128x8xf32, #tpu.memory_space<vmem>>
        %dma_start3A_98 = arith.constant 0 : i32
        %dma_start3A_99 = tpu.memref_slice %arg9[%dma_start3A_92, %dma_start3A_98] : memref<16x128xi32, #tpu.memory_space<vmem>> -> memref<1x128xi32, #tpu.memory_space<vmem>>
        %dma_start3A_100 = tpu.memref_squeeze %dma_start3A_99 : memref<1x128xi32, #tpu.memory_space<vmem>> -> memref<128xi32, #tpu.memory_space<vmem>>
        %dma_start3A_101 = arith.constant 0 : i32
        %dma_start3A_102 = arith.constant 0 : i32
        %dma_start3A_103 = tpu.memref_slice %arg7[%dma_start3A_101, %dma_start3A_102] : memref<100352x8xf32, #tpu.memory_space<vmem_shared>> -> memref<100352x8xf32, #tpu.memory_space<vmem_shared>>
        %dma_start3A_104 = tpu.memref_slice %arg13[%dma_start3A_93] : memref<4x!tpu.dma_semaphore, #tpu.memory_space<semaphore_mem>> -> memref<1x!tpu.dma_semaphore, #tpu.memory_space<semaphore_mem>>
        %dma_start3A_105 = tpu.memref_squeeze %dma_start3A_104 : memref<1x!tpu.dma_semaphore, #tpu.memory_space<semaphore_mem>> -> memref<!tpu.dma_semaphore, #tpu.memory_space<semaphore_mem>>
        tpu.enqueue_indirect_dma source(%dma_start3A_97 : memref<128x8xf32, #tpu.memory_space<vmem>>) target(%dma_start3A_103 : memref<100352x8xf32, #tpu.memory_space<vmem_shared>>) offsets(%dma_start3A_100 : memref<128xi32, #tpu.memory_space<vmem>>) semaphore(%dma_start3A_105 : memref<!tpu.dma_semaphore, #tpu.memory_space<semaphore_mem>>) {add = true}
        %dma_start3A_106 = arith.constant 3 : i32
        %dma_start3A_107 = arith.constant 3 : i32
        %dma_start3A_108 = arith.constant 3 : i32
        %dma_start3A_109 = arith.constant 0 : i32
        %dma_start3A_110 = arith.constant 0 : i32
        %dma_start3A_111 = tpu.memref_slice %arg10[%dma_start3A_107, %dma_start3A_109, %dma_start3A_110] : memref<4x128x8xf32, #tpu.memory_space<vmem>> -> memref<1x128x8xf32, #tpu.memory_space<vmem>>
        %dma_start3A_112 = tpu.memref_squeeze %dma_start3A_111 : memref<1x128x8xf32, #tpu.memory_space<vmem>> -> memref<128x8xf32, #tpu.memory_space<vmem>>
        %dma_start3A_113 = arith.constant 0 : i32
        %dma_start3A_114 = tpu.memref_slice %arg8[%dma_start3A_106, %dma_start3A_113] : memref<16x128xi32, #tpu.memory_space<vmem>> -> memref<1x128xi32, #tpu.memory_space<vmem>>
        %dma_start3A_115 = tpu.memref_squeeze %dma_start3A_114 : memref<1x128xi32, #tpu.memory_space<vmem>> -> memref<128xi32, #tpu.memory_space<vmem>>
        %dma_start3A_116 = arith.constant 0 : i32
        %dma_start3A_117 = arith.constant 0 : i32
        %dma_start3A_118 = tpu.memref_slice %arg6[%dma_start3A_116, %dma_start3A_117] : memref<100352x8xf32, #tpu.memory_space<vmem_shared>> -> memref<100352x8xf32, #tpu.memory_space<vmem_shared>>
        %dma_start3A_119 = tpu.memref_slice %arg12[%dma_start3A_108] : memref<4x!tpu.dma_semaphore, #tpu.memory_space<semaphore_mem>> -> memref<1x!tpu.dma_semaphore, #tpu.memory_space<semaphore_mem>>
        %dma_start3A_120 = tpu.memref_squeeze %dma_start3A_119 : memref<1x!tpu.dma_semaphore, #tpu.memory_space<semaphore_mem>> -> memref<!tpu.dma_semaphore, #tpu.memory_space<semaphore_mem>>
        tpu.enqueue_indirect_dma source(%dma_start3A_118 : memref<100352x8xf32, #tpu.memory_space<vmem_shared>>) target(%dma_start3A_112 : memref<128x8xf32, #tpu.memory_space<vmem>>) offsets(%dma_start3A_115 : memref<128xi32, #tpu.memory_space<vmem>>) semaphore(%dma_start3A_120 : memref<!tpu.dma_semaphore, #tpu.memory_space<semaphore_mem>>)
        %dma_wait3A_121 = arith.constant 1 : i32
        %dma_wait3A_122 = arith.constant 1 : i32
        %dma_wait3A_123 = arith.constant 1 : i32
        %dma_wait3A_124 = arith.constant 0 : i32
        %dma_wait3A_125 = arith.constant 0 : i32
        %dma_wait3A_126 = tpu.memref_slice %arg10[%dma_wait3A_122, %dma_wait3A_124, %dma_wait3A_125] : memref<4x128x8xf32, #tpu.memory_space<vmem>> -> memref<1x128x8xf32, #tpu.memory_space<vmem>>
        %dma_wait3A_127 = tpu.memref_squeeze %dma_wait3A_126 : memref<1x128x8xf32, #tpu.memory_space<vmem>> -> memref<128x8xf32, #tpu.memory_space<vmem>>
        %dma_wait3A_128 = arith.constant 0 : i32
        %dma_wait3A_129 = tpu.memref_slice %arg8[%dma_wait3A_121, %dma_wait3A_128] : memref<16x128xi32, #tpu.memory_space<vmem>> -> memref<1x128xi32, #tpu.memory_space<vmem>>
        %dma_wait3A_130 = tpu.memref_squeeze %dma_wait3A_129 : memref<1x128xi32, #tpu.memory_space<vmem>> -> memref<128xi32, #tpu.memory_space<vmem>>
        %dma_wait3A_131 = arith.constant 0 : i32
        %dma_wait3A_132 = arith.constant 0 : i32
        %dma_wait3A_133 = tpu.memref_slice %arg6[%dma_wait3A_131, %dma_wait3A_132] : memref<100352x8xf32, #tpu.memory_space<vmem_shared>> -> memref<100352x8xf32, #tpu.memory_space<vmem_shared>>
        %dma_wait3A_134 = tpu.memref_slice %arg12[%dma_wait3A_123] : memref<4x!tpu.dma_semaphore, #tpu.memory_space<semaphore_mem>> -> memref<1x!tpu.dma_semaphore, #tpu.memory_space<semaphore_mem>>
        %dma_wait3A_135 = tpu.memref_squeeze %dma_wait3A_134 : memref<1x!tpu.dma_semaphore, #tpu.memory_space<semaphore_mem>> -> memref<!tpu.dma_semaphore, #tpu.memory_space<semaphore_mem>>
        tpu.wait_indirect_dma semaphore(%dma_wait3A_135 : memref<!tpu.dma_semaphore, #tpu.memory_space<semaphore_mem>>) src(%dma_wait3A_133 : memref<100352x8xf32, #tpu.memory_space<vmem_shared>>) dst(%dma_wait3A_127 : memref<128x8xf32, #tpu.memory_space<vmem>>)
        %dma_start3A_136 = arith.constant 1 : i32
        %dma_start3A_137 = arith.constant 1 : i32
        %dma_start3A_138 = arith.constant 1 : i32
        %dma_start3A_139 = arith.constant 0 : i32
        %dma_start3A_140 = arith.constant 0 : i32
        %dma_start3A_141 = tpu.memref_slice %arg10[%dma_start3A_136, %dma_start3A_139, %dma_start3A_140] : memref<4x128x8xf32, #tpu.memory_space<vmem>> -> memref<1x128x8xf32, #tpu.memory_space<vmem>>
        %dma_start3A_142 = tpu.memref_squeeze %dma_start3A_141 : memref<1x128x8xf32, #tpu.memory_space<vmem>> -> memref<128x8xf32, #tpu.memory_space<vmem>>
        %dma_start3A_143 = arith.constant 0 : i32
        %dma_start3A_144 = tpu.memref_slice %arg9[%dma_start3A_137, %dma_start3A_143] : memref<16x128xi32, #tpu.memory_space<vmem>> -> memref<1x128xi32, #tpu.memory_space<vmem>>
        %dma_start3A_145 = tpu.memref_squeeze %dma_start3A_144 : memref<1x128xi32, #tpu.memory_space<vmem>> -> memref<128xi32, #tpu.memory_space<vmem>>
        %dma_start3A_146 = arith.constant 0 : i32
        %dma_start3A_147 = arith.constant 0 : i32
        %dma_start3A_148 = tpu.memref_slice %arg7[%dma_start3A_146, %dma_start3A_147] : memref<100352x8xf32, #tpu.memory_space<vmem_shared>> -> memref<100352x8xf32, #tpu.memory_space<vmem_shared>>
        %dma_start3A_149 = tpu.memref_slice %arg13[%dma_start3A_138] : memref<4x!tpu.dma_semaphore, #tpu.memory_space<semaphore_mem>> -> memref<1x!tpu.dma_semaphore, #tpu.memory_space<semaphore_mem>>
        %dma_start3A_150 = tpu.memref_squeeze %dma_start3A_149 : memref<1x!tpu.dma_semaphore, #tpu.memory_space<semaphore_mem>> -> memref<!tpu.dma_semaphore, #tpu.memory_space<semaphore_mem>>
        tpu.enqueue_indirect_dma source(%dma_start3A_142 : memref<128x8xf32, #tpu.memory_space<vmem>>) target(%dma_start3A_148 : memref<100352x8xf32, #tpu.memory_space<vmem_shared>>) offsets(%dma_start3A_145 : memref<128xi32, #tpu.memory_space<vmem>>) semaphore(%dma_start3A_150 : memref<!tpu.dma_semaphore, #tpu.memory_space<semaphore_mem>>) {add = true}
        %dma_wait3A_151 = arith.constant 0 : i32
        %dma_wait3A_152 = arith.constant 0 : i32
        %dma_wait3A_153 = arith.constant 0 : i32
        %dma_wait3A_154 = arith.constant 0 : i32
        %dma_wait3A_155 = arith.constant 0 : i32
        %dma_wait3A_156 = tpu.memref_slice %arg10[%dma_wait3A_151, %dma_wait3A_154, %dma_wait3A_155] : memref<4x128x8xf32, #tpu.memory_space<vmem>> -> memref<1x128x8xf32, #tpu.memory_space<vmem>>
        %dma_wait3A_157 = tpu.memref_squeeze %dma_wait3A_156 : memref<1x128x8xf32, #tpu.memory_space<vmem>> -> memref<128x8xf32, #tpu.memory_space<vmem>>
        %dma_wait3A_158 = arith.constant 0 : i32
        %dma_wait3A_159 = tpu.memref_slice %arg9[%dma_wait3A_152, %dma_wait3A_158] : memref<16x128xi32, #tpu.memory_space<vmem>> -> memref<1x128xi32, #tpu.memory_space<vmem>>
        %dma_wait3A_160 = tpu.memref_squeeze %dma_wait3A_159 : memref<1x128xi32, #tpu.memory_space<vmem>> -> memref<128xi32, #tpu.memory_space<vmem>>
        %dma_wait3A_161 = arith.constant 0 : i32
        %dma_wait3A_162 = arith.constant 0 : i32
        %dma_wait3A_163 = tpu.memref_slice %arg7[%dma_wait3A_161, %dma_wait3A_162] : memref<100352x8xf32, #tpu.memory_space<vmem_shared>> -> memref<100352x8xf32, #tpu.memory_space<vmem_shared>>
        %dma_wait3A_164 = tpu.memref_slice %arg13[%dma_wait3A_153] : memref<4x!tpu.dma_semaphore, #tpu.memory_space<semaphore_mem>> -> memref<1x!tpu.dma_semaphore, #tpu.memory_space<semaphore_mem>>
        %dma_wait3A_165 = tpu.memref_squeeze %dma_wait3A_164 : memref<1x!tpu.dma_semaphore, #tpu.memory_space<semaphore_mem>> -> memref<!tpu.dma_semaphore, #tpu.memory_space<semaphore_mem>>
        tpu.wait_indirect_dma semaphore(%dma_wait3A_165 : memref<!tpu.dma_semaphore, #tpu.memory_space<semaphore_mem>>) src(%dma_wait3A_157 : memref<128x8xf32, #tpu.memory_space<vmem>>) dst(%dma_wait3A_163 : memref<100352x8xf32, #tpu.memory_space<vmem_shared>>)
        %dma_start3A_166 = arith.constant 4 : i32
        %dma_start3A_167 = arith.constant 0 : i32
        %dma_start3A_168 = arith.constant 0 : i32
        %dma_start3A_169 = arith.constant 0 : i32
        %dma_start3A_170 = arith.constant 0 : i32
        %dma_start3A_171 = tpu.memref_slice %arg10[%dma_start3A_167, %dma_start3A_169, %dma_start3A_170] : memref<4x128x8xf32, #tpu.memory_space<vmem>> -> memref<1x128x8xf32, #tpu.memory_space<vmem>>
        %dma_start3A_172 = tpu.memref_squeeze %dma_start3A_171 : memref<1x128x8xf32, #tpu.memory_space<vmem>> -> memref<128x8xf32, #tpu.memory_space<vmem>>
        %dma_start3A_173 = arith.constant 0 : i32
        %dma_start3A_174 = tpu.memref_slice %arg8[%dma_start3A_166, %dma_start3A_173] : memref<16x128xi32, #tpu.memory_space<vmem>> -> memref<1x128xi32, #tpu.memory_space<vmem>>
        %dma_start3A_175 = tpu.memref_squeeze %dma_start3A_174 : memref<1x128xi32, #tpu.memory_space<vmem>> -> memref<128xi32, #tpu.memory_space<vmem>>
        %dma_start3A_176 = arith.constant 0 : i32
        %dma_start3A_177 = arith.constant 0 : i32
        %dma_start3A_178 = tpu.memref_slice %arg6[%dma_start3A_176, %dma_start3A_177] : memref<100352x8xf32, #tpu.memory_space<vmem_shared>> -> memref<100352x8xf32, #tpu.memory_space<vmem_shared>>
        %dma_start3A_179 = tpu.memref_slice %arg12[%dma_start3A_168] : memref<4x!tpu.dma_semaphore, #tpu.memory_space<semaphore_mem>> -> memref<1x!tpu.dma_semaphore, #tpu.memory_space<semaphore_mem>>
        %dma_start3A_180 = tpu.memref_squeeze %dma_start3A_179 : memref<1x!tpu.dma_semaphore, #tpu.memory_space<semaphore_mem>> -> memref<!tpu.dma_semaphore, #tpu.memory_space<semaphore_mem>>
        tpu.enqueue_indirect_dma source(%dma_start3A_178 : memref<100352x8xf32, #tpu.memory_space<vmem_shared>>) target(%dma_start3A_172 : memref<128x8xf32, #tpu.memory_space<vmem>>) offsets(%dma_start3A_175 : memref<128xi32, #tpu.memory_space<vmem>>) semaphore(%dma_start3A_180 : memref<!tpu.dma_semaphore, #tpu.memory_space<semaphore_mem>>)
        %dma_wait3A_181 = arith.constant 2 : i32
        %dma_wait3A_182 = arith.constant 2 : i32
        %dma_wait3A_183 = arith.constant 2 : i32
        %dma_wait3A_184 = arith.constant 0 : i32
        %dma_wait3A_185 = arith.constant 0 : i32
        %dma_wait3A_186 = tpu.memref_slice %arg10[%dma_wait3A_182, %dma_wait3A_184, %dma_wait3A_185] : memref<4x128x8xf32, #tpu.memory_space<vmem>> -> memref<1x128x8xf32, #tpu.memory_space<vmem>>
        %dma_wait3A_187 = tpu.memref_squeeze %dma_wait3A_186 : memref<1x128x8xf32, #tpu.memory_space<vmem>> -> memref<128x8xf32, #tpu.memory_space<vmem>>
        %dma_wait3A_188 = arith.constant 0 : i32
        %dma_wait3A_189 = tpu.memref_slice %arg8[%dma_wait3A_181, %dma_wait3A_188] : memref<16x128xi32, #tpu.memory_space<vmem>> -> memref<1x128xi32, #tpu.memory_space<vmem>>
        %dma_wait3A_190 = tpu.memref_squeeze %dma_wait3A_189 : memref<1x128xi32, #tpu.memory_space<vmem>> -> memref<128xi32, #tpu.memory_space<vmem>>
        %dma_wait3A_191 = arith.constant 0 : i32
        %dma_wait3A_192 = arith.constant 0 : i32
        %dma_wait3A_193 = tpu.memref_slice %arg6[%dma_wait3A_191, %dma_wait3A_192] : memref<100352x8xf32, #tpu.memory_space<vmem_shared>> -> memref<100352x8xf32, #tpu.memory_space<vmem_shared>>
        %dma_wait3A_194 = tpu.memref_slice %arg12[%dma_wait3A_183] : memref<4x!tpu.dma_semaphore, #tpu.memory_space<semaphore_mem>> -> memref<1x!tpu.dma_semaphore, #tpu.memory_space<semaphore_mem>>
        %dma_wait3A_195 = tpu.memref_squeeze %dma_wait3A_194 : memref<1x!tpu.dma_semaphore, #tpu.memory_space<semaphore_mem>> -> memref<!tpu.dma_semaphore, #tpu.memory_space<semaphore_mem>>
        tpu.wait_indirect_dma semaphore(%dma_wait3A_195 : memref<!tpu.dma_semaphore, #tpu.memory_space<semaphore_mem>>) src(%dma_wait3A_193 : memref<100352x8xf32, #tpu.memory_space<vmem_shared>>) dst(%dma_wait3A_187 : memref<128x8xf32, #tpu.memory_space<vmem>>)
        %dma_start3A_196 = arith.constant 2 : i32
        %dma_start3A_197 = arith.constant 2 : i32
        %dma_start3A_198 = arith.constant 2 : i32
        %dma_start3A_199 = arith.constant 0 : i32
        %dma_start3A_200 = arith.constant 0 : i32
        %dma_start3A_201 = tpu.memref_slice %arg10[%dma_start3A_196, %dma_start3A_199, %dma_start3A_200] : memref<4x128x8xf32, #tpu.memory_space<vmem>> -> memref<1x128x8xf32, #tpu.memory_space<vmem>>
        %dma_start3A_202 = tpu.memref_squeeze %dma_start3A_201 : memref<1x128x8xf32, #tpu.memory_space<vmem>> -> memref<128x8xf32, #tpu.memory_space<vmem>>
        %dma_start3A_203 = arith.constant 0 : i32
        %dma_start3A_204 = tpu.memref_slice %arg9[%dma_start3A_197, %dma_start3A_203] : memref<16x128xi32, #tpu.memory_space<vmem>> -> memref<1x128xi32, #tpu.memory_space<vmem>>
        %dma_start3A_205 = tpu.memref_squeeze %dma_start3A_204 : memref<1x128xi32, #tpu.memory_space<vmem>> -> memref<128xi32, #tpu.memory_space<vmem>>
        %dma_start3A_206 = arith.constant 0 : i32
        %dma_start3A_207 = arith.constant 0 : i32
        %dma_start3A_208 = tpu.memref_slice %arg7[%dma_start3A_206, %dma_start3A_207] : memref<100352x8xf32, #tpu.memory_space<vmem_shared>> -> memref<100352x8xf32, #tpu.memory_space<vmem_shared>>
        %dma_start3A_209 = tpu.memref_slice %arg13[%dma_start3A_198] : memref<4x!tpu.dma_semaphore, #tpu.memory_space<semaphore_mem>> -> memref<1x!tpu.dma_semaphore, #tpu.memory_space<semaphore_mem>>
        %dma_start3A_210 = tpu.memref_squeeze %dma_start3A_209 : memref<1x!tpu.dma_semaphore, #tpu.memory_space<semaphore_mem>> -> memref<!tpu.dma_semaphore, #tpu.memory_space<semaphore_mem>>
        tpu.enqueue_indirect_dma source(%dma_start3A_202 : memref<128x8xf32, #tpu.memory_space<vmem>>) target(%dma_start3A_208 : memref<100352x8xf32, #tpu.memory_space<vmem_shared>>) offsets(%dma_start3A_205 : memref<128xi32, #tpu.memory_space<vmem>>) semaphore(%dma_start3A_210 : memref<!tpu.dma_semaphore, #tpu.memory_space<semaphore_mem>>) {add = true}
        %dma_wait3A_211 = arith.constant 1 : i32
        %dma_wait3A_212 = arith.constant 1 : i32
        %dma_wait3A_213 = arith.constant 1 : i32
        %dma_wait3A_214 = arith.constant 0 : i32
        %dma_wait3A_215 = arith.constant 0 : i32
        %dma_wait3A_216 = tpu.memref_slice %arg10[%dma_wait3A_211, %dma_wait3A_214, %dma_wait3A_215] : memref<4x128x8xf32, #tpu.memory_space<vmem>> -> memref<1x128x8xf32, #tpu.memory_space<vmem>>
        %dma_wait3A_217 = tpu.memref_squeeze %dma_wait3A_216 : memref<1x128x8xf32, #tpu.memory_space<vmem>> -> memref<128x8xf32, #tpu.memory_space<vmem>>
        %dma_wait3A_218 = arith.constant 0 : i32
        %dma_wait3A_219 = tpu.memref_slice %arg9[%dma_wait3A_212, %dma_wait3A_218] : memref<16x128xi32, #tpu.memory_space<vmem>> -> memref<1x128xi32, #tpu.memory_space<vmem>>
        %dma_wait3A_220 = tpu.memref_squeeze %dma_wait3A_219 : memref<1x128xi32, #tpu.memory_space<vmem>> -> memref<128xi32, #tpu.memory_space<vmem>>
        %dma_wait3A_221 = arith.constant 0 : i32
        %dma_wait3A_222 = arith.constant 0 : i32
        %dma_wait3A_223 = tpu.memref_slice %arg7[%dma_wait3A_221, %dma_wait3A_222] : memref<100352x8xf32, #tpu.memory_space<vmem_shared>> -> memref<100352x8xf32, #tpu.memory_space<vmem_shared>>
        %dma_wait3A_224 = tpu.memref_slice %arg13[%dma_wait3A_213] : memref<4x!tpu.dma_semaphore, #tpu.memory_space<semaphore_mem>> -> memref<1x!tpu.dma_semaphore, #tpu.memory_space<semaphore_mem>>
        %dma_wait3A_225 = tpu.memref_squeeze %dma_wait3A_224 : memref<1x!tpu.dma_semaphore, #tpu.memory_space<semaphore_mem>> -> memref<!tpu.dma_semaphore, #tpu.memory_space<semaphore_mem>>
        tpu.wait_indirect_dma semaphore(%dma_wait3A_225 : memref<!tpu.dma_semaphore, #tpu.memory_space<semaphore_mem>>) src(%dma_wait3A_217 : memref<128x8xf32, #tpu.memory_space<vmem>>) dst(%dma_wait3A_223 : memref<100352x8xf32, #tpu.memory_space<vmem_shared>>)
        %dma_start3A_226 = arith.constant 5 : i32
        %dma_start3A_227 = arith.constant 1 : i32
        %dma_start3A_228 = arith.constant 1 : i32
        %dma_start3A_229 = arith.constant 0 : i32
        %dma_start3A_230 = arith.constant 0 : i32
        %dma_start3A_231 = tpu.memref_slice %arg10[%dma_start3A_227, %dma_start3A_229, %dma_start3A_230] : memref<4x128x8xf32, #tpu.memory_space<vmem>> -> memref<1x128x8xf32, #tpu.memory_space<vmem>>
        %dma_start3A_232 = tpu.memref_squeeze %dma_start3A_231 : memref<1x128x8xf32, #tpu.memory_space<vmem>> -> memref<128x8xf32, #tpu.memory_space<vmem>>
        %dma_start3A_233 = arith.constant 0 : i32
        %dma_start3A_234 = tpu.memref_slice %arg8[%dma_start3A_226, %dma_start3A_233] : memref<16x128xi32, #tpu.memory_space<vmem>> -> memref<1x128xi32, #tpu.memory_space<vmem>>
        %dma_start3A_235 = tpu.memref_squeeze %dma_start3A_234 : memref<1x128xi32, #tpu.memory_space<vmem>> -> memref<128xi32, #tpu.memory_space<vmem>>
        %dma_start3A_236 = arith.constant 0 : i32
        %dma_start3A_237 = arith.constant 0 : i32
        %dma_start3A_238 = tpu.memref_slice %arg6[%dma_start3A_236, %dma_start3A_237] : memref<100352x8xf32, #tpu.memory_space<vmem_shared>> -> memref<100352x8xf32, #tpu.memory_space<vmem_shared>>
        %dma_start3A_239 = tpu.memref_slice %arg12[%dma_start3A_228] : memref<4x!tpu.dma_semaphore, #tpu.memory_space<semaphore_mem>> -> memref<1x!tpu.dma_semaphore, #tpu.memory_space<semaphore_mem>>
        %dma_start3A_240 = tpu.memref_squeeze %dma_start3A_239 : memref<1x!tpu.dma_semaphore, #tpu.memory_space<semaphore_mem>> -> memref<!tpu.dma_semaphore, #tpu.memory_space<semaphore_mem>>
        tpu.enqueue_indirect_dma source(%dma_start3A_238 : memref<100352x8xf32, #tpu.memory_space<vmem_shared>>) target(%dma_start3A_232 : memref<128x8xf32, #tpu.memory_space<vmem>>) offsets(%dma_start3A_235 : memref<128xi32, #tpu.memory_space<vmem>>) semaphore(%dma_start3A_240 : memref<!tpu.dma_semaphore, #tpu.memory_space<semaphore_mem>>)
        %dma_wait3A_241 = arith.constant 3 : i32
        %dma_wait3A_242 = arith.constant 3 : i32
        %dma_wait3A_243 = arith.constant 3 : i32
        %dma_wait3A_244 = arith.constant 0 : i32
        %dma_wait3A_245 = arith.constant 0 : i32
        %dma_wait3A_246 = tpu.memref_slice %arg10[%dma_wait3A_242, %dma_wait3A_244, %dma_wait3A_245] : memref<4x128x8xf32, #tpu.memory_space<vmem>> -> memref<1x128x8xf32, #tpu.memory_space<vmem>>
        %dma_wait3A_247 = tpu.memref_squeeze %dma_wait3A_246 : memref<1x128x8xf32, #tpu.memory_space<vmem>> -> memref<128x8xf32, #tpu.memory_space<vmem>>
        %dma_wait3A_248 = arith.constant 0 : i32
        %dma_wait3A_249 = tpu.memref_slice %arg8[%dma_wait3A_241, %dma_wait3A_248] : memref<16x128xi32, #tpu.memory_space<vmem>> -> memref<1x128xi32, #tpu.memory_space<vmem>>
        %dma_wait3A_250 = tpu.memref_squeeze %dma_wait3A_249 : memref<1x128xi32, #tpu.memory_space<vmem>> -> memref<128xi32, #tpu.memory_space<vmem>>
        %dma_wait3A_251 = arith.constant 0 : i32
        %dma_wait3A_252 = arith.constant 0 : i32
        %dma_wait3A_253 = tpu.memref_slice %arg6[%dma_wait3A_251, %dma_wait3A_252] : memref<100352x8xf32, #tpu.memory_space<vmem_shared>> -> memref<100352x8xf32, #tpu.memory_space<vmem_shared>>
        %dma_wait3A_254 = tpu.memref_slice %arg12[%dma_wait3A_243] : memref<4x!tpu.dma_semaphore, #tpu.memory_space<semaphore_mem>> -> memref<1x!tpu.dma_semaphore, #tpu.memory_space<semaphore_mem>>
        %dma_wait3A_255 = tpu.memref_squeeze %dma_wait3A_254 : memref<1x!tpu.dma_semaphore, #tpu.memory_space<semaphore_mem>> -> memref<!tpu.dma_semaphore, #tpu.memory_space<semaphore_mem>>
        tpu.wait_indirect_dma semaphore(%dma_wait3A_255 : memref<!tpu.dma_semaphore, #tpu.memory_space<semaphore_mem>>) src(%dma_wait3A_253 : memref<100352x8xf32, #tpu.memory_space<vmem_shared>>) dst(%dma_wait3A_247 : memref<128x8xf32, #tpu.memory_space<vmem>>)
        %dma_start3A_256 = arith.constant 3 : i32
        %dma_start3A_257 = arith.constant 3 : i32
        %dma_start3A_258 = arith.constant 3 : i32
        %dma_start3A_259 = arith.constant 0 : i32
        %dma_start3A_260 = arith.constant 0 : i32
        %dma_start3A_261 = tpu.memref_slice %arg10[%dma_start3A_256, %dma_start3A_259, %dma_start3A_260] : memref<4x128x8xf32, #tpu.memory_space<vmem>> -> memref<1x128x8xf32, #tpu.memory_space<vmem>>
        %dma_start3A_262 = tpu.memref_squeeze %dma_start3A_261 : memref<1x128x8xf32, #tpu.memory_space<vmem>> -> memref<128x8xf32, #tpu.memory_space<vmem>>
        %dma_start3A_263 = arith.constant 0 : i32
        %dma_start3A_264 = tpu.memref_slice %arg9[%dma_start3A_257, %dma_start3A_263] : memref<16x128xi32, #tpu.memory_space<vmem>> -> memref<1x128xi32, #tpu.memory_space<vmem>>
        %dma_start3A_265 = tpu.memref_squeeze %dma_start3A_264 : memref<1x128xi32, #tpu.memory_space<vmem>> -> memref<128xi32, #tpu.memory_space<vmem>>
        %dma_start3A_266 = arith.constant 0 : i32
        %dma_start3A_267 = arith.constant 0 : i32
        %dma_start3A_268 = tpu.memref_slice %arg7[%dma_start3A_266, %dma_start3A_267] : memref<100352x8xf32, #tpu.memory_space<vmem_shared>> -> memref<100352x8xf32, #tpu.memory_space<vmem_shared>>
        %dma_start3A_269 = tpu.memref_slice %arg13[%dma_start3A_258] : memref<4x!tpu.dma_semaphore, #tpu.memory_space<semaphore_mem>> -> memref<1x!tpu.dma_semaphore, #tpu.memory_space<semaphore_mem>>
        %dma_start3A_270 = tpu.memref_squeeze %dma_start3A_269 : memref<1x!tpu.dma_semaphore, #tpu.memory_space<semaphore_mem>> -> memref<!tpu.dma_semaphore, #tpu.memory_space<semaphore_mem>>
        tpu.enqueue_indirect_dma source(%dma_start3A_262 : memref<128x8xf32, #tpu.memory_space<vmem>>) target(%dma_start3A_268 : memref<100352x8xf32, #tpu.memory_space<vmem_shared>>) offsets(%dma_start3A_265 : memref<128xi32, #tpu.memory_space<vmem>>) semaphore(%dma_start3A_270 : memref<!tpu.dma_semaphore, #tpu.memory_space<semaphore_mem>>) {add = true}
        %dma_wait3A_271 = arith.constant 2 : i32
        %dma_wait3A_272 = arith.constant 2 : i32
        %dma_wait3A_273 = arith.constant 2 : i32
        %dma_wait3A_274 = arith.constant 0 : i32
        %dma_wait3A_275 = arith.constant 0 : i32
        %dma_wait3A_276 = tpu.memref_slice %arg10[%dma_wait3A_271, %dma_wait3A_274, %dma_wait3A_275] : memref<4x128x8xf32, #tpu.memory_space<vmem>> -> memref<1x128x8xf32, #tpu.memory_space<vmem>>
        %dma_wait3A_277 = tpu.memref_squeeze %dma_wait3A_276 : memref<1x128x8xf32, #tpu.memory_space<vmem>> -> memref<128x8xf32, #tpu.memory_space<vmem>>
        %dma_wait3A_278 = arith.constant 0 : i32
        %dma_wait3A_279 = tpu.memref_slice %arg9[%dma_wait3A_272, %dma_wait3A_278] : memref<16x128xi32, #tpu.memory_space<vmem>> -> memref<1x128xi32, #tpu.memory_space<vmem>>
        %dma_wait3A_280 = tpu.memref_squeeze %dma_wait3A_279 : memref<1x128xi32, #tpu.memory_space<vmem>> -> memref<128xi32, #tpu.memory_space<vmem>>
        %dma_wait3A_281 = arith.constant 0 : i32
        %dma_wait3A_282 = arith.constant 0 : i32
        %dma_wait3A_283 = tpu.memref_slice %arg7[%dma_wait3A_281, %dma_wait3A_282] : memref<100352x8xf32, #tpu.memory_space<vmem_shared>> -> memref<100352x8xf32, #tpu.memory_space<vmem_shared>>
        %dma_wait3A_284 = tpu.memref_slice %arg13[%dma_wait3A_273] : memref<4x!tpu.dma_semaphore, #tpu.memory_space<semaphore_mem>> -> memref<1x!tpu.dma_semaphore, #tpu.memory_space<semaphore_mem>>
        %dma_wait3A_285 = tpu.memref_squeeze %dma_wait3A_284 : memref<1x!tpu.dma_semaphore, #tpu.memory_space<semaphore_mem>> -> memref<!tpu.dma_semaphore, #tpu.memory_space<semaphore_mem>>
        tpu.wait_indirect_dma semaphore(%dma_wait3A_285 : memref<!tpu.dma_semaphore, #tpu.memory_space<semaphore_mem>>) src(%dma_wait3A_277 : memref<128x8xf32, #tpu.memory_space<vmem>>) dst(%dma_wait3A_283 : memref<100352x8xf32, #tpu.memory_space<vmem_shared>>)
        %dma_start3A_286 = arith.constant 6 : i32
        %dma_start3A_287 = arith.constant 2 : i32
        %dma_start3A_288 = arith.constant 2 : i32
        %dma_start3A_289 = arith.constant 0 : i32
        %dma_start3A_290 = arith.constant 0 : i32
        %dma_start3A_291 = tpu.memref_slice %arg10[%dma_start3A_287, %dma_start3A_289, %dma_start3A_290] : memref<4x128x8xf32, #tpu.memory_space<vmem>> -> memref<1x128x8xf32, #tpu.memory_space<vmem>>
        %dma_start3A_292 = tpu.memref_squeeze %dma_start3A_291 : memref<1x128x8xf32, #tpu.memory_space<vmem>> -> memref<128x8xf32, #tpu.memory_space<vmem>>
        %dma_start3A_293 = arith.constant 0 : i32
        %dma_start3A_294 = tpu.memref_slice %arg8[%dma_start3A_286, %dma_start3A_293] : memref<16x128xi32, #tpu.memory_space<vmem>> -> memref<1x128xi32, #tpu.memory_space<vmem>>
        %dma_start3A_295 = tpu.memref_squeeze %dma_start3A_294 : memref<1x128xi32, #tpu.memory_space<vmem>> -> memref<128xi32, #tpu.memory_space<vmem>>
        %dma_start3A_296 = arith.constant 0 : i32
        %dma_start3A_297 = arith.constant 0 : i32
        %dma_start3A_298 = tpu.memref_slice %arg6[%dma_start3A_296, %dma_start3A_297] : memref<100352x8xf32, #tpu.memory_space<vmem_shared>> -> memref<100352x8xf32, #tpu.memory_space<vmem_shared>>
        %dma_start3A_299 = tpu.memref_slice %arg12[%dma_start3A_288] : memref<4x!tpu.dma_semaphore, #tpu.memory_space<semaphore_mem>> -> memref<1x!tpu.dma_semaphore, #tpu.memory_space<semaphore_mem>>
        %dma_start3A_300 = tpu.memref_squeeze %dma_start3A_299 : memref<1x!tpu.dma_semaphore, #tpu.memory_space<semaphore_mem>> -> memref<!tpu.dma_semaphore, #tpu.memory_space<semaphore_mem>>
        tpu.enqueue_indirect_dma source(%dma_start3A_298 : memref<100352x8xf32, #tpu.memory_space<vmem_shared>>) target(%dma_start3A_292 : memref<128x8xf32, #tpu.memory_space<vmem>>) offsets(%dma_start3A_295 : memref<128xi32, #tpu.memory_space<vmem>>) semaphore(%dma_start3A_300 : memref<!tpu.dma_semaphore, #tpu.memory_space<semaphore_mem>>)
        %dma_wait3A_301 = arith.constant 4 : i32
        %dma_wait3A_302 = arith.constant 0 : i32
        %dma_wait3A_303 = arith.constant 0 : i32
        %dma_wait3A_304 = arith.constant 0 : i32
        %dma_wait3A_305 = arith.constant 0 : i32
        %dma_wait3A_306 = tpu.memref_slice %arg10[%dma_wait3A_302, %dma_wait3A_304, %dma_wait3A_305] : memref<4x128x8xf32, #tpu.memory_space<vmem>> -> memref<1x128x8xf32, #tpu.memory_space<vmem>>
        %dma_wait3A_307 = tpu.memref_squeeze %dma_wait3A_306 : memref<1x128x8xf32, #tpu.memory_space<vmem>> -> memref<128x8xf32, #tpu.memory_space<vmem>>
        %dma_wait3A_308 = arith.constant 0 : i32
        %dma_wait3A_309 = tpu.memref_slice %arg8[%dma_wait3A_301, %dma_wait3A_308] : memref<16x128xi32, #tpu.memory_space<vmem>> -> memref<1x128xi32, #tpu.memory_space<vmem>>
        %dma_wait3A_310 = tpu.memref_squeeze %dma_wait3A_309 : memref<1x128xi32, #tpu.memory_space<vmem>> -> memref<128xi32, #tpu.memory_space<vmem>>
        %dma_wait3A_311 = arith.constant 0 : i32
        %dma_wait3A_312 = arith.constant 0 : i32
        %dma_wait3A_313 = tpu.memref_slice %arg6[%dma_wait3A_311, %dma_wait3A_312] : memref<100352x8xf32, #tpu.memory_space<vmem_shared>> -> memref<100352x8xf32, #tpu.memory_space<vmem_shared>>
        %dma_wait3A_314 = tpu.memref_slice %arg12[%dma_wait3A_303] : memref<4x!tpu.dma_semaphore, #tpu.memory_space<semaphore_mem>> -> memref<1x!tpu.dma_semaphore, #tpu.memory_space<semaphore_mem>>
        %dma_wait3A_315 = tpu.memref_squeeze %dma_wait3A_314 : memref<1x!tpu.dma_semaphore, #tpu.memory_space<semaphore_mem>> -> memref<!tpu.dma_semaphore, #tpu.memory_space<semaphore_mem>>
        tpu.wait_indirect_dma semaphore(%dma_wait3A_315 : memref<!tpu.dma_semaphore, #tpu.memory_space<semaphore_mem>>) src(%dma_wait3A_313 : memref<100352x8xf32, #tpu.memory_space<vmem_shared>>) dst(%dma_wait3A_307 : memref<128x8xf32, #tpu.memory_space<vmem>>)
        %dma_start3A_316 = arith.constant 0 : i32
        %dma_start3A_317 = arith.constant 4 : i32
        %dma_start3A_318 = arith.constant 0 : i32
        %dma_start3A_319 = arith.constant 0 : i32
        %dma_start3A_320 = arith.constant 0 : i32
        %dma_start3A_321 = tpu.memref_slice %arg10[%dma_start3A_316, %dma_start3A_319, %dma_start3A_320] : memref<4x128x8xf32, #tpu.memory_space<vmem>> -> memref<1x128x8xf32, #tpu.memory_space<vmem>>
        %dma_start3A_322 = tpu.memref_squeeze %dma_start3A_321 : memref<1x128x8xf32, #tpu.memory_space<vmem>> -> memref<128x8xf32, #tpu.memory_space<vmem>>
        %dma_start3A_323 = arith.constant 0 : i32
        %dma_start3A_324 = tpu.memref_slice %arg9[%dma_start3A_317, %dma_start3A_323] : memref<16x128xi32, #tpu.memory_space<vmem>> -> memref<1x128xi32, #tpu.memory_space<vmem>>
        %dma_start3A_325 = tpu.memref_squeeze %dma_start3A_324 : memref<1x128xi32, #tpu.memory_space<vmem>> -> memref<128xi32, #tpu.memory_space<vmem>>
        %dma_start3A_326 = arith.constant 0 : i32
        %dma_start3A_327 = arith.constant 0 : i32
        %dma_start3A_328 = tpu.memref_slice %arg7[%dma_start3A_326, %dma_start3A_327] : memref<100352x8xf32, #tpu.memory_space<vmem_shared>> -> memref<100352x8xf32, #tpu.memory_space<vmem_shared>>
        %dma_start3A_329 = tpu.memref_slice %arg13[%dma_start3A_318] : memref<4x!tpu.dma_semaphore, #tpu.memory_space<semaphore_mem>> -> memref<1x!tpu.dma_semaphore, #tpu.memory_space<semaphore_mem>>
        %dma_start3A_330 = tpu.memref_squeeze %dma_start3A_329 : memref<1x!tpu.dma_semaphore, #tpu.memory_space<semaphore_mem>> -> memref<!tpu.dma_semaphore, #tpu.memory_space<semaphore_mem>>
        tpu.enqueue_indirect_dma source(%dma_start3A_322 : memref<128x8xf32, #tpu.memory_space<vmem>>) target(%dma_start3A_328 : memref<100352x8xf32, #tpu.memory_space<vmem_shared>>) offsets(%dma_start3A_325 : memref<128xi32, #tpu.memory_space<vmem>>) semaphore(%dma_start3A_330 : memref<!tpu.dma_semaphore, #tpu.memory_space<semaphore_mem>>) {add = true}
        %dma_wait3A_331 = arith.constant 3 : i32
        %dma_wait3A_332 = arith.constant 3 : i32
        %dma_wait3A_333 = arith.constant 3 : i32
        %dma_wait3A_334 = arith.constant 0 : i32
        %dma_wait3A_335 = arith.constant 0 : i32
        %dma_wait3A_336 = tpu.memref_slice %arg10[%dma_wait3A_331, %dma_wait3A_334, %dma_wait3A_335] : memref<4x128x8xf32, #tpu.memory_space<vmem>> -> memref<1x128x8xf32, #tpu.memory_space<vmem>>
        %dma_wait3A_337 = tpu.memref_squeeze %dma_wait3A_336 : memref<1x128x8xf32, #tpu.memory_space<vmem>> -> memref<128x8xf32, #tpu.memory_space<vmem>>
        %dma_wait3A_338 = arith.constant 0 : i32
        %dma_wait3A_339 = tpu.memref_slice %arg9[%dma_wait3A_332, %dma_wait3A_338] : memref<16x128xi32, #tpu.memory_space<vmem>> -> memref<1x128xi32, #tpu.memory_space<vmem>>
        %dma_wait3A_340 = tpu.memref_squeeze %dma_wait3A_339 : memref<1x128xi32, #tpu.memory_space<vmem>> -> memref<128xi32, #tpu.memory_space<vmem>>
        %dma_wait3A_341 = arith.constant 0 : i32
        %dma_wait3A_342 = arith.constant 0 : i32
        %dma_wait3A_343 = tpu.memref_slice %arg7[%dma_wait3A_341, %dma_wait3A_342] : memref<100352x8xf32, #tpu.memory_space<vmem_shared>> -> memref<100352x8xf32, #tpu.memory_space<vmem_shared>>
        %dma_wait3A_344 = tpu.memref_slice %arg13[%dma_wait3A_333] : memref<4x!tpu.dma_semaphore, #tpu.memory_space<semaphore_mem>> -> memref<1x!tpu.dma_semaphore, #tpu.memory_space<semaphore_mem>>
        %dma_wait3A_345 = tpu.memref_squeeze %dma_wait3A_344 : memref<1x!tpu.dma_semaphore, #tpu.memory_space<semaphore_mem>> -> memref<!tpu.dma_semaphore, #tpu.memory_space<semaphore_mem>>
        tpu.wait_indirect_dma semaphore(%dma_wait3A_345 : memref<!tpu.dma_semaphore, #tpu.memory_space<semaphore_mem>>) src(%dma_wait3A_337 : memref<128x8xf32, #tpu.memory_space<vmem>>) dst(%dma_wait3A_343 : memref<100352x8xf32, #tpu.memory_space<vmem_shared>>)
        %dma_start3A_346 = arith.constant 7 : i32
        %dma_start3A_347 = arith.constant 3 : i32
        %dma_start3A_348 = arith.constant 3 : i32
        %dma_start3A_349 = arith.constant 0 : i32
        %dma_start3A_350 = arith.constant 0 : i32
        %dma_start3A_351 = tpu.memref_slice %arg10[%dma_start3A_347, %dma_start3A_349, %dma_start3A_350] : memref<4x128x8xf32, #tpu.memory_space<vmem>> -> memref<1x128x8xf32, #tpu.memory_space<vmem>>
        %dma_start3A_352 = tpu.memref_squeeze %dma_start3A_351 : memref<1x128x8xf32, #tpu.memory_space<vmem>> -> memref<128x8xf32, #tpu.memory_space<vmem>>
        %dma_start3A_353 = arith.constant 0 : i32
        %dma_start3A_354 = tpu.memref_slice %arg8[%dma_start3A_346, %dma_start3A_353] : memref<16x128xi32, #tpu.memory_space<vmem>> -> memref<1x128xi32, #tpu.memory_space<vmem>>
        %dma_start3A_355 = tpu.memref_squeeze %dma_start3A_354 : memref<1x128xi32, #tpu.memory_space<vmem>> -> memref<128xi32, #tpu.memory_space<vmem>>
        %dma_start3A_356 = arith.constant 0 : i32
        %dma_start3A_357 = arith.constant 0 : i32
        %dma_start3A_358 = tpu.memref_slice %arg6[%dma_start3A_356, %dma_start3A_357] : memref<100352x8xf32, #tpu.memory_space<vmem_shared>> -> memref<100352x8xf32, #tpu.memory_space<vmem_shared>>
        %dma_start3A_359 = tpu.memref_slice %arg12[%dma_start3A_348] : memref<4x!tpu.dma_semaphore, #tpu.memory_space<semaphore_mem>> -> memref<1x!tpu.dma_semaphore, #tpu.memory_space<semaphore_mem>>
        %dma_start3A_360 = tpu.memref_squeeze %dma_start3A_359 : memref<1x!tpu.dma_semaphore, #tpu.memory_space<semaphore_mem>> -> memref<!tpu.dma_semaphore, #tpu.memory_space<semaphore_mem>>
        tpu.enqueue_indirect_dma source(%dma_start3A_358 : memref<100352x8xf32, #tpu.memory_space<vmem_shared>>) target(%dma_start3A_352 : memref<128x8xf32, #tpu.memory_space<vmem>>) offsets(%dma_start3A_355 : memref<128xi32, #tpu.memory_space<vmem>>) semaphore(%dma_start3A_360 : memref<!tpu.dma_semaphore, #tpu.memory_space<semaphore_mem>>)
        %dma_wait3A_361 = arith.constant 5 : i32
        %dma_wait3A_362 = arith.constant 1 : i32
        %dma_wait3A_363 = arith.constant 1 : i32
        %dma_wait3A_364 = arith.constant 0 : i32
        %dma_wait3A_365 = arith.constant 0 : i32
        %dma_wait3A_366 = tpu.memref_slice %arg10[%dma_wait3A_362, %dma_wait3A_364, %dma_wait3A_365] : memref<4x128x8xf32, #tpu.memory_space<vmem>> -> memref<1x128x8xf32, #tpu.memory_space<vmem>>
        %dma_wait3A_367 = tpu.memref_squeeze %dma_wait3A_366 : memref<1x128x8xf32, #tpu.memory_space<vmem>> -> memref<128x8xf32, #tpu.memory_space<vmem>>
        %dma_wait3A_368 = arith.constant 0 : i32
        %dma_wait3A_369 = tpu.memref_slice %arg8[%dma_wait3A_361, %dma_wait3A_368] : memref<16x128xi32, #tpu.memory_space<vmem>> -> memref<1x128xi32, #tpu.memory_space<vmem>>
        %dma_wait3A_370 = tpu.memref_squeeze %dma_wait3A_369 : memref<1x128xi32, #tpu.memory_space<vmem>> -> memref<128xi32, #tpu.memory_space<vmem>>
        %dma_wait3A_371 = arith.constant 0 : i32
        %dma_wait3A_372 = arith.constant 0 : i32
        %dma_wait3A_373 = tpu.memref_slice %arg6[%dma_wait3A_371, %dma_wait3A_372] : memref<100352x8xf32, #tpu.memory_space<vmem_shared>> -> memref<100352x8xf32, #tpu.memory_space<vmem_shared>>
        %dma_wait3A_374 = tpu.memref_slice %arg12[%dma_wait3A_363] : memref<4x!tpu.dma_semaphore, #tpu.memory_space<semaphore_mem>> -> memref<1x!tpu.dma_semaphore, #tpu.memory_space<semaphore_mem>>
        %dma_wait3A_375 = tpu.memref_squeeze %dma_wait3A_374 : memref<1x!tpu.dma_semaphore, #tpu.memory_space<semaphore_mem>> -> memref<!tpu.dma_semaphore, #tpu.memory_space<semaphore_mem>>
        tpu.wait_indirect_dma semaphore(%dma_wait3A_375 : memref<!tpu.dma_semaphore, #tpu.memory_space<semaphore_mem>>) src(%dma_wait3A_373 : memref<100352x8xf32, #tpu.memory_space<vmem_shared>>) dst(%dma_wait3A_367 : memref<128x8xf32, #tpu.memory_space<vmem>>)
        %dma_start3A_376 = arith.constant 1 : i32
        %dma_start3A_377 = arith.constant 5 : i32
        %dma_start3A_378 = arith.constant 1 : i32
        %dma_start3A_379 = arith.constant 0 : i32
        %dma_start3A_380 = arith.constant 0 : i32
        %dma_start3A_381 = tpu.memref_slice %arg10[%dma_start3A_376, %dma_start3A_379, %dma_start3A_380] : memref<4x128x8xf32, #tpu.memory_space<vmem>> -> memref<1x128x8xf32, #tpu.memory_space<vmem>>
        %dma_start3A_382 = tpu.memref_squeeze %dma_start3A_381 : memref<1x128x8xf32, #tpu.memory_space<vmem>> -> memref<128x8xf32, #tpu.memory_space<vmem>>
        %dma_start3A_383 = arith.constant 0 : i32
        %dma_start3A_384 = tpu.memref_slice %arg9[%dma_start3A_377, %dma_start3A_383] : memref<16x128xi32, #tpu.memory_space<vmem>> -> memref<1x128xi32, #tpu.memory_space<vmem>>
        %dma_start3A_385 = tpu.memref_squeeze %dma_start3A_384 : memref<1x128xi32, #tpu.memory_space<vmem>> -> memref<128xi32, #tpu.memory_space<vmem>>
        %dma_start3A_386 = arith.constant 0 : i32
        %dma_start3A_387 = arith.constant 0 : i32
        %dma_start3A_388 = tpu.memref_slice %arg7[%dma_start3A_386, %dma_start3A_387] : memref<100352x8xf32, #tpu.memory_space<vmem_shared>> -> memref<100352x8xf32, #tpu.memory_space<vmem_shared>>
        %dma_start3A_389 = tpu.memref_slice %arg13[%dma_start3A_378] : memref<4x!tpu.dma_semaphore, #tpu.memory_space<semaphore_mem>> -> memref<1x!tpu.dma_semaphore, #tpu.memory_space<semaphore_mem>>
        %dma_start3A_390 = tpu.memref_squeeze %dma_start3A_389 : memref<1x!tpu.dma_semaphore, #tpu.memory_space<semaphore_mem>> -> memref<!tpu.dma_semaphore, #tpu.memory_space<semaphore_mem>>
        tpu.enqueue_indirect_dma source(%dma_start3A_382 : memref<128x8xf32, #tpu.memory_space<vmem>>) target(%dma_start3A_388 : memref<100352x8xf32, #tpu.memory_space<vmem_shared>>) offsets(%dma_start3A_385 : memref<128xi32, #tpu.memory_space<vmem>>) semaphore(%dma_start3A_390 : memref<!tpu.dma_semaphore, #tpu.memory_space<semaphore_mem>>) {add = true}
        %dma_wait3A_391 = arith.constant 0 : i32
        %dma_wait3A_392 = arith.constant 4 : i32
        %dma_wait3A_393 = arith.constant 0 : i32
        %dma_wait3A_394 = arith.constant 0 : i32
        %dma_wait3A_395 = arith.constant 0 : i32
        %dma_wait3A_396 = tpu.memref_slice %arg10[%dma_wait3A_391, %dma_wait3A_394, %dma_wait3A_395] : memref<4x128x8xf32, #tpu.memory_space<vmem>> -> memref<1x128x8xf32, #tpu.memory_space<vmem>>
        %dma_wait3A_397 = tpu.memref_squeeze %dma_wait3A_396 : memref<1x128x8xf32, #tpu.memory_space<vmem>> -> memref<128x8xf32, #tpu.memory_space<vmem>>
        %dma_wait3A_398 = arith.constant 0 : i32
        %dma_wait3A_399 = tpu.memref_slice %arg9[%dma_wait3A_392, %dma_wait3A_398] : memref<16x128xi32, #tpu.memory_space<vmem>> -> memref<1x128xi32, #tpu.memory_space<vmem>>
        %dma_wait3A_400 = tpu.memref_squeeze %dma_wait3A_399 : memref<1x128xi32, #tpu.memory_space<vmem>> -> memref<128xi32, #tpu.memory_space<vmem>>
        %dma_wait3A_401 = arith.constant 0 : i32
        %dma_wait3A_402 = arith.constant 0 : i32
        %dma_wait3A_403 = tpu.memref_slice %arg7[%dma_wait3A_401, %dma_wait3A_402] : memref<100352x8xf32, #tpu.memory_space<vmem_shared>> -> memref<100352x8xf32, #tpu.memory_space<vmem_shared>>
        %dma_wait3A_404 = tpu.memref_slice %arg13[%dma_wait3A_393] : memref<4x!tpu.dma_semaphore, #tpu.memory_space<semaphore_mem>> -> memref<1x!tpu.dma_semaphore, #tpu.memory_space<semaphore_mem>>
        %dma_wait3A_405 = tpu.memref_squeeze %dma_wait3A_404 : memref<1x!tpu.dma_semaphore, #tpu.memory_space<semaphore_mem>> -> memref<!tpu.dma_semaphore, #tpu.memory_space<semaphore_mem>>
        tpu.wait_indirect_dma semaphore(%dma_wait3A_405 : memref<!tpu.dma_semaphore, #tpu.memory_space<semaphore_mem>>) src(%dma_wait3A_397 : memref<128x8xf32, #tpu.memory_space<vmem>>) dst(%dma_wait3A_403 : memref<100352x8xf32, #tpu.memory_space<vmem_shared>>)
        %dma_start3A_406 = arith.constant 8 : i32
        %dma_start3A_407 = arith.constant 0 : i32
        %dma_start3A_408 = arith.constant 0 : i32
        %dma_start3A_409 = arith.constant 0 : i32
        %dma_start3A_410 = arith.constant 0 : i32
        %dma_start3A_411 = tpu.memref_slice %arg10[%dma_start3A_407, %dma_start3A_409, %dma_start3A_410] : memref<4x128x8xf32, #tpu.memory_space<vmem>> -> memref<1x128x8xf32, #tpu.memory_space<vmem>>
        %dma_start3A_412 = tpu.memref_squeeze %dma_start3A_411 : memref<1x128x8xf32, #tpu.memory_space<vmem>> -> memref<128x8xf32, #tpu.memory_space<vmem>>
        %dma_start3A_413 = arith.constant 0 : i32
        %dma_start3A_414 = tpu.memref_slice %arg8[%dma_start3A_406, %dma_start3A_413] : memref<16x128xi32, #tpu.memory_space<vmem>> -> memref<1x128xi32, #tpu.memory_space<vmem>>
        %dma_start3A_415 = tpu.memref_squeeze %dma_start3A_414 : memref<1x128xi32, #tpu.memory_space<vmem>> -> memref<128xi32, #tpu.memory_space<vmem>>
        %dma_start3A_416 = arith.constant 0 : i32
        %dma_start3A_417 = arith.constant 0 : i32
        %dma_start3A_418 = tpu.memref_slice %arg6[%dma_start3A_416, %dma_start3A_417] : memref<100352x8xf32, #tpu.memory_space<vmem_shared>> -> memref<100352x8xf32, #tpu.memory_space<vmem_shared>>
        %dma_start3A_419 = tpu.memref_slice %arg12[%dma_start3A_408] : memref<4x!tpu.dma_semaphore, #tpu.memory_space<semaphore_mem>> -> memref<1x!tpu.dma_semaphore, #tpu.memory_space<semaphore_mem>>
        %dma_start3A_420 = tpu.memref_squeeze %dma_start3A_419 : memref<1x!tpu.dma_semaphore, #tpu.memory_space<semaphore_mem>> -> memref<!tpu.dma_semaphore, #tpu.memory_space<semaphore_mem>>
        tpu.enqueue_indirect_dma source(%dma_start3A_418 : memref<100352x8xf32, #tpu.memory_space<vmem_shared>>) target(%dma_start3A_412 : memref<128x8xf32, #tpu.memory_space<vmem>>) offsets(%dma_start3A_415 : memref<128xi32, #tpu.memory_space<vmem>>) semaphore(%dma_start3A_420 : memref<!tpu.dma_semaphore, #tpu.memory_space<semaphore_mem>>)
        %dma_wait3A_421 = arith.constant 6 : i32
        %dma_wait3A_422 = arith.constant 2 : i32
        %dma_wait3A_423 = arith.constant 2 : i32
        %dma_wait3A_424 = arith.constant 0 : i32
        %dma_wait3A_425 = arith.constant 0 : i32
        %dma_wait3A_426 = tpu.memref_slice %arg10[%dma_wait3A_422, %dma_wait3A_424, %dma_wait3A_425] : memref<4x128x8xf32, #tpu.memory_space<vmem>> -> memref<1x128x8xf32, #tpu.memory_space<vmem>>
        %dma_wait3A_427 = tpu.memref_squeeze %dma_wait3A_426 : memref<1x128x8xf32, #tpu.memory_space<vmem>> -> memref<128x8xf32, #tpu.memory_space<vmem>>
        %dma_wait3A_428 = arith.constant 0 : i32
        %dma_wait3A_429 = tpu.memref_slice %arg8[%dma_wait3A_421, %dma_wait3A_428] : memref<16x128xi32, #tpu.memory_space<vmem>> -> memref<1x128xi32, #tpu.memory_space<vmem>>
        %dma_wait3A_430 = tpu.memref_squeeze %dma_wait3A_429 : memref<1x128xi32, #tpu.memory_space<vmem>> -> memref<128xi32, #tpu.memory_space<vmem>>
        %dma_wait3A_431 = arith.constant 0 : i32
        %dma_wait3A_432 = arith.constant 0 : i32
        %dma_wait3A_433 = tpu.memref_slice %arg6[%dma_wait3A_431, %dma_wait3A_432] : memref<100352x8xf32, #tpu.memory_space<vmem_shared>> -> memref<100352x8xf32, #tpu.memory_space<vmem_shared>>
        %dma_wait3A_434 = tpu.memref_slice %arg12[%dma_wait3A_423] : memref<4x!tpu.dma_semaphore, #tpu.memory_space<semaphore_mem>> -> memref<1x!tpu.dma_semaphore, #tpu.memory_space<semaphore_mem>>
        %dma_wait3A_435 = tpu.memref_squeeze %dma_wait3A_434 : memref<1x!tpu.dma_semaphore, #tpu.memory_space<semaphore_mem>> -> memref<!tpu.dma_semaphore, #tpu.memory_space<semaphore_mem>>
        tpu.wait_indirect_dma semaphore(%dma_wait3A_435 : memref<!tpu.dma_semaphore, #tpu.memory_space<semaphore_mem>>) src(%dma_wait3A_433 : memref<100352x8xf32, #tpu.memory_space<vmem_shared>>) dst(%dma_wait3A_427 : memref<128x8xf32, #tpu.memory_space<vmem>>)
        %dma_start3A_436 = arith.constant 2 : i32
        %dma_start3A_437 = arith.constant 6 : i32
        %dma_start3A_438 = arith.constant 2 : i32
        %dma_start3A_439 = arith.constant 0 : i32
        %dma_start3A_440 = arith.constant 0 : i32
        %dma_start3A_441 = tpu.memref_slice %arg10[%dma_start3A_436, %dma_start3A_439, %dma_start3A_440] : memref<4x128x8xf32, #tpu.memory_space<vmem>> -> memref<1x128x8xf32, #tpu.memory_space<vmem>>
        %dma_start3A_442 = tpu.memref_squeeze %dma_start3A_441 : memref<1x128x8xf32, #tpu.memory_space<vmem>> -> memref<128x8xf32, #tpu.memory_space<vmem>>
        %dma_start3A_443 = arith.constant 0 : i32
        %dma_start3A_444 = tpu.memref_slice %arg9[%dma_start3A_437, %dma_start3A_443] : memref<16x128xi32, #tpu.memory_space<vmem>> -> memref<1x128xi32, #tpu.memory_space<vmem>>
        %dma_start3A_445 = tpu.memref_squeeze %dma_start3A_444 : memref<1x128xi32, #tpu.memory_space<vmem>> -> memref<128xi32, #tpu.memory_space<vmem>>
        %dma_start3A_446 = arith.constant 0 : i32
        %dma_start3A_447 = arith.constant 0 : i32
        %dma_start3A_448 = tpu.memref_slice %arg7[%dma_start3A_446, %dma_start3A_447] : memref<100352x8xf32, #tpu.memory_space<vmem_shared>> -> memref<100352x8xf32, #tpu.memory_space<vmem_shared>>
        %dma_start3A_449 = tpu.memref_slice %arg13[%dma_start3A_438] : memref<4x!tpu.dma_semaphore, #tpu.memory_space<semaphore_mem>> -> memref<1x!tpu.dma_semaphore, #tpu.memory_space<semaphore_mem>>
        %dma_start3A_450 = tpu.memref_squeeze %dma_start3A_449 : memref<1x!tpu.dma_semaphore, #tpu.memory_space<semaphore_mem>> -> memref<!tpu.dma_semaphore, #tpu.memory_space<semaphore_mem>>
        tpu.enqueue_indirect_dma source(%dma_start3A_442 : memref<128x8xf32, #tpu.memory_space<vmem>>) target(%dma_start3A_448 : memref<100352x8xf32, #tpu.memory_space<vmem_shared>>) offsets(%dma_start3A_445 : memref<128xi32, #tpu.memory_space<vmem>>) semaphore(%dma_start3A_450 : memref<!tpu.dma_semaphore, #tpu.memory_space<semaphore_mem>>) {add = true}
        %dma_wait3A_451 = arith.constant 1 : i32
        %dma_wait3A_452 = arith.constant 5 : i32
        %dma_wait3A_453 = arith.constant 1 : i32
        %dma_wait3A_454 = arith.constant 0 : i32
        %dma_wait3A_455 = arith.constant 0 : i32
        %dma_wait3A_456 = tpu.memref_slice %arg10[%dma_wait3A_451, %dma_wait3A_454, %dma_wait3A_455] : memref<4x128x8xf32, #tpu.memory_space<vmem>> -> memref<1x128x8xf32, #tpu.memory_space<vmem>>
        %dma_wait3A_457 = tpu.memref_squeeze %dma_wait3A_456 : memref<1x128x8xf32, #tpu.memory_space<vmem>> -> memref<128x8xf32, #tpu.memory_space<vmem>>
        %dma_wait3A_458 = arith.constant 0 : i32
        %dma_wait3A_459 = tpu.memref_slice %arg9[%dma_wait3A_452, %dma_wait3A_458] : memref<16x128xi32, #tpu.memory_space<vmem>> -> memref<1x128xi32, #tpu.memory_space<vmem>>
        %dma_wait3A_460 = tpu.memref_squeeze %dma_wait3A_459 : memref<1x128xi32, #tpu.memory_space<vmem>> -> memref<128xi32, #tpu.memory_space<vmem>>
        %dma_wait3A_461 = arith.constant 0 : i32
        %dma_wait3A_462 = arith.constant 0 : i32
        %dma_wait3A_463 = tpu.memref_slice %arg7[%dma_wait3A_461, %dma_wait3A_462] : memref<100352x8xf32, #tpu.memory_space<vmem_shared>> -> memref<100352x8xf32, #tpu.memory_space<vmem_shared>>
        %dma_wait3A_464 = tpu.memref_slice %arg13[%dma_wait3A_453] : memref<4x!tpu.dma_semaphore, #tpu.memory_space<semaphore_mem>> -> memref<1x!tpu.dma_semaphore, #tpu.memory_space<semaphore_mem>>
        %dma_wait3A_465 = tpu.memref_squeeze %dma_wait3A_464 : memref<1x!tpu.dma_semaphore, #tpu.memory_space<semaphore_mem>> -> memref<!tpu.dma_semaphore, #tpu.memory_space<semaphore_mem>>
        tpu.wait_indirect_dma semaphore(%dma_wait3A_465 : memref<!tpu.dma_semaphore, #tpu.memory_space<semaphore_mem>>) src(%dma_wait3A_457 : memref<128x8xf32, #tpu.memory_space<vmem>>) dst(%dma_wait3A_463 : memref<100352x8xf32, #tpu.memory_space<vmem_shared>>)
        %dma_start3A_466 = arith.constant 9 : i32
        %dma_start3A_467 = arith.constant 1 : i32
        %dma_start3A_468 = arith.constant 1 : i32
        %dma_start3A_469 = arith.constant 0 : i32
        %dma_start3A_470 = arith.constant 0 : i32
        %dma_start3A_471 = tpu.memref_slice %arg10[%dma_start3A_467, %dma_start3A_469, %dma_start3A_470] : memref<4x128x8xf32, #tpu.memory_space<vmem>> -> memref<1x128x8xf32, #tpu.memory_space<vmem>>
        %dma_start3A_472 = tpu.memref_squeeze %dma_start3A_471 : memref<1x128x8xf32, #tpu.memory_space<vmem>> -> memref<128x8xf32, #tpu.memory_space<vmem>>
        %dma_start3A_473 = arith.constant 0 : i32
        %dma_start3A_474 = tpu.memref_slice %arg8[%dma_start3A_466, %dma_start3A_473] : memref<16x128xi32, #tpu.memory_space<vmem>> -> memref<1x128xi32, #tpu.memory_space<vmem>>
        %dma_start3A_475 = tpu.memref_squeeze %dma_start3A_474 : memref<1x128xi32, #tpu.memory_space<vmem>> -> memref<128xi32, #tpu.memory_space<vmem>>
        %dma_start3A_476 = arith.constant 0 : i32
        %dma_start3A_477 = arith.constant 0 : i32
        %dma_start3A_478 = tpu.memref_slice %arg6[%dma_start3A_476, %dma_start3A_477] : memref<100352x8xf32, #tpu.memory_space<vmem_shared>> -> memref<100352x8xf32, #tpu.memory_space<vmem_shared>>
        %dma_start3A_479 = tpu.memref_slice %arg12[%dma_start3A_468] : memref<4x!tpu.dma_semaphore, #tpu.memory_space<semaphore_mem>> -> memref<1x!tpu.dma_semaphore, #tpu.memory_space<semaphore_mem>>
        %dma_start3A_480 = tpu.memref_squeeze %dma_start3A_479 : memref<1x!tpu.dma_semaphore, #tpu.memory_space<semaphore_mem>> -> memref<!tpu.dma_semaphore, #tpu.memory_space<semaphore_mem>>
        tpu.enqueue_indirect_dma source(%dma_start3A_478 : memref<100352x8xf32, #tpu.memory_space<vmem_shared>>) target(%dma_start3A_472 : memref<128x8xf32, #tpu.memory_space<vmem>>) offsets(%dma_start3A_475 : memref<128xi32, #tpu.memory_space<vmem>>) semaphore(%dma_start3A_480 : memref<!tpu.dma_semaphore, #tpu.memory_space<semaphore_mem>>)
        %dma_wait3A_481 = arith.constant 7 : i32
        %dma_wait3A_482 = arith.constant 3 : i32
        %dma_wait3A_483 = arith.constant 3 : i32
        %dma_wait3A_484 = arith.constant 0 : i32
        %dma_wait3A_485 = arith.constant 0 : i32
        %dma_wait3A_486 = tpu.memref_slice %arg10[%dma_wait3A_482, %dma_wait3A_484, %dma_wait3A_485] : memref<4x128x8xf32, #tpu.memory_space<vmem>> -> memref<1x128x8xf32, #tpu.memory_space<vmem>>
        %dma_wait3A_487 = tpu.memref_squeeze %dma_wait3A_486 : memref<1x128x8xf32, #tpu.memory_space<vmem>> -> memref<128x8xf32, #tpu.memory_space<vmem>>
        %dma_wait3A_488 = arith.constant 0 : i32
        %dma_wait3A_489 = tpu.memref_slice %arg8[%dma_wait3A_481, %dma_wait3A_488] : memref<16x128xi32, #tpu.memory_space<vmem>> -> memref<1x128xi32, #tpu.memory_space<vmem>>
        %dma_wait3A_490 = tpu.memref_squeeze %dma_wait3A_489 : memref<1x128xi32, #tpu.memory_space<vmem>> -> memref<128xi32, #tpu.memory_space<vmem>>
        %dma_wait3A_491 = arith.constant 0 : i32
        %dma_wait3A_492 = arith.constant 0 : i32
        %dma_wait3A_493 = tpu.memref_slice %arg6[%dma_wait3A_491, %dma_wait3A_492] : memref<100352x8xf32, #tpu.memory_space<vmem_shared>> -> memref<100352x8xf32, #tpu.memory_space<vmem_shared>>
        %dma_wait3A_494 = tpu.memref_slice %arg12[%dma_wait3A_483] : memref<4x!tpu.dma_semaphore, #tpu.memory_space<semaphore_mem>> -> memref<1x!tpu.dma_semaphore, #tpu.memory_space<semaphore_mem>>
        %dma_wait3A_495 = tpu.memref_squeeze %dma_wait3A_494 : memref<1x!tpu.dma_semaphore, #tpu.memory_space<semaphore_mem>> -> memref<!tpu.dma_semaphore, #tpu.memory_space<semaphore_mem>>
        tpu.wait_indirect_dma semaphore(%dma_wait3A_495 : memref<!tpu.dma_semaphore, #tpu.memory_space<semaphore_mem>>) src(%dma_wait3A_493 : memref<100352x8xf32, #tpu.memory_space<vmem_shared>>) dst(%dma_wait3A_487 : memref<128x8xf32, #tpu.memory_space<vmem>>)
        %dma_start3A_496 = arith.constant 3 : i32
        %dma_start3A_497 = arith.constant 7 : i32
        %dma_start3A_498 = arith.constant 3 : i32
        %dma_start3A_499 = arith.constant 0 : i32
        %dma_start3A_500 = arith.constant 0 : i32
        %dma_start3A_501 = tpu.memref_slice %arg10[%dma_start3A_496, %dma_start3A_499, %dma_start3A_500] : memref<4x128x8xf32, #tpu.memory_space<vmem>> -> memref<1x128x8xf32, #tpu.memory_space<vmem>>
        %dma_start3A_502 = tpu.memref_squeeze %dma_start3A_501 : memref<1x128x8xf32, #tpu.memory_space<vmem>> -> memref<128x8xf32, #tpu.memory_space<vmem>>
        %dma_start3A_503 = arith.constant 0 : i32
        %dma_start3A_504 = tpu.memref_slice %arg9[%dma_start3A_497, %dma_start3A_503] : memref<16x128xi32, #tpu.memory_space<vmem>> -> memref<1x128xi32, #tpu.memory_space<vmem>>
        %dma_start3A_505 = tpu.memref_squeeze %dma_start3A_504 : memref<1x128xi32, #tpu.memory_space<vmem>> -> memref<128xi32, #tpu.memory_space<vmem>>
        %dma_start3A_506 = arith.constant 0 : i32
        %dma_start3A_507 = arith.constant 0 : i32
        %dma_start3A_508 = tpu.memref_slice %arg7[%dma_start3A_506, %dma_start3A_507] : memref<100352x8xf32, #tpu.memory_space<vmem_shared>> -> memref<100352x8xf32, #tpu.memory_space<vmem_shared>>
        %dma_start3A_509 = tpu.memref_slice %arg13[%dma_start3A_498] : memref<4x!tpu.dma_semaphore, #tpu.memory_space<semaphore_mem>> -> memref<1x!tpu.dma_semaphore, #tpu.memory_space<semaphore_mem>>
        %dma_start3A_510 = tpu.memref_squeeze %dma_start3A_509 : memref<1x!tpu.dma_semaphore, #tpu.memory_space<semaphore_mem>> -> memref<!tpu.dma_semaphore, #tpu.memory_space<semaphore_mem>>
        tpu.enqueue_indirect_dma source(%dma_start3A_502 : memref<128x8xf32, #tpu.memory_space<vmem>>) target(%dma_start3A_508 : memref<100352x8xf32, #tpu.memory_space<vmem_shared>>) offsets(%dma_start3A_505 : memref<128xi32, #tpu.memory_space<vmem>>) semaphore(%dma_start3A_510 : memref<!tpu.dma_semaphore, #tpu.memory_space<semaphore_mem>>) {add = true}
        %dma_wait3A_511 = arith.constant 2 : i32
        %dma_wait3A_512 = arith.constant 6 : i32
        %dma_wait3A_513 = arith.constant 2 : i32
        %dma_wait3A_514 = arith.constant 0 : i32
        %dma_wait3A_515 = arith.constant 0 : i32
        %dma_wait3A_516 = tpu.memref_slice %arg10[%dma_wait3A_511, %dma_wait3A_514, %dma_wait3A_515] : memref<4x128x8xf32, #tpu.memory_space<vmem>> -> memref<1x128x8xf32, #tpu.memory_space<vmem>>
        %dma_wait3A_517 = tpu.memref_squeeze %dma_wait3A_516 : memref<1x128x8xf32, #tpu.memory_space<vmem>> -> memref<128x8xf32, #tpu.memory_space<vmem>>
        %dma_wait3A_518 = arith.constant 0 : i32
        %dma_wait3A_519 = tpu.memref_slice %arg9[%dma_wait3A_512, %dma_wait3A_518] : memref<16x128xi32, #tpu.memory_space<vmem>> -> memref<1x128xi32, #tpu.memory_space<vmem>>
        %dma_wait3A_520 = tpu.memref_squeeze %dma_wait3A_519 : memref<1x128xi32, #tpu.memory_space<vmem>> -> memref<128xi32, #tpu.memory_space<vmem>>
        %dma_wait3A_521 = arith.constant 0 : i32
        %dma_wait3A_522 = arith.constant 0 : i32
        %dma_wait3A_523 = tpu.memref_slice %arg7[%dma_wait3A_521, %dma_wait3A_522] : memref<100352x8xf32, #tpu.memory_space<vmem_shared>> -> memref<100352x8xf32, #tpu.memory_space<vmem_shared>>
        %dma_wait3A_524 = tpu.memref_slice %arg13[%dma_wait3A_513] : memref<4x!tpu.dma_semaphore, #tpu.memory_space<semaphore_mem>> -> memref<1x!tpu.dma_semaphore, #tpu.memory_space<semaphore_mem>>
        %dma_wait3A_525 = tpu.memref_squeeze %dma_wait3A_524 : memref<1x!tpu.dma_semaphore, #tpu.memory_space<semaphore_mem>> -> memref<!tpu.dma_semaphore, #tpu.memory_space<semaphore_mem>>
        tpu.wait_indirect_dma semaphore(%dma_wait3A_525 : memref<!tpu.dma_semaphore, #tpu.memory_space<semaphore_mem>>) src(%dma_wait3A_517 : memref<128x8xf32, #tpu.memory_space<vmem>>) dst(%dma_wait3A_523 : memref<100352x8xf32, #tpu.memory_space<vmem_shared>>)
        %dma_start3A_526 = arith.constant 10 : i32
        %dma_start3A_527 = arith.constant 2 : i32
        %dma_start3A_528 = arith.constant 2 : i32
        %dma_start3A_529 = arith.constant 0 : i32
        %dma_start3A_530 = arith.constant 0 : i32
        %dma_start3A_531 = tpu.memref_slice %arg10[%dma_start3A_527, %dma_start3A_529, %dma_start3A_530] : memref<4x128x8xf32, #tpu.memory_space<vmem>> -> memref<1x128x8xf32, #tpu.memory_space<vmem>>
        %dma_start3A_532 = tpu.memref_squeeze %dma_start3A_531 : memref<1x128x8xf32, #tpu.memory_space<vmem>> -> memref<128x8xf32, #tpu.memory_space<vmem>>
        %dma_start3A_533 = arith.constant 0 : i32
        %dma_start3A_534 = tpu.memref_slice %arg8[%dma_start3A_526, %dma_start3A_533] : memref<16x128xi32, #tpu.memory_space<vmem>> -> memref<1x128xi32, #tpu.memory_space<vmem>>
        %dma_start3A_535 = tpu.memref_squeeze %dma_start3A_534 : memref<1x128xi32, #tpu.memory_space<vmem>> -> memref<128xi32, #tpu.memory_space<vmem>>
        %dma_start3A_536 = arith.constant 0 : i32
        %dma_start3A_537 = arith.constant 0 : i32
        %dma_start3A_538 = tpu.memref_slice %arg6[%dma_start3A_536, %dma_start3A_537] : memref<100352x8xf32, #tpu.memory_space<vmem_shared>> -> memref<100352x8xf32, #tpu.memory_space<vmem_shared>>
        %dma_start3A_539 = tpu.memref_slice %arg12[%dma_start3A_528] : memref<4x!tpu.dma_semaphore, #tpu.memory_space<semaphore_mem>> -> memref<1x!tpu.dma_semaphore, #tpu.memory_space<semaphore_mem>>
        %dma_start3A_540 = tpu.memref_squeeze %dma_start3A_539 : memref<1x!tpu.dma_semaphore, #tpu.memory_space<semaphore_mem>> -> memref<!tpu.dma_semaphore, #tpu.memory_space<semaphore_mem>>
        tpu.enqueue_indirect_dma source(%dma_start3A_538 : memref<100352x8xf32, #tpu.memory_space<vmem_shared>>) target(%dma_start3A_532 : memref<128x8xf32, #tpu.memory_space<vmem>>) offsets(%dma_start3A_535 : memref<128xi32, #tpu.memory_space<vmem>>) semaphore(%dma_start3A_540 : memref<!tpu.dma_semaphore, #tpu.memory_space<semaphore_mem>>)
        %dma_wait3A_541 = arith.constant 8 : i32
        %dma_wait3A_542 = arith.constant 0 : i32
        %dma_wait3A_543 = arith.constant 0 : i32
        %dma_wait3A_544 = arith.constant 0 : i32
        %dma_wait3A_545 = arith.constant 0 : i32
        %dma_wait3A_546 = tpu.memref_slice %arg10[%dma_wait3A_542, %dma_wait3A_544, %dma_wait3A_545] : memref<4x128x8xf32, #tpu.memory_space<vmem>> -> memref<1x128x8xf32, #tpu.memory_space<vmem>>
        %dma_wait3A_547 = tpu.memref_squeeze %dma_wait3A_546 : memref<1x128x8xf32, #tpu.memory_space<vmem>> -> memref<128x8xf32, #tpu.memory_space<vmem>>
        %dma_wait3A_548 = arith.constant 0 : i32
        %dma_wait3A_549 = tpu.memref_slice %arg8[%dma_wait3A_541, %dma_wait3A_548] : memref<16x128xi32, #tpu.memory_space<vmem>> -> memref<1x128xi32, #tpu.memory_space<vmem>>
        %dma_wait3A_550 = tpu.memref_squeeze %dma_wait3A_549 : memref<1x128xi32, #tpu.memory_space<vmem>> -> memref<128xi32, #tpu.memory_space<vmem>>
        %dma_wait3A_551 = arith.constant 0 : i32
        %dma_wait3A_552 = arith.constant 0 : i32
        %dma_wait3A_553 = tpu.memref_slice %arg6[%dma_wait3A_551, %dma_wait3A_552] : memref<100352x8xf32, #tpu.memory_space<vmem_shared>> -> memref<100352x8xf32, #tpu.memory_space<vmem_shared>>
        %dma_wait3A_554 = tpu.memref_slice %arg12[%dma_wait3A_543] : memref<4x!tpu.dma_semaphore, #tpu.memory_space<semaphore_mem>> -> memref<1x!tpu.dma_semaphore, #tpu.memory_space<semaphore_mem>>
        %dma_wait3A_555 = tpu.memref_squeeze %dma_wait3A_554 : memref<1x!tpu.dma_semaphore, #tpu.memory_space<semaphore_mem>> -> memref<!tpu.dma_semaphore, #tpu.memory_space<semaphore_mem>>
        tpu.wait_indirect_dma semaphore(%dma_wait3A_555 : memref<!tpu.dma_semaphore, #tpu.memory_space<semaphore_mem>>) src(%dma_wait3A_553 : memref<100352x8xf32, #tpu.memory_space<vmem_shared>>) dst(%dma_wait3A_547 : memref<128x8xf32, #tpu.memory_space<vmem>>)
        %dma_start3A_556 = arith.constant 0 : i32
        %dma_start3A_557 = arith.constant 8 : i32
        %dma_start3A_558 = arith.constant 0 : i32
        %dma_start3A_559 = arith.constant 0 : i32
        %dma_start3A_560 = arith.constant 0 : i32
        %dma_start3A_561 = tpu.memref_slice %arg10[%dma_start3A_556, %dma_start3A_559, %dma_start3A_560] : memref<4x128x8xf32, #tpu.memory_space<vmem>> -> memref<1x128x8xf32, #tpu.memory_space<vmem>>
        %dma_start3A_562 = tpu.memref_squeeze %dma_start3A_561 : memref<1x128x8xf32, #tpu.memory_space<vmem>> -> memref<128x8xf32, #tpu.memory_space<vmem>>
        %dma_start3A_563 = arith.constant 0 : i32
        %dma_start3A_564 = tpu.memref_slice %arg9[%dma_start3A_557, %dma_start3A_563] : memref<16x128xi32, #tpu.memory_space<vmem>> -> memref<1x128xi32, #tpu.memory_space<vmem>>
        %dma_start3A_565 = tpu.memref_squeeze %dma_start3A_564 : memref<1x128xi32, #tpu.memory_space<vmem>> -> memref<128xi32, #tpu.memory_space<vmem>>
        %dma_start3A_566 = arith.constant 0 : i32
        %dma_start3A_567 = arith.constant 0 : i32
        %dma_start3A_568 = tpu.memref_slice %arg7[%dma_start3A_566, %dma_start3A_567] : memref<100352x8xf32, #tpu.memory_space<vmem_shared>> -> memref<100352x8xf32, #tpu.memory_space<vmem_shared>>
        %dma_start3A_569 = tpu.memref_slice %arg13[%dma_start3A_558] : memref<4x!tpu.dma_semaphore, #tpu.memory_space<semaphore_mem>> -> memref<1x!tpu.dma_semaphore, #tpu.memory_space<semaphore_mem>>
        %dma_start3A_570 = tpu.memref_squeeze %dma_start3A_569 : memref<1x!tpu.dma_semaphore, #tpu.memory_space<semaphore_mem>> -> memref<!tpu.dma_semaphore, #tpu.memory_space<semaphore_mem>>
        tpu.enqueue_indirect_dma source(%dma_start3A_562 : memref<128x8xf32, #tpu.memory_space<vmem>>) target(%dma_start3A_568 : memref<100352x8xf32, #tpu.memory_space<vmem_shared>>) offsets(%dma_start3A_565 : memref<128xi32, #tpu.memory_space<vmem>>) semaphore(%dma_start3A_570 : memref<!tpu.dma_semaphore, #tpu.memory_space<semaphore_mem>>) {add = true}
        %dma_wait3A_571 = arith.constant 3 : i32
        %dma_wait3A_572 = arith.constant 7 : i32
        %dma_wait3A_573 = arith.constant 3 : i32
        %dma_wait3A_574 = arith.constant 0 : i32
        %dma_wait3A_575 = arith.constant 0 : i32
        %dma_wait3A_576 = tpu.memref_slice %arg10[%dma_wait3A_571, %dma_wait3A_574, %dma_wait3A_575] : memref<4x128x8xf32, #tpu.memory_space<vmem>> -> memref<1x128x8xf32, #tpu.memory_space<vmem>>
        %dma_wait3A_577 = tpu.memref_squeeze %dma_wait3A_576 : memref<1x128x8xf32, #tpu.memory_space<vmem>> -> memref<128x8xf32, #tpu.memory_space<vmem>>
        %dma_wait3A_578 = arith.constant 0 : i32
        %dma_wait3A_579 = tpu.memref_slice %arg9[%dma_wait3A_572, %dma_wait3A_578] : memref<16x128xi32, #tpu.memory_space<vmem>> -> memref<1x128xi32, #tpu.memory_space<vmem>>
        %dma_wait3A_580 = tpu.memref_squeeze %dma_wait3A_579 : memref<1x128xi32, #tpu.memory_space<vmem>> -> memref<128xi32, #tpu.memory_space<vmem>>
        %dma_wait3A_581 = arith.constant 0 : i32
        %dma_wait3A_582 = arith.constant 0 : i32
        %dma_wait3A_583 = tpu.memref_slice %arg7[%dma_wait3A_581, %dma_wait3A_582] : memref<100352x8xf32, #tpu.memory_space<vmem_shared>> -> memref<100352x8xf32, #tpu.memory_space<vmem_shared>>
        %dma_wait3A_584 = tpu.memref_slice %arg13[%dma_wait3A_573] : memref<4x!tpu.dma_semaphore, #tpu.memory_space<semaphore_mem>> -> memref<1x!tpu.dma_semaphore, #tpu.memory_space<semaphore_mem>>
        %dma_wait3A_585 = tpu.memref_squeeze %dma_wait3A_584 : memref<1x!tpu.dma_semaphore, #tpu.memory_space<semaphore_mem>> -> memref<!tpu.dma_semaphore, #tpu.memory_space<semaphore_mem>>
        tpu.wait_indirect_dma semaphore(%dma_wait3A_585 : memref<!tpu.dma_semaphore, #tpu.memory_space<semaphore_mem>>) src(%dma_wait3A_577 : memref<128x8xf32, #tpu.memory_space<vmem>>) dst(%dma_wait3A_583 : memref<100352x8xf32, #tpu.memory_space<vmem_shared>>)
        %dma_start3A_586 = arith.constant 11 : i32
        %dma_start3A_587 = arith.constant 3 : i32
        %dma_start3A_588 = arith.constant 3 : i32
        %dma_start3A_589 = arith.constant 0 : i32
        %dma_start3A_590 = arith.constant 0 : i32
        %dma_start3A_591 = tpu.memref_slice %arg10[%dma_start3A_587, %dma_start3A_589, %dma_start3A_590] : memref<4x128x8xf32, #tpu.memory_space<vmem>> -> memref<1x128x8xf32, #tpu.memory_space<vmem>>
        %dma_start3A_592 = tpu.memref_squeeze %dma_start3A_591 : memref<1x128x8xf32, #tpu.memory_space<vmem>> -> memref<128x8xf32, #tpu.memory_space<vmem>>
        %dma_start3A_593 = arith.constant 0 : i32
        %dma_start3A_594 = tpu.memref_slice %arg8[%dma_start3A_586, %dma_start3A_593] : memref<16x128xi32, #tpu.memory_space<vmem>> -> memref<1x128xi32, #tpu.memory_space<vmem>>
        %dma_start3A_595 = tpu.memref_squeeze %dma_start3A_594 : memref<1x128xi32, #tpu.memory_space<vmem>> -> memref<128xi32, #tpu.memory_space<vmem>>
        %dma_start3A_596 = arith.constant 0 : i32
        %dma_start3A_597 = arith.constant 0 : i32
        %dma_start3A_598 = tpu.memref_slice %arg6[%dma_start3A_596, %dma_start3A_597] : memref<100352x8xf32, #tpu.memory_space<vmem_shared>> -> memref<100352x8xf32, #tpu.memory_space<vmem_shared>>
        %dma_start3A_599 = tpu.memref_slice %arg12[%dma_start3A_588] : memref<4x!tpu.dma_semaphore, #tpu.memory_space<semaphore_mem>> -> memref<1x!tpu.dma_semaphore, #tpu.memory_space<semaphore_mem>>
        %dma_start3A_600 = tpu.memref_squeeze %dma_start3A_599 : memref<1x!tpu.dma_semaphore, #tpu.memory_space<semaphore_mem>> -> memref<!tpu.dma_semaphore, #tpu.memory_space<semaphore_mem>>
        tpu.enqueue_indirect_dma source(%dma_start3A_598 : memref<100352x8xf32, #tpu.memory_space<vmem_shared>>) target(%dma_start3A_592 : memref<128x8xf32, #tpu.memory_space<vmem>>) offsets(%dma_start3A_595 : memref<128xi32, #tpu.memory_space<vmem>>) semaphore(%dma_start3A_600 : memref<!tpu.dma_semaphore, #tpu.memory_space<semaphore_mem>>)
        %dma_wait3A_601 = arith.constant 9 : i32
        %dma_wait3A_602 = arith.constant 1 : i32
        %dma_wait3A_603 = arith.constant 1 : i32
        %dma_wait3A_604 = arith.constant 0 : i32
        %dma_wait3A_605 = arith.constant 0 : i32
        %dma_wait3A_606 = tpu.memref_slice %arg10[%dma_wait3A_602, %dma_wait3A_604, %dma_wait3A_605] : memref<4x128x8xf32, #tpu.memory_space<vmem>> -> memref<1x128x8xf32, #tpu.memory_space<vmem>>
        %dma_wait3A_607 = tpu.memref_squeeze %dma_wait3A_606 : memref<1x128x8xf32, #tpu.memory_space<vmem>> -> memref<128x8xf32, #tpu.memory_space<vmem>>
        %dma_wait3A_608 = arith.constant 0 : i32
        %dma_wait3A_609 = tpu.memref_slice %arg8[%dma_wait3A_601, %dma_wait3A_608] : memref<16x128xi32, #tpu.memory_space<vmem>> -> memref<1x128xi32, #tpu.memory_space<vmem>>
        %dma_wait3A_610 = tpu.memref_squeeze %dma_wait3A_609 : memref<1x128xi32, #tpu.memory_space<vmem>> -> memref<128xi32, #tpu.memory_space<vmem>>
        %dma_wait3A_611 = arith.constant 0 : i32
        %dma_wait3A_612 = arith.constant 0 : i32
        %dma_wait3A_613 = tpu.memref_slice %arg6[%dma_wait3A_611, %dma_wait3A_612] : memref<100352x8xf32, #tpu.memory_space<vmem_shared>> -> memref<100352x8xf32, #tpu.memory_space<vmem_shared>>
        %dma_wait3A_614 = tpu.memref_slice %arg12[%dma_wait3A_603] : memref<4x!tpu.dma_semaphore, #tpu.memory_space<semaphore_mem>> -> memref<1x!tpu.dma_semaphore, #tpu.memory_space<semaphore_mem>>
        %dma_wait3A_615 = tpu.memref_squeeze %dma_wait3A_614 : memref<1x!tpu.dma_semaphore, #tpu.memory_space<semaphore_mem>> -> memref<!tpu.dma_semaphore, #tpu.memory_space<semaphore_mem>>
        tpu.wait_indirect_dma semaphore(%dma_wait3A_615 : memref<!tpu.dma_semaphore, #tpu.memory_space<semaphore_mem>>) src(%dma_wait3A_613 : memref<100352x8xf32, #tpu.memory_space<vmem_shared>>) dst(%dma_wait3A_607 : memref<128x8xf32, #tpu.memory_space<vmem>>)
        %dma_start3A_616 = arith.constant 1 : i32
        %dma_start3A_617 = arith.constant 9 : i32
        %dma_start3A_618 = arith.constant 1 : i32
        %dma_start3A_619 = arith.constant 0 : i32
        %dma_start3A_620 = arith.constant 0 : i32
        %dma_start3A_621 = tpu.memref_slice %arg10[%dma_start3A_616, %dma_start3A_619, %dma_start3A_620] : memref<4x128x8xf32, #tpu.memory_space<vmem>> -> memref<1x128x8xf32, #tpu.memory_space<vmem>>
        %dma_start3A_622 = tpu.memref_squeeze %dma_start3A_621 : memref<1x128x8xf32, #tpu.memory_space<vmem>> -> memref<128x8xf32, #tpu.memory_space<vmem>>
        %dma_start3A_623 = arith.constant 0 : i32
        %dma_start3A_624 = tpu.memref_slice %arg9[%dma_start3A_617, %dma_start3A_623] : memref<16x128xi32, #tpu.memory_space<vmem>> -> memref<1x128xi32, #tpu.memory_space<vmem>>
        %dma_start3A_625 = tpu.memref_squeeze %dma_start3A_624 : memref<1x128xi32, #tpu.memory_space<vmem>> -> memref<128xi32, #tpu.memory_space<vmem>>
        %dma_start3A_626 = arith.constant 0 : i32
        %dma_start3A_627 = arith.constant 0 : i32
        %dma_start3A_628 = tpu.memref_slice %arg7[%dma_start3A_626, %dma_start3A_627] : memref<100352x8xf32, #tpu.memory_space<vmem_shared>> -> memref<100352x8xf32, #tpu.memory_space<vmem_shared>>
        %dma_start3A_629 = tpu.memref_slice %arg13[%dma_start3A_618] : memref<4x!tpu.dma_semaphore, #tpu.memory_space<semaphore_mem>> -> memref<1x!tpu.dma_semaphore, #tpu.memory_space<semaphore_mem>>
        %dma_start3A_630 = tpu.memref_squeeze %dma_start3A_629 : memref<1x!tpu.dma_semaphore, #tpu.memory_space<semaphore_mem>> -> memref<!tpu.dma_semaphore, #tpu.memory_space<semaphore_mem>>
        tpu.enqueue_indirect_dma source(%dma_start3A_622 : memref<128x8xf32, #tpu.memory_space<vmem>>) target(%dma_start3A_628 : memref<100352x8xf32, #tpu.memory_space<vmem_shared>>) offsets(%dma_start3A_625 : memref<128xi32, #tpu.memory_space<vmem>>) semaphore(%dma_start3A_630 : memref<!tpu.dma_semaphore, #tpu.memory_space<semaphore_mem>>) {add = true}
        %dma_wait3A_631 = arith.constant 0 : i32
        %dma_wait3A_632 = arith.constant 8 : i32
        %dma_wait3A_633 = arith.constant 0 : i32
        %dma_wait3A_634 = arith.constant 0 : i32
        %dma_wait3A_635 = arith.constant 0 : i32
        %dma_wait3A_636 = tpu.memref_slice %arg10[%dma_wait3A_631, %dma_wait3A_634, %dma_wait3A_635] : memref<4x128x8xf32, #tpu.memory_space<vmem>> -> memref<1x128x8xf32, #tpu.memory_space<vmem>>
        %dma_wait3A_637 = tpu.memref_squeeze %dma_wait3A_636 : memref<1x128x8xf32, #tpu.memory_space<vmem>> -> memref<128x8xf32, #tpu.memory_space<vmem>>
        %dma_wait3A_638 = arith.constant 0 : i32
        %dma_wait3A_639 = tpu.memref_slice %arg9[%dma_wait3A_632, %dma_wait3A_638] : memref<16x128xi32, #tpu.memory_space<vmem>> -> memref<1x128xi32, #tpu.memory_space<vmem>>
        %dma_wait3A_640 = tpu.memref_squeeze %dma_wait3A_639 : memref<1x128xi32, #tpu.memory_space<vmem>> -> memref<128xi32, #tpu.memory_space<vmem>>
        %dma_wait3A_641 = arith.constant 0 : i32
        %dma_wait3A_642 = arith.constant 0 : i32
        %dma_wait3A_643 = tpu.memref_slice %arg7[%dma_wait3A_641, %dma_wait3A_642] : memref<100352x8xf32, #tpu.memory_space<vmem_shared>> -> memref<100352x8xf32, #tpu.memory_space<vmem_shared>>
        %dma_wait3A_644 = tpu.memref_slice %arg13[%dma_wait3A_633] : memref<4x!tpu.dma_semaphore, #tpu.memory_space<semaphore_mem>> -> memref<1x!tpu.dma_semaphore, #tpu.memory_space<semaphore_mem>>
        %dma_wait3A_645 = tpu.memref_squeeze %dma_wait3A_644 : memref<1x!tpu.dma_semaphore, #tpu.memory_space<semaphore_mem>> -> memref<!tpu.dma_semaphore, #tpu.memory_space<semaphore_mem>>
        tpu.wait_indirect_dma semaphore(%dma_wait3A_645 : memref<!tpu.dma_semaphore, #tpu.memory_space<semaphore_mem>>) src(%dma_wait3A_637 : memref<128x8xf32, #tpu.memory_space<vmem>>) dst(%dma_wait3A_643 : memref<100352x8xf32, #tpu.memory_space<vmem_shared>>)
        %dma_start3A_646 = arith.constant 12 : i32
        %dma_start3A_647 = arith.constant 0 : i32
        %dma_start3A_648 = arith.constant 0 : i32
        %dma_start3A_649 = arith.constant 0 : i32
        %dma_start3A_650 = arith.constant 0 : i32
        %dma_start3A_651 = tpu.memref_slice %arg10[%dma_start3A_647, %dma_start3A_649, %dma_start3A_650] : memref<4x128x8xf32, #tpu.memory_space<vmem>> -> memref<1x128x8xf32, #tpu.memory_space<vmem>>
        %dma_start3A_652 = tpu.memref_squeeze %dma_start3A_651 : memref<1x128x8xf32, #tpu.memory_space<vmem>> -> memref<128x8xf32, #tpu.memory_space<vmem>>
        %dma_start3A_653 = arith.constant 0 : i32
        %dma_start3A_654 = tpu.memref_slice %arg8[%dma_start3A_646, %dma_start3A_653] : memref<16x128xi32, #tpu.memory_space<vmem>> -> memref<1x128xi32, #tpu.memory_space<vmem>>
        %dma_start3A_655 = tpu.memref_squeeze %dma_start3A_654 : memref<1x128xi32, #tpu.memory_space<vmem>> -> memref<128xi32, #tpu.memory_space<vmem>>
        %dma_start3A_656 = arith.constant 0 : i32
        %dma_start3A_657 = arith.constant 0 : i32
        %dma_start3A_658 = tpu.memref_slice %arg6[%dma_start3A_656, %dma_start3A_657] : memref<100352x8xf32, #tpu.memory_space<vmem_shared>> -> memref<100352x8xf32, #tpu.memory_space<vmem_shared>>
        %dma_start3A_659 = tpu.memref_slice %arg12[%dma_start3A_648] : memref<4x!tpu.dma_semaphore, #tpu.memory_space<semaphore_mem>> -> memref<1x!tpu.dma_semaphore, #tpu.memory_space<semaphore_mem>>
        %dma_start3A_660 = tpu.memref_squeeze %dma_start3A_659 : memref<1x!tpu.dma_semaphore, #tpu.memory_space<semaphore_mem>> -> memref<!tpu.dma_semaphore, #tpu.memory_space<semaphore_mem>>
        tpu.enqueue_indirect_dma source(%dma_start3A_658 : memref<100352x8xf32, #tpu.memory_space<vmem_shared>>) target(%dma_start3A_652 : memref<128x8xf32, #tpu.memory_space<vmem>>) offsets(%dma_start3A_655 : memref<128xi32, #tpu.memory_space<vmem>>) semaphore(%dma_start3A_660 : memref<!tpu.dma_semaphore, #tpu.memory_space<semaphore_mem>>)
        %dma_wait3A_661 = arith.constant 10 : i32
        %dma_wait3A_662 = arith.constant 2 : i32
        %dma_wait3A_663 = arith.constant 2 : i32
        %dma_wait3A_664 = arith.constant 0 : i32
        %dma_wait3A_665 = arith.constant 0 : i32
        %dma_wait3A_666 = tpu.memref_slice %arg10[%dma_wait3A_662, %dma_wait3A_664, %dma_wait3A_665] : memref<4x128x8xf32, #tpu.memory_space<vmem>> -> memref<1x128x8xf32, #tpu.memory_space<vmem>>
        %dma_wait3A_667 = tpu.memref_squeeze %dma_wait3A_666 : memref<1x128x8xf32, #tpu.memory_space<vmem>> -> memref<128x8xf32, #tpu.memory_space<vmem>>
        %dma_wait3A_668 = arith.constant 0 : i32
        %dma_wait3A_669 = tpu.memref_slice %arg8[%dma_wait3A_661, %dma_wait3A_668] : memref<16x128xi32, #tpu.memory_space<vmem>> -> memref<1x128xi32, #tpu.memory_space<vmem>>
        %dma_wait3A_670 = tpu.memref_squeeze %dma_wait3A_669 : memref<1x128xi32, #tpu.memory_space<vmem>> -> memref<128xi32, #tpu.memory_space<vmem>>
        %dma_wait3A_671 = arith.constant 0 : i32
        %dma_wait3A_672 = arith.constant 0 : i32
        %dma_wait3A_673 = tpu.memref_slice %arg6[%dma_wait3A_671, %dma_wait3A_672] : memref<100352x8xf32, #tpu.memory_space<vmem_shared>> -> memref<100352x8xf32, #tpu.memory_space<vmem_shared>>
        %dma_wait3A_674 = tpu.memref_slice %arg12[%dma_wait3A_663] : memref<4x!tpu.dma_semaphore, #tpu.memory_space<semaphore_mem>> -> memref<1x!tpu.dma_semaphore, #tpu.memory_space<semaphore_mem>>
        %dma_wait3A_675 = tpu.memref_squeeze %dma_wait3A_674 : memref<1x!tpu.dma_semaphore, #tpu.memory_space<semaphore_mem>> -> memref<!tpu.dma_semaphore, #tpu.memory_space<semaphore_mem>>
        tpu.wait_indirect_dma semaphore(%dma_wait3A_675 : memref<!tpu.dma_semaphore, #tpu.memory_space<semaphore_mem>>) src(%dma_wait3A_673 : memref<100352x8xf32, #tpu.memory_space<vmem_shared>>) dst(%dma_wait3A_667 : memref<128x8xf32, #tpu.memory_space<vmem>>)
        %dma_start3A_676 = arith.constant 2 : i32
        %dma_start3A_677 = arith.constant 10 : i32
        %dma_start3A_678 = arith.constant 2 : i32
        %dma_start3A_679 = arith.constant 0 : i32
        %dma_start3A_680 = arith.constant 0 : i32
        %dma_start3A_681 = tpu.memref_slice %arg10[%dma_start3A_676, %dma_start3A_679, %dma_start3A_680] : memref<4x128x8xf32, #tpu.memory_space<vmem>> -> memref<1x128x8xf32, #tpu.memory_space<vmem>>
        %dma_start3A_682 = tpu.memref_squeeze %dma_start3A_681 : memref<1x128x8xf32, #tpu.memory_space<vmem>> -> memref<128x8xf32, #tpu.memory_space<vmem>>
        %dma_start3A_683 = arith.constant 0 : i32
        %dma_start3A_684 = tpu.memref_slice %arg9[%dma_start3A_677, %dma_start3A_683] : memref<16x128xi32, #tpu.memory_space<vmem>> -> memref<1x128xi32, #tpu.memory_space<vmem>>
        %dma_start3A_685 = tpu.memref_squeeze %dma_start3A_684 : memref<1x128xi32, #tpu.memory_space<vmem>> -> memref<128xi32, #tpu.memory_space<vmem>>
        %dma_start3A_686 = arith.constant 0 : i32
        %dma_start3A_687 = arith.constant 0 : i32
        %dma_start3A_688 = tpu.memref_slice %arg7[%dma_start3A_686, %dma_start3A_687] : memref<100352x8xf32, #tpu.memory_space<vmem_shared>> -> memref<100352x8xf32, #tpu.memory_space<vmem_shared>>
        %dma_start3A_689 = tpu.memref_slice %arg13[%dma_start3A_678] : memref<4x!tpu.dma_semaphore, #tpu.memory_space<semaphore_mem>> -> memref<1x!tpu.dma_semaphore, #tpu.memory_space<semaphore_mem>>
        %dma_start3A_690 = tpu.memref_squeeze %dma_start3A_689 : memref<1x!tpu.dma_semaphore, #tpu.memory_space<semaphore_mem>> -> memref<!tpu.dma_semaphore, #tpu.memory_space<semaphore_mem>>
        tpu.enqueue_indirect_dma source(%dma_start3A_682 : memref<128x8xf32, #tpu.memory_space<vmem>>) target(%dma_start3A_688 : memref<100352x8xf32, #tpu.memory_space<vmem_shared>>) offsets(%dma_start3A_685 : memref<128xi32, #tpu.memory_space<vmem>>) semaphore(%dma_start3A_690 : memref<!tpu.dma_semaphore, #tpu.memory_space<semaphore_mem>>) {add = true}
        %dma_wait3A_691 = arith.constant 1 : i32
        %dma_wait3A_692 = arith.constant 9 : i32
        %dma_wait3A_693 = arith.constant 1 : i32
        %dma_wait3A_694 = arith.constant 0 : i32
        %dma_wait3A_695 = arith.constant 0 : i32
        %dma_wait3A_696 = tpu.memref_slice %arg10[%dma_wait3A_691, %dma_wait3A_694, %dma_wait3A_695] : memref<4x128x8xf32, #tpu.memory_space<vmem>> -> memref<1x128x8xf32, #tpu.memory_space<vmem>>
        %dma_wait3A_697 = tpu.memref_squeeze %dma_wait3A_696 : memref<1x128x8xf32, #tpu.memory_space<vmem>> -> memref<128x8xf32, #tpu.memory_space<vmem>>
        %dma_wait3A_698 = arith.constant 0 : i32
        %dma_wait3A_699 = tpu.memref_slice %arg9[%dma_wait3A_692, %dma_wait3A_698] : memref<16x128xi32, #tpu.memory_space<vmem>> -> memref<1x128xi32, #tpu.memory_space<vmem>>
        %dma_wait3A_700 = tpu.memref_squeeze %dma_wait3A_699 : memref<1x128xi32, #tpu.memory_space<vmem>> -> memref<128xi32, #tpu.memory_space<vmem>>
        %dma_wait3A_701 = arith.constant 0 : i32
        %dma_wait3A_702 = arith.constant 0 : i32
        %dma_wait3A_703 = tpu.memref_slice %arg7[%dma_wait3A_701, %dma_wait3A_702] : memref<100352x8xf32, #tpu.memory_space<vmem_shared>> -> memref<100352x8xf32, #tpu.memory_space<vmem_shared>>
        %dma_wait3A_704 = tpu.memref_slice %arg13[%dma_wait3A_693] : memref<4x!tpu.dma_semaphore, #tpu.memory_space<semaphore_mem>> -> memref<1x!tpu.dma_semaphore, #tpu.memory_space<semaphore_mem>>
        %dma_wait3A_705 = tpu.memref_squeeze %dma_wait3A_704 : memref<1x!tpu.dma_semaphore, #tpu.memory_space<semaphore_mem>> -> memref<!tpu.dma_semaphore, #tpu.memory_space<semaphore_mem>>
        tpu.wait_indirect_dma semaphore(%dma_wait3A_705 : memref<!tpu.dma_semaphore, #tpu.memory_space<semaphore_mem>>) src(%dma_wait3A_697 : memref<128x8xf32, #tpu.memory_space<vmem>>) dst(%dma_wait3A_703 : memref<100352x8xf32, #tpu.memory_space<vmem_shared>>)
        %dma_start3A_706 = arith.constant 13 : i32
        %dma_start3A_707 = arith.constant 1 : i32
        %dma_start3A_708 = arith.constant 1 : i32
        %dma_start3A_709 = arith.constant 0 : i32
        %dma_start3A_710 = arith.constant 0 : i32
        %dma_start3A_711 = tpu.memref_slice %arg10[%dma_start3A_707, %dma_start3A_709, %dma_start3A_710] : memref<4x128x8xf32, #tpu.memory_space<vmem>> -> memref<1x128x8xf32, #tpu.memory_space<vmem>>
        %dma_start3A_712 = tpu.memref_squeeze %dma_start3A_711 : memref<1x128x8xf32, #tpu.memory_space<vmem>> -> memref<128x8xf32, #tpu.memory_space<vmem>>
        %dma_start3A_713 = arith.constant 0 : i32
        %dma_start3A_714 = tpu.memref_slice %arg8[%dma_start3A_706, %dma_start3A_713] : memref<16x128xi32, #tpu.memory_space<vmem>> -> memref<1x128xi32, #tpu.memory_space<vmem>>
        %dma_start3A_715 = tpu.memref_squeeze %dma_start3A_714 : memref<1x128xi32, #tpu.memory_space<vmem>> -> memref<128xi32, #tpu.memory_space<vmem>>
        %dma_start3A_716 = arith.constant 0 : i32
        %dma_start3A_717 = arith.constant 0 : i32
        %dma_start3A_718 = tpu.memref_slice %arg6[%dma_start3A_716, %dma_start3A_717] : memref<100352x8xf32, #tpu.memory_space<vmem_shared>> -> memref<100352x8xf32, #tpu.memory_space<vmem_shared>>
        %dma_start3A_719 = tpu.memref_slice %arg12[%dma_start3A_708] : memref<4x!tpu.dma_semaphore, #tpu.memory_space<semaphore_mem>> -> memref<1x!tpu.dma_semaphore, #tpu.memory_space<semaphore_mem>>
        %dma_start3A_720 = tpu.memref_squeeze %dma_start3A_719 : memref<1x!tpu.dma_semaphore, #tpu.memory_space<semaphore_mem>> -> memref<!tpu.dma_semaphore, #tpu.memory_space<semaphore_mem>>
        tpu.enqueue_indirect_dma source(%dma_start3A_718 : memref<100352x8xf32, #tpu.memory_space<vmem_shared>>) target(%dma_start3A_712 : memref<128x8xf32, #tpu.memory_space<vmem>>) offsets(%dma_start3A_715 : memref<128xi32, #tpu.memory_space<vmem>>) semaphore(%dma_start3A_720 : memref<!tpu.dma_semaphore, #tpu.memory_space<semaphore_mem>>)
        %dma_wait3A_721 = arith.constant 11 : i32
        %dma_wait3A_722 = arith.constant 3 : i32
        %dma_wait3A_723 = arith.constant 3 : i32
        %dma_wait3A_724 = arith.constant 0 : i32
        %dma_wait3A_725 = arith.constant 0 : i32
        %dma_wait3A_726 = tpu.memref_slice %arg10[%dma_wait3A_722, %dma_wait3A_724, %dma_wait3A_725] : memref<4x128x8xf32, #tpu.memory_space<vmem>> -> memref<1x128x8xf32, #tpu.memory_space<vmem>>
        %dma_wait3A_727 = tpu.memref_squeeze %dma_wait3A_726 : memref<1x128x8xf32, #tpu.memory_space<vmem>> -> memref<128x8xf32, #tpu.memory_space<vmem>>
        %dma_wait3A_728 = arith.constant 0 : i32
        %dma_wait3A_729 = tpu.memref_slice %arg8[%dma_wait3A_721, %dma_wait3A_728] : memref<16x128xi32, #tpu.memory_space<vmem>> -> memref<1x128xi32, #tpu.memory_space<vmem>>
        %dma_wait3A_730 = tpu.memref_squeeze %dma_wait3A_729 : memref<1x128xi32, #tpu.memory_space<vmem>> -> memref<128xi32, #tpu.memory_space<vmem>>
        %dma_wait3A_731 = arith.constant 0 : i32
        %dma_wait3A_732 = arith.constant 0 : i32
        %dma_wait3A_733 = tpu.memref_slice %arg6[%dma_wait3A_731, %dma_wait3A_732] : memref<100352x8xf32, #tpu.memory_space<vmem_shared>> -> memref<100352x8xf32, #tpu.memory_space<vmem_shared>>
        %dma_wait3A_734 = tpu.memref_slice %arg12[%dma_wait3A_723] : memref<4x!tpu.dma_semaphore, #tpu.memory_space<semaphore_mem>> -> memref<1x!tpu.dma_semaphore, #tpu.memory_space<semaphore_mem>>
        %dma_wait3A_735 = tpu.memref_squeeze %dma_wait3A_734 : memref<1x!tpu.dma_semaphore, #tpu.memory_space<semaphore_mem>> -> memref<!tpu.dma_semaphore, #tpu.memory_space<semaphore_mem>>
        tpu.wait_indirect_dma semaphore(%dma_wait3A_735 : memref<!tpu.dma_semaphore, #tpu.memory_space<semaphore_mem>>) src(%dma_wait3A_733 : memref<100352x8xf32, #tpu.memory_space<vmem_shared>>) dst(%dma_wait3A_727 : memref<128x8xf32, #tpu.memory_space<vmem>>)
        %dma_start3A_736 = arith.constant 3 : i32
        %dma_start3A_737 = arith.constant 11 : i32
        %dma_start3A_738 = arith.constant 3 : i32
        %dma_start3A_739 = arith.constant 0 : i32
        %dma_start3A_740 = arith.constant 0 : i32
        %dma_start3A_741 = tpu.memref_slice %arg10[%dma_start3A_736, %dma_start3A_739, %dma_start3A_740] : memref<4x128x8xf32, #tpu.memory_space<vmem>> -> memref<1x128x8xf32, #tpu.memory_space<vmem>>
        %dma_start3A_742 = tpu.memref_squeeze %dma_start3A_741 : memref<1x128x8xf32, #tpu.memory_space<vmem>> -> memref<128x8xf32, #tpu.memory_space<vmem>>
        %dma_start3A_743 = arith.constant 0 : i32
        %dma_start3A_744 = tpu.memref_slice %arg9[%dma_start3A_737, %dma_start3A_743] : memref<16x128xi32, #tpu.memory_space<vmem>> -> memref<1x128xi32, #tpu.memory_space<vmem>>
        %dma_start3A_745 = tpu.memref_squeeze %dma_start3A_744 : memref<1x128xi32, #tpu.memory_space<vmem>> -> memref<128xi32, #tpu.memory_space<vmem>>
        %dma_start3A_746 = arith.constant 0 : i32
        %dma_start3A_747 = arith.constant 0 : i32
        %dma_start3A_748 = tpu.memref_slice %arg7[%dma_start3A_746, %dma_start3A_747] : memref<100352x8xf32, #tpu.memory_space<vmem_shared>> -> memref<100352x8xf32, #tpu.memory_space<vmem_shared>>
        %dma_start3A_749 = tpu.memref_slice %arg13[%dma_start3A_738] : memref<4x!tpu.dma_semaphore, #tpu.memory_space<semaphore_mem>> -> memref<1x!tpu.dma_semaphore, #tpu.memory_space<semaphore_mem>>
        %dma_start3A_750 = tpu.memref_squeeze %dma_start3A_749 : memref<1x!tpu.dma_semaphore, #tpu.memory_space<semaphore_mem>> -> memref<!tpu.dma_semaphore, #tpu.memory_space<semaphore_mem>>
        tpu.enqueue_indirect_dma source(%dma_start3A_742 : memref<128x8xf32, #tpu.memory_space<vmem>>) target(%dma_start3A_748 : memref<100352x8xf32, #tpu.memory_space<vmem_shared>>) offsets(%dma_start3A_745 : memref<128xi32, #tpu.memory_space<vmem>>) semaphore(%dma_start3A_750 : memref<!tpu.dma_semaphore, #tpu.memory_space<semaphore_mem>>) {add = true}
        %dma_wait3A_751 = arith.constant 2 : i32
        %dma_wait3A_752 = arith.constant 10 : i32
        %dma_wait3A_753 = arith.constant 2 : i32
        %dma_wait3A_754 = arith.constant 0 : i32
        %dma_wait3A_755 = arith.constant 0 : i32
        %dma_wait3A_756 = tpu.memref_slice %arg10[%dma_wait3A_751, %dma_wait3A_754, %dma_wait3A_755] : memref<4x128x8xf32, #tpu.memory_space<vmem>> -> memref<1x128x8xf32, #tpu.memory_space<vmem>>
        %dma_wait3A_757 = tpu.memref_squeeze %dma_wait3A_756 : memref<1x128x8xf32, #tpu.memory_space<vmem>> -> memref<128x8xf32, #tpu.memory_space<vmem>>
        %dma_wait3A_758 = arith.constant 0 : i32
        %dma_wait3A_759 = tpu.memref_slice %arg9[%dma_wait3A_752, %dma_wait3A_758] : memref<16x128xi32, #tpu.memory_space<vmem>> -> memref<1x128xi32, #tpu.memory_space<vmem>>
        %dma_wait3A_760 = tpu.memref_squeeze %dma_wait3A_759 : memref<1x128xi32, #tpu.memory_space<vmem>> -> memref<128xi32, #tpu.memory_space<vmem>>
        %dma_wait3A_761 = arith.constant 0 : i32
        %dma_wait3A_762 = arith.constant 0 : i32
        %dma_wait3A_763 = tpu.memref_slice %arg7[%dma_wait3A_761, %dma_wait3A_762] : memref<100352x8xf32, #tpu.memory_space<vmem_shared>> -> memref<100352x8xf32, #tpu.memory_space<vmem_shared>>
        %dma_wait3A_764 = tpu.memref_slice %arg13[%dma_wait3A_753] : memref<4x!tpu.dma_semaphore, #tpu.memory_space<semaphore_mem>> -> memref<1x!tpu.dma_semaphore, #tpu.memory_space<semaphore_mem>>
        %dma_wait3A_765 = tpu.memref_squeeze %dma_wait3A_764 : memref<1x!tpu.dma_semaphore, #tpu.memory_space<semaphore_mem>> -> memref<!tpu.dma_semaphore, #tpu.memory_space<semaphore_mem>>
        tpu.wait_indirect_dma semaphore(%dma_wait3A_765 : memref<!tpu.dma_semaphore, #tpu.memory_space<semaphore_mem>>) src(%dma_wait3A_757 : memref<128x8xf32, #tpu.memory_space<vmem>>) dst(%dma_wait3A_763 : memref<100352x8xf32, #tpu.memory_space<vmem_shared>>)
        %dma_start3A_766 = arith.constant 14 : i32
        %dma_start3A_767 = arith.constant 2 : i32
        %dma_start3A_768 = arith.constant 2 : i32
        %dma_start3A_769 = arith.constant 0 : i32
        %dma_start3A_770 = arith.constant 0 : i32
        %dma_start3A_771 = tpu.memref_slice %arg10[%dma_start3A_767, %dma_start3A_769, %dma_start3A_770] : memref<4x128x8xf32, #tpu.memory_space<vmem>> -> memref<1x128x8xf32, #tpu.memory_space<vmem>>
        %dma_start3A_772 = tpu.memref_squeeze %dma_start3A_771 : memref<1x128x8xf32, #tpu.memory_space<vmem>> -> memref<128x8xf32, #tpu.memory_space<vmem>>
        %dma_start3A_773 = arith.constant 0 : i32
        %dma_start3A_774 = tpu.memref_slice %arg8[%dma_start3A_766, %dma_start3A_773] : memref<16x128xi32, #tpu.memory_space<vmem>> -> memref<1x128xi32, #tpu.memory_space<vmem>>
        %dma_start3A_775 = tpu.memref_squeeze %dma_start3A_774 : memref<1x128xi32, #tpu.memory_space<vmem>> -> memref<128xi32, #tpu.memory_space<vmem>>
        %dma_start3A_776 = arith.constant 0 : i32
        %dma_start3A_777 = arith.constant 0 : i32
        %dma_start3A_778 = tpu.memref_slice %arg6[%dma_start3A_776, %dma_start3A_777] : memref<100352x8xf32, #tpu.memory_space<vmem_shared>> -> memref<100352x8xf32, #tpu.memory_space<vmem_shared>>
        %dma_start3A_779 = tpu.memref_slice %arg12[%dma_start3A_768] : memref<4x!tpu.dma_semaphore, #tpu.memory_space<semaphore_mem>> -> memref<1x!tpu.dma_semaphore, #tpu.memory_space<semaphore_mem>>
        %dma_start3A_780 = tpu.memref_squeeze %dma_start3A_779 : memref<1x!tpu.dma_semaphore, #tpu.memory_space<semaphore_mem>> -> memref<!tpu.dma_semaphore, #tpu.memory_space<semaphore_mem>>
        tpu.enqueue_indirect_dma source(%dma_start3A_778 : memref<100352x8xf32, #tpu.memory_space<vmem_shared>>) target(%dma_start3A_772 : memref<128x8xf32, #tpu.memory_space<vmem>>) offsets(%dma_start3A_775 : memref<128xi32, #tpu.memory_space<vmem>>) semaphore(%dma_start3A_780 : memref<!tpu.dma_semaphore, #tpu.memory_space<semaphore_mem>>)
        %dma_wait3A_781 = arith.constant 12 : i32
        %dma_wait3A_782 = arith.constant 0 : i32
        %dma_wait3A_783 = arith.constant 0 : i32
        %dma_wait3A_784 = arith.constant 0 : i32
        %dma_wait3A_785 = arith.constant 0 : i32
        %dma_wait3A_786 = tpu.memref_slice %arg10[%dma_wait3A_782, %dma_wait3A_784, %dma_wait3A_785] : memref<4x128x8xf32, #tpu.memory_space<vmem>> -> memref<1x128x8xf32, #tpu.memory_space<vmem>>
        %dma_wait3A_787 = tpu.memref_squeeze %dma_wait3A_786 : memref<1x128x8xf32, #tpu.memory_space<vmem>> -> memref<128x8xf32, #tpu.memory_space<vmem>>
        %dma_wait3A_788 = arith.constant 0 : i32
        %dma_wait3A_789 = tpu.memref_slice %arg8[%dma_wait3A_781, %dma_wait3A_788] : memref<16x128xi32, #tpu.memory_space<vmem>> -> memref<1x128xi32, #tpu.memory_space<vmem>>
        %dma_wait3A_790 = tpu.memref_squeeze %dma_wait3A_789 : memref<1x128xi32, #tpu.memory_space<vmem>> -> memref<128xi32, #tpu.memory_space<vmem>>
        %dma_wait3A_791 = arith.constant 0 : i32
        %dma_wait3A_792 = arith.constant 0 : i32
        %dma_wait3A_793 = tpu.memref_slice %arg6[%dma_wait3A_791, %dma_wait3A_792] : memref<100352x8xf32, #tpu.memory_space<vmem_shared>> -> memref<100352x8xf32, #tpu.memory_space<vmem_shared>>
        %dma_wait3A_794 = tpu.memref_slice %arg12[%dma_wait3A_783] : memref<4x!tpu.dma_semaphore, #tpu.memory_space<semaphore_mem>> -> memref<1x!tpu.dma_semaphore, #tpu.memory_space<semaphore_mem>>
        %dma_wait3A_795 = tpu.memref_squeeze %dma_wait3A_794 : memref<1x!tpu.dma_semaphore, #tpu.memory_space<semaphore_mem>> -> memref<!tpu.dma_semaphore, #tpu.memory_space<semaphore_mem>>
        tpu.wait_indirect_dma semaphore(%dma_wait3A_795 : memref<!tpu.dma_semaphore, #tpu.memory_space<semaphore_mem>>) src(%dma_wait3A_793 : memref<100352x8xf32, #tpu.memory_space<vmem_shared>>) dst(%dma_wait3A_787 : memref<128x8xf32, #tpu.memory_space<vmem>>)
        %dma_start3A_796 = arith.constant 0 : i32
        %dma_start3A_797 = arith.constant 12 : i32
        %dma_start3A_798 = arith.constant 0 : i32
        %dma_start3A_799 = arith.constant 0 : i32
        %dma_start3A_800 = arith.constant 0 : i32
        %dma_start3A_801 = tpu.memref_slice %arg10[%dma_start3A_796, %dma_start3A_799, %dma_start3A_800] : memref<4x128x8xf32, #tpu.memory_space<vmem>> -> memref<1x128x8xf32, #tpu.memory_space<vmem>>
        %dma_start3A_802 = tpu.memref_squeeze %dma_start3A_801 : memref<1x128x8xf32, #tpu.memory_space<vmem>> -> memref<128x8xf32, #tpu.memory_space<vmem>>
        %dma_start3A_803 = arith.constant 0 : i32
        %dma_start3A_804 = tpu.memref_slice %arg9[%dma_start3A_797, %dma_start3A_803] : memref<16x128xi32, #tpu.memory_space<vmem>> -> memref<1x128xi32, #tpu.memory_space<vmem>>
        %dma_start3A_805 = tpu.memref_squeeze %dma_start3A_804 : memref<1x128xi32, #tpu.memory_space<vmem>> -> memref<128xi32, #tpu.memory_space<vmem>>
        %dma_start3A_806 = arith.constant 0 : i32
        %dma_start3A_807 = arith.constant 0 : i32
        %dma_start3A_808 = tpu.memref_slice %arg7[%dma_start3A_806, %dma_start3A_807] : memref<100352x8xf32, #tpu.memory_space<vmem_shared>> -> memref<100352x8xf32, #tpu.memory_space<vmem_shared>>
        %dma_start3A_809 = tpu.memref_slice %arg13[%dma_start3A_798] : memref<4x!tpu.dma_semaphore, #tpu.memory_space<semaphore_mem>> -> memref<1x!tpu.dma_semaphore, #tpu.memory_space<semaphore_mem>>
        %dma_start3A_810 = tpu.memref_squeeze %dma_start3A_809 : memref<1x!tpu.dma_semaphore, #tpu.memory_space<semaphore_mem>> -> memref<!tpu.dma_semaphore, #tpu.memory_space<semaphore_mem>>
        tpu.enqueue_indirect_dma source(%dma_start3A_802 : memref<128x8xf32, #tpu.memory_space<vmem>>) target(%dma_start3A_808 : memref<100352x8xf32, #tpu.memory_space<vmem_shared>>) offsets(%dma_start3A_805 : memref<128xi32, #tpu.memory_space<vmem>>) semaphore(%dma_start3A_810 : memref<!tpu.dma_semaphore, #tpu.memory_space<semaphore_mem>>) {add = true}
        %dma_wait3A_811 = arith.constant 3 : i32
        %dma_wait3A_812 = arith.constant 11 : i32
        %dma_wait3A_813 = arith.constant 3 : i32
        %dma_wait3A_814 = arith.constant 0 : i32
        %dma_wait3A_815 = arith.constant 0 : i32
        %dma_wait3A_816 = tpu.memref_slice %arg10[%dma_wait3A_811, %dma_wait3A_814, %dma_wait3A_815] : memref<4x128x8xf32, #tpu.memory_space<vmem>> -> memref<1x128x8xf32, #tpu.memory_space<vmem>>
        %dma_wait3A_817 = tpu.memref_squeeze %dma_wait3A_816 : memref<1x128x8xf32, #tpu.memory_space<vmem>> -> memref<128x8xf32, #tpu.memory_space<vmem>>
        %dma_wait3A_818 = arith.constant 0 : i32
        %dma_wait3A_819 = tpu.memref_slice %arg9[%dma_wait3A_812, %dma_wait3A_818] : memref<16x128xi32, #tpu.memory_space<vmem>> -> memref<1x128xi32, #tpu.memory_space<vmem>>
        %dma_wait3A_820 = tpu.memref_squeeze %dma_wait3A_819 : memref<1x128xi32, #tpu.memory_space<vmem>> -> memref<128xi32, #tpu.memory_space<vmem>>
        %dma_wait3A_821 = arith.constant 0 : i32
        %dma_wait3A_822 = arith.constant 0 : i32
        %dma_wait3A_823 = tpu.memref_slice %arg7[%dma_wait3A_821, %dma_wait3A_822] : memref<100352x8xf32, #tpu.memory_space<vmem_shared>> -> memref<100352x8xf32, #tpu.memory_space<vmem_shared>>
        %dma_wait3A_824 = tpu.memref_slice %arg13[%dma_wait3A_813] : memref<4x!tpu.dma_semaphore, #tpu.memory_space<semaphore_mem>> -> memref<1x!tpu.dma_semaphore, #tpu.memory_space<semaphore_mem>>
        %dma_wait3A_825 = tpu.memref_squeeze %dma_wait3A_824 : memref<1x!tpu.dma_semaphore, #tpu.memory_space<semaphore_mem>> -> memref<!tpu.dma_semaphore, #tpu.memory_space<semaphore_mem>>
        tpu.wait_indirect_dma semaphore(%dma_wait3A_825 : memref<!tpu.dma_semaphore, #tpu.memory_space<semaphore_mem>>) src(%dma_wait3A_817 : memref<128x8xf32, #tpu.memory_space<vmem>>) dst(%dma_wait3A_823 : memref<100352x8xf32, #tpu.memory_space<vmem_shared>>)
        %dma_start3A_826 = arith.constant 15 : i32
        %dma_start3A_827 = arith.constant 3 : i32
        %dma_start3A_828 = arith.constant 3 : i32
        %dma_start3A_829 = arith.constant 0 : i32
        %dma_start3A_830 = arith.constant 0 : i32
        %dma_start3A_831 = tpu.memref_slice %arg10[%dma_start3A_827, %dma_start3A_829, %dma_start3A_830] : memref<4x128x8xf32, #tpu.memory_space<vmem>> -> memref<1x128x8xf32, #tpu.memory_space<vmem>>
        %dma_start3A_832 = tpu.memref_squeeze %dma_start3A_831 : memref<1x128x8xf32, #tpu.memory_space<vmem>> -> memref<128x8xf32, #tpu.memory_space<vmem>>
        %dma_start3A_833 = arith.constant 0 : i32
        %dma_start3A_834 = tpu.memref_slice %arg8[%dma_start3A_826, %dma_start3A_833] : memref<16x128xi32, #tpu.memory_space<vmem>> -> memref<1x128xi32, #tpu.memory_space<vmem>>
        %dma_start3A_835 = tpu.memref_squeeze %dma_start3A_834 : memref<1x128xi32, #tpu.memory_space<vmem>> -> memref<128xi32, #tpu.memory_space<vmem>>
        %dma_start3A_836 = arith.constant 0 : i32
        %dma_start3A_837 = arith.constant 0 : i32
        %dma_start3A_838 = tpu.memref_slice %arg6[%dma_start3A_836, %dma_start3A_837] : memref<100352x8xf32, #tpu.memory_space<vmem_shared>> -> memref<100352x8xf32, #tpu.memory_space<vmem_shared>>
        %dma_start3A_839 = tpu.memref_slice %arg12[%dma_start3A_828] : memref<4x!tpu.dma_semaphore, #tpu.memory_space<semaphore_mem>> -> memref<1x!tpu.dma_semaphore, #tpu.memory_space<semaphore_mem>>
        %dma_start3A_840 = tpu.memref_squeeze %dma_start3A_839 : memref<1x!tpu.dma_semaphore, #tpu.memory_space<semaphore_mem>> -> memref<!tpu.dma_semaphore, #tpu.memory_space<semaphore_mem>>
        tpu.enqueue_indirect_dma source(%dma_start3A_838 : memref<100352x8xf32, #tpu.memory_space<vmem_shared>>) target(%dma_start3A_832 : memref<128x8xf32, #tpu.memory_space<vmem>>) offsets(%dma_start3A_835 : memref<128xi32, #tpu.memory_space<vmem>>) semaphore(%dma_start3A_840 : memref<!tpu.dma_semaphore, #tpu.memory_space<semaphore_mem>>)
        %dma_wait3A_841 = arith.constant 13 : i32
        %dma_wait3A_842 = arith.constant 1 : i32
        %dma_wait3A_843 = arith.constant 1 : i32
        %dma_wait3A_844 = arith.constant 0 : i32
        %dma_wait3A_845 = arith.constant 0 : i32
        %dma_wait3A_846 = tpu.memref_slice %arg10[%dma_wait3A_842, %dma_wait3A_844, %dma_wait3A_845] : memref<4x128x8xf32, #tpu.memory_space<vmem>> -> memref<1x128x8xf32, #tpu.memory_space<vmem>>
        %dma_wait3A_847 = tpu.memref_squeeze %dma_wait3A_846 : memref<1x128x8xf32, #tpu.memory_space<vmem>> -> memref<128x8xf32, #tpu.memory_space<vmem>>
        %dma_wait3A_848 = arith.constant 0 : i32
        %dma_wait3A_849 = tpu.memref_slice %arg8[%dma_wait3A_841, %dma_wait3A_848] : memref<16x128xi32, #tpu.memory_space<vmem>> -> memref<1x128xi32, #tpu.memory_space<vmem>>
        %dma_wait3A_850 = tpu.memref_squeeze %dma_wait3A_849 : memref<1x128xi32, #tpu.memory_space<vmem>> -> memref<128xi32, #tpu.memory_space<vmem>>
        %dma_wait3A_851 = arith.constant 0 : i32
        %dma_wait3A_852 = arith.constant 0 : i32
        %dma_wait3A_853 = tpu.memref_slice %arg6[%dma_wait3A_851, %dma_wait3A_852] : memref<100352x8xf32, #tpu.memory_space<vmem_shared>> -> memref<100352x8xf32, #tpu.memory_space<vmem_shared>>
        %dma_wait3A_854 = tpu.memref_slice %arg12[%dma_wait3A_843] : memref<4x!tpu.dma_semaphore, #tpu.memory_space<semaphore_mem>> -> memref<1x!tpu.dma_semaphore, #tpu.memory_space<semaphore_mem>>
        %dma_wait3A_855 = tpu.memref_squeeze %dma_wait3A_854 : memref<1x!tpu.dma_semaphore, #tpu.memory_space<semaphore_mem>> -> memref<!tpu.dma_semaphore, #tpu.memory_space<semaphore_mem>>
        tpu.wait_indirect_dma semaphore(%dma_wait3A_855 : memref<!tpu.dma_semaphore, #tpu.memory_space<semaphore_mem>>) src(%dma_wait3A_853 : memref<100352x8xf32, #tpu.memory_space<vmem_shared>>) dst(%dma_wait3A_847 : memref<128x8xf32, #tpu.memory_space<vmem>>)
        %dma_start3A_856 = arith.constant 1 : i32
        %dma_start3A_857 = arith.constant 13 : i32
        %dma_start3A_858 = arith.constant 1 : i32
        %dma_start3A_859 = arith.constant 0 : i32
        %dma_start3A_860 = arith.constant 0 : i32
        %dma_start3A_861 = tpu.memref_slice %arg10[%dma_start3A_856, %dma_start3A_859, %dma_start3A_860] : memref<4x128x8xf32, #tpu.memory_space<vmem>> -> memref<1x128x8xf32, #tpu.memory_space<vmem>>
        %dma_start3A_862 = tpu.memref_squeeze %dma_start3A_861 : memref<1x128x8xf32, #tpu.memory_space<vmem>> -> memref<128x8xf32, #tpu.memory_space<vmem>>
        %dma_start3A_863 = arith.constant 0 : i32
        %dma_start3A_864 = tpu.memref_slice %arg9[%dma_start3A_857, %dma_start3A_863] : memref<16x128xi32, #tpu.memory_space<vmem>> -> memref<1x128xi32, #tpu.memory_space<vmem>>
        %dma_start3A_865 = tpu.memref_squeeze %dma_start3A_864 : memref<1x128xi32, #tpu.memory_space<vmem>> -> memref<128xi32, #tpu.memory_space<vmem>>
        %dma_start3A_866 = arith.constant 0 : i32
        %dma_start3A_867 = arith.constant 0 : i32
        %dma_start3A_868 = tpu.memref_slice %arg7[%dma_start3A_866, %dma_start3A_867] : memref<100352x8xf32, #tpu.memory_space<vmem_shared>> -> memref<100352x8xf32, #tpu.memory_space<vmem_shared>>
        %dma_start3A_869 = tpu.memref_slice %arg13[%dma_start3A_858] : memref<4x!tpu.dma_semaphore, #tpu.memory_space<semaphore_mem>> -> memref<1x!tpu.dma_semaphore, #tpu.memory_space<semaphore_mem>>
        %dma_start3A_870 = tpu.memref_squeeze %dma_start3A_869 : memref<1x!tpu.dma_semaphore, #tpu.memory_space<semaphore_mem>> -> memref<!tpu.dma_semaphore, #tpu.memory_space<semaphore_mem>>
        tpu.enqueue_indirect_dma source(%dma_start3A_862 : memref<128x8xf32, #tpu.memory_space<vmem>>) target(%dma_start3A_868 : memref<100352x8xf32, #tpu.memory_space<vmem_shared>>) offsets(%dma_start3A_865 : memref<128xi32, #tpu.memory_space<vmem>>) semaphore(%dma_start3A_870 : memref<!tpu.dma_semaphore, #tpu.memory_space<semaphore_mem>>) {add = true}
        %dma_wait3A_871 = arith.constant 14 : i32
        %dma_wait3A_872 = arith.constant 2 : i32
        %dma_wait3A_873 = arith.constant 2 : i32
        %dma_wait3A_874 = arith.constant 0 : i32
        %dma_wait3A_875 = arith.constant 0 : i32
        %dma_wait3A_876 = tpu.memref_slice %arg10[%dma_wait3A_872, %dma_wait3A_874, %dma_wait3A_875] : memref<4x128x8xf32, #tpu.memory_space<vmem>> -> memref<1x128x8xf32, #tpu.memory_space<vmem>>
        %dma_wait3A_877 = tpu.memref_squeeze %dma_wait3A_876 : memref<1x128x8xf32, #tpu.memory_space<vmem>> -> memref<128x8xf32, #tpu.memory_space<vmem>>
        %dma_wait3A_878 = arith.constant 0 : i32
        %dma_wait3A_879 = tpu.memref_slice %arg8[%dma_wait3A_871, %dma_wait3A_878] : memref<16x128xi32, #tpu.memory_space<vmem>> -> memref<1x128xi32, #tpu.memory_space<vmem>>
        %dma_wait3A_880 = tpu.memref_squeeze %dma_wait3A_879 : memref<1x128xi32, #tpu.memory_space<vmem>> -> memref<128xi32, #tpu.memory_space<vmem>>
        %dma_wait3A_881 = arith.constant 0 : i32
        %dma_wait3A_882 = arith.constant 0 : i32
        %dma_wait3A_883 = tpu.memref_slice %arg6[%dma_wait3A_881, %dma_wait3A_882] : memref<100352x8xf32, #tpu.memory_space<vmem_shared>> -> memref<100352x8xf32, #tpu.memory_space<vmem_shared>>
        %dma_wait3A_884 = tpu.memref_slice %arg12[%dma_wait3A_873] : memref<4x!tpu.dma_semaphore, #tpu.memory_space<semaphore_mem>> -> memref<1x!tpu.dma_semaphore, #tpu.memory_space<semaphore_mem>>
        %dma_wait3A_885 = tpu.memref_squeeze %dma_wait3A_884 : memref<1x!tpu.dma_semaphore, #tpu.memory_space<semaphore_mem>> -> memref<!tpu.dma_semaphore, #tpu.memory_space<semaphore_mem>>
        tpu.wait_indirect_dma semaphore(%dma_wait3A_885 : memref<!tpu.dma_semaphore, #tpu.memory_space<semaphore_mem>>) src(%dma_wait3A_883 : memref<100352x8xf32, #tpu.memory_space<vmem_shared>>) dst(%dma_wait3A_877 : memref<128x8xf32, #tpu.memory_space<vmem>>)
        %dma_start3A_886 = arith.constant 2 : i32
        %dma_start3A_887 = arith.constant 14 : i32
        %dma_start3A_888 = arith.constant 2 : i32
        %dma_start3A_889 = arith.constant 0 : i32
        %dma_start3A_890 = arith.constant 0 : i32
        %dma_start3A_891 = tpu.memref_slice %arg10[%dma_start3A_886, %dma_start3A_889, %dma_start3A_890] : memref<4x128x8xf32, #tpu.memory_space<vmem>> -> memref<1x128x8xf32, #tpu.memory_space<vmem>>
        %dma_start3A_892 = tpu.memref_squeeze %dma_start3A_891 : memref<1x128x8xf32, #tpu.memory_space<vmem>> -> memref<128x8xf32, #tpu.memory_space<vmem>>
        %dma_start3A_893 = arith.constant 0 : i32
        %dma_start3A_894 = tpu.memref_slice %arg9[%dma_start3A_887, %dma_start3A_893] : memref<16x128xi32, #tpu.memory_space<vmem>> -> memref<1x128xi32, #tpu.memory_space<vmem>>
        %dma_start3A_895 = tpu.memref_squeeze %dma_start3A_894 : memref<1x128xi32, #tpu.memory_space<vmem>> -> memref<128xi32, #tpu.memory_space<vmem>>
        %dma_start3A_896 = arith.constant 0 : i32
        %dma_start3A_897 = arith.constant 0 : i32
        %dma_start3A_898 = tpu.memref_slice %arg7[%dma_start3A_896, %dma_start3A_897] : memref<100352x8xf32, #tpu.memory_space<vmem_shared>> -> memref<100352x8xf32, #tpu.memory_space<vmem_shared>>
        %dma_start3A_899 = tpu.memref_slice %arg13[%dma_start3A_888] : memref<4x!tpu.dma_semaphore, #tpu.memory_space<semaphore_mem>> -> memref<1x!tpu.dma_semaphore, #tpu.memory_space<semaphore_mem>>
        %dma_start3A_900 = tpu.memref_squeeze %dma_start3A_899 : memref<1x!tpu.dma_semaphore, #tpu.memory_space<semaphore_mem>> -> memref<!tpu.dma_semaphore, #tpu.memory_space<semaphore_mem>>
        tpu.enqueue_indirect_dma source(%dma_start3A_892 : memref<128x8xf32, #tpu.memory_space<vmem>>) target(%dma_start3A_898 : memref<100352x8xf32, #tpu.memory_space<vmem_shared>>) offsets(%dma_start3A_895 : memref<128xi32, #tpu.memory_space<vmem>>) semaphore(%dma_start3A_900 : memref<!tpu.dma_semaphore, #tpu.memory_space<semaphore_mem>>) {add = true}
        %dma_wait3A_901 = arith.constant 15 : i32
        %dma_wait3A_902 = arith.constant 3 : i32
        %dma_wait3A_903 = arith.constant 3 : i32
        %dma_wait3A_904 = arith.constant 0 : i32
        %dma_wait3A_905 = arith.constant 0 : i32
        %dma_wait3A_906 = tpu.memref_slice %arg10[%dma_wait3A_902, %dma_wait3A_904, %dma_wait3A_905] : memref<4x128x8xf32, #tpu.memory_space<vmem>> -> memref<1x128x8xf32, #tpu.memory_space<vmem>>
        %dma_wait3A_907 = tpu.memref_squeeze %dma_wait3A_906 : memref<1x128x8xf32, #tpu.memory_space<vmem>> -> memref<128x8xf32, #tpu.memory_space<vmem>>
        %dma_wait3A_908 = arith.constant 0 : i32
        %dma_wait3A_909 = tpu.memref_slice %arg8[%dma_wait3A_901, %dma_wait3A_908] : memref<16x128xi32, #tpu.memory_space<vmem>> -> memref<1x128xi32, #tpu.memory_space<vmem>>
        %dma_wait3A_910 = tpu.memref_squeeze %dma_wait3A_909 : memref<1x128xi32, #tpu.memory_space<vmem>> -> memref<128xi32, #tpu.memory_space<vmem>>
        %dma_wait3A_911 = arith.constant 0 : i32
        %dma_wait3A_912 = arith.constant 0 : i32
        %dma_wait3A_913 = tpu.memref_slice %arg6[%dma_wait3A_911, %dma_wait3A_912] : memref<100352x8xf32, #tpu.memory_space<vmem_shared>> -> memref<100352x8xf32, #tpu.memory_space<vmem_shared>>
        %dma_wait3A_914 = tpu.memref_slice %arg12[%dma_wait3A_903] : memref<4x!tpu.dma_semaphore, #tpu.memory_space<semaphore_mem>> -> memref<1x!tpu.dma_semaphore, #tpu.memory_space<semaphore_mem>>
        %dma_wait3A_915 = tpu.memref_squeeze %dma_wait3A_914 : memref<1x!tpu.dma_semaphore, #tpu.memory_space<semaphore_mem>> -> memref<!tpu.dma_semaphore, #tpu.memory_space<semaphore_mem>>
        tpu.wait_indirect_dma semaphore(%dma_wait3A_915 : memref<!tpu.dma_semaphore, #tpu.memory_space<semaphore_mem>>) src(%dma_wait3A_913 : memref<100352x8xf32, #tpu.memory_space<vmem_shared>>) dst(%dma_wait3A_907 : memref<128x8xf32, #tpu.memory_space<vmem>>)
        %dma_start3A_916 = arith.constant 3 : i32
        %dma_start3A_917 = arith.constant 15 : i32
        %dma_start3A_918 = arith.constant 3 : i32
        %dma_start3A_919 = arith.constant 0 : i32
        %dma_start3A_920 = arith.constant 0 : i32
        %dma_start3A_921 = tpu.memref_slice %arg10[%dma_start3A_916, %dma_start3A_919, %dma_start3A_920] : memref<4x128x8xf32, #tpu.memory_space<vmem>> -> memref<1x128x8xf32, #tpu.memory_space<vmem>>
        %dma_start3A_922 = tpu.memref_squeeze %dma_start3A_921 : memref<1x128x8xf32, #tpu.memory_space<vmem>> -> memref<128x8xf32, #tpu.memory_space<vmem>>
        %dma_start3A_923 = arith.constant 0 : i32
        %dma_start3A_924 = tpu.memref_slice %arg9[%dma_start3A_917, %dma_start3A_923] : memref<16x128xi32, #tpu.memory_space<vmem>> -> memref<1x128xi32, #tpu.memory_space<vmem>>
        %dma_start3A_925 = tpu.memref_squeeze %dma_start3A_924 : memref<1x128xi32, #tpu.memory_space<vmem>> -> memref<128xi32, #tpu.memory_space<vmem>>
        %dma_start3A_926 = arith.constant 0 : i32
        %dma_start3A_927 = arith.constant 0 : i32
        %dma_start3A_928 = tpu.memref_slice %arg7[%dma_start3A_926, %dma_start3A_927] : memref<100352x8xf32, #tpu.memory_space<vmem_shared>> -> memref<100352x8xf32, #tpu.memory_space<vmem_shared>>
        %dma_start3A_929 = tpu.memref_slice %arg13[%dma_start3A_918] : memref<4x!tpu.dma_semaphore, #tpu.memory_space<semaphore_mem>> -> memref<1x!tpu.dma_semaphore, #tpu.memory_space<semaphore_mem>>
        %dma_start3A_930 = tpu.memref_squeeze %dma_start3A_929 : memref<1x!tpu.dma_semaphore, #tpu.memory_space<semaphore_mem>> -> memref<!tpu.dma_semaphore, #tpu.memory_space<semaphore_mem>>
        tpu.enqueue_indirect_dma source(%dma_start3A_922 : memref<128x8xf32, #tpu.memory_space<vmem>>) target(%dma_start3A_928 : memref<100352x8xf32, #tpu.memory_space<vmem_shared>>) offsets(%dma_start3A_925 : memref<128xi32, #tpu.memory_space<vmem>>) semaphore(%dma_start3A_930 : memref<!tpu.dma_semaphore, #tpu.memory_space<semaphore_mem>>) {add = true}
        %dma_wait3A_931 = arith.constant 0 : i32
        %dma_wait3A_932 = arith.constant 12 : i32
        %dma_wait3A_933 = arith.constant 0 : i32
        %dma_wait3A_934 = arith.constant 0 : i32
        %dma_wait3A_935 = arith.constant 0 : i32
        %dma_wait3A_936 = tpu.memref_slice %arg10[%dma_wait3A_931, %dma_wait3A_934, %dma_wait3A_935] : memref<4x128x8xf32, #tpu.memory_space<vmem>> -> memref<1x128x8xf32, #tpu.memory_space<vmem>>
        %dma_wait3A_937 = tpu.memref_squeeze %dma_wait3A_936 : memref<1x128x8xf32, #tpu.memory_space<vmem>> -> memref<128x8xf32, #tpu.memory_space<vmem>>
        %dma_wait3A_938 = arith.constant 0 : i32
        %dma_wait3A_939 = tpu.memref_slice %arg9[%dma_wait3A_932, %dma_wait3A_938] : memref<16x128xi32, #tpu.memory_space<vmem>> -> memref<1x128xi32, #tpu.memory_space<vmem>>
        %dma_wait3A_940 = tpu.memref_squeeze %dma_wait3A_939 : memref<1x128xi32, #tpu.memory_space<vmem>> -> memref<128xi32, #tpu.memory_space<vmem>>
        %dma_wait3A_941 = arith.constant 0 : i32
        %dma_wait3A_942 = arith.constant 0 : i32
        %dma_wait3A_943 = tpu.memref_slice %arg7[%dma_wait3A_941, %dma_wait3A_942] : memref<100352x8xf32, #tpu.memory_space<vmem_shared>> -> memref<100352x8xf32, #tpu.memory_space<vmem_shared>>
        %dma_wait3A_944 = tpu.memref_slice %arg13[%dma_wait3A_933] : memref<4x!tpu.dma_semaphore, #tpu.memory_space<semaphore_mem>> -> memref<1x!tpu.dma_semaphore, #tpu.memory_space<semaphore_mem>>
        %dma_wait3A_945 = tpu.memref_squeeze %dma_wait3A_944 : memref<1x!tpu.dma_semaphore, #tpu.memory_space<semaphore_mem>> -> memref<!tpu.dma_semaphore, #tpu.memory_space<semaphore_mem>>
        tpu.wait_indirect_dma semaphore(%dma_wait3A_945 : memref<!tpu.dma_semaphore, #tpu.memory_space<semaphore_mem>>) src(%dma_wait3A_937 : memref<128x8xf32, #tpu.memory_space<vmem>>) dst(%dma_wait3A_943 : memref<100352x8xf32, #tpu.memory_space<vmem_shared>>)
        %dma_wait3A_946 = arith.constant 1 : i32
        %dma_wait3A_947 = arith.constant 13 : i32
        %dma_wait3A_948 = arith.constant 1 : i32
        %dma_wait3A_949 = arith.constant 0 : i32
        %dma_wait3A_950 = arith.constant 0 : i32
        %dma_wait3A_951 = tpu.memref_slice %arg10[%dma_wait3A_946, %dma_wait3A_949, %dma_wait3A_950] : memref<4x128x8xf32, #tpu.memory_space<vmem>> -> memref<1x128x8xf32, #tpu.memory_space<vmem>>
        %dma_wait3A_952 = tpu.memref_squeeze %dma_wait3A_951 : memref<1x128x8xf32, #tpu.memory_space<vmem>> -> memref<128x8xf32, #tpu.memory_space<vmem>>
        %dma_wait3A_953 = arith.constant 0 : i32
        %dma_wait3A_954 = tpu.memref_slice %arg9[%dma_wait3A_947, %dma_wait3A_953] : memref<16x128xi32, #tpu.memory_space<vmem>> -> memref<1x128xi32, #tpu.memory_space<vmem>>
        %dma_wait3A_955 = tpu.memref_squeeze %dma_wait3A_954 : memref<1x128xi32, #tpu.memory_space<vmem>> -> memref<128xi32, #tpu.memory_space<vmem>>
        %dma_wait3A_956 = arith.constant 0 : i32
        %dma_wait3A_957 = arith.constant 0 : i32
        %dma_wait3A_958 = tpu.memref_slice %arg7[%dma_wait3A_956, %dma_wait3A_957] : memref<100352x8xf32, #tpu.memory_space<vmem_shared>> -> memref<100352x8xf32, #tpu.memory_space<vmem_shared>>
        %dma_wait3A_959 = tpu.memref_slice %arg13[%dma_wait3A_948] : memref<4x!tpu.dma_semaphore, #tpu.memory_space<semaphore_mem>> -> memref<1x!tpu.dma_semaphore, #tpu.memory_space<semaphore_mem>>
        %dma_wait3A_960 = tpu.memref_squeeze %dma_wait3A_959 : memref<1x!tpu.dma_semaphore, #tpu.memory_space<semaphore_mem>> -> memref<!tpu.dma_semaphore, #tpu.memory_space<semaphore_mem>>
        tpu.wait_indirect_dma semaphore(%dma_wait3A_960 : memref<!tpu.dma_semaphore, #tpu.memory_space<semaphore_mem>>) src(%dma_wait3A_952 : memref<128x8xf32, #tpu.memory_space<vmem>>) dst(%dma_wait3A_958 : memref<100352x8xf32, #tpu.memory_space<vmem_shared>>)
        %dma_wait3A_961 = arith.constant 2 : i32
        %dma_wait3A_962 = arith.constant 14 : i32
        %dma_wait3A_963 = arith.constant 2 : i32
        %dma_wait3A_964 = arith.constant 0 : i32
        %dma_wait3A_965 = arith.constant 0 : i32
        %dma_wait3A_966 = tpu.memref_slice %arg10[%dma_wait3A_961, %dma_wait3A_964, %dma_wait3A_965] : memref<4x128x8xf32, #tpu.memory_space<vmem>> -> memref<1x128x8xf32, #tpu.memory_space<vmem>>
        %dma_wait3A_967 = tpu.memref_squeeze %dma_wait3A_966 : memref<1x128x8xf32, #tpu.memory_space<vmem>> -> memref<128x8xf32, #tpu.memory_space<vmem>>
        %dma_wait3A_968 = arith.constant 0 : i32
        %dma_wait3A_969 = tpu.memref_slice %arg9[%dma_wait3A_962, %dma_wait3A_968] : memref<16x128xi32, #tpu.memory_space<vmem>> -> memref<1x128xi32, #tpu.memory_space<vmem>>
        %dma_wait3A_970 = tpu.memref_squeeze %dma_wait3A_969 : memref<1x128xi32, #tpu.memory_space<vmem>> -> memref<128xi32, #tpu.memory_space<vmem>>
        %dma_wait3A_971 = arith.constant 0 : i32
        %dma_wait3A_972 = arith.constant 0 : i32
        %dma_wait3A_973 = tpu.memref_slice %arg7[%dma_wait3A_971, %dma_wait3A_972] : memref<100352x8xf32, #tpu.memory_space<vmem_shared>> -> memref<100352x8xf32, #tpu.memory_space<vmem_shared>>
        %dma_wait3A_974 = tpu.memref_slice %arg13[%dma_wait3A_963] : memref<4x!tpu.dma_semaphore, #tpu.memory_space<semaphore_mem>> -> memref<1x!tpu.dma_semaphore, #tpu.memory_space<semaphore_mem>>
        %dma_wait3A_975 = tpu.memref_squeeze %dma_wait3A_974 : memref<1x!tpu.dma_semaphore, #tpu.memory_space<semaphore_mem>> -> memref<!tpu.dma_semaphore, #tpu.memory_space<semaphore_mem>>
        tpu.wait_indirect_dma semaphore(%dma_wait3A_975 : memref<!tpu.dma_semaphore, #tpu.memory_space<semaphore_mem>>) src(%dma_wait3A_967 : memref<128x8xf32, #tpu.memory_space<vmem>>) dst(%dma_wait3A_973 : memref<100352x8xf32, #tpu.memory_space<vmem_shared>>)
        %dma_wait3A_976 = arith.constant 3 : i32
        %dma_wait3A_977 = arith.constant 15 : i32
        %dma_wait3A_978 = arith.constant 3 : i32
        %dma_wait3A_979 = arith.constant 0 : i32
        %dma_wait3A_980 = arith.constant 0 : i32
        %dma_wait3A_981 = tpu.memref_slice %arg10[%dma_wait3A_976, %dma_wait3A_979, %dma_wait3A_980] : memref<4x128x8xf32, #tpu.memory_space<vmem>> -> memref<1x128x8xf32, #tpu.memory_space<vmem>>
        %dma_wait3A_982 = tpu.memref_squeeze %dma_wait3A_981 : memref<1x128x8xf32, #tpu.memory_space<vmem>> -> memref<128x8xf32, #tpu.memory_space<vmem>>
        %dma_wait3A_983 = arith.constant 0 : i32
        %dma_wait3A_984 = tpu.memref_slice %arg9[%dma_wait3A_977, %dma_wait3A_983] : memref<16x128xi32, #tpu.memory_space<vmem>> -> memref<1x128xi32, #tpu.memory_space<vmem>>
        %dma_wait3A_985 = tpu.memref_squeeze %dma_wait3A_984 : memref<1x128xi32, #tpu.memory_space<vmem>> -> memref<128xi32, #tpu.memory_space<vmem>>
        %dma_wait3A_986 = arith.constant 0 : i32
        %dma_wait3A_987 = arith.constant 0 : i32
        %dma_wait3A_988 = tpu.memref_slice %arg7[%dma_wait3A_986, %dma_wait3A_987] : memref<100352x8xf32, #tpu.memory_space<vmem_shared>> -> memref<100352x8xf32, #tpu.memory_space<vmem_shared>>
        %dma_wait3A_989 = tpu.memref_slice %arg13[%dma_wait3A_978] : memref<4x!tpu.dma_semaphore, #tpu.memory_space<semaphore_mem>> -> memref<1x!tpu.dma_semaphore, #tpu.memory_space<semaphore_mem>>
        %dma_wait3A_990 = tpu.memref_squeeze %dma_wait3A_989 : memref<1x!tpu.dma_semaphore, #tpu.memory_space<semaphore_mem>> -> memref<!tpu.dma_semaphore, #tpu.memory_space<semaphore_mem>>
        tpu.wait_indirect_dma semaphore(%dma_wait3A_990 : memref<!tpu.dma_semaphore, #tpu.memory_space<semaphore_mem>>) src(%dma_wait3A_982 : memref<128x8xf32, #tpu.memory_space<vmem>>) dst(%dma_wait3A_988 : memref<100352x8xf32, #tpu.memory_space<vmem_shared>>)
      } else {
      }
    }
    %scan3A_11 = arith.constant 98 : i32
    %barrier3A_12 = arith.constant 0 : index
    tpu.barrier barrier_id(%barrier3A_12)
    %scan3A_13 = arith.constant 0 : i32
    %scan3A_14 = arith.constant 8 : i32
    %scan3A_15 = arith.addi %scan3A_13, %scan3A_14 : i32
    %scan3A_16 = arith.constant 1 : i32
    scf.for %scan3A_18 = %scan3A_13 to %scan3A_15 step %scan3A_16  : i32 {
      %mul3A_19 = arith.constant 784 : i32
      %mul3A_20 = arith.muli %scan3A_18, %mul3A_19 : i32
      %add3A_21 = arith.constant 0 : i32
      %add3A_22 = arith.addi %add3A_21, %mul3A_20 : i32
      %add3A_23 = arith.addi %mul3A_2, %add3A_22 : i32
      "tpu.region"() ({
        %run_scoped3A = tpu.sem_alloc : memref<!tpu.dma_semaphore, #tpu.memory_space<semaphore_mem>>
        %dma_start3A = arith.constant 0 : i32
        %dma_start3A_25 = tpu.memref_slice %arg7[%add3A_23, %dma_start3A] : memref<100352x8xf32, #tpu.memory_space<vmem_shared>> -> memref<784x8xf32, #tpu.memory_space<vmem_shared>>
        %dma_start3A_26 = arith.constant 0 : i32
        %dma_start3A_27 = tpu.memref_slice %arg7[%add3A_23, %dma_start3A_26] : memref<100352x8xf32, #tpu.memory_space<vmem_shared>> -> memref<784x8xf32, #tpu.memory_space<vmem_shared>>
        tpu.enqueue_dma source(%dma_start3A_27 : memref<784x8xf32, #tpu.memory_space<vmem_shared>>) target(%arg11 : memref<784x8xf32, #tpu.memory_space<vmem>>) target_semaphore(%run_scoped3A : memref<!tpu.dma_semaphore, #tpu.memory_space<semaphore_mem>>)
        %dma_wait3A = arith.constant 0 : i32
        %dma_wait3A_28 = tpu.memref_slice %arg7[%add3A_23, %dma_wait3A] : memref<100352x8xf32, #tpu.memory_space<vmem_shared>> -> memref<784x8xf32, #tpu.memory_space<vmem_shared>>
        %dma_wait3A_29 = arith.constant 0 : i32
        %dma_wait3A_30 = tpu.memref_slice %arg7[%add3A_23, %dma_wait3A_29] : memref<100352x8xf32, #tpu.memory_space<vmem_shared>> -> memref<784x8xf32, #tpu.memory_space<vmem_shared>>
        tpu.wait_dma2 semaphore(%run_scoped3A : memref<!tpu.dma_semaphore, #tpu.memory_space<semaphore_mem>>) src(%dma_wait3A_30 : memref<784x8xf32, #tpu.memory_space<vmem_shared>>) dst(%arg11 : memref<784x8xf32, #tpu.memory_space<vmem>>)
        tpu.yield
      }) : () -> ()
      %add3A_24 = arith.addi %mul3A_2, %add3A_22 : i32
      "tpu.region"() ({
        %run_scoped3A = tpu.sem_alloc : memref<!tpu.dma_semaphore, #tpu.memory_space<semaphore_mem>>
        %dma_start3A = arith.constant 0 : i32
        %dma_start3A_25 = tpu.memref_slice %arg5[%arg0, %add3A_24, %dma_start3A] : memref<2x100352x8xf32, #tpu.memory_space<hbm>> -> memref<1x784x8xf32, #tpu.memory_space<hbm>>
        %dma_start3A_26 = tpu.memref_squeeze %dma_start3A_25 : memref<1x784x8xf32, #tpu.memory_space<hbm>> -> memref<784x8xf32, #tpu.memory_space<hbm>>
        %dma_start3A_27 = arith.constant 0 : i32
        %dma_start3A_28 = tpu.memref_slice %arg5[%arg0, %add3A_24, %dma_start3A_27] : memref<2x100352x8xf32, #tpu.memory_space<hbm>> -> memref<1x784x8xf32, #tpu.memory_space<hbm>>
        %dma_start3A_29 = tpu.memref_squeeze %dma_start3A_28 : memref<1x784x8xf32, #tpu.memory_space<hbm>> -> memref<784x8xf32, #tpu.memory_space<hbm>>
        tpu.enqueue_dma source(%arg11 : memref<784x8xf32, #tpu.memory_space<vmem>>) target(%dma_start3A_29 : memref<784x8xf32, #tpu.memory_space<hbm>>) target_semaphore(%run_scoped3A : memref<!tpu.dma_semaphore, #tpu.memory_space<semaphore_mem>>)
        %dma_wait3A = arith.constant 0 : i32
        %dma_wait3A_30 = tpu.memref_slice %arg5[%arg0, %add3A_24, %dma_wait3A] : memref<2x100352x8xf32, #tpu.memory_space<hbm>> -> memref<1x784x8xf32, #tpu.memory_space<hbm>>
        %dma_wait3A_31 = tpu.memref_squeeze %dma_wait3A_30 : memref<1x784x8xf32, #tpu.memory_space<hbm>> -> memref<784x8xf32, #tpu.memory_space<hbm>>
        %dma_wait3A_32 = arith.constant 0 : i32
        %dma_wait3A_33 = tpu.memref_slice %arg5[%arg0, %add3A_24, %dma_wait3A_32] : memref<2x100352x8xf32, #tpu.memory_space<hbm>> -> memref<1x784x8xf32, #tpu.memory_space<hbm>>
        %dma_wait3A_34 = tpu.memref_squeeze %dma_wait3A_33 : memref<1x784x8xf32, #tpu.memory_space<hbm>> -> memref<784x8xf32, #tpu.memory_space<hbm>>
        tpu.wait_dma2 semaphore(%run_scoped3A : memref<!tpu.dma_semaphore, #tpu.memory_space<semaphore_mem>>) src(%arg11 : memref<784x8xf32, #tpu.memory_space<vmem>>) dst(%dma_wait3A_34 : memref<784x8xf32, #tpu.memory_space<hbm>>)
        tpu.yield
      }) : () -> ()
    }
    %scan3A_17 = arith.constant 8 : i32
    return
  }
}

#map = affine_map<(d0, d1) -> (0, 0, 0)>
#map1 = affine_map<(d0, d1) -> (0, 0)>
module attributes {stable_mosaic.version = 14 : i64} {
  func.func @_sc_degrees(%arg0: i32, %arg1: i32, %arg2: memref<2x50000x128xi32, #tpu.memory_space<hbm>>, %arg3: memref<2x100352xf32, #tpu.memory_space<hbm>>, %arg4: memref<2x100352xf32, #tpu.memory_space<hbm>>, %arg5: memref<100352xf32, #tpu.memory_space<vmem_shared>>, %arg6: memref<100352xf32, #tpu.memory_space<vmem_shared>>, %arg7: memref<16x128xi32, #tpu.memory_space<vmem>>, %arg8: memref<16x128xi32, #tpu.memory_space<vmem>>, %arg9: memref<128xf32, #tpu.memory_space<vmem>>, %arg10: memref<6272xf32, #tpu.memory_space<vmem>>, %arg11: memref<!tpu.dma_semaphore, #tpu.memory_space<semaphore_mem>>) attributes {dimension_semantics = [#tpu.dimension_semantics<core_parallel>, #tpu.dimension_semantics<subcore_parallel>], iteration_bounds = array<i64: 2, 16>, scalar_prefetch = 0 : i64, scratch_operands = 7 : i64, tpu.core_type = #tpu.core_type<sc_vector_subcore>, window_params = [{transform_indices = #map}, {transform_indices = #map1}, {transform_indices = #map1}]} {
    %mul3A = arith.constant 16 : i32
    %mul3A_0 = arith.muli %arg0, %mul3A : i32
    %add3A = arith.addi %mul3A_0, %arg1 : i32
    %mul3A_1 = arith.constant 6272 : i32
    %mul3A_2 = arith.muli %arg1, %mul3A_1 : i32
    %scan3A = arith.constant 0 : i32
    %scan3A_3 = arith.constant 392 : i32
    %scan3A_4 = arith.addi %scan3A, %scan3A_3 : i32
    %scan3A_5 = arith.constant 1 : i32
    scf.for %scan3A_18 = %scan3A to %scan3A_4 step %scan3A_5  : i32 {
      %mul3A_19 = arith.constant 16 : i32
      %mul3A_20 = arith.muli %scan3A_18, %mul3A_19 : i32
      %add3A_21 = arith.constant 0 : i32
      %add3A_22 = arith.addi %add3A_21, %mul3A_20 : i32
      %broadcast_in_dim3A = arith.constant 0.000000e+00 : f32
      %broadcast_in_dim3A_23 = vector.broadcast %broadcast_in_dim3A : f32 to vector<16xf32>
      %swap3A = arith.index_cast %add3A_22 : i32 to index
      %swap3A_24 = tpu.vector_load %arg10[%swap3A] {strides = array<i32>} : memref<6272xf32, #tpu.memory_space<vmem>>, vector<16xf32>,
      %swap3A_25 = vector.shape_cast %swap3A_24 : vector<16xf32> to vector<16xf32>
      %swap3A_26 = vector.shape_cast %broadcast_in_dim3A_23 : vector<16xf32> to vector<16xf32>
      tpu.vector_store %arg10[%swap3A], %swap3A_26 {strides = array<i32>} : memref<6272xf32, #tpu.memory_space<vmem>>, vector<16xf32>,
    }
    %scan3A_6 = arith.constant 392 : i32
    %scan3A_7 = arith.constant 0 : i32
    %scan3A_8 = arith.constant 8 : i32
    %scan3A_9 = arith.addi %scan3A_7, %scan3A_8 : i32
    %scan3A_10 = arith.constant 1 : i32
    scf.for %scan3A_18 = %scan3A_7 to %scan3A_9 step %scan3A_10  : i32 {
      %mul3A_19 = arith.constant 16 : i32
      %mul3A_20 = arith.muli %scan3A_18, %mul3A_19 : i32
      %add3A_21 = arith.constant 0 : i32
      %add3A_22 = arith.addi %add3A_21, %mul3A_20 : i32
      %broadcast_in_dim3A = arith.constant 1.000000e+00 : f32
      %broadcast_in_dim3A_23 = vector.broadcast %broadcast_in_dim3A : f32 to vector<16xf32>
      %swap3A = arith.index_cast %add3A_22 : i32 to index
      %swap3A_24 = tpu.vector_load %arg9[%swap3A] {strides = array<i32>} : memref<128xf32, #tpu.memory_space<vmem>>, vector<16xf32>,
      %swap3A_25 = vector.shape_cast %swap3A_24 : vector<16xf32> to vector<16xf32>
      %swap3A_26 = vector.shape_cast %broadcast_in_dim3A_23 : vector<16xf32> to vector<16xf32>
      tpu.vector_store %arg9[%swap3A], %swap3A_26 {strides = array<i32>} : memref<128xf32, #tpu.memory_space<vmem>>, vector<16xf32>,
    }
    %scan3A_11 = arith.constant 8 : i32
    "tpu.region"() ({
      %run_scoped3A = tpu.sem_alloc : memref<!tpu.dma_semaphore, #tpu.memory_space<semaphore_mem>>
      %dma_start3A = tpu.memref_slice %arg5[%mul3A_2] : memref<100352xf32, #tpu.memory_space<vmem_shared>> -> memref<6272xf32, #tpu.memory_space<vmem_shared>>
      %dma_start3A_18 = tpu.memref_slice %arg5[%mul3A_2] : memref<100352xf32, #tpu.memory_space<vmem_shared>> -> memref<6272xf32, #tpu.memory_space<vmem_shared>>
      tpu.enqueue_dma source(%arg10 : memref<6272xf32, #tpu.memory_space<vmem>>) target(%dma_start3A_18 : memref<6272xf32, #tpu.memory_space<vmem_shared>>) target_semaphore(%run_scoped3A : memref<!tpu.dma_semaphore, #tpu.memory_space<semaphore_mem>>)
      %dma_wait3A = tpu.memref_slice %arg5[%mul3A_2] : memref<100352xf32, #tpu.memory_space<vmem_shared>> -> memref<6272xf32, #tpu.memory_space<vmem_shared>>
      %dma_wait3A_19 = tpu.memref_slice %arg5[%mul3A_2] : memref<100352xf32, #tpu.memory_space<vmem_shared>> -> memref<6272xf32, #tpu.memory_space<vmem_shared>>
      tpu.wait_dma2 semaphore(%run_scoped3A : memref<!tpu.dma_semaphore, #tpu.memory_space<semaphore_mem>>) src(%arg10 : memref<6272xf32, #tpu.memory_space<vmem>>) dst(%dma_wait3A_19 : memref<6272xf32, #tpu.memory_space<vmem_shared>>)
      tpu.yield
    }) : () -> ()
    "tpu.region"() ({
      %run_scoped3A = tpu.sem_alloc : memref<!tpu.dma_semaphore, #tpu.memory_space<semaphore_mem>>
      %dma_start3A = tpu.memref_slice %arg6[%mul3A_2] : memref<100352xf32, #tpu.memory_space<vmem_shared>> -> memref<6272xf32, #tpu.memory_space<vmem_shared>>
      %dma_start3A_18 = tpu.memref_slice %arg6[%mul3A_2] : memref<100352xf32, #tpu.memory_space<vmem_shared>> -> memref<6272xf32, #tpu.memory_space<vmem_shared>>
      tpu.enqueue_dma source(%arg10 : memref<6272xf32, #tpu.memory_space<vmem>>) target(%dma_start3A_18 : memref<6272xf32, #tpu.memory_space<vmem_shared>>) target_semaphore(%run_scoped3A : memref<!tpu.dma_semaphore, #tpu.memory_space<semaphore_mem>>)
      %dma_wait3A = tpu.memref_slice %arg6[%mul3A_2] : memref<100352xf32, #tpu.memory_space<vmem_shared>> -> memref<6272xf32, #tpu.memory_space<vmem_shared>>
      %dma_wait3A_19 = tpu.memref_slice %arg6[%mul3A_2] : memref<100352xf32, #tpu.memory_space<vmem_shared>> -> memref<6272xf32, #tpu.memory_space<vmem_shared>>
      tpu.wait_dma2 semaphore(%run_scoped3A : memref<!tpu.dma_semaphore, #tpu.memory_space<semaphore_mem>>) src(%arg10 : memref<6272xf32, #tpu.memory_space<vmem>>) dst(%dma_wait3A_19 : memref<6272xf32, #tpu.memory_space<vmem_shared>>)
      tpu.yield
    }) : () -> ()
    %barrier3A = arith.constant 0 : index
    tpu.barrier barrier_id(%barrier3A)
    %scan3A_12 = arith.constant 0 : i32
    %scan3A_13 = arith.constant 98 : i32
    %scan3A_14 = arith.addi %scan3A_12, %scan3A_13 : i32
    %scan3A_15 = arith.constant 1 : i32
    scf.for %scan3A_18 = %scan3A_12 to %scan3A_14 step %scan3A_15  : i32 {
      %mul3A_19 = arith.constant 1 : i32
      %mul3A_20 = arith.muli %scan3A_18, %mul3A_19 : i32
      %add3A_21 = arith.constant 0 : i32
      %add3A_22 = arith.addi %add3A_21, %mul3A_20 : i32
      %mul3A_23 = arith.constant 32 : i32
      %mul3A_24 = arith.muli %add3A_22, %mul3A_23 : i32
      %add3A_25 = arith.addi %mul3A_24, %add3A : i32
      %lt3A = arith.constant 3125 : i32
      %lt3A_26 = arith.cmpi slt, %add3A_25, %lt3A : i32
      %convert_element_type3A = arith.extui %lt3A_26 : i1 to i32
      %cond3A = arith.constant 0 : i32
      %cond3A_27 = arith.cmpi ne, %convert_element_type3A, %cond3A : i32
      scf.if %cond3A_27 {
        %mul3A_28 = arith.constant 16 : i32
        %mul3A_29 = arith.muli %add3A_25, %mul3A_28 : i32
        %run_scoped3A = arith.constant 0 : i32
        "tpu.region"() ({
          %run_scoped3A_415 = tpu.sem_alloc : memref<!tpu.dma_semaphore, #tpu.memory_space<semaphore_mem>>
          %dma_start3A_416 = arith.constant 0 : i32
          %dma_start3A_417 = tpu.memref_slice %arg2[%run_scoped3A, %mul3A_29, %dma_start3A_416] : memref<2x50000x128xi32, #tpu.memory_space<hbm>> -> memref<1x16x128xi32, #tpu.memory_space<hbm>>
          %dma_start3A_418 = tpu.memref_squeeze %dma_start3A_417 : memref<1x16x128xi32, #tpu.memory_space<hbm>> -> memref<16x128xi32, #tpu.memory_space<hbm>>
          %dma_start3A_419 = arith.constant 0 : i32
          %dma_start3A_420 = tpu.memref_slice %arg2[%run_scoped3A, %mul3A_29, %dma_start3A_419] : memref<2x50000x128xi32, #tpu.memory_space<hbm>> -> memref<1x16x128xi32, #tpu.memory_space<hbm>>
          %dma_start3A_421 = tpu.memref_squeeze %dma_start3A_420 : memref<1x16x128xi32, #tpu.memory_space<hbm>> -> memref<16x128xi32, #tpu.memory_space<hbm>>
          tpu.enqueue_dma source(%dma_start3A_421 : memref<16x128xi32, #tpu.memory_space<hbm>>) target(%arg7 : memref<16x128xi32, #tpu.memory_space<vmem>>) target_semaphore(%run_scoped3A_415 : memref<!tpu.dma_semaphore, #tpu.memory_space<semaphore_mem>>)
          %dma_wait3A_422 = arith.constant 0 : i32
          %dma_wait3A_423 = tpu.memref_slice %arg2[%run_scoped3A, %mul3A_29, %dma_wait3A_422] : memref<2x50000x128xi32, #tpu.memory_space<hbm>> -> memref<1x16x128xi32, #tpu.memory_space<hbm>>
          %dma_wait3A_424 = tpu.memref_squeeze %dma_wait3A_423 : memref<1x16x128xi32, #tpu.memory_space<hbm>> -> memref<16x128xi32, #tpu.memory_space<hbm>>
          %dma_wait3A_425 = arith.constant 0 : i32
          %dma_wait3A_426 = tpu.memref_slice %arg2[%run_scoped3A, %mul3A_29, %dma_wait3A_425] : memref<2x50000x128xi32, #tpu.memory_space<hbm>> -> memref<1x16x128xi32, #tpu.memory_space<hbm>>
          %dma_wait3A_427 = tpu.memref_squeeze %dma_wait3A_426 : memref<1x16x128xi32, #tpu.memory_space<hbm>> -> memref<16x128xi32, #tpu.memory_space<hbm>>
          tpu.wait_dma2 semaphore(%run_scoped3A_415 : memref<!tpu.dma_semaphore, #tpu.memory_space<semaphore_mem>>) src(%dma_wait3A_427 : memref<16x128xi32, #tpu.memory_space<hbm>>) dst(%arg7 : memref<16x128xi32, #tpu.memory_space<vmem>>)
          tpu.yield
        }) : () -> ()
        %mul3A_30 = arith.constant 16 : i32
        %mul3A_31 = arith.muli %add3A_25, %mul3A_30 : i32
        %run_scoped3A_32 = arith.constant 1 : i32
        "tpu.region"() ({
          %run_scoped3A_415 = tpu.sem_alloc : memref<!tpu.dma_semaphore, #tpu.memory_space<semaphore_mem>>
          %dma_start3A_416 = arith.constant 0 : i32
          %dma_start3A_417 = tpu.memref_slice %arg2[%run_scoped3A_32, %mul3A_31, %dma_start3A_416] : memref<2x50000x128xi32, #tpu.memory_space<hbm>> -> memref<1x16x128xi32, #tpu.memory_space<hbm>>
          %dma_start3A_418 = tpu.memref_squeeze %dma_start3A_417 : memref<1x16x128xi32, #tpu.memory_space<hbm>> -> memref<16x128xi32, #tpu.memory_space<hbm>>
          %dma_start3A_419 = arith.constant 0 : i32
          %dma_start3A_420 = tpu.memref_slice %arg2[%run_scoped3A_32, %mul3A_31, %dma_start3A_419] : memref<2x50000x128xi32, #tpu.memory_space<hbm>> -> memref<1x16x128xi32, #tpu.memory_space<hbm>>
          %dma_start3A_421 = tpu.memref_squeeze %dma_start3A_420 : memref<1x16x128xi32, #tpu.memory_space<hbm>> -> memref<16x128xi32, #tpu.memory_space<hbm>>
          tpu.enqueue_dma source(%dma_start3A_421 : memref<16x128xi32, #tpu.memory_space<hbm>>) target(%arg8 : memref<16x128xi32, #tpu.memory_space<vmem>>) target_semaphore(%run_scoped3A_415 : memref<!tpu.dma_semaphore, #tpu.memory_space<semaphore_mem>>)
          %dma_wait3A_422 = arith.constant 0 : i32
          %dma_wait3A_423 = tpu.memref_slice %arg2[%run_scoped3A_32, %mul3A_31, %dma_wait3A_422] : memref<2x50000x128xi32, #tpu.memory_space<hbm>> -> memref<1x16x128xi32, #tpu.memory_space<hbm>>
          %dma_wait3A_424 = tpu.memref_squeeze %dma_wait3A_423 : memref<1x16x128xi32, #tpu.memory_space<hbm>> -> memref<16x128xi32, #tpu.memory_space<hbm>>
          %dma_wait3A_425 = arith.constant 0 : i32
          %dma_wait3A_426 = tpu.memref_slice %arg2[%run_scoped3A_32, %mul3A_31, %dma_wait3A_425] : memref<2x50000x128xi32, #tpu.memory_space<hbm>> -> memref<1x16x128xi32, #tpu.memory_space<hbm>>
          %dma_wait3A_427 = tpu.memref_squeeze %dma_wait3A_426 : memref<1x16x128xi32, #tpu.memory_space<hbm>> -> memref<16x128xi32, #tpu.memory_space<hbm>>
          tpu.wait_dma2 semaphore(%run_scoped3A_415 : memref<!tpu.dma_semaphore, #tpu.memory_space<semaphore_mem>>) src(%dma_wait3A_427 : memref<16x128xi32, #tpu.memory_space<hbm>>) dst(%arg8 : memref<16x128xi32, #tpu.memory_space<vmem>>)
          tpu.yield
        }) : () -> ()
        %dma_start3A = arith.constant 0 : i32
        %dma_start3A_33 = arith.constant 0 : i32
        %dma_start3A_34 = tpu.memref_slice %arg7[%dma_start3A, %dma_start3A_33] : memref<16x128xi32, #tpu.memory_space<vmem>> -> memref<1x128xi32, #tpu.memory_space<vmem>>
        %dma_start3A_35 = tpu.memref_squeeze %dma_start3A_34 : memref<1x128xi32, #tpu.memory_space<vmem>> -> memref<128xi32, #tpu.memory_space<vmem>>
        %dma_start3A_36 = arith.constant 0 : i32
        %dma_start3A_37 = tpu.memref_slice %arg5[%dma_start3A_36] : memref<100352xf32, #tpu.memory_space<vmem_shared>> -> memref<100352xf32, #tpu.memory_space<vmem_shared>>
        tpu.enqueue_indirect_dma source(%arg9 : memref<128xf32, #tpu.memory_space<vmem>>) target(%dma_start3A_37 : memref<100352xf32, #tpu.memory_space<vmem_shared>>) offsets(%dma_start3A_35 : memref<128xi32, #tpu.memory_space<vmem>>) semaphore(%arg11 : memref<!tpu.dma_semaphore, #tpu.memory_space<semaphore_mem>>) {add = true}
        %dma_start3A_38 = arith.constant 0 : i32
        %dma_start3A_39 = arith.constant 0 : i32
        %dma_start3A_40 = tpu.memref_slice %arg8[%dma_start3A_38, %dma_start3A_39] : memref<16x128xi32, #tpu.memory_space<vmem>> -> memref<1x128xi32, #tpu.memory_space<vmem>>
        %dma_start3A_41 = tpu.memref_squeeze %dma_start3A_40 : memref<1x128xi32, #tpu.memory_space<vmem>> -> memref<128xi32, #tpu.memory_space<vmem>>
        %dma_start3A_42 = arith.constant 0 : i32
        %dma_start3A_43 = tpu.memref_slice %arg6[%dma_start3A_42] : memref<100352xf32, #tpu.memory_space<vmem_shared>> -> memref<100352xf32, #tpu.memory_space<vmem_shared>>
        tpu.enqueue_indirect_dma source(%arg9 : memref<128xf32, #tpu.memory_space<vmem>>) target(%dma_start3A_43 : memref<100352xf32, #tpu.memory_space<vmem_shared>>) offsets(%dma_start3A_41 : memref<128xi32, #tpu.memory_space<vmem>>) semaphore(%arg11 : memref<!tpu.dma_semaphore, #tpu.memory_space<semaphore_mem>>) {add = true}
        %dma_start3A_44 = arith.constant 1 : i32
        %dma_start3A_45 = arith.constant 0 : i32
        %dma_start3A_46 = tpu.memref_slice %arg7[%dma_start3A_44, %dma_start3A_45] : memref<16x128xi32, #tpu.memory_space<vmem>> -> memref<1x128xi32, #tpu.memory_space<vmem>>
        %dma_start3A_47 = tpu.memref_squeeze %dma_start3A_46 : memref<1x128xi32, #tpu.memory_space<vmem>> -> memref<128xi32, #tpu.memory_space<vmem>>
        %dma_start3A_48 = arith.constant 0 : i32
        %dma_start3A_49 = tpu.memref_slice %arg5[%dma_start3A_48] : memref<100352xf32, #tpu.memory_space<vmem_shared>> -> memref<100352xf32, #tpu.memory_space<vmem_shared>>
        tpu.enqueue_indirect_dma source(%arg9 : memref<128xf32, #tpu.memory_space<vmem>>) target(%dma_start3A_49 : memref<100352xf32, #tpu.memory_space<vmem_shared>>) offsets(%dma_start3A_47 : memref<128xi32, #tpu.memory_space<vmem>>) semaphore(%arg11 : memref<!tpu.dma_semaphore, #tpu.memory_space<semaphore_mem>>) {add = true}
        %dma_start3A_50 = arith.constant 1 : i32
        %dma_start3A_51 = arith.constant 0 : i32
        %dma_start3A_52 = tpu.memref_slice %arg8[%dma_start3A_50, %dma_start3A_51] : memref<16x128xi32, #tpu.memory_space<vmem>> -> memref<1x128xi32, #tpu.memory_space<vmem>>
        %dma_start3A_53 = tpu.memref_squeeze %dma_start3A_52 : memref<1x128xi32, #tpu.memory_space<vmem>> -> memref<128xi32, #tpu.memory_space<vmem>>
        %dma_start3A_54 = arith.constant 0 : i32
        %dma_start3A_55 = tpu.memref_slice %arg6[%dma_start3A_54] : memref<100352xf32, #tpu.memory_space<vmem_shared>> -> memref<100352xf32, #tpu.memory_space<vmem_shared>>
        tpu.enqueue_indirect_dma source(%arg9 : memref<128xf32, #tpu.memory_space<vmem>>) target(%dma_start3A_55 : memref<100352xf32, #tpu.memory_space<vmem_shared>>) offsets(%dma_start3A_53 : memref<128xi32, #tpu.memory_space<vmem>>) semaphore(%arg11 : memref<!tpu.dma_semaphore, #tpu.memory_space<semaphore_mem>>) {add = true}
        %dma_start3A_56 = arith.constant 2 : i32
        %dma_start3A_57 = arith.constant 0 : i32
        %dma_start3A_58 = tpu.memref_slice %arg7[%dma_start3A_56, %dma_start3A_57] : memref<16x128xi32, #tpu.memory_space<vmem>> -> memref<1x128xi32, #tpu.memory_space<vmem>>
        %dma_start3A_59 = tpu.memref_squeeze %dma_start3A_58 : memref<1x128xi32, #tpu.memory_space<vmem>> -> memref<128xi32, #tpu.memory_space<vmem>>
        %dma_start3A_60 = arith.constant 0 : i32
        %dma_start3A_61 = tpu.memref_slice %arg5[%dma_start3A_60] : memref<100352xf32, #tpu.memory_space<vmem_shared>> -> memref<100352xf32, #tpu.memory_space<vmem_shared>>
        tpu.enqueue_indirect_dma source(%arg9 : memref<128xf32, #tpu.memory_space<vmem>>) target(%dma_start3A_61 : memref<100352xf32, #tpu.memory_space<vmem_shared>>) offsets(%dma_start3A_59 : memref<128xi32, #tpu.memory_space<vmem>>) semaphore(%arg11 : memref<!tpu.dma_semaphore, #tpu.memory_space<semaphore_mem>>) {add = true}
        %dma_start3A_62 = arith.constant 2 : i32
        %dma_start3A_63 = arith.constant 0 : i32
        %dma_start3A_64 = tpu.memref_slice %arg8[%dma_start3A_62, %dma_start3A_63] : memref<16x128xi32, #tpu.memory_space<vmem>> -> memref<1x128xi32, #tpu.memory_space<vmem>>
        %dma_start3A_65 = tpu.memref_squeeze %dma_start3A_64 : memref<1x128xi32, #tpu.memory_space<vmem>> -> memref<128xi32, #tpu.memory_space<vmem>>
        %dma_start3A_66 = arith.constant 0 : i32
        %dma_start3A_67 = tpu.memref_slice %arg6[%dma_start3A_66] : memref<100352xf32, #tpu.memory_space<vmem_shared>> -> memref<100352xf32, #tpu.memory_space<vmem_shared>>
        tpu.enqueue_indirect_dma source(%arg9 : memref<128xf32, #tpu.memory_space<vmem>>) target(%dma_start3A_67 : memref<100352xf32, #tpu.memory_space<vmem_shared>>) offsets(%dma_start3A_65 : memref<128xi32, #tpu.memory_space<vmem>>) semaphore(%arg11 : memref<!tpu.dma_semaphore, #tpu.memory_space<semaphore_mem>>) {add = true}
        %dma_start3A_68 = arith.constant 3 : i32
        %dma_start3A_69 = arith.constant 0 : i32
        %dma_start3A_70 = tpu.memref_slice %arg7[%dma_start3A_68, %dma_start3A_69] : memref<16x128xi32, #tpu.memory_space<vmem>> -> memref<1x128xi32, #tpu.memory_space<vmem>>
        %dma_start3A_71 = tpu.memref_squeeze %dma_start3A_70 : memref<1x128xi32, #tpu.memory_space<vmem>> -> memref<128xi32, #tpu.memory_space<vmem>>
        %dma_start3A_72 = arith.constant 0 : i32
        %dma_start3A_73 = tpu.memref_slice %arg5[%dma_start3A_72] : memref<100352xf32, #tpu.memory_space<vmem_shared>> -> memref<100352xf32, #tpu.memory_space<vmem_shared>>
        tpu.enqueue_indirect_dma source(%arg9 : memref<128xf32, #tpu.memory_space<vmem>>) target(%dma_start3A_73 : memref<100352xf32, #tpu.memory_space<vmem_shared>>) offsets(%dma_start3A_71 : memref<128xi32, #tpu.memory_space<vmem>>) semaphore(%arg11 : memref<!tpu.dma_semaphore, #tpu.memory_space<semaphore_mem>>) {add = true}
        %dma_start3A_74 = arith.constant 3 : i32
        %dma_start3A_75 = arith.constant 0 : i32
        %dma_start3A_76 = tpu.memref_slice %arg8[%dma_start3A_74, %dma_start3A_75] : memref<16x128xi32, #tpu.memory_space<vmem>> -> memref<1x128xi32, #tpu.memory_space<vmem>>
        %dma_start3A_77 = tpu.memref_squeeze %dma_start3A_76 : memref<1x128xi32, #tpu.memory_space<vmem>> -> memref<128xi32, #tpu.memory_space<vmem>>
        %dma_start3A_78 = arith.constant 0 : i32
        %dma_start3A_79 = tpu.memref_slice %arg6[%dma_start3A_78] : memref<100352xf32, #tpu.memory_space<vmem_shared>> -> memref<100352xf32, #tpu.memory_space<vmem_shared>>
        tpu.enqueue_indirect_dma source(%arg9 : memref<128xf32, #tpu.memory_space<vmem>>) target(%dma_start3A_79 : memref<100352xf32, #tpu.memory_space<vmem_shared>>) offsets(%dma_start3A_77 : memref<128xi32, #tpu.memory_space<vmem>>) semaphore(%arg11 : memref<!tpu.dma_semaphore, #tpu.memory_space<semaphore_mem>>) {add = true}
        %dma_start3A_80 = arith.constant 4 : i32
        %dma_start3A_81 = arith.constant 0 : i32
        %dma_start3A_82 = tpu.memref_slice %arg7[%dma_start3A_80, %dma_start3A_81] : memref<16x128xi32, #tpu.memory_space<vmem>> -> memref<1x128xi32, #tpu.memory_space<vmem>>
        %dma_start3A_83 = tpu.memref_squeeze %dma_start3A_82 : memref<1x128xi32, #tpu.memory_space<vmem>> -> memref<128xi32, #tpu.memory_space<vmem>>
        %dma_start3A_84 = arith.constant 0 : i32
        %dma_start3A_85 = tpu.memref_slice %arg5[%dma_start3A_84] : memref<100352xf32, #tpu.memory_space<vmem_shared>> -> memref<100352xf32, #tpu.memory_space<vmem_shared>>
        tpu.enqueue_indirect_dma source(%arg9 : memref<128xf32, #tpu.memory_space<vmem>>) target(%dma_start3A_85 : memref<100352xf32, #tpu.memory_space<vmem_shared>>) offsets(%dma_start3A_83 : memref<128xi32, #tpu.memory_space<vmem>>) semaphore(%arg11 : memref<!tpu.dma_semaphore, #tpu.memory_space<semaphore_mem>>) {add = true}
        %dma_start3A_86 = arith.constant 4 : i32
        %dma_start3A_87 = arith.constant 0 : i32
        %dma_start3A_88 = tpu.memref_slice %arg8[%dma_start3A_86, %dma_start3A_87] : memref<16x128xi32, #tpu.memory_space<vmem>> -> memref<1x128xi32, #tpu.memory_space<vmem>>
        %dma_start3A_89 = tpu.memref_squeeze %dma_start3A_88 : memref<1x128xi32, #tpu.memory_space<vmem>> -> memref<128xi32, #tpu.memory_space<vmem>>
        %dma_start3A_90 = arith.constant 0 : i32
        %dma_start3A_91 = tpu.memref_slice %arg6[%dma_start3A_90] : memref<100352xf32, #tpu.memory_space<vmem_shared>> -> memref<100352xf32, #tpu.memory_space<vmem_shared>>
        tpu.enqueue_indirect_dma source(%arg9 : memref<128xf32, #tpu.memory_space<vmem>>) target(%dma_start3A_91 : memref<100352xf32, #tpu.memory_space<vmem_shared>>) offsets(%dma_start3A_89 : memref<128xi32, #tpu.memory_space<vmem>>) semaphore(%arg11 : memref<!tpu.dma_semaphore, #tpu.memory_space<semaphore_mem>>) {add = true}
        %dma_start3A_92 = arith.constant 5 : i32
        %dma_start3A_93 = arith.constant 0 : i32
        %dma_start3A_94 = tpu.memref_slice %arg7[%dma_start3A_92, %dma_start3A_93] : memref<16x128xi32, #tpu.memory_space<vmem>> -> memref<1x128xi32, #tpu.memory_space<vmem>>
        %dma_start3A_95 = tpu.memref_squeeze %dma_start3A_94 : memref<1x128xi32, #tpu.memory_space<vmem>> -> memref<128xi32, #tpu.memory_space<vmem>>
        %dma_start3A_96 = arith.constant 0 : i32
        %dma_start3A_97 = tpu.memref_slice %arg5[%dma_start3A_96] : memref<100352xf32, #tpu.memory_space<vmem_shared>> -> memref<100352xf32, #tpu.memory_space<vmem_shared>>
        tpu.enqueue_indirect_dma source(%arg9 : memref<128xf32, #tpu.memory_space<vmem>>) target(%dma_start3A_97 : memref<100352xf32, #tpu.memory_space<vmem_shared>>) offsets(%dma_start3A_95 : memref<128xi32, #tpu.memory_space<vmem>>) semaphore(%arg11 : memref<!tpu.dma_semaphore, #tpu.memory_space<semaphore_mem>>) {add = true}
        %dma_start3A_98 = arith.constant 5 : i32
        %dma_start3A_99 = arith.constant 0 : i32
        %dma_start3A_100 = tpu.memref_slice %arg8[%dma_start3A_98, %dma_start3A_99] : memref<16x128xi32, #tpu.memory_space<vmem>> -> memref<1x128xi32, #tpu.memory_space<vmem>>
        %dma_start3A_101 = tpu.memref_squeeze %dma_start3A_100 : memref<1x128xi32, #tpu.memory_space<vmem>> -> memref<128xi32, #tpu.memory_space<vmem>>
        %dma_start3A_102 = arith.constant 0 : i32
        %dma_start3A_103 = tpu.memref_slice %arg6[%dma_start3A_102] : memref<100352xf32, #tpu.memory_space<vmem_shared>> -> memref<100352xf32, #tpu.memory_space<vmem_shared>>
        tpu.enqueue_indirect_dma source(%arg9 : memref<128xf32, #tpu.memory_space<vmem>>) target(%dma_start3A_103 : memref<100352xf32, #tpu.memory_space<vmem_shared>>) offsets(%dma_start3A_101 : memref<128xi32, #tpu.memory_space<vmem>>) semaphore(%arg11 : memref<!tpu.dma_semaphore, #tpu.memory_space<semaphore_mem>>) {add = true}
        %dma_start3A_104 = arith.constant 6 : i32
        %dma_start3A_105 = arith.constant 0 : i32
        %dma_start3A_106 = tpu.memref_slice %arg7[%dma_start3A_104, %dma_start3A_105] : memref<16x128xi32, #tpu.memory_space<vmem>> -> memref<1x128xi32, #tpu.memory_space<vmem>>
        %dma_start3A_107 = tpu.memref_squeeze %dma_start3A_106 : memref<1x128xi32, #tpu.memory_space<vmem>> -> memref<128xi32, #tpu.memory_space<vmem>>
        %dma_start3A_108 = arith.constant 0 : i32
        %dma_start3A_109 = tpu.memref_slice %arg5[%dma_start3A_108] : memref<100352xf32, #tpu.memory_space<vmem_shared>> -> memref<100352xf32, #tpu.memory_space<vmem_shared>>
        tpu.enqueue_indirect_dma source(%arg9 : memref<128xf32, #tpu.memory_space<vmem>>) target(%dma_start3A_109 : memref<100352xf32, #tpu.memory_space<vmem_shared>>) offsets(%dma_start3A_107 : memref<128xi32, #tpu.memory_space<vmem>>) semaphore(%arg11 : memref<!tpu.dma_semaphore, #tpu.memory_space<semaphore_mem>>) {add = true}
        %dma_start3A_110 = arith.constant 6 : i32
        %dma_start3A_111 = arith.constant 0 : i32
        %dma_start3A_112 = tpu.memref_slice %arg8[%dma_start3A_110, %dma_start3A_111] : memref<16x128xi32, #tpu.memory_space<vmem>> -> memref<1x128xi32, #tpu.memory_space<vmem>>
        %dma_start3A_113 = tpu.memref_squeeze %dma_start3A_112 : memref<1x128xi32, #tpu.memory_space<vmem>> -> memref<128xi32, #tpu.memory_space<vmem>>
        %dma_start3A_114 = arith.constant 0 : i32
        %dma_start3A_115 = tpu.memref_slice %arg6[%dma_start3A_114] : memref<100352xf32, #tpu.memory_space<vmem_shared>> -> memref<100352xf32, #tpu.memory_space<vmem_shared>>
        tpu.enqueue_indirect_dma source(%arg9 : memref<128xf32, #tpu.memory_space<vmem>>) target(%dma_start3A_115 : memref<100352xf32, #tpu.memory_space<vmem_shared>>) offsets(%dma_start3A_113 : memref<128xi32, #tpu.memory_space<vmem>>) semaphore(%arg11 : memref<!tpu.dma_semaphore, #tpu.memory_space<semaphore_mem>>) {add = true}
        %dma_start3A_116 = arith.constant 7 : i32
        %dma_start3A_117 = arith.constant 0 : i32
        %dma_start3A_118 = tpu.memref_slice %arg7[%dma_start3A_116, %dma_start3A_117] : memref<16x128xi32, #tpu.memory_space<vmem>> -> memref<1x128xi32, #tpu.memory_space<vmem>>
        %dma_start3A_119 = tpu.memref_squeeze %dma_start3A_118 : memref<1x128xi32, #tpu.memory_space<vmem>> -> memref<128xi32, #tpu.memory_space<vmem>>
        %dma_start3A_120 = arith.constant 0 : i32
        %dma_start3A_121 = tpu.memref_slice %arg5[%dma_start3A_120] : memref<100352xf32, #tpu.memory_space<vmem_shared>> -> memref<100352xf32, #tpu.memory_space<vmem_shared>>
        tpu.enqueue_indirect_dma source(%arg9 : memref<128xf32, #tpu.memory_space<vmem>>) target(%dma_start3A_121 : memref<100352xf32, #tpu.memory_space<vmem_shared>>) offsets(%dma_start3A_119 : memref<128xi32, #tpu.memory_space<vmem>>) semaphore(%arg11 : memref<!tpu.dma_semaphore, #tpu.memory_space<semaphore_mem>>) {add = true}
        %dma_start3A_122 = arith.constant 7 : i32
        %dma_start3A_123 = arith.constant 0 : i32
        %dma_start3A_124 = tpu.memref_slice %arg8[%dma_start3A_122, %dma_start3A_123] : memref<16x128xi32, #tpu.memory_space<vmem>> -> memref<1x128xi32, #tpu.memory_space<vmem>>
        %dma_start3A_125 = tpu.memref_squeeze %dma_start3A_124 : memref<1x128xi32, #tpu.memory_space<vmem>> -> memref<128xi32, #tpu.memory_space<vmem>>
        %dma_start3A_126 = arith.constant 0 : i32
        %dma_start3A_127 = tpu.memref_slice %arg6[%dma_start3A_126] : memref<100352xf32, #tpu.memory_space<vmem_shared>> -> memref<100352xf32, #tpu.memory_space<vmem_shared>>
        tpu.enqueue_indirect_dma source(%arg9 : memref<128xf32, #tpu.memory_space<vmem>>) target(%dma_start3A_127 : memref<100352xf32, #tpu.memory_space<vmem_shared>>) offsets(%dma_start3A_125 : memref<128xi32, #tpu.memory_space<vmem>>) semaphore(%arg11 : memref<!tpu.dma_semaphore, #tpu.memory_space<semaphore_mem>>) {add = true}
        %dma_start3A_128 = arith.constant 8 : i32
        %dma_start3A_129 = arith.constant 0 : i32
        %dma_start3A_130 = tpu.memref_slice %arg7[%dma_start3A_128, %dma_start3A_129] : memref<16x128xi32, #tpu.memory_space<vmem>> -> memref<1x128xi32, #tpu.memory_space<vmem>>
        %dma_start3A_131 = tpu.memref_squeeze %dma_start3A_130 : memref<1x128xi32, #tpu.memory_space<vmem>> -> memref<128xi32, #tpu.memory_space<vmem>>
        %dma_start3A_132 = arith.constant 0 : i32
        %dma_start3A_133 = tpu.memref_slice %arg5[%dma_start3A_132] : memref<100352xf32, #tpu.memory_space<vmem_shared>> -> memref<100352xf32, #tpu.memory_space<vmem_shared>>
        tpu.enqueue_indirect_dma source(%arg9 : memref<128xf32, #tpu.memory_space<vmem>>) target(%dma_start3A_133 : memref<100352xf32, #tpu.memory_space<vmem_shared>>) offsets(%dma_start3A_131 : memref<128xi32, #tpu.memory_space<vmem>>) semaphore(%arg11 : memref<!tpu.dma_semaphore, #tpu.memory_space<semaphore_mem>>) {add = true}
        %dma_start3A_134 = arith.constant 8 : i32
        %dma_start3A_135 = arith.constant 0 : i32
        %dma_start3A_136 = tpu.memref_slice %arg8[%dma_start3A_134, %dma_start3A_135] : memref<16x128xi32, #tpu.memory_space<vmem>> -> memref<1x128xi32, #tpu.memory_space<vmem>>
        %dma_start3A_137 = tpu.memref_squeeze %dma_start3A_136 : memref<1x128xi32, #tpu.memory_space<vmem>> -> memref<128xi32, #tpu.memory_space<vmem>>
        %dma_start3A_138 = arith.constant 0 : i32
        %dma_start3A_139 = tpu.memref_slice %arg6[%dma_start3A_138] : memref<100352xf32, #tpu.memory_space<vmem_shared>> -> memref<100352xf32, #tpu.memory_space<vmem_shared>>
        tpu.enqueue_indirect_dma source(%arg9 : memref<128xf32, #tpu.memory_space<vmem>>) target(%dma_start3A_139 : memref<100352xf32, #tpu.memory_space<vmem_shared>>) offsets(%dma_start3A_137 : memref<128xi32, #tpu.memory_space<vmem>>) semaphore(%arg11 : memref<!tpu.dma_semaphore, #tpu.memory_space<semaphore_mem>>) {add = true}
        %dma_start3A_140 = arith.constant 9 : i32
        %dma_start3A_141 = arith.constant 0 : i32
        %dma_start3A_142 = tpu.memref_slice %arg7[%dma_start3A_140, %dma_start3A_141] : memref<16x128xi32, #tpu.memory_space<vmem>> -> memref<1x128xi32, #tpu.memory_space<vmem>>
        %dma_start3A_143 = tpu.memref_squeeze %dma_start3A_142 : memref<1x128xi32, #tpu.memory_space<vmem>> -> memref<128xi32, #tpu.memory_space<vmem>>
        %dma_start3A_144 = arith.constant 0 : i32
        %dma_start3A_145 = tpu.memref_slice %arg5[%dma_start3A_144] : memref<100352xf32, #tpu.memory_space<vmem_shared>> -> memref<100352xf32, #tpu.memory_space<vmem_shared>>
        tpu.enqueue_indirect_dma source(%arg9 : memref<128xf32, #tpu.memory_space<vmem>>) target(%dma_start3A_145 : memref<100352xf32, #tpu.memory_space<vmem_shared>>) offsets(%dma_start3A_143 : memref<128xi32, #tpu.memory_space<vmem>>) semaphore(%arg11 : memref<!tpu.dma_semaphore, #tpu.memory_space<semaphore_mem>>) {add = true}
        %dma_start3A_146 = arith.constant 9 : i32
        %dma_start3A_147 = arith.constant 0 : i32
        %dma_start3A_148 = tpu.memref_slice %arg8[%dma_start3A_146, %dma_start3A_147] : memref<16x128xi32, #tpu.memory_space<vmem>> -> memref<1x128xi32, #tpu.memory_space<vmem>>
        %dma_start3A_149 = tpu.memref_squeeze %dma_start3A_148 : memref<1x128xi32, #tpu.memory_space<vmem>> -> memref<128xi32, #tpu.memory_space<vmem>>
        %dma_start3A_150 = arith.constant 0 : i32
        %dma_start3A_151 = tpu.memref_slice %arg6[%dma_start3A_150] : memref<100352xf32, #tpu.memory_space<vmem_shared>> -> memref<100352xf32, #tpu.memory_space<vmem_shared>>
        tpu.enqueue_indirect_dma source(%arg9 : memref<128xf32, #tpu.memory_space<vmem>>) target(%dma_start3A_151 : memref<100352xf32, #tpu.memory_space<vmem_shared>>) offsets(%dma_start3A_149 : memref<128xi32, #tpu.memory_space<vmem>>) semaphore(%arg11 : memref<!tpu.dma_semaphore, #tpu.memory_space<semaphore_mem>>) {add = true}
        %dma_start3A_152 = arith.constant 10 : i32
        %dma_start3A_153 = arith.constant 0 : i32
        %dma_start3A_154 = tpu.memref_slice %arg7[%dma_start3A_152, %dma_start3A_153] : memref<16x128xi32, #tpu.memory_space<vmem>> -> memref<1x128xi32, #tpu.memory_space<vmem>>
        %dma_start3A_155 = tpu.memref_squeeze %dma_start3A_154 : memref<1x128xi32, #tpu.memory_space<vmem>> -> memref<128xi32, #tpu.memory_space<vmem>>
        %dma_start3A_156 = arith.constant 0 : i32
        %dma_start3A_157 = tpu.memref_slice %arg5[%dma_start3A_156] : memref<100352xf32, #tpu.memory_space<vmem_shared>> -> memref<100352xf32, #tpu.memory_space<vmem_shared>>
        tpu.enqueue_indirect_dma source(%arg9 : memref<128xf32, #tpu.memory_space<vmem>>) target(%dma_start3A_157 : memref<100352xf32, #tpu.memory_space<vmem_shared>>) offsets(%dma_start3A_155 : memref<128xi32, #tpu.memory_space<vmem>>) semaphore(%arg11 : memref<!tpu.dma_semaphore, #tpu.memory_space<semaphore_mem>>) {add = true}
        %dma_start3A_158 = arith.constant 10 : i32
        %dma_start3A_159 = arith.constant 0 : i32
        %dma_start3A_160 = tpu.memref_slice %arg8[%dma_start3A_158, %dma_start3A_159] : memref<16x128xi32, #tpu.memory_space<vmem>> -> memref<1x128xi32, #tpu.memory_space<vmem>>
        %dma_start3A_161 = tpu.memref_squeeze %dma_start3A_160 : memref<1x128xi32, #tpu.memory_space<vmem>> -> memref<128xi32, #tpu.memory_space<vmem>>
        %dma_start3A_162 = arith.constant 0 : i32
        %dma_start3A_163 = tpu.memref_slice %arg6[%dma_start3A_162] : memref<100352xf32, #tpu.memory_space<vmem_shared>> -> memref<100352xf32, #tpu.memory_space<vmem_shared>>
        tpu.enqueue_indirect_dma source(%arg9 : memref<128xf32, #tpu.memory_space<vmem>>) target(%dma_start3A_163 : memref<100352xf32, #tpu.memory_space<vmem_shared>>) offsets(%dma_start3A_161 : memref<128xi32, #tpu.memory_space<vmem>>) semaphore(%arg11 : memref<!tpu.dma_semaphore, #tpu.memory_space<semaphore_mem>>) {add = true}
        %dma_start3A_164 = arith.constant 11 : i32
        %dma_start3A_165 = arith.constant 0 : i32
        %dma_start3A_166 = tpu.memref_slice %arg7[%dma_start3A_164, %dma_start3A_165] : memref<16x128xi32, #tpu.memory_space<vmem>> -> memref<1x128xi32, #tpu.memory_space<vmem>>
        %dma_start3A_167 = tpu.memref_squeeze %dma_start3A_166 : memref<1x128xi32, #tpu.memory_space<vmem>> -> memref<128xi32, #tpu.memory_space<vmem>>
        %dma_start3A_168 = arith.constant 0 : i32
        %dma_start3A_169 = tpu.memref_slice %arg5[%dma_start3A_168] : memref<100352xf32, #tpu.memory_space<vmem_shared>> -> memref<100352xf32, #tpu.memory_space<vmem_shared>>
        tpu.enqueue_indirect_dma source(%arg9 : memref<128xf32, #tpu.memory_space<vmem>>) target(%dma_start3A_169 : memref<100352xf32, #tpu.memory_space<vmem_shared>>) offsets(%dma_start3A_167 : memref<128xi32, #tpu.memory_space<vmem>>) semaphore(%arg11 : memref<!tpu.dma_semaphore, #tpu.memory_space<semaphore_mem>>) {add = true}
        %dma_start3A_170 = arith.constant 11 : i32
        %dma_start3A_171 = arith.constant 0 : i32
        %dma_start3A_172 = tpu.memref_slice %arg8[%dma_start3A_170, %dma_start3A_171] : memref<16x128xi32, #tpu.memory_space<vmem>> -> memref<1x128xi32, #tpu.memory_space<vmem>>
        %dma_start3A_173 = tpu.memref_squeeze %dma_start3A_172 : memref<1x128xi32, #tpu.memory_space<vmem>> -> memref<128xi32, #tpu.memory_space<vmem>>
        %dma_start3A_174 = arith.constant 0 : i32
        %dma_start3A_175 = tpu.memref_slice %arg6[%dma_start3A_174] : memref<100352xf32, #tpu.memory_space<vmem_shared>> -> memref<100352xf32, #tpu.memory_space<vmem_shared>>
        tpu.enqueue_indirect_dma source(%arg9 : memref<128xf32, #tpu.memory_space<vmem>>) target(%dma_start3A_175 : memref<100352xf32, #tpu.memory_space<vmem_shared>>) offsets(%dma_start3A_173 : memref<128xi32, #tpu.memory_space<vmem>>) semaphore(%arg11 : memref<!tpu.dma_semaphore, #tpu.memory_space<semaphore_mem>>) {add = true}
        %dma_start3A_176 = arith.constant 12 : i32
        %dma_start3A_177 = arith.constant 0 : i32
        %dma_start3A_178 = tpu.memref_slice %arg7[%dma_start3A_176, %dma_start3A_177] : memref<16x128xi32, #tpu.memory_space<vmem>> -> memref<1x128xi32, #tpu.memory_space<vmem>>
        %dma_start3A_179 = tpu.memref_squeeze %dma_start3A_178 : memref<1x128xi32, #tpu.memory_space<vmem>> -> memref<128xi32, #tpu.memory_space<vmem>>
        %dma_start3A_180 = arith.constant 0 : i32
        %dma_start3A_181 = tpu.memref_slice %arg5[%dma_start3A_180] : memref<100352xf32, #tpu.memory_space<vmem_shared>> -> memref<100352xf32, #tpu.memory_space<vmem_shared>>
        tpu.enqueue_indirect_dma source(%arg9 : memref<128xf32, #tpu.memory_space<vmem>>) target(%dma_start3A_181 : memref<100352xf32, #tpu.memory_space<vmem_shared>>) offsets(%dma_start3A_179 : memref<128xi32, #tpu.memory_space<vmem>>) semaphore(%arg11 : memref<!tpu.dma_semaphore, #tpu.memory_space<semaphore_mem>>) {add = true}
        %dma_start3A_182 = arith.constant 12 : i32
        %dma_start3A_183 = arith.constant 0 : i32
        %dma_start3A_184 = tpu.memref_slice %arg8[%dma_start3A_182, %dma_start3A_183] : memref<16x128xi32, #tpu.memory_space<vmem>> -> memref<1x128xi32, #tpu.memory_space<vmem>>
        %dma_start3A_185 = tpu.memref_squeeze %dma_start3A_184 : memref<1x128xi32, #tpu.memory_space<vmem>> -> memref<128xi32, #tpu.memory_space<vmem>>
        %dma_start3A_186 = arith.constant 0 : i32
        %dma_start3A_187 = tpu.memref_slice %arg6[%dma_start3A_186] : memref<100352xf32, #tpu.memory_space<vmem_shared>> -> memref<100352xf32, #tpu.memory_space<vmem_shared>>
        tpu.enqueue_indirect_dma source(%arg9 : memref<128xf32, #tpu.memory_space<vmem>>) target(%dma_start3A_187 : memref<100352xf32, #tpu.memory_space<vmem_shared>>) offsets(%dma_start3A_185 : memref<128xi32, #tpu.memory_space<vmem>>) semaphore(%arg11 : memref<!tpu.dma_semaphore, #tpu.memory_space<semaphore_mem>>) {add = true}
        %dma_start3A_188 = arith.constant 13 : i32
        %dma_start3A_189 = arith.constant 0 : i32
        %dma_start3A_190 = tpu.memref_slice %arg7[%dma_start3A_188, %dma_start3A_189] : memref<16x128xi32, #tpu.memory_space<vmem>> -> memref<1x128xi32, #tpu.memory_space<vmem>>
        %dma_start3A_191 = tpu.memref_squeeze %dma_start3A_190 : memref<1x128xi32, #tpu.memory_space<vmem>> -> memref<128xi32, #tpu.memory_space<vmem>>
        %dma_start3A_192 = arith.constant 0 : i32
        %dma_start3A_193 = tpu.memref_slice %arg5[%dma_start3A_192] : memref<100352xf32, #tpu.memory_space<vmem_shared>> -> memref<100352xf32, #tpu.memory_space<vmem_shared>>
        tpu.enqueue_indirect_dma source(%arg9 : memref<128xf32, #tpu.memory_space<vmem>>) target(%dma_start3A_193 : memref<100352xf32, #tpu.memory_space<vmem_shared>>) offsets(%dma_start3A_191 : memref<128xi32, #tpu.memory_space<vmem>>) semaphore(%arg11 : memref<!tpu.dma_semaphore, #tpu.memory_space<semaphore_mem>>) {add = true}
        %dma_start3A_194 = arith.constant 13 : i32
        %dma_start3A_195 = arith.constant 0 : i32
        %dma_start3A_196 = tpu.memref_slice %arg8[%dma_start3A_194, %dma_start3A_195] : memref<16x128xi32, #tpu.memory_space<vmem>> -> memref<1x128xi32, #tpu.memory_space<vmem>>
        %dma_start3A_197 = tpu.memref_squeeze %dma_start3A_196 : memref<1x128xi32, #tpu.memory_space<vmem>> -> memref<128xi32, #tpu.memory_space<vmem>>
        %dma_start3A_198 = arith.constant 0 : i32
        %dma_start3A_199 = tpu.memref_slice %arg6[%dma_start3A_198] : memref<100352xf32, #tpu.memory_space<vmem_shared>> -> memref<100352xf32, #tpu.memory_space<vmem_shared>>
        tpu.enqueue_indirect_dma source(%arg9 : memref<128xf32, #tpu.memory_space<vmem>>) target(%dma_start3A_199 : memref<100352xf32, #tpu.memory_space<vmem_shared>>) offsets(%dma_start3A_197 : memref<128xi32, #tpu.memory_space<vmem>>) semaphore(%arg11 : memref<!tpu.dma_semaphore, #tpu.memory_space<semaphore_mem>>) {add = true}
        %dma_start3A_200 = arith.constant 14 : i32
        %dma_start3A_201 = arith.constant 0 : i32
        %dma_start3A_202 = tpu.memref_slice %arg7[%dma_start3A_200, %dma_start3A_201] : memref<16x128xi32, #tpu.memory_space<vmem>> -> memref<1x128xi32, #tpu.memory_space<vmem>>
        %dma_start3A_203 = tpu.memref_squeeze %dma_start3A_202 : memref<1x128xi32, #tpu.memory_space<vmem>> -> memref<128xi32, #tpu.memory_space<vmem>>
        %dma_start3A_204 = arith.constant 0 : i32
        %dma_start3A_205 = tpu.memref_slice %arg5[%dma_start3A_204] : memref<100352xf32, #tpu.memory_space<vmem_shared>> -> memref<100352xf32, #tpu.memory_space<vmem_shared>>
        tpu.enqueue_indirect_dma source(%arg9 : memref<128xf32, #tpu.memory_space<vmem>>) target(%dma_start3A_205 : memref<100352xf32, #tpu.memory_space<vmem_shared>>) offsets(%dma_start3A_203 : memref<128xi32, #tpu.memory_space<vmem>>) semaphore(%arg11 : memref<!tpu.dma_semaphore, #tpu.memory_space<semaphore_mem>>) {add = true}
        %dma_start3A_206 = arith.constant 14 : i32
        %dma_start3A_207 = arith.constant 0 : i32
        %dma_start3A_208 = tpu.memref_slice %arg8[%dma_start3A_206, %dma_start3A_207] : memref<16x128xi32, #tpu.memory_space<vmem>> -> memref<1x128xi32, #tpu.memory_space<vmem>>
        %dma_start3A_209 = tpu.memref_squeeze %dma_start3A_208 : memref<1x128xi32, #tpu.memory_space<vmem>> -> memref<128xi32, #tpu.memory_space<vmem>>
        %dma_start3A_210 = arith.constant 0 : i32
        %dma_start3A_211 = tpu.memref_slice %arg6[%dma_start3A_210] : memref<100352xf32, #tpu.memory_space<vmem_shared>> -> memref<100352xf32, #tpu.memory_space<vmem_shared>>
        tpu.enqueue_indirect_dma source(%arg9 : memref<128xf32, #tpu.memory_space<vmem>>) target(%dma_start3A_211 : memref<100352xf32, #tpu.memory_space<vmem_shared>>) offsets(%dma_start3A_209 : memref<128xi32, #tpu.memory_space<vmem>>) semaphore(%arg11 : memref<!tpu.dma_semaphore, #tpu.memory_space<semaphore_mem>>) {add = true}
        %dma_start3A_212 = arith.constant 15 : i32
        %dma_start3A_213 = arith.constant 0 : i32
        %dma_start3A_214 = tpu.memref_slice %arg7[%dma_start3A_212, %dma_start3A_213] : memref<16x128xi32, #tpu.memory_space<vmem>> -> memref<1x128xi32, #tpu.memory_space<vmem>>
        %dma_start3A_215 = tpu.memref_squeeze %dma_start3A_214 : memref<1x128xi32, #tpu.memory_space<vmem>> -> memref<128xi32, #tpu.memory_space<vmem>>
        %dma_start3A_216 = arith.constant 0 : i32
        %dma_start3A_217 = tpu.memref_slice %arg5[%dma_start3A_216] : memref<100352xf32, #tpu.memory_space<vmem_shared>> -> memref<100352xf32, #tpu.memory_space<vmem_shared>>
        tpu.enqueue_indirect_dma source(%arg9 : memref<128xf32, #tpu.memory_space<vmem>>) target(%dma_start3A_217 : memref<100352xf32, #tpu.memory_space<vmem_shared>>) offsets(%dma_start3A_215 : memref<128xi32, #tpu.memory_space<vmem>>) semaphore(%arg11 : memref<!tpu.dma_semaphore, #tpu.memory_space<semaphore_mem>>) {add = true}
        %dma_start3A_218 = arith.constant 15 : i32
        %dma_start3A_219 = arith.constant 0 : i32
        %dma_start3A_220 = tpu.memref_slice %arg8[%dma_start3A_218, %dma_start3A_219] : memref<16x128xi32, #tpu.memory_space<vmem>> -> memref<1x128xi32, #tpu.memory_space<vmem>>
        %dma_start3A_221 = tpu.memref_squeeze %dma_start3A_220 : memref<1x128xi32, #tpu.memory_space<vmem>> -> memref<128xi32, #tpu.memory_space<vmem>>
        %dma_start3A_222 = arith.constant 0 : i32
        %dma_start3A_223 = tpu.memref_slice %arg6[%dma_start3A_222] : memref<100352xf32, #tpu.memory_space<vmem_shared>> -> memref<100352xf32, #tpu.memory_space<vmem_shared>>
        tpu.enqueue_indirect_dma source(%arg9 : memref<128xf32, #tpu.memory_space<vmem>>) target(%dma_start3A_223 : memref<100352xf32, #tpu.memory_space<vmem_shared>>) offsets(%dma_start3A_221 : memref<128xi32, #tpu.memory_space<vmem>>) semaphore(%arg11 : memref<!tpu.dma_semaphore, #tpu.memory_space<semaphore_mem>>) {add = true}
        %dma_wait3A = arith.constant 0 : i32
        %dma_wait3A_224 = arith.constant 0 : i32
        %dma_wait3A_225 = tpu.memref_slice %arg7[%dma_wait3A, %dma_wait3A_224] : memref<16x128xi32, #tpu.memory_space<vmem>> -> memref<1x128xi32, #tpu.memory_space<vmem>>
        %dma_wait3A_226 = tpu.memref_squeeze %dma_wait3A_225 : memref<1x128xi32, #tpu.memory_space<vmem>> -> memref<128xi32, #tpu.memory_space<vmem>>
        %dma_wait3A_227 = arith.constant 0 : i32
        %dma_wait3A_228 = tpu.memref_slice %arg5[%dma_wait3A_227] : memref<100352xf32, #tpu.memory_space<vmem_shared>> -> memref<100352xf32, #tpu.memory_space<vmem_shared>>
        tpu.wait_indirect_dma semaphore(%arg11 : memref<!tpu.dma_semaphore, #tpu.memory_space<semaphore_mem>>) src(%arg9 : memref<128xf32, #tpu.memory_space<vmem>>) dst(%dma_wait3A_228 : memref<100352xf32, #tpu.memory_space<vmem_shared>>)
        %dma_wait3A_229 = arith.constant 0 : i32
        %dma_wait3A_230 = arith.constant 0 : i32
        %dma_wait3A_231 = tpu.memref_slice %arg8[%dma_wait3A_229, %dma_wait3A_230] : memref<16x128xi32, #tpu.memory_space<vmem>> -> memref<1x128xi32, #tpu.memory_space<vmem>>
        %dma_wait3A_232 = tpu.memref_squeeze %dma_wait3A_231 : memref<1x128xi32, #tpu.memory_space<vmem>> -> memref<128xi32, #tpu.memory_space<vmem>>
        %dma_wait3A_233 = arith.constant 0 : i32
        %dma_wait3A_234 = tpu.memref_slice %arg6[%dma_wait3A_233] : memref<100352xf32, #tpu.memory_space<vmem_shared>> -> memref<100352xf32, #tpu.memory_space<vmem_shared>>
        tpu.wait_indirect_dma semaphore(%arg11 : memref<!tpu.dma_semaphore, #tpu.memory_space<semaphore_mem>>) src(%arg9 : memref<128xf32, #tpu.memory_space<vmem>>) dst(%dma_wait3A_234 : memref<100352xf32, #tpu.memory_space<vmem_shared>>)
        %dma_wait3A_235 = arith.constant 1 : i32
        %dma_wait3A_236 = arith.constant 0 : i32
        %dma_wait3A_237 = tpu.memref_slice %arg7[%dma_wait3A_235, %dma_wait3A_236] : memref<16x128xi32, #tpu.memory_space<vmem>> -> memref<1x128xi32, #tpu.memory_space<vmem>>
        %dma_wait3A_238 = tpu.memref_squeeze %dma_wait3A_237 : memref<1x128xi32, #tpu.memory_space<vmem>> -> memref<128xi32, #tpu.memory_space<vmem>>
        %dma_wait3A_239 = arith.constant 0 : i32
        %dma_wait3A_240 = tpu.memref_slice %arg5[%dma_wait3A_239] : memref<100352xf32, #tpu.memory_space<vmem_shared>> -> memref<100352xf32, #tpu.memory_space<vmem_shared>>
        tpu.wait_indirect_dma semaphore(%arg11 : memref<!tpu.dma_semaphore, #tpu.memory_space<semaphore_mem>>) src(%arg9 : memref<128xf32, #tpu.memory_space<vmem>>) dst(%dma_wait3A_240 : memref<100352xf32, #tpu.memory_space<vmem_shared>>)
        %dma_wait3A_241 = arith.constant 1 : i32
        %dma_wait3A_242 = arith.constant 0 : i32
        %dma_wait3A_243 = tpu.memref_slice %arg8[%dma_wait3A_241, %dma_wait3A_242] : memref<16x128xi32, #tpu.memory_space<vmem>> -> memref<1x128xi32, #tpu.memory_space<vmem>>
        %dma_wait3A_244 = tpu.memref_squeeze %dma_wait3A_243 : memref<1x128xi32, #tpu.memory_space<vmem>> -> memref<128xi32, #tpu.memory_space<vmem>>
        %dma_wait3A_245 = arith.constant 0 : i32
        %dma_wait3A_246 = tpu.memref_slice %arg6[%dma_wait3A_245] : memref<100352xf32, #tpu.memory_space<vmem_shared>> -> memref<100352xf32, #tpu.memory_space<vmem_shared>>
        tpu.wait_indirect_dma semaphore(%arg11 : memref<!tpu.dma_semaphore, #tpu.memory_space<semaphore_mem>>) src(%arg9 : memref<128xf32, #tpu.memory_space<vmem>>) dst(%dma_wait3A_246 : memref<100352xf32, #tpu.memory_space<vmem_shared>>)
        %dma_wait3A_247 = arith.constant 2 : i32
        %dma_wait3A_248 = arith.constant 0 : i32
        %dma_wait3A_249 = tpu.memref_slice %arg7[%dma_wait3A_247, %dma_wait3A_248] : memref<16x128xi32, #tpu.memory_space<vmem>> -> memref<1x128xi32, #tpu.memory_space<vmem>>
        %dma_wait3A_250 = tpu.memref_squeeze %dma_wait3A_249 : memref<1x128xi32, #tpu.memory_space<vmem>> -> memref<128xi32, #tpu.memory_space<vmem>>
        %dma_wait3A_251 = arith.constant 0 : i32
        %dma_wait3A_252 = tpu.memref_slice %arg5[%dma_wait3A_251] : memref<100352xf32, #tpu.memory_space<vmem_shared>> -> memref<100352xf32, #tpu.memory_space<vmem_shared>>
        tpu.wait_indirect_dma semaphore(%arg11 : memref<!tpu.dma_semaphore, #tpu.memory_space<semaphore_mem>>) src(%arg9 : memref<128xf32, #tpu.memory_space<vmem>>) dst(%dma_wait3A_252 : memref<100352xf32, #tpu.memory_space<vmem_shared>>)
        %dma_wait3A_253 = arith.constant 2 : i32
        %dma_wait3A_254 = arith.constant 0 : i32
        %dma_wait3A_255 = tpu.memref_slice %arg8[%dma_wait3A_253, %dma_wait3A_254] : memref<16x128xi32, #tpu.memory_space<vmem>> -> memref<1x128xi32, #tpu.memory_space<vmem>>
        %dma_wait3A_256 = tpu.memref_squeeze %dma_wait3A_255 : memref<1x128xi32, #tpu.memory_space<vmem>> -> memref<128xi32, #tpu.memory_space<vmem>>
        %dma_wait3A_257 = arith.constant 0 : i32
        %dma_wait3A_258 = tpu.memref_slice %arg6[%dma_wait3A_257] : memref<100352xf32, #tpu.memory_space<vmem_shared>> -> memref<100352xf32, #tpu.memory_space<vmem_shared>>
        tpu.wait_indirect_dma semaphore(%arg11 : memref<!tpu.dma_semaphore, #tpu.memory_space<semaphore_mem>>) src(%arg9 : memref<128xf32, #tpu.memory_space<vmem>>) dst(%dma_wait3A_258 : memref<100352xf32, #tpu.memory_space<vmem_shared>>)
        %dma_wait3A_259 = arith.constant 3 : i32
        %dma_wait3A_260 = arith.constant 0 : i32
        %dma_wait3A_261 = tpu.memref_slice %arg7[%dma_wait3A_259, %dma_wait3A_260] : memref<16x128xi32, #tpu.memory_space<vmem>> -> memref<1x128xi32, #tpu.memory_space<vmem>>
        %dma_wait3A_262 = tpu.memref_squeeze %dma_wait3A_261 : memref<1x128xi32, #tpu.memory_space<vmem>> -> memref<128xi32, #tpu.memory_space<vmem>>
        %dma_wait3A_263 = arith.constant 0 : i32
        %dma_wait3A_264 = tpu.memref_slice %arg5[%dma_wait3A_263] : memref<100352xf32, #tpu.memory_space<vmem_shared>> -> memref<100352xf32, #tpu.memory_space<vmem_shared>>
        tpu.wait_indirect_dma semaphore(%arg11 : memref<!tpu.dma_semaphore, #tpu.memory_space<semaphore_mem>>) src(%arg9 : memref<128xf32, #tpu.memory_space<vmem>>) dst(%dma_wait3A_264 : memref<100352xf32, #tpu.memory_space<vmem_shared>>)
        %dma_wait3A_265 = arith.constant 3 : i32
        %dma_wait3A_266 = arith.constant 0 : i32
        %dma_wait3A_267 = tpu.memref_slice %arg8[%dma_wait3A_265, %dma_wait3A_266] : memref<16x128xi32, #tpu.memory_space<vmem>> -> memref<1x128xi32, #tpu.memory_space<vmem>>
        %dma_wait3A_268 = tpu.memref_squeeze %dma_wait3A_267 : memref<1x128xi32, #tpu.memory_space<vmem>> -> memref<128xi32, #tpu.memory_space<vmem>>
        %dma_wait3A_269 = arith.constant 0 : i32
        %dma_wait3A_270 = tpu.memref_slice %arg6[%dma_wait3A_269] : memref<100352xf32, #tpu.memory_space<vmem_shared>> -> memref<100352xf32, #tpu.memory_space<vmem_shared>>
        tpu.wait_indirect_dma semaphore(%arg11 : memref<!tpu.dma_semaphore, #tpu.memory_space<semaphore_mem>>) src(%arg9 : memref<128xf32, #tpu.memory_space<vmem>>) dst(%dma_wait3A_270 : memref<100352xf32, #tpu.memory_space<vmem_shared>>)
        %dma_wait3A_271 = arith.constant 4 : i32
        %dma_wait3A_272 = arith.constant 0 : i32
        %dma_wait3A_273 = tpu.memref_slice %arg7[%dma_wait3A_271, %dma_wait3A_272] : memref<16x128xi32, #tpu.memory_space<vmem>> -> memref<1x128xi32, #tpu.memory_space<vmem>>
        %dma_wait3A_274 = tpu.memref_squeeze %dma_wait3A_273 : memref<1x128xi32, #tpu.memory_space<vmem>> -> memref<128xi32, #tpu.memory_space<vmem>>
        %dma_wait3A_275 = arith.constant 0 : i32
        %dma_wait3A_276 = tpu.memref_slice %arg5[%dma_wait3A_275] : memref<100352xf32, #tpu.memory_space<vmem_shared>> -> memref<100352xf32, #tpu.memory_space<vmem_shared>>
        tpu.wait_indirect_dma semaphore(%arg11 : memref<!tpu.dma_semaphore, #tpu.memory_space<semaphore_mem>>) src(%arg9 : memref<128xf32, #tpu.memory_space<vmem>>) dst(%dma_wait3A_276 : memref<100352xf32, #tpu.memory_space<vmem_shared>>)
        %dma_wait3A_277 = arith.constant 4 : i32
        %dma_wait3A_278 = arith.constant 0 : i32
        %dma_wait3A_279 = tpu.memref_slice %arg8[%dma_wait3A_277, %dma_wait3A_278] : memref<16x128xi32, #tpu.memory_space<vmem>> -> memref<1x128xi32, #tpu.memory_space<vmem>>
        %dma_wait3A_280 = tpu.memref_squeeze %dma_wait3A_279 : memref<1x128xi32, #tpu.memory_space<vmem>> -> memref<128xi32, #tpu.memory_space<vmem>>
        %dma_wait3A_281 = arith.constant 0 : i32
        %dma_wait3A_282 = tpu.memref_slice %arg6[%dma_wait3A_281] : memref<100352xf32, #tpu.memory_space<vmem_shared>> -> memref<100352xf32, #tpu.memory_space<vmem_shared>>
        tpu.wait_indirect_dma semaphore(%arg11 : memref<!tpu.dma_semaphore, #tpu.memory_space<semaphore_mem>>) src(%arg9 : memref<128xf32, #tpu.memory_space<vmem>>) dst(%dma_wait3A_282 : memref<100352xf32, #tpu.memory_space<vmem_shared>>)
        %dma_wait3A_283 = arith.constant 5 : i32
        %dma_wait3A_284 = arith.constant 0 : i32
        %dma_wait3A_285 = tpu.memref_slice %arg7[%dma_wait3A_283, %dma_wait3A_284] : memref<16x128xi32, #tpu.memory_space<vmem>> -> memref<1x128xi32, #tpu.memory_space<vmem>>
        %dma_wait3A_286 = tpu.memref_squeeze %dma_wait3A_285 : memref<1x128xi32, #tpu.memory_space<vmem>> -> memref<128xi32, #tpu.memory_space<vmem>>
        %dma_wait3A_287 = arith.constant 0 : i32
        %dma_wait3A_288 = tpu.memref_slice %arg5[%dma_wait3A_287] : memref<100352xf32, #tpu.memory_space<vmem_shared>> -> memref<100352xf32, #tpu.memory_space<vmem_shared>>
        tpu.wait_indirect_dma semaphore(%arg11 : memref<!tpu.dma_semaphore, #tpu.memory_space<semaphore_mem>>) src(%arg9 : memref<128xf32, #tpu.memory_space<vmem>>) dst(%dma_wait3A_288 : memref<100352xf32, #tpu.memory_space<vmem_shared>>)
        %dma_wait3A_289 = arith.constant 5 : i32
        %dma_wait3A_290 = arith.constant 0 : i32
        %dma_wait3A_291 = tpu.memref_slice %arg8[%dma_wait3A_289, %dma_wait3A_290] : memref<16x128xi32, #tpu.memory_space<vmem>> -> memref<1x128xi32, #tpu.memory_space<vmem>>
        %dma_wait3A_292 = tpu.memref_squeeze %dma_wait3A_291 : memref<1x128xi32, #tpu.memory_space<vmem>> -> memref<128xi32, #tpu.memory_space<vmem>>
        %dma_wait3A_293 = arith.constant 0 : i32
        %dma_wait3A_294 = tpu.memref_slice %arg6[%dma_wait3A_293] : memref<100352xf32, #tpu.memory_space<vmem_shared>> -> memref<100352xf32, #tpu.memory_space<vmem_shared>>
        tpu.wait_indirect_dma semaphore(%arg11 : memref<!tpu.dma_semaphore, #tpu.memory_space<semaphore_mem>>) src(%arg9 : memref<128xf32, #tpu.memory_space<vmem>>) dst(%dma_wait3A_294 : memref<100352xf32, #tpu.memory_space<vmem_shared>>)
        %dma_wait3A_295 = arith.constant 6 : i32
        %dma_wait3A_296 = arith.constant 0 : i32
        %dma_wait3A_297 = tpu.memref_slice %arg7[%dma_wait3A_295, %dma_wait3A_296] : memref<16x128xi32, #tpu.memory_space<vmem>> -> memref<1x128xi32, #tpu.memory_space<vmem>>
        %dma_wait3A_298 = tpu.memref_squeeze %dma_wait3A_297 : memref<1x128xi32, #tpu.memory_space<vmem>> -> memref<128xi32, #tpu.memory_space<vmem>>
        %dma_wait3A_299 = arith.constant 0 : i32
        %dma_wait3A_300 = tpu.memref_slice %arg5[%dma_wait3A_299] : memref<100352xf32, #tpu.memory_space<vmem_shared>> -> memref<100352xf32, #tpu.memory_space<vmem_shared>>
        tpu.wait_indirect_dma semaphore(%arg11 : memref<!tpu.dma_semaphore, #tpu.memory_space<semaphore_mem>>) src(%arg9 : memref<128xf32, #tpu.memory_space<vmem>>) dst(%dma_wait3A_300 : memref<100352xf32, #tpu.memory_space<vmem_shared>>)
        %dma_wait3A_301 = arith.constant 6 : i32
        %dma_wait3A_302 = arith.constant 0 : i32
        %dma_wait3A_303 = tpu.memref_slice %arg8[%dma_wait3A_301, %dma_wait3A_302] : memref<16x128xi32, #tpu.memory_space<vmem>> -> memref<1x128xi32, #tpu.memory_space<vmem>>
        %dma_wait3A_304 = tpu.memref_squeeze %dma_wait3A_303 : memref<1x128xi32, #tpu.memory_space<vmem>> -> memref<128xi32, #tpu.memory_space<vmem>>
        %dma_wait3A_305 = arith.constant 0 : i32
        %dma_wait3A_306 = tpu.memref_slice %arg6[%dma_wait3A_305] : memref<100352xf32, #tpu.memory_space<vmem_shared>> -> memref<100352xf32, #tpu.memory_space<vmem_shared>>
        tpu.wait_indirect_dma semaphore(%arg11 : memref<!tpu.dma_semaphore, #tpu.memory_space<semaphore_mem>>) src(%arg9 : memref<128xf32, #tpu.memory_space<vmem>>) dst(%dma_wait3A_306 : memref<100352xf32, #tpu.memory_space<vmem_shared>>)
        %dma_wait3A_307 = arith.constant 7 : i32
        %dma_wait3A_308 = arith.constant 0 : i32
        %dma_wait3A_309 = tpu.memref_slice %arg7[%dma_wait3A_307, %dma_wait3A_308] : memref<16x128xi32, #tpu.memory_space<vmem>> -> memref<1x128xi32, #tpu.memory_space<vmem>>
        %dma_wait3A_310 = tpu.memref_squeeze %dma_wait3A_309 : memref<1x128xi32, #tpu.memory_space<vmem>> -> memref<128xi32, #tpu.memory_space<vmem>>
        %dma_wait3A_311 = arith.constant 0 : i32
        %dma_wait3A_312 = tpu.memref_slice %arg5[%dma_wait3A_311] : memref<100352xf32, #tpu.memory_space<vmem_shared>> -> memref<100352xf32, #tpu.memory_space<vmem_shared>>
        tpu.wait_indirect_dma semaphore(%arg11 : memref<!tpu.dma_semaphore, #tpu.memory_space<semaphore_mem>>) src(%arg9 : memref<128xf32, #tpu.memory_space<vmem>>) dst(%dma_wait3A_312 : memref<100352xf32, #tpu.memory_space<vmem_shared>>)
        %dma_wait3A_313 = arith.constant 7 : i32
        %dma_wait3A_314 = arith.constant 0 : i32
        %dma_wait3A_315 = tpu.memref_slice %arg8[%dma_wait3A_313, %dma_wait3A_314] : memref<16x128xi32, #tpu.memory_space<vmem>> -> memref<1x128xi32, #tpu.memory_space<vmem>>
        %dma_wait3A_316 = tpu.memref_squeeze %dma_wait3A_315 : memref<1x128xi32, #tpu.memory_space<vmem>> -> memref<128xi32, #tpu.memory_space<vmem>>
        %dma_wait3A_317 = arith.constant 0 : i32
        %dma_wait3A_318 = tpu.memref_slice %arg6[%dma_wait3A_317] : memref<100352xf32, #tpu.memory_space<vmem_shared>> -> memref<100352xf32, #tpu.memory_space<vmem_shared>>
        tpu.wait_indirect_dma semaphore(%arg11 : memref<!tpu.dma_semaphore, #tpu.memory_space<semaphore_mem>>) src(%arg9 : memref<128xf32, #tpu.memory_space<vmem>>) dst(%dma_wait3A_318 : memref<100352xf32, #tpu.memory_space<vmem_shared>>)
        %dma_wait3A_319 = arith.constant 8 : i32
        %dma_wait3A_320 = arith.constant 0 : i32
        %dma_wait3A_321 = tpu.memref_slice %arg7[%dma_wait3A_319, %dma_wait3A_320] : memref<16x128xi32, #tpu.memory_space<vmem>> -> memref<1x128xi32, #tpu.memory_space<vmem>>
        %dma_wait3A_322 = tpu.memref_squeeze %dma_wait3A_321 : memref<1x128xi32, #tpu.memory_space<vmem>> -> memref<128xi32, #tpu.memory_space<vmem>>
        %dma_wait3A_323 = arith.constant 0 : i32
        %dma_wait3A_324 = tpu.memref_slice %arg5[%dma_wait3A_323] : memref<100352xf32, #tpu.memory_space<vmem_shared>> -> memref<100352xf32, #tpu.memory_space<vmem_shared>>
        tpu.wait_indirect_dma semaphore(%arg11 : memref<!tpu.dma_semaphore, #tpu.memory_space<semaphore_mem>>) src(%arg9 : memref<128xf32, #tpu.memory_space<vmem>>) dst(%dma_wait3A_324 : memref<100352xf32, #tpu.memory_space<vmem_shared>>)
        %dma_wait3A_325 = arith.constant 8 : i32
        %dma_wait3A_326 = arith.constant 0 : i32
        %dma_wait3A_327 = tpu.memref_slice %arg8[%dma_wait3A_325, %dma_wait3A_326] : memref<16x128xi32, #tpu.memory_space<vmem>> -> memref<1x128xi32, #tpu.memory_space<vmem>>
        %dma_wait3A_328 = tpu.memref_squeeze %dma_wait3A_327 : memref<1x128xi32, #tpu.memory_space<vmem>> -> memref<128xi32, #tpu.memory_space<vmem>>
        %dma_wait3A_329 = arith.constant 0 : i32
        %dma_wait3A_330 = tpu.memref_slice %arg6[%dma_wait3A_329] : memref<100352xf32, #tpu.memory_space<vmem_shared>> -> memref<100352xf32, #tpu.memory_space<vmem_shared>>
        tpu.wait_indirect_dma semaphore(%arg11 : memref<!tpu.dma_semaphore, #tpu.memory_space<semaphore_mem>>) src(%arg9 : memref<128xf32, #tpu.memory_space<vmem>>) dst(%dma_wait3A_330 : memref<100352xf32, #tpu.memory_space<vmem_shared>>)
        %dma_wait3A_331 = arith.constant 9 : i32
        %dma_wait3A_332 = arith.constant 0 : i32
        %dma_wait3A_333 = tpu.memref_slice %arg7[%dma_wait3A_331, %dma_wait3A_332] : memref<16x128xi32, #tpu.memory_space<vmem>> -> memref<1x128xi32, #tpu.memory_space<vmem>>
        %dma_wait3A_334 = tpu.memref_squeeze %dma_wait3A_333 : memref<1x128xi32, #tpu.memory_space<vmem>> -> memref<128xi32, #tpu.memory_space<vmem>>
        %dma_wait3A_335 = arith.constant 0 : i32
        %dma_wait3A_336 = tpu.memref_slice %arg5[%dma_wait3A_335] : memref<100352xf32, #tpu.memory_space<vmem_shared>> -> memref<100352xf32, #tpu.memory_space<vmem_shared>>
        tpu.wait_indirect_dma semaphore(%arg11 : memref<!tpu.dma_semaphore, #tpu.memory_space<semaphore_mem>>) src(%arg9 : memref<128xf32, #tpu.memory_space<vmem>>) dst(%dma_wait3A_336 : memref<100352xf32, #tpu.memory_space<vmem_shared>>)
        %dma_wait3A_337 = arith.constant 9 : i32
        %dma_wait3A_338 = arith.constant 0 : i32
        %dma_wait3A_339 = tpu.memref_slice %arg8[%dma_wait3A_337, %dma_wait3A_338] : memref<16x128xi32, #tpu.memory_space<vmem>> -> memref<1x128xi32, #tpu.memory_space<vmem>>
        %dma_wait3A_340 = tpu.memref_squeeze %dma_wait3A_339 : memref<1x128xi32, #tpu.memory_space<vmem>> -> memref<128xi32, #tpu.memory_space<vmem>>
        %dma_wait3A_341 = arith.constant 0 : i32
        %dma_wait3A_342 = tpu.memref_slice %arg6[%dma_wait3A_341] : memref<100352xf32, #tpu.memory_space<vmem_shared>> -> memref<100352xf32, #tpu.memory_space<vmem_shared>>
        tpu.wait_indirect_dma semaphore(%arg11 : memref<!tpu.dma_semaphore, #tpu.memory_space<semaphore_mem>>) src(%arg9 : memref<128xf32, #tpu.memory_space<vmem>>) dst(%dma_wait3A_342 : memref<100352xf32, #tpu.memory_space<vmem_shared>>)
        %dma_wait3A_343 = arith.constant 10 : i32
        %dma_wait3A_344 = arith.constant 0 : i32
        %dma_wait3A_345 = tpu.memref_slice %arg7[%dma_wait3A_343, %dma_wait3A_344] : memref<16x128xi32, #tpu.memory_space<vmem>> -> memref<1x128xi32, #tpu.memory_space<vmem>>
        %dma_wait3A_346 = tpu.memref_squeeze %dma_wait3A_345 : memref<1x128xi32, #tpu.memory_space<vmem>> -> memref<128xi32, #tpu.memory_space<vmem>>
        %dma_wait3A_347 = arith.constant 0 : i32
        %dma_wait3A_348 = tpu.memref_slice %arg5[%dma_wait3A_347] : memref<100352xf32, #tpu.memory_space<vmem_shared>> -> memref<100352xf32, #tpu.memory_space<vmem_shared>>
        tpu.wait_indirect_dma semaphore(%arg11 : memref<!tpu.dma_semaphore, #tpu.memory_space<semaphore_mem>>) src(%arg9 : memref<128xf32, #tpu.memory_space<vmem>>) dst(%dma_wait3A_348 : memref<100352xf32, #tpu.memory_space<vmem_shared>>)
        %dma_wait3A_349 = arith.constant 10 : i32
        %dma_wait3A_350 = arith.constant 0 : i32
        %dma_wait3A_351 = tpu.memref_slice %arg8[%dma_wait3A_349, %dma_wait3A_350] : memref<16x128xi32, #tpu.memory_space<vmem>> -> memref<1x128xi32, #tpu.memory_space<vmem>>
        %dma_wait3A_352 = tpu.memref_squeeze %dma_wait3A_351 : memref<1x128xi32, #tpu.memory_space<vmem>> -> memref<128xi32, #tpu.memory_space<vmem>>
        %dma_wait3A_353 = arith.constant 0 : i32
        %dma_wait3A_354 = tpu.memref_slice %arg6[%dma_wait3A_353] : memref<100352xf32, #tpu.memory_space<vmem_shared>> -> memref<100352xf32, #tpu.memory_space<vmem_shared>>
        tpu.wait_indirect_dma semaphore(%arg11 : memref<!tpu.dma_semaphore, #tpu.memory_space<semaphore_mem>>) src(%arg9 : memref<128xf32, #tpu.memory_space<vmem>>) dst(%dma_wait3A_354 : memref<100352xf32, #tpu.memory_space<vmem_shared>>)
        %dma_wait3A_355 = arith.constant 11 : i32
        %dma_wait3A_356 = arith.constant 0 : i32
        %dma_wait3A_357 = tpu.memref_slice %arg7[%dma_wait3A_355, %dma_wait3A_356] : memref<16x128xi32, #tpu.memory_space<vmem>> -> memref<1x128xi32, #tpu.memory_space<vmem>>
        %dma_wait3A_358 = tpu.memref_squeeze %dma_wait3A_357 : memref<1x128xi32, #tpu.memory_space<vmem>> -> memref<128xi32, #tpu.memory_space<vmem>>
        %dma_wait3A_359 = arith.constant 0 : i32
        %dma_wait3A_360 = tpu.memref_slice %arg5[%dma_wait3A_359] : memref<100352xf32, #tpu.memory_space<vmem_shared>> -> memref<100352xf32, #tpu.memory_space<vmem_shared>>
        tpu.wait_indirect_dma semaphore(%arg11 : memref<!tpu.dma_semaphore, #tpu.memory_space<semaphore_mem>>) src(%arg9 : memref<128xf32, #tpu.memory_space<vmem>>) dst(%dma_wait3A_360 : memref<100352xf32, #tpu.memory_space<vmem_shared>>)
        %dma_wait3A_361 = arith.constant 11 : i32
        %dma_wait3A_362 = arith.constant 0 : i32
        %dma_wait3A_363 = tpu.memref_slice %arg8[%dma_wait3A_361, %dma_wait3A_362] : memref<16x128xi32, #tpu.memory_space<vmem>> -> memref<1x128xi32, #tpu.memory_space<vmem>>
        %dma_wait3A_364 = tpu.memref_squeeze %dma_wait3A_363 : memref<1x128xi32, #tpu.memory_space<vmem>> -> memref<128xi32, #tpu.memory_space<vmem>>
        %dma_wait3A_365 = arith.constant 0 : i32
        %dma_wait3A_366 = tpu.memref_slice %arg6[%dma_wait3A_365] : memref<100352xf32, #tpu.memory_space<vmem_shared>> -> memref<100352xf32, #tpu.memory_space<vmem_shared>>
        tpu.wait_indirect_dma semaphore(%arg11 : memref<!tpu.dma_semaphore, #tpu.memory_space<semaphore_mem>>) src(%arg9 : memref<128xf32, #tpu.memory_space<vmem>>) dst(%dma_wait3A_366 : memref<100352xf32, #tpu.memory_space<vmem_shared>>)
        %dma_wait3A_367 = arith.constant 12 : i32
        %dma_wait3A_368 = arith.constant 0 : i32
        %dma_wait3A_369 = tpu.memref_slice %arg7[%dma_wait3A_367, %dma_wait3A_368] : memref<16x128xi32, #tpu.memory_space<vmem>> -> memref<1x128xi32, #tpu.memory_space<vmem>>
        %dma_wait3A_370 = tpu.memref_squeeze %dma_wait3A_369 : memref<1x128xi32, #tpu.memory_space<vmem>> -> memref<128xi32, #tpu.memory_space<vmem>>
        %dma_wait3A_371 = arith.constant 0 : i32
        %dma_wait3A_372 = tpu.memref_slice %arg5[%dma_wait3A_371] : memref<100352xf32, #tpu.memory_space<vmem_shared>> -> memref<100352xf32, #tpu.memory_space<vmem_shared>>
        tpu.wait_indirect_dma semaphore(%arg11 : memref<!tpu.dma_semaphore, #tpu.memory_space<semaphore_mem>>) src(%arg9 : memref<128xf32, #tpu.memory_space<vmem>>) dst(%dma_wait3A_372 : memref<100352xf32, #tpu.memory_space<vmem_shared>>)
        %dma_wait3A_373 = arith.constant 12 : i32
        %dma_wait3A_374 = arith.constant 0 : i32
        %dma_wait3A_375 = tpu.memref_slice %arg8[%dma_wait3A_373, %dma_wait3A_374] : memref<16x128xi32, #tpu.memory_space<vmem>> -> memref<1x128xi32, #tpu.memory_space<vmem>>
        %dma_wait3A_376 = tpu.memref_squeeze %dma_wait3A_375 : memref<1x128xi32, #tpu.memory_space<vmem>> -> memref<128xi32, #tpu.memory_space<vmem>>
        %dma_wait3A_377 = arith.constant 0 : i32
        %dma_wait3A_378 = tpu.memref_slice %arg6[%dma_wait3A_377] : memref<100352xf32, #tpu.memory_space<vmem_shared>> -> memref<100352xf32, #tpu.memory_space<vmem_shared>>
        tpu.wait_indirect_dma semaphore(%arg11 : memref<!tpu.dma_semaphore, #tpu.memory_space<semaphore_mem>>) src(%arg9 : memref<128xf32, #tpu.memory_space<vmem>>) dst(%dma_wait3A_378 : memref<100352xf32, #tpu.memory_space<vmem_shared>>)
        %dma_wait3A_379 = arith.constant 13 : i32
        %dma_wait3A_380 = arith.constant 0 : i32
        %dma_wait3A_381 = tpu.memref_slice %arg7[%dma_wait3A_379, %dma_wait3A_380] : memref<16x128xi32, #tpu.memory_space<vmem>> -> memref<1x128xi32, #tpu.memory_space<vmem>>
        %dma_wait3A_382 = tpu.memref_squeeze %dma_wait3A_381 : memref<1x128xi32, #tpu.memory_space<vmem>> -> memref<128xi32, #tpu.memory_space<vmem>>
        %dma_wait3A_383 = arith.constant 0 : i32
        %dma_wait3A_384 = tpu.memref_slice %arg5[%dma_wait3A_383] : memref<100352xf32, #tpu.memory_space<vmem_shared>> -> memref<100352xf32, #tpu.memory_space<vmem_shared>>
        tpu.wait_indirect_dma semaphore(%arg11 : memref<!tpu.dma_semaphore, #tpu.memory_space<semaphore_mem>>) src(%arg9 : memref<128xf32, #tpu.memory_space<vmem>>) dst(%dma_wait3A_384 : memref<100352xf32, #tpu.memory_space<vmem_shared>>)
        %dma_wait3A_385 = arith.constant 13 : i32
        %dma_wait3A_386 = arith.constant 0 : i32
        %dma_wait3A_387 = tpu.memref_slice %arg8[%dma_wait3A_385, %dma_wait3A_386] : memref<16x128xi32, #tpu.memory_space<vmem>> -> memref<1x128xi32, #tpu.memory_space<vmem>>
        %dma_wait3A_388 = tpu.memref_squeeze %dma_wait3A_387 : memref<1x128xi32, #tpu.memory_space<vmem>> -> memref<128xi32, #tpu.memory_space<vmem>>
        %dma_wait3A_389 = arith.constant 0 : i32
        %dma_wait3A_390 = tpu.memref_slice %arg6[%dma_wait3A_389] : memref<100352xf32, #tpu.memory_space<vmem_shared>> -> memref<100352xf32, #tpu.memory_space<vmem_shared>>
        tpu.wait_indirect_dma semaphore(%arg11 : memref<!tpu.dma_semaphore, #tpu.memory_space<semaphore_mem>>) src(%arg9 : memref<128xf32, #tpu.memory_space<vmem>>) dst(%dma_wait3A_390 : memref<100352xf32, #tpu.memory_space<vmem_shared>>)
        %dma_wait3A_391 = arith.constant 14 : i32
        %dma_wait3A_392 = arith.constant 0 : i32
        %dma_wait3A_393 = tpu.memref_slice %arg7[%dma_wait3A_391, %dma_wait3A_392] : memref<16x128xi32, #tpu.memory_space<vmem>> -> memref<1x128xi32, #tpu.memory_space<vmem>>
        %dma_wait3A_394 = tpu.memref_squeeze %dma_wait3A_393 : memref<1x128xi32, #tpu.memory_space<vmem>> -> memref<128xi32, #tpu.memory_space<vmem>>
        %dma_wait3A_395 = arith.constant 0 : i32
        %dma_wait3A_396 = tpu.memref_slice %arg5[%dma_wait3A_395] : memref<100352xf32, #tpu.memory_space<vmem_shared>> -> memref<100352xf32, #tpu.memory_space<vmem_shared>>
        tpu.wait_indirect_dma semaphore(%arg11 : memref<!tpu.dma_semaphore, #tpu.memory_space<semaphore_mem>>) src(%arg9 : memref<128xf32, #tpu.memory_space<vmem>>) dst(%dma_wait3A_396 : memref<100352xf32, #tpu.memory_space<vmem_shared>>)
        %dma_wait3A_397 = arith.constant 14 : i32
        %dma_wait3A_398 = arith.constant 0 : i32
        %dma_wait3A_399 = tpu.memref_slice %arg8[%dma_wait3A_397, %dma_wait3A_398] : memref<16x128xi32, #tpu.memory_space<vmem>> -> memref<1x128xi32, #tpu.memory_space<vmem>>
        %dma_wait3A_400 = tpu.memref_squeeze %dma_wait3A_399 : memref<1x128xi32, #tpu.memory_space<vmem>> -> memref<128xi32, #tpu.memory_space<vmem>>
        %dma_wait3A_401 = arith.constant 0 : i32
        %dma_wait3A_402 = tpu.memref_slice %arg6[%dma_wait3A_401] : memref<100352xf32, #tpu.memory_space<vmem_shared>> -> memref<100352xf32, #tpu.memory_space<vmem_shared>>
        tpu.wait_indirect_dma semaphore(%arg11 : memref<!tpu.dma_semaphore, #tpu.memory_space<semaphore_mem>>) src(%arg9 : memref<128xf32, #tpu.memory_space<vmem>>) dst(%dma_wait3A_402 : memref<100352xf32, #tpu.memory_space<vmem_shared>>)
        %dma_wait3A_403 = arith.constant 15 : i32
        %dma_wait3A_404 = arith.constant 0 : i32
        %dma_wait3A_405 = tpu.memref_slice %arg7[%dma_wait3A_403, %dma_wait3A_404] : memref<16x128xi32, #tpu.memory_space<vmem>> -> memref<1x128xi32, #tpu.memory_space<vmem>>
        %dma_wait3A_406 = tpu.memref_squeeze %dma_wait3A_405 : memref<1x128xi32, #tpu.memory_space<vmem>> -> memref<128xi32, #tpu.memory_space<vmem>>
        %dma_wait3A_407 = arith.constant 0 : i32
        %dma_wait3A_408 = tpu.memref_slice %arg5[%dma_wait3A_407] : memref<100352xf32, #tpu.memory_space<vmem_shared>> -> memref<100352xf32, #tpu.memory_space<vmem_shared>>
        tpu.wait_indirect_dma semaphore(%arg11 : memref<!tpu.dma_semaphore, #tpu.memory_space<semaphore_mem>>) src(%arg9 : memref<128xf32, #tpu.memory_space<vmem>>) dst(%dma_wait3A_408 : memref<100352xf32, #tpu.memory_space<vmem_shared>>)
        %dma_wait3A_409 = arith.constant 15 : i32
        %dma_wait3A_410 = arith.constant 0 : i32
        %dma_wait3A_411 = tpu.memref_slice %arg8[%dma_wait3A_409, %dma_wait3A_410] : memref<16x128xi32, #tpu.memory_space<vmem>> -> memref<1x128xi32, #tpu.memory_space<vmem>>
        %dma_wait3A_412 = tpu.memref_squeeze %dma_wait3A_411 : memref<1x128xi32, #tpu.memory_space<vmem>> -> memref<128xi32, #tpu.memory_space<vmem>>
        %dma_wait3A_413 = arith.constant 0 : i32
        %dma_wait3A_414 = tpu.memref_slice %arg6[%dma_wait3A_413] : memref<100352xf32, #tpu.memory_space<vmem_shared>> -> memref<100352xf32, #tpu.memory_space<vmem_shared>>
        tpu.wait_indirect_dma semaphore(%arg11 : memref<!tpu.dma_semaphore, #tpu.memory_space<semaphore_mem>>) src(%arg9 : memref<128xf32, #tpu.memory_space<vmem>>) dst(%dma_wait3A_414 : memref<100352xf32, #tpu.memory_space<vmem_shared>>)
      } else {
      }
    }
    %scan3A_16 = arith.constant 98 : i32
    %barrier3A_17 = arith.constant 0 : index
    tpu.barrier barrier_id(%barrier3A_17)
    "tpu.region"() ({
      %run_scoped3A = tpu.sem_alloc : memref<!tpu.dma_semaphore, #tpu.memory_space<semaphore_mem>>
      %dma_start3A = tpu.memref_slice %arg5[%mul3A_2] : memref<100352xf32, #tpu.memory_space<vmem_shared>> -> memref<6272xf32, #tpu.memory_space<vmem_shared>>
      %dma_start3A_18 = tpu.memref_slice %arg5[%mul3A_2] : memref<100352xf32, #tpu.memory_space<vmem_shared>> -> memref<6272xf32, #tpu.memory_space<vmem_shared>>
      tpu.enqueue_dma source(%dma_start3A_18 : memref<6272xf32, #tpu.memory_space<vmem_shared>>) target(%arg10 : memref<6272xf32, #tpu.memory_space<vmem>>) target_semaphore(%run_scoped3A : memref<!tpu.dma_semaphore, #tpu.memory_space<semaphore_mem>>)
      %dma_wait3A = tpu.memref_slice %arg5[%mul3A_2] : memref<100352xf32, #tpu.memory_space<vmem_shared>> -> memref<6272xf32, #tpu.memory_space<vmem_shared>>
      %dma_wait3A_19 = tpu.memref_slice %arg5[%mul3A_2] : memref<100352xf32, #tpu.memory_space<vmem_shared>> -> memref<6272xf32, #tpu.memory_space<vmem_shared>>
      tpu.wait_dma2 semaphore(%run_scoped3A : memref<!tpu.dma_semaphore, #tpu.memory_space<semaphore_mem>>) src(%dma_wait3A_19 : memref<6272xf32, #tpu.memory_space<vmem_shared>>) dst(%arg10 : memref<6272xf32, #tpu.memory_space<vmem>>)
      tpu.yield
    }) : () -> ()
    "tpu.region"() ({
      %run_scoped3A = tpu.sem_alloc : memref<!tpu.dma_semaphore, #tpu.memory_space<semaphore_mem>>
      %dma_start3A = tpu.memref_slice %arg3[%arg0, %mul3A_2] : memref<2x100352xf32, #tpu.memory_space<hbm>> -> memref<1x6272xf32, #tpu.memory_space<hbm>>
      %dma_start3A_18 = tpu.memref_squeeze %dma_start3A : memref<1x6272xf32, #tpu.memory_space<hbm>> -> memref<6272xf32, #tpu.memory_space<hbm>>
      %dma_start3A_19 = tpu.memref_slice %arg3[%arg0, %mul3A_2] : memref<2x100352xf32, #tpu.memory_space<hbm>> -> memref<1x6272xf32, #tpu.memory_space<hbm>>
      %dma_start3A_20 = tpu.memref_squeeze %dma_start3A_19 : memref<1x6272xf32, #tpu.memory_space<hbm>> -> memref<6272xf32, #tpu.memory_space<hbm>>
      tpu.enqueue_dma source(%arg10 : memref<6272xf32, #tpu.memory_space<vmem>>) target(%dma_start3A_20 : memref<6272xf32, #tpu.memory_space<hbm>>) target_semaphore(%run_scoped3A : memref<!tpu.dma_semaphore, #tpu.memory_space<semaphore_mem>>)
      %dma_wait3A = tpu.memref_slice %arg3[%arg0, %mul3A_2] : memref<2x100352xf32, #tpu.memory_space<hbm>> -> memref<1x6272xf32, #tpu.memory_space<hbm>>
      %dma_wait3A_21 = tpu.memref_squeeze %dma_wait3A : memref<1x6272xf32, #tpu.memory_space<hbm>> -> memref<6272xf32, #tpu.memory_space<hbm>>
      %dma_wait3A_22 = tpu.memref_slice %arg3[%arg0, %mul3A_2] : memref<2x100352xf32, #tpu.memory_space<hbm>> -> memref<1x6272xf32, #tpu.memory_space<hbm>>
      %dma_wait3A_23 = tpu.memref_squeeze %dma_wait3A_22 : memref<1x6272xf32, #tpu.memory_space<hbm>> -> memref<6272xf32, #tpu.memory_space<hbm>>
      tpu.wait_dma2 semaphore(%run_scoped3A : memref<!tpu.dma_semaphore, #tpu.memory_space<semaphore_mem>>) src(%arg10 : memref<6272xf32, #tpu.memory_space<vmem>>) dst(%dma_wait3A_23 : memref<6272xf32, #tpu.memory_space<hbm>>)
      tpu.yield
    }) : () -> ()
    "tpu.region"() ({
      %run_scoped3A = tpu.sem_alloc : memref<!tpu.dma_semaphore, #tpu.memory_space<semaphore_mem>>
      %dma_start3A = tpu.memref_slice %arg6[%mul3A_2] : memref<100352xf32, #tpu.memory_space<vmem_shared>> -> memref<6272xf32, #tpu.memory_space<vmem_shared>>
      %dma_start3A_18 = tpu.memref_slice %arg6[%mul3A_2] : memref<100352xf32, #tpu.memory_space<vmem_shared>> -> memref<6272xf32, #tpu.memory_space<vmem_shared>>
      tpu.enqueue_dma source(%dma_start3A_18 : memref<6272xf32, #tpu.memory_space<vmem_shared>>) target(%arg10 : memref<6272xf32, #tpu.memory_space<vmem>>) target_semaphore(%run_scoped3A : memref<!tpu.dma_semaphore, #tpu.memory_space<semaphore_mem>>)
      %dma_wait3A = tpu.memref_slice %arg6[%mul3A_2] : memref<100352xf32, #tpu.memory_space<vmem_shared>> -> memref<6272xf32, #tpu.memory_space<vmem_shared>>
      %dma_wait3A_19 = tpu.memref_slice %arg6[%mul3A_2] : memref<100352xf32, #tpu.memory_space<vmem_shared>> -> memref<6272xf32, #tpu.memory_space<vmem_shared>>
      tpu.wait_dma2 semaphore(%run_scoped3A : memref<!tpu.dma_semaphore, #tpu.memory_space<semaphore_mem>>) src(%dma_wait3A_19 : memref<6272xf32, #tpu.memory_space<vmem_shared>>) dst(%arg10 : memref<6272xf32, #tpu.memory_space<vmem>>)
      tpu.yield
    }) : () -> ()
    "tpu.region"() ({
      %run_scoped3A = tpu.sem_alloc : memref<!tpu.dma_semaphore, #tpu.memory_space<semaphore_mem>>
      %dma_start3A = tpu.memref_slice %arg4[%arg0, %mul3A_2] : memref<2x100352xf32, #tpu.memory_space<hbm>> -> memref<1x6272xf32, #tpu.memory_space<hbm>>
      %dma_start3A_18 = tpu.memref_squeeze %dma_start3A : memref<1x6272xf32, #tpu.memory_space<hbm>> -> memref<6272xf32, #tpu.memory_space<hbm>>
      %dma_start3A_19 = tpu.memref_slice %arg4[%arg0, %mul3A_2] : memref<2x100352xf32, #tpu.memory_space<hbm>> -> memref<1x6272xf32, #tpu.memory_space<hbm>>
      %dma_start3A_20 = tpu.memref_squeeze %dma_start3A_19 : memref<1x6272xf32, #tpu.memory_space<hbm>> -> memref<6272xf32, #tpu.memory_space<hbm>>
      tpu.enqueue_dma source(%arg10 : memref<6272xf32, #tpu.memory_space<vmem>>) target(%dma_start3A_20 : memref<6272xf32, #tpu.memory_space<hbm>>) target_semaphore(%run_scoped3A : memref<!tpu.dma_semaphore, #tpu.memory_space<semaphore_mem>>)
      %dma_wait3A = tpu.memref_slice %arg4[%arg0, %mul3A_2] : memref<2x100352xf32, #tpu.memory_space<hbm>> -> memref<1x6272xf32, #tpu.memory_space<hbm>>
      %dma_wait3A_21 = tpu.memref_squeeze %dma_wait3A : memref<1x6272xf32, #tpu.memory_space<hbm>> -> memref<6272xf32, #tpu.memory_space<hbm>>
      %dma_wait3A_22 = tpu.memref_slice %arg4[%arg0, %mul3A_2] : memref<2x100352xf32, #tpu.memory_space<hbm>> -> memref<1x6272xf32, #tpu.memory_space<hbm>>
      %dma_wait3A_23 = tpu.memref_squeeze %dma_wait3A_22 : memref<1x6272xf32, #tpu.memory_space<hbm>> -> memref<6272xf32, #tpu.memory_space<hbm>>
      tpu.wait_dma2 semaphore(%run_scoped3A : memref<!tpu.dma_semaphore, #tpu.memory_space<semaphore_mem>>) src(%arg10 : memref<6272xf32, #tpu.memory_space<vmem>>) dst(%dma_wait3A_23 : memref<6272xf32, #tpu.memory_space<hbm>>)
      tpu.yield
    }) : () -> ()
    return
  }
}

module attributes {stable_mosaic.version = 14 : i64} {
  func.func @body(%arg0: i32, %arg1: memref<6272x10xf32, #tpu.memory_space<vmem>>, %arg2: memref<10x8xf32, #tpu.memory_space<vmem>>, %arg3: memref<6272x8xf32, #tpu.memory_space<vmem>>) attributes {dimension_semantics = [#tpu.dimension_semantics<arbitrary>], iteration_bounds = array<i64: 16>, scalar_prefetch = 0 : i64, scratch_operands = 0 : i64, tpu.core_type = #tpu.core_type<tc>, window_params = [{transform_indices = @transform_0, window_bounds = array<i64: 6272, 10>}, {pipeline_mode = #tpu.pipeline_mode<synchronous>, transform_indices = @transform_1, window_bounds = array<i64: 10, 8>}, {transform_indices = @transform_2, window_bounds = array<i64: 6272, 8>}]} {
    %get3A = arith.constant 0 : index
    %get3A_0 = arith.constant 0 : index
    %get3A_1 = vector.load %arg1[%get3A, %get3A_0] : memref<6272x10xf32, #tpu.memory_space<vmem>>, vector<6272x10xf32>
    %get3A_2 = arith.constant 0 : index
    %get3A_3 = arith.constant 0 : index
    %get3A_4 = vector.load %arg2[%get3A_2, %get3A_3] : memref<10x8xf32, #tpu.memory_space<vmem>>, vector<10x8xf32>
    %dot_general3A = arith.constant dense<0.000000e+00> : vector<6272x8xf32>
    %dot_general3A_5 = tpu.matmul %get3A_1, %get3A_4, %dot_general3A {dimension_numbers = #tpu.dot_dimension_numbers<[1], [0], [0], [1], [0, 0, 1, 1], [], []>, transpose_lhs_hint = false} : vector<6272x10xf32>, vector<10x8xf32>, vector<6272x8xf32> -> vector<6272x8xf32>
    %swap3A = arith.constant 0 : index
    %swap3A_6 = arith.constant 0 : index
    %swap3A_7 = vector.load %arg3[%swap3A, %swap3A_6] : memref<6272x8xf32, #tpu.memory_space<vmem>>, vector<6272x8xf32>
    tpu.vector_store %arg3[%swap3A, %swap3A_6], %dot_general3A_5 {strides = array<i32>} : memref<6272x8xf32, #tpu.memory_space<vmem>>, vector<6272x8xf32>,
    return
  }
  func.func @transform_0(%arg0: i32) -> (i32, i32) {
    %c0_i32 = arith.constant 0 : i32
    %c0_i32_0 = arith.constant 0 : i32
    return %arg0, %c0_i32 : i32, i32
  }
  func.func @transform_1(%arg0: i32) -> (i32, i32) {
    %c0_i32 = arith.constant 0 : i32
    %c0_i32_0 = arith.constant 0 : i32
    %c0_i32_1 = arith.constant 0 : i32
    return %c0_i32, %c0_i32_0 : i32, i32
  }
  func.func @transform_2(%arg0: i32) -> (i32, i32) {
    %c0_i32 = arith.constant 0 : i32
    %c0_i32_0 = arith.constant 0 : i32
    return %arg0, %c0_i32 : i32, i32
  }
}

module attributes {stable_mosaic.version = 14 : i64} {
  func.func @body(%arg0: i32, %arg1: memref<6272x8xf32, #tpu.memory_space<vmem>>, %arg2: memref<2x6272xf32, #tpu.memory_space<vmem>>, %arg3: memref<2x6272xf32, #tpu.memory_space<vmem>>, %arg4: memref<6272x8xf32, #tpu.memory_space<vmem>>, %arg5: memref<6272x1xf32, #tpu.memory_space<vmem>>, %arg6: memref<6272x1xf32, #tpu.memory_space<vmem>>) attributes {dimension_semantics = [#tpu.dimension_semantics<arbitrary>], iteration_bounds = array<i64: 16>, scalar_prefetch = 0 : i64, scratch_operands = 0 : i64, tpu.core_type = #tpu.core_type<tc>, window_params = [{transform_indices = @transform_0, window_bounds = array<i64: 6272, 8>}, {transform_indices = @transform_1, window_bounds = array<i64: 2, 6272>}, {transform_indices = @transform_2, window_bounds = array<i64: 2, 6272>}, {transform_indices = @transform_3, window_bounds = array<i64: 6272, 8>}, {transform_indices = @transform_4, window_bounds = array<i64: 6272, 1>}, {transform_indices = @transform_5, window_bounds = array<i64: 6272, 1>}]} {
    %get3A = arith.constant 0 : index
    %get3A_0 = arith.constant 0 : index
    %get3A_1 = vector.load %arg2[%get3A, %get3A_0] : memref<2x6272xf32, #tpu.memory_space<vmem>>, vector<2x6272xf32>
    %slice3A = vector.extract_strided_slice %get3A_1 {offsets = [0, 0], sizes = [1, 6272], strides = [1, 1]} : vector<2x6272xf32> to vector<1x6272xf32>
    %squeeze3A = vector.shape_cast %slice3A : vector<1x6272xf32> to vector<6272xf32>
    %slice3A_2 = vector.extract_strided_slice %get3A_1 {offsets = [1, 0], sizes = [1, 6272], strides = [1, 1]} : vector<2x6272xf32> to vector<1x6272xf32>
    %squeeze3A_3 = vector.shape_cast %slice3A_2 : vector<1x6272xf32> to vector<6272xf32>
    %add3A = arith.addf %squeeze3A, %squeeze3A_3 : vector<6272xf32>
    %max3A = arith.constant 1.000000e+00 : f32
    %max3A_4 = vector.broadcast %max3A : f32 to vector<6272xf32>
    %max3A_5 = arith.maximumf %add3A, %max3A_4 : vector<6272xf32>
    %rsqrt3A = math.rsqrt %max3A_5 : vector<6272xf32>
    %get3A_6 = arith.constant 0 : index
    %get3A_7 = arith.constant 0 : index
    %get3A_8 = vector.load %arg3[%get3A_6, %get3A_7] : memref<2x6272xf32, #tpu.memory_space<vmem>>, vector<2x6272xf32>
    %slice3A_9 = vector.extract_strided_slice %get3A_8 {offsets = [0, 0], sizes = [1, 6272], strides = [1, 1]} : vector<2x6272xf32> to vector<1x6272xf32>
    %squeeze3A_10 = vector.shape_cast %slice3A_9 : vector<1x6272xf32> to vector<6272xf32>
    %slice3A_11 = vector.extract_strided_slice %get3A_8 {offsets = [1, 0], sizes = [1, 6272], strides = [1, 1]} : vector<2x6272xf32> to vector<1x6272xf32>
    %squeeze3A_12 = vector.shape_cast %slice3A_11 : vector<1x6272xf32> to vector<6272xf32>
    %add3A_13 = arith.addf %squeeze3A_10, %squeeze3A_12 : vector<6272xf32>
    %max3A_14 = arith.constant 1.000000e+00 : f32
    %max3A_15 = vector.broadcast %max3A_14 : f32 to vector<6272xf32>
    %max3A_16 = arith.maximumf %add3A_13, %max3A_15 : vector<6272xf32>
    %rsqrt3A_17 = math.rsqrt %max3A_16 : vector<6272xf32>
    %get3A_18 = arith.constant 0 : index
    %get3A_19 = arith.constant 0 : index
    %get3A_20 = vector.load %arg1[%get3A_18, %get3A_19] : memref<6272x8xf32, #tpu.memory_space<vmem>>, vector<6272x8xf32>
    %broadcast_in_dim3A = vector.shape_cast %rsqrt3A : vector<6272xf32> to vector<6272x1xf32>
    %mul3A = vector.broadcast %broadcast_in_dim3A : vector<6272x1xf32> to vector<6272x8xf32>
    %mul3A_21 = arith.mulf %get3A_20, %mul3A : vector<6272x8xf32>
    %swap3A = arith.constant 0 : index
    %swap3A_22 = arith.constant 0 : index
    %swap3A_23 = vector.load %arg4[%swap3A, %swap3A_22] : memref<6272x8xf32, #tpu.memory_space<vmem>>, vector<6272x8xf32>
    tpu.vector_store %arg4[%swap3A, %swap3A_22], %mul3A_21 {strides = array<i32>} : memref<6272x8xf32, #tpu.memory_space<vmem>>, vector<6272x8xf32>,
    %broadcast_in_dim3A_24 = vector.shape_cast %rsqrt3A : vector<6272xf32> to vector<6272x1xf32>
    %swap3A_25 = arith.constant 0 : index
    %swap3A_26 = arith.constant 0 : index
    %swap3A_27 = vector.load %arg5[%swap3A_25, %swap3A_26] : memref<6272x1xf32, #tpu.memory_space<vmem>>, vector<6272x1xf32>
    tpu.vector_store %arg5[%swap3A_25, %swap3A_26], %broadcast_in_dim3A_24 {strides = array<i32>} : memref<6272x1xf32, #tpu.memory_space<vmem>>, vector<6272x1xf32>,
    %broadcast_in_dim3A_28 = vector.shape_cast %rsqrt3A_17 : vector<6272xf32> to vector<6272x1xf32>
    %swap3A_29 = arith.constant 0 : index
    %swap3A_30 = arith.constant 0 : index
    %swap3A_31 = vector.load %arg6[%swap3A_29, %swap3A_30] : memref<6272x1xf32, #tpu.memory_space<vmem>>, vector<6272x1xf32>
    tpu.vector_store %arg6[%swap3A_29, %swap3A_30], %broadcast_in_dim3A_28 {strides = array<i32>} : memref<6272x1xf32, #tpu.memory_space<vmem>>, vector<6272x1xf32>,
    return
  }
  func.func @transform_0(%arg0: i32) -> (i32, i32) {
    %c0_i32 = arith.constant 0 : i32
    %c0_i32_0 = arith.constant 0 : i32
    return %arg0, %c0_i32 : i32, i32
  }
  func.func @transform_1(%arg0: i32) -> (i32, i32) {
    %c0_i32 = arith.constant 0 : i32
    %c0_i32_0 = arith.constant 0 : i32
    return %c0_i32, %arg0 : i32, i32
  }
  func.func @transform_2(%arg0: i32) -> (i32, i32) {
    %c0_i32 = arith.constant 0 : i32
    %c0_i32_0 = arith.constant 0 : i32
    return %c0_i32, %arg0 : i32, i32
  }
  func.func @transform_3(%arg0: i32) -> (i32, i32) {
    %c0_i32 = arith.constant 0 : i32
    %c0_i32_0 = arith.constant 0 : i32
    return %arg0, %c0_i32 : i32, i32
  }
  func.func @transform_4(%arg0: i32) -> (i32, i32) {
    %c0_i32 = arith.constant 0 : i32
    %c0_i32_0 = arith.constant 0 : i32
    return %arg0, %c0_i32 : i32, i32
  }
  func.func @transform_5(%arg0: i32) -> (i32, i32) {
    %c0_i32 = arith.constant 0 : i32
    %c0_i32_0 = arith.constant 0 : i32
    return %arg0, %c0_i32 : i32, i32
  }
}

module attributes {stable_mosaic.version = 14 : i64} {
  func.func @body(%arg0: i32, %arg1: memref<2x6272x8xf32, #tpu.memory_space<vmem>>, %arg2: memref<6272x1xf32, #tpu.memory_space<vmem>>, %arg3: memref<8x4xf32, #tpu.memory_space<vmem>>, %arg4: memref<1x4xf32, #tpu.memory_space<vmem>>, %arg5: memref<1x4xf32, #tpu.memory_space<vmem>>, %arg6: memref<1x1xf32, #tpu.memory_space<vmem>>, %arg7: memref<1xf32, #tpu.memory_space<vmem>>, %arg8: memref<1x4xf32, #tpu.memory_space<vmem>>) attributes {dimension_semantics = [#tpu.dimension_semantics<arbitrary>], iteration_bounds = array<i64: 16>, scalar_prefetch = 0 : i64, scratch_operands = 1 : i64, tpu.core_type = #tpu.core_type<tc>, window_params = [{transform_indices = @transform_0, window_bounds = array<i64: 2, 6272, 8>}, {transform_indices = @transform_1, window_bounds = array<i64: 6272, 1>}, {pipeline_mode = #tpu.pipeline_mode<synchronous>, transform_indices = @transform_2, window_bounds = array<i64: 8, 4>}, {pipeline_mode = #tpu.pipeline_mode<synchronous>, transform_indices = @transform_3, window_bounds = array<i64: 1, 4>}, {pipeline_mode = #tpu.pipeline_mode<synchronous>, transform_indices = @transform_4, window_bounds = array<i64: 1, 4>}, {pipeline_mode = #tpu.pipeline_mode<synchronous>, transform_indices = @transform_5, window_bounds = array<i64: 1, 1>}, {pipeline_mode = #tpu.pipeline_mode<synchronous>, transform_indices = @transform_6, window_bounds = array<i64: 1>}]} {
    %eq3A = arith.constant 0 : i32
    %eq3A_0 = arith.cmpi eq, %arg0, %eq3A : i32
    %convert_element_type3A = arith.extui %eq3A_0 : i1 to i32
    %cond3A = arith.constant 0 : i32
    %cond3A_1 = arith.cmpi ne, %convert_element_type3A, %cond3A : i32
    scf.if %cond3A_1 {
      %broadcast_in_dim3A_43 = arith.constant 0.000000e+00 : f32
      %broadcast_in_dim3A_44 = vector.broadcast %broadcast_in_dim3A_43 : f32 to vector<1x4xf32>
      %swap3A_45 = arith.constant 0 : index
      %swap3A_46 = arith.constant 0 : index
      %swap3A_47 = vector.load %arg8[%swap3A_45, %swap3A_46] : memref<1x4xf32, #tpu.memory_space<vmem>>, vector<1x4xf32>
      tpu.vector_store %arg8[%swap3A_45, %swap3A_46], %broadcast_in_dim3A_44 {strides = array<i32>} : memref<1x4xf32, #tpu.memory_space<vmem>>, vector<1x4xf32>,
    } else {
    }
    %get3A = arith.constant 0 : index
    %get3A_2 = arith.constant 0 : index
    %get3A_3 = arith.constant 0 : index
    %get3A_4 = vector.load %arg1[%get3A, %get3A_2, %get3A_3] : memref<2x6272x8xf32, #tpu.memory_space<vmem>>, vector<2x6272x8xf32>
    %slice3A = vector.extract_strided_slice %get3A_4 {offsets = [0, 0, 0], sizes = [1, 6272, 8], strides = [1, 1, 1]} : vector<2x6272x8xf32> to vector<1x6272x8xf32>
    %squeeze3A = vector.shape_cast %slice3A : vector<1x6272x8xf32> to vector<6272x8xf32>
    %slice3A_5 = vector.extract_strided_slice %get3A_4 {offsets = [1, 0, 0], sizes = [1, 6272, 8], strides = [1, 1, 1]} : vector<2x6272x8xf32> to vector<1x6272x8xf32>
    %squeeze3A_6 = vector.shape_cast %slice3A_5 : vector<1x6272x8xf32> to vector<6272x8xf32>
    %add3A = arith.addf %squeeze3A, %squeeze3A_6 : vector<6272x8xf32>
    %get3A_7 = arith.constant 0 : index
    %get3A_8 = arith.constant 0 : index
    %get3A_9 = vector.load %arg3[%get3A_7, %get3A_8] : memref<8x4xf32, #tpu.memory_space<vmem>>, vector<8x4xf32>
    %dot_general3A = arith.constant dense<0.000000e+00> : vector<6272x4xf32>
    %dot_general3A_10 = tpu.matmul %add3A, %get3A_9, %dot_general3A {dimension_numbers = #tpu.dot_dimension_numbers<[1], [0], [0], [1], [0, 0, 1, 1], [], []>, transpose_lhs_hint = false} : vector<6272x8xf32>, vector<8x4xf32>, vector<6272x4xf32> -> vector<6272x4xf32>
    %get3A_11 = arith.constant 0 : index
    %get3A_12 = arith.constant 0 : index
    %get3A_13 = vector.load %arg2[%get3A_11, %get3A_12] : memref<6272x1xf32, #tpu.memory_space<vmem>>, vector<6272x1xf32>
    %mul3A = vector.broadcast %get3A_13 : vector<6272x1xf32> to vector<6272x4xf32>
    %mul3A_14 = arith.mulf %dot_general3A_10, %mul3A : vector<6272x4xf32>
    %get3A_15 = arith.constant 0 : index
    %get3A_16 = arith.constant 0 : index
    %get3A_17 = vector.load %arg4[%get3A_15, %get3A_16] : memref<1x4xf32, #tpu.memory_space<vmem>>, vector<1x4xf32>
    %add3A_18 = vector.broadcast %get3A_17 : vector<1x4xf32> to vector<6272x4xf32>
    %add3A_19 = arith.addf %mul3A_14, %add3A_18 : vector<6272x4xf32>
    %max3A = arith.constant 0.000000e+00 : f32
    %max3A_20 = vector.broadcast %max3A : f32 to vector<6272x4xf32>
    %max3A_21 = arith.maximumf %add3A_19, %max3A_20 : vector<6272x4xf32>
    %mul3A_22 = arith.constant 6272 : i32
    %mul3A_23 = arith.muli %arg0, %mul3A_22 : i32
    %iota3A = tpu.iota {dimensions = array<i32: 0>} : vector<6272x1xi32>
    %add3A_24 = vector.broadcast %mul3A_23 : i32 to vector<6272x1xi32>
    %add3A_25 = arith.addi %add3A_24, %iota3A : vector<6272x1xi32>
    %lt3A = arith.constant 100000 : i32
    %lt3A_26 = vector.broadcast %lt3A : i32 to vector<6272x1xi32>
    %lt3A_27 = arith.cmpi slt, %add3A_25, %lt3A_26 : vector<6272x1xi32>
    %jit3A = arith.constant 0.000000e+00 : f32
    %broadcast_in_dim3A = vector.shape_cast %lt3A_27 : vector<6272x1xi1> to vector<6272x1xi1>
    %broadcast_in_dim3A_28 = vector.broadcast %broadcast_in_dim3A : vector<6272x1xi1> to vector<6272x4xi1>
    %broadcast_in_dim3A_29 = vector.broadcast %jit3A : f32 to vector<6272x4xf32>
    %select_n3A = arith.select %broadcast_in_dim3A_28, %max3A_21, %broadcast_in_dim3A_29 : vector<6272x4xi1>, vector<6272x4xf32>
    %get3A_30 = arith.constant 0 : index
    %get3A_31 = arith.constant 0 : index
    %get3A_32 = vector.load %arg8[%get3A_30, %get3A_31] : memref<1x4xf32, #tpu.memory_space<vmem>>, vector<1x4xf32>
    %reduce_sum3A = arith.constant dense<0.000000e+00> : vector<4xf32>
    %reduce_sum3A_33 = vector.multi_reduction <add>, %select_n3A, %reduce_sum3A [0] : vector<6272x4xf32> to vector<4xf32>
    %broadcast_in_dim3A_34 = vector.shape_cast %reduce_sum3A_33 : vector<4xf32> to vector<1x4xf32>
    %add3A_35 = arith.addf %get3A_32, %broadcast_in_dim3A_34 : vector<1x4xf32>
    %swap3A = arith.constant 0 : index
    %swap3A_36 = arith.constant 0 : index
    %swap3A_37 = vector.load %arg8[%swap3A, %swap3A_36] : memref<1x4xf32, #tpu.memory_space<vmem>>, vector<1x4xf32>
    tpu.vector_store %arg8[%swap3A, %swap3A_36], %add3A_35 {strides = array<i32>} : memref<1x4xf32, #tpu.memory_space<vmem>>, vector<1x4xf32>,
    %eq3A_38 = arith.constant 15 : i32
    %eq3A_39 = arith.cmpi eq, %arg0, %eq3A_38 : i32
    %convert_element_type3A_40 = arith.extui %eq3A_39 : i1 to i32
    %cond3A_41 = arith.constant 0 : i32
    %cond3A_42 = arith.cmpi ne, %convert_element_type3A_40, %cond3A_41 : i32
    scf.if %cond3A_42 {
      %get3A_43 = arith.constant 0 : index
      %get3A_44 = arith.constant 0 : index
      %get3A_45 = vector.load %arg8[%get3A_43, %get3A_44] : memref<1x4xf32, #tpu.memory_space<vmem>>, vector<1x4xf32>
      %div3A = arith.constant 1.000000e+05 : f32
      %div3A_46 = vector.broadcast %div3A : f32 to vector<1x4xf32>
      %div3A_47 = arith.divf %get3A_45, %div3A_46 : vector<1x4xf32>
      %get3A_48 = arith.constant 0 : index
      %get3A_49 = arith.constant 0 : index
      %get3A_50 = vector.load %arg5[%get3A_48, %get3A_49] : memref<1x4xf32, #tpu.memory_space<vmem>>, vector<1x4xf32>
      %mul3A_51 = arith.mulf %div3A_47, %get3A_50 : vector<1x4xf32>
      %reduce_sum3A_52 = vector.shape_cast %mul3A_51 : vector<1x4xf32> to vector<1x1x4xf32>
      %reduce_sum3A_53 = arith.constant dense<0.000000e+00> : vector<1xf32>
      %reduce_sum3A_54 = vector.multi_reduction <add>, %reduce_sum3A_52, %reduce_sum3A_53 [1, 2] : vector<1x1x4xf32> to vector<1xf32>
      %reduce_sum3A_55 = vector.shape_cast %reduce_sum3A_54 : vector<1xf32> to vector<1x1x1xf32>
      %reduce_sum3A_56 = vector.extract %reduce_sum3A_55[0, 0, 0] : f32 from vector<1x1x1xf32>
      %get3A_57 = arith.constant 0 : index
      %get3A_58 = arith.constant 0 : index
      %get3A_59 = vector.load %arg6[%get3A_57, %get3A_58] : memref<1x1xf32, #tpu.memory_space<vmem>>, vector<1x1xf32>
      %get3A_60 = vector.extract %get3A_59[0, 0] : f32 from vector<1x1xf32>
      %add3A_61 = arith.addf %reduce_sum3A_56, %get3A_60 : f32
      %logistic3A = arith.negf %add3A_61 : f32
      %logistic3A_62 = math.exp %logistic3A : f32
      %logistic3A_63 = arith.constant 1.000000e+00 : f32
      %logistic3A_64 = arith.addf %logistic3A_63, %logistic3A_62 : f32
      %logistic3A_65 = arith.divf %logistic3A_63, %logistic3A_64 : f32
      %broadcast_in_dim3A_66 = vector.broadcast %logistic3A_65 : f32 to vector<1xf32>
      %swap3A_67 = arith.constant 0 : index
      %swap3A_68 = vector.load %arg7[%swap3A_67] : memref<1xf32, #tpu.memory_space<vmem>>, vector<1xf32>
      tpu.vector_store %arg7[%swap3A_67], %broadcast_in_dim3A_66 {strides = array<i32>} : memref<1xf32, #tpu.memory_space<vmem>>, vector<1xf32>,
    } else {
    }
    return
  }
  func.func @transform_0(%arg0: i32) -> (i32, i32, i32) {
    %c0_i32 = arith.constant 0 : i32
    %c0_i32_0 = arith.constant 0 : i32
    %c0_i32_1 = arith.constant 0 : i32
    return %c0_i32, %arg0, %c0_i32_0 : i32, i32, i32
  }
  func.func @transform_1(%arg0: i32) -> (i32, i32) {
    %c0_i32 = arith.constant 0 : i32
    %c0_i32_0 = arith.constant 0 : i32
    return %arg0, %c0_i32 : i32, i32
  }
  func.func @transform_2(%arg0: i32) -> (i32, i32) {
    %c0_i32 = arith.constant 0 : i32
    %c0_i32_0 = arith.constant 0 : i32
    %c0_i32_1 = arith.constant 0 : i32
    return %c0_i32, %c0_i32_0 : i32, i32
  }
  func.func @transform_3(%arg0: i32) -> (i32, i32) {
    %c0_i32 = arith.constant 0 : i32
    %c0_i32_0 = arith.constant 0 : i32
    %c0_i32_1 = arith.constant 0 : i32
    return %c0_i32, %c0_i32_0 : i32, i32
  }
  func.func @transform_4(%arg0: i32) -> (i32, i32) {
    %c0_i32 = arith.constant 0 : i32
    %c0_i32_0 = arith.constant 0 : i32
    %c0_i32_1 = arith.constant 0 : i32
    return %c0_i32, %c0_i32_0 : i32, i32
  }
  func.func @transform_5(%arg0: i32) -> (i32, i32) {
    %c0_i32 = arith.constant 0 : i32
    %c0_i32_0 = arith.constant 0 : i32
    %c0_i32_1 = arith.constant 0 : i32
    return %c0_i32, %c0_i32_0 : i32, i32
  }
  func.func @transform_6(%arg0: i32) -> i32 {
    %c0_i32 = arith.constant 0 : i32
    %c0_i32_0 = arith.constant 0 : i32
    return %c0_i32 : i32
  }
}

</mosaic_0001>

<sc_bundles>
// kernel: kernel.11.cloned.1.call-start
scs
__scs_entry_jumppad:
0x0: {  	(pc) =	sbr.rel $0x88, $3  }
0x1: {  	(tag) =	ssettag $0x0;
	lr =	simm.s32 $0x1  }
0x2: {  	[smem:$0x3F99] =	sst lr;
	_ =	strace $0xD0000000  }
0x3: {  	_ = 	snop  }
0x4: {  	_ = 	snop  }
0x5: {  	_ = 	snop  }
0x6: {  	_ = 	snop  }
0x7: {  	_ = 	snop  }
__scs_overlays_trampoline_lowered:
0x8: {  	[smem:$0x3FA8] =	sst s0  }
0x9: {  	[smem:$0x3FA9] =	sst s1  }
0xa: {  	[smem:$0x3FAA] =	sst s2  }
0xb: {  	[smem:$0x3FAB] =	sst s3  }
0xc: {  	[smem:$0x3FAC] =	sst s4  }
0xd: {  	[smem:$0x3FAD] =	sst s5  }
0xe: {  	[smem:$0x3FAE] =	sst s6  }
0xf: {  	[smem:$0x3FAF] =	sst s7  }
0x10: {  	[smem:$0x3FB0] =	sst s8  }
0x11: {  	[smem:$0x3FB1] =	sst s9;
	s0 =	simm.s32 @!p0 $0x0  }
0x12: {  	s1 =	sld [smem:$0x3F97];
	s0 =	simm.s32 @p0 $0x1  }
0x13: {  	[smem:$0x3FB2] =	sst s0;
	s0 =	simm.s32 @!p1 $0x0  }
0x14: {  	s2 =	sld [smem:$0x3F96];
	s0 =	simm.s32 @p1 $0x1  }
0x15: {  	[smem:$0x3FB3] =	sst s0;
	s0 =	simm.s32 @!p2 $0x0  }
0x16: {  	s3 =	sld [smem:$0x3FDB];
	s0 =	simm.s32 @p2 $0x1  }
0x17: {  	s4 =	simm.s32 $0x1BF5;
	[smem:$0x3FB5] =	sst s0  }
0x18: {  	s0 =	sld [smem:$0x3F98];
	_ =	swait.ge [sflag:s4], $0x0  }
0x19: {  	s7 =	sld [smem:$0x3F99]  }
0x1a: {  	s8 =	sadd.s32 $0xFFFFE003, lr  }
0x1b: {  	s9 =	sadd.s32 $0xFFFFFEF7, lr;
	s5 =	simm.s32 $0xFFFFFFFF;
	p2 =	slt.u32 s8, $0xFFFFF086  }
0x1c: {  	p1 =	slt.u32 s9, $0xF7A;
	s5 =	simm.s32 @!p2 $0x0  }
0x1d: {  	s5 =	simm.s32 @p1 $0x1;
	p0 =	seq.s32 s7, s2  }
0x1e: {  	s7 =	smul.u32 @!p0 $0xF7A, s2;
	p2 =	seq.s32 @!p0 s5, $0x0  }
0x1f: {  	s9 =	smul.u32 $0xF7A, s1;
	s8 =	simm.s32 @!p0 $0x1BF5;
	p2 =	por !p2, p0  }
0x20: {  	[sflag:s8] =	ssyncset.s32 @!p0 $0xFFFFF086;
	s6 =	sadd.s32 @!p0 s3, s7;
	s7 =	simm.s32 @!p0 $0x108  }
0x21: {  	s3 =	sadd.s32 s3, s9;
	s6 =	sadd.s32 @!p0 $0x88, s6;
	s7 =	simm.s32 @p2 $0x1082  }
0x22: {  	[simem:s7], [sflag:s8] =	dma.local @!p0 [hbm:s6], $0xF7A  }
0x23: {  	s9 =	sor.u32 $0xD0000000, s2;
	s6 =	simm.s32 $0x108;
	_ =	swait.ge @!p0 [sflag:s8], $0x0  }
0x24: {  	s3 =	sadd.s32 $0x88, s3;
	s6 =	simm.s32 @!p1 $0x1082;
	[sflag:s4] =	ssyncset.s32 $0xFFFFF086  }
0x25: {  	[simem:s6], [sflag:s4] =	dma.local [hbm:s3], $0xF7A  }
0x26: {  	[smem:$0x3F99] =	sst s1;
	(tag) =	ssettag s2;
	_ =	strace s9  }
0x27: {  	s1 =	sld [smem:$0x3FA9]  }
0x28: {  	s2 =	sld [smem:$0x3FAA]  }
0x29: {  	s4 =	sld [smem:$0x3FAC]  }
0x2a: {  	p0 =	seq.s32 s5, $0x0;
	s5 =	sld [smem:$0x3FAD]  }
0x2b: {  	s6 =	sld [smem:$0x3FAE]  }
0x2c: {  	s7 =	sld [smem:$0x3FAF]  }
0x2d: {  	s3 =	simm.s32 $0x108;
	s8 =	sld [smem:$0x3FB0]  }
0x2e: {  	s3 =	simm.s32 @!p0 $0x1082;
	s9 =	sld [smem:$0x3FB1]  }
0x2f: {  	lr =	sadd.s32 s0, s3;
	s0 =	sld [smem:$0x3FA8]  }
0x30: {  	s3 =	sld [smem:$0x3FAB]  }
0x31: {  	[smem:$0x3FB4] =	sst s10  }
0x32: {  	s10 =	sld [smem:$0x3FB2];
	_ =	sdelay $0x3  }
0x33: {  	p0 =	seq.s32 s10, $0x1;
	s10 =	sld [smem:$0x3FB4];
	_ =	sdelay $0x3  }
0x34: {  	[smem:$0x3FB4] =	sst s10  }
0x35: {  	s10 =	sld [smem:$0x3FB3];
	_ =	sdelay $0x3  }
0x36: {  	p1 =	seq.s32 s10, $0x1;
	s10 =	sld [smem:$0x3FB4];
	_ =	sdelay $0x3  }
0x37: {  	[smem:$0x3FB4] =	sst s10  }
0x38: {  	s10 =	sld [smem:$0x3FB5]  }
0x39: {  	_ = 	snop;
	(pc) =	sbr.ind lr, $3  }
0x3a: {  	_ = 	snop  }
0x3b: {  	_ = 	snop  }
0x3c: {  	p2 =	seq.s32 s10, $0x1;
	s10 =	sld [smem:$0x3FB4]  }
0x3d: {  	_ =	shalt  }
0x3e: {  	_ =	shalt  }
0x3f: {  	_ =	shalt  }
0x40: {  	_ =	shalt  }
0x41: {  	_ =	shalt  }
0x42: {  	_ =	shalt  }
0x43: {  	_ =	shalt  }
0x44: {  	_ =	shalt  }
0x45: {  	_ =	shalt  }
0x46: {  	_ =	shalt  }
0x47: {  	_ =	shalt  }
0x48: {  	_ =	shalt  }
0x49: {  	_ =	shalt  }
0x4a: {  	_ =	shalt  }
0x4b: {  	_ =	shalt  }
0x4c: {  	_ =	shalt  }
0x4d: {  	_ =	shalt  }
0x4e: {  	_ =	shalt  }
0x4f: {  	_ =	shalt  }
0x50: {  	_ =	shalt  }
0x51: {  	_ =	shalt  }
0x52: {  	_ =	shalt  }
0x53: {  	_ =	shalt  }
0x54: {  	_ =	shalt  }
0x55: {  	_ =	shalt  }
0x56: {  	_ =	shalt  }
0x57: {  	_ =	shalt  }
0x58: {  	_ =	shalt  }
0x59: {  	_ =	shalt  }
0x5a: {  	_ =	shalt  }
0x5b: {  	_ =	shalt  }
0x5c: {  	_ =	shalt  }
0x5d: {  	_ =	shalt  }
0x5e: {  	_ =	shalt  }
0x5f: {  	_ =	shalt  }
0x60: {  	_ =	shalt  }
0x61: {  	_ =	shalt  }
0x62: {  	_ =	shalt  }
0x63: {  	_ =	shalt  }
0x64: {  	_ =	shalt  }
0x65: {  	_ =	shalt  }
0x66: {  	_ =	shalt  }
0x67: {  	_ =	shalt  }
0x68: {  	_ =	shalt  }
0x69: {  	_ =	shalt  }
0x6a: {  	_ =	shalt  }
0x6b: {  	_ =	shalt  }
0x6c: {  	_ =	shalt  }
0x6d: {  	_ =	shalt  }
0x6e: {  	_ =	shalt  }
0x6f: {  	_ =	shalt  }
0x70: {  	_ =	shalt  }
0x71: {  	_ =	shalt  }
0x72: {  	_ =	shalt  }
0x73: {  	_ =	shalt  }
0x74: {  	_ =	shalt  }
0x75: {  	_ =	shalt  }
0x76: {  	_ =	shalt  }
0x77: {  	_ =	shalt  }
0x78: {  	_ =	shalt  }
0x79: {  	_ =	shalt  }
0x7a: {  	_ =	shalt  }
0x7b: {  	_ =	shalt  }
0x7c: {  	_ =	shalt  }
0x7d: {  	_ =	shalt  }
0x7e: {  	_ =	shalt  }
0x7f: {  	_ =	shalt  }
0x80: {  	_ =	shalt  }
0x81: {  	_ =	shalt  }
0x82: {  	_ =	shalt  }
0x83: {  	_ =	shalt  }
0x84: {  	_ =	shalt  }
0x85: {  	_ =	shalt  }
0x86: {  	_ =	shalt  }
0x87: {  	_ =	shalt  }
.Lfunc_end0:
.L_simem_size_0:
called_computation.2_lowered:
.L_overlay_start_0:
0x88: {  	s2 =	sld [smem:$0x3FD9]  }
0x89: {  	s3 =	sld [smem:$0x3FFE];
	_ =	sdelay $0x1  }
0x8a: {  	s1 =	srdreg.scid  }
0x8b: {  	s0 =	sand.u32 $0x1, s1  }
0x8c: {  	s16 =	sshll.u32 s0, $0xA;
	s2 =	sadd.s32 s3, s2  }
0x8d: {  	s2 =	sadd.s32 s2, s16  }
0x8e: {  	[smem:$0x3FC0] =	sst s2  }
0x8f: {  	_ = 	snop  }
0x90: {  	(tm) =	ssettm $0x1  }
0x91: {  	s17 =	sld [smem:$0x3FFB];
	_ =	sdelay $0x3  }
0x92: {  	_ =	strace s17  }
0x93: {  	s2 =	sld [smem:$0x3FFC];
	_ =	sdelay $0x3  }
0x94: {  	_ =	strace s2  }
0x95: {  	s2 =	sld [smem:$0x3FFD];
	_ =	sdelay $0x3  }
0x96: {  	_ =	strace s2  }
0x97: {  	_ =	strace $0x8FFFFFFF  }
0x98: {  	s18 =	sld [smem:$0x3FDB];
	_ =	sdelay $0x1  }
0x99: {  	s19 =	simm.s32 $_scs_section_size  }
0x9a: {  	s4 =	simm.s32 $_size__tile_overlayer_lowered;
	s5 =	simm.s32 $_tile_overlayer_lowered  }
0x9b: {  	s22 =	simm.s32 $0x1BFF;
	s21 =	sshll.u32 s5, $0x1;
	s2 =	sadd.s32 s19, s18  }
0x9c: {  	s6 =	simm.s32 $0x0;
	s20 =	sshll.u32 s4, $0x1;
	s4 =	sadd.s32 s21, s2  }
0x9d: {  	[timem:s6], [sflag:s22] =	dma.local [hbm:s4], s20  }
0x9e: {  	_ =	swait.ge [sflag:s22], s20  }
0x9f: {  	s3 =	ssub.s32 $0x0, s20;
	[sflag:s22] =	ssyncset.done $0x0  }
0xa0: {  	[sflag:s22] =	ssyncadd.s32 s3;
	_ =	sdelay $0x1  }
0xa1: {  	s23 =	simm.s32 $0x1B8B  }
0xa2: {  	_ =	swait.ge [sflag:s23], $0x1  }
0xa3: {  	[sflag:s23] =	ssyncset.done $0x0  }
0xa4: {  	s25 =	simm.s32 $0x1B8E;
	s24 =	sld [smem:$0x3FFE];
	[sflag:s23] =	ssyncadd.s32 $0xFFFFFFFF  }
0xa5: {  	s26 =	simm.s32 $execute0_lowered;
	[smem:$0x3FD2] =	sst s25  }
0xa6: {  	s4 =	sshll.u32 s26, $0x1;
	_ =	strace $0x8000004C;
	[dreg:$0x1] =	wrdreg $0xFFFFFFFF  }
0xa7: {  	s28 =	simm.s32 $_size_execute0_lowered;
	s2 =	sadd.s32 s2, s4;
	[dreg:$0x0] =	wrdreg $0x0  }
0xa8: {  	s4 =	sshll.u32 s28, $0x1;
	[dreg:$0x2] =	wrdreg s2  }
0xa9: {  	[dreg:$0x3] =	wrdreg s4  }
0xaa: {  	[dreg:$0x4] =	wrdreg $0xC0  }
0xab: {  	_ =	task [dreg:s6], $0x5FFFF  }
0xac: {  	[dreg:$0x1] =	wrdreg $0xFFFFFFFF  }
0xad: {  	[dreg:$0x0] =	wrdreg $0x60  }
0xae: {  	[dreg:$0x2] =	wrdreg s24  }
0xaf: {  	[dreg:$0x3] =	wrdreg $0xC4000  }
0xb0: {  	[dreg:$0x4] =	wrdreg $0x0  }
0xb1: {  	[dreg:$0x5] =	wrdreg $0x9  }
0xb2: {  	_ =	task.clear_ibuf [dreg:s6], $0x6FFFF;
	_ =	strace $0x9000004C  }
0xb3: {  	s29 =	simm.s32 $0x9;
	_ =	strace $0x8000004E  }
0xb4: {  	_ =	swait.ge [sflag:s29], $0x1  }
0xb5: {  	[sflag:s29] =	ssyncadd.s32 $0xFFFFFFFF  }
0xb6: {  	_ =	strace $0x9000004E  }
0xb7: {  	_ =	sfence  }
0xb8: {  	s30 =	sld [smem:$0x0];
	_ =	sdelay $0x2  }
0xb9: {  	s31 =	sshll.u32 s1, $0xD;
	s1 =	sshrl.u32 s1, $0x2  }
0xba: {  	s3 =	sand.u32 $0x4000, s31;
	s1 =	sadd.s32 s1, s30  }
0xbb: {  	s0 =	sor.u32 s3, s0;
	s1 =	sshll.u32 s1, $0x11  }
0xbc: {  	s0 =	sor.u32 s1, s0  }
0xbd: {  	s0 =	sadd.s32 $0x8F2B, s0  }
0xbe: {  	[sflag:s0] =	ssyncadd.remote.s32 $0x1  }
0xbf: {  	_ =	sfence.sel $0xFFFF  }
0xc0: {  	[dreg:$0x0] =	wrdreg $0xFFFFFFFF;
	(pc) =	sbr.abs _section_cstart, $3  }
0xc1: {  	[dreg:$0x1] =	wrdreg $0xFFFFFFFF  }
0xc2: {  	_ =	task.clear_ibuf [dreg:s6], $0x2FFFF;
	_ =	strace $0x9FFFFFFF  }
0xc3: {  	(tm) =	ssettm $0x7FFFFFFF  }
tec
execute0_lowered:
.L_overlay_start_1:
0x0: {  	(tag) =	ssettag $0x1  }
0x1: {  	s0 =	rddreg [dreg:$0x0]  }
0x2: {  	s1 =	rddreg [dreg:$0x1]  }
0x3: {  	s3 =	rddreg [dreg:$0x2]  }
0x4: {  	s4 =	simm.s32 $0x0;
	s2 =	srdreg.scid;
	s13 =	stileid.u32  }
0x5: {  	s28 =	simm.s32 $0x1A800;
	s29 =	simm.s32 $0x9;
	s30 =	simm.s32 $0x18800  }
0x6: {  	s31 =	simm.s32 $0x19000;
	[smem:$0x7FF] =	sst s4;
	s5 =	smul.u32 $0x1880, s13  }
0x7: {  	s2 =	sand.u32 $0x1, s2;
	s10 =	smul.u32 $0x31000, s13;
	_ =	strace $0x8000004D  }
0x8: {  	s6 =	sshll.u32 s2, $0xC;
	s7 =	smul.u32 $0x18800, s2;
	s9 =	ssub.s32 $0x2, s2  }
0x9: {  	s2 =	sshll.u32 s2, $0x4;
	s6 =	sadd.s32 s6, s0;
	s8 =	sadd.s32 s5, s0  }
0xa: {  	s20 =	sshrl.u32 s9, $0x1;
	s21 =	sadd.s32 $0x310, s5;
	s11 =	sadd.s32 $0x620, s5  }
0xb: {  	s12 =	sadd.s32 $0x930, s5;
	s14 =	sadd.s32 $0xC40, s5;
	s17 =	sadd.s32 $0xF50, s5  }
0xc: {  	s0 =	sadd.s32 s7, s0;
	s7 =	ssub.s32 s9, s20;
	s9 =	sshrl.u32 s10, $0x2  }
0xd: {  	s23 =	sshll.u32 s21, $0x3;
	s24 =	sshll.u32 s11, $0x3;
	s26 =	sshll.u32 s12, $0x3  }
0xe: {  	s16 =	sshll.u32 s14, $0x3;
	s18 =	sshll.u32 s17, $0x3;
	s7 =	smax.u32 s7, $0x1  }
0xf: {  	s20 =	sadd.s32 $0x1260, s5;
	s10 =	sadd.s32 s23, s1;
	[dreg:$0x4] =	wrdreg s7  }
0x10: {  	s0 =	sadd.s32 $0x341000, s0;
	s25 =	sadd.s32 s24, s1;
	[dreg:$0x6] =	wrdreg s10  }
0x11: {  	s23 =	sshll.u32 s13, $0x8;
	s22 =	sadd.s32 s5, s0;
	[dreg:$0x8] =	wrdreg s25  }
0x12: {  	s7 =	sadd.s32 s21, s0;
	s11 =	sadd.s32 s11, s0;
	[dreg:$0x5] =	wrdreg s22  }
0x13: {  	s15 =	sadd.s32 s12, s0;
	s10 =	sadd.s32 s16, s1;
	[dreg:$0x7] =	wrdreg s7  }
0x14: {  	s19 =	sadd.s32 s17, s0;
	s21 =	sshll.u32 s20, $0x3;
	[dreg:$0x9] =	wrdreg s11  }
0x15: {  	s5 =	sadd.s32 $0x1570, s5;
	s12 =	simm.s32 $0x2;
	[dreg:$0xb] =	wrdreg s15  }
0x16: {  	s16 =	simm.s32 $0x3;
	s17 =	simm.s32 $0x19780;
	[dreg:$0xc] =	wrdreg s10  }
0x17: {  	s7 =	sadd.s32 s26, s1;
	[dreg:$0xf] =	wrdreg s19;
	s22 =	sshll.u32 s5, $0x3  }
0x18: {  	s24 =	sadd.s32 s21, s1;
	s21 =	sadd.s32 $0x310000, s8;
	s10 =	sadd.s32 s9, s1  }
0x19: {  	s26 =	sadd.s32 s9, s3;
	s9 =	simm.s32 $0x1;
	[dreg:$0xa] =	wrdreg s7  }
0x1a: {  	s11 =	simm.s32 $0x1A400;
	s7 =	sadd.s32 s14, s0;
	[dreg:$0x12] =	wrdreg s24  }
0x1b: {  	s25 =	sadd.s32 s22, s1;
	s22 =	sadd.s32 $0x328800, s8;
	[dreg:$0x15] =	wrdreg s26  }
0x1c: {  	s26 =	sor.u32 s2, s13;
	s2 =	simm.s32 $0x19800;
	s8 =	simm.s32 $0x1A000  }
0x1d: {  	s14 =	simm.s32 $0x5;
	s24 =	simm.s32 $0x7;
	[dreg:$0x14] =	wrdreg s10  }
0x1e: {  	s13 =	simm.s32 $0x0;
	[dreg:$0xd] =	wrdreg s7;
	s7 =	sadd.s32 s18, s1  }
.Ltmp0:
0x1f: {  	[dreg:$0x13] =	wrdreg s25;
	s18 =	simm.s32 $0x6;
	(pc) =	sbr.rel .LBB2_1-.Ltmp0, $4  }
0x20: {  	[dreg:$0xe] =	wrdreg s7;
	s7 =	sadd.s32 s20, s0;
	s0 =	sadd.s32 s5, s0  }
0x21: {  	s20 =	simm.s32 $0x4;
	[dreg:$0x11] =	wrdreg s0;
	s0 =	sadd.s32 s23, s6  }
0x22: {  	[dreg:$0x10] =	wrdreg s7;
	s6 =	simm.s32 $0x19C00;
	s0 =	sadd.s32 $0xC4B00, s0  }
0x23: {  	s7 =	simm.s32 $0x8;
	[dreg:$0x16] =	wrdreg s0;
	s0 =	simm.s32 $0x80  }
.LBB2_7:
0x24: {  	[bflag:$0x0] =	sbarrier.arrive $0xFFFF  }
0x25: {  	[tilespmem:s28], [sflag:$0x9] =	stream.linear.gather [spmem:s10], $0x1880, $0x38;
	[tilespmem:$0x1C080] =	vst v63  }
0x26: {  	_ =	swait.ge [sflag:s29], $0x1880  }
0x27: {  	[sflag:s29] =	ssyncset.done $0x0  }
0x28: {  	s5 =	rddreg [dreg:$0x5];
	[sflag:s29] =	ssyncadd.s32 $0xFFFFE780  }
0x29: {  	[hbm4b:s5+s4] =	stream.linear.scatter [tilespmem:s28], [sflag:$0x9], $0x1880, $0x38;
	[tilespmem:$0x1C080] =	vst v63  }
0x2a: {  	_ =	swait.ge [sflag:s29], $0x1880  }
0x2b: {  	[sflag:s29] =	ssyncset.done $0x0  }
0x2c: {  	s13 =	rddreg [dreg:$0x6];
	[sflag:s29] =	ssyncadd.s32 $0xFFFFE780  }
0x2d: {  	[tilespmem:s28], [sflag:$0x9] =	stream.linear.gather [spmem:s13], $0x1880, $0x38;
	[tilespmem:$0x1C080] =	vst v63  }
0x2e: {  	_ =	swait.ge [sflag:s29], $0x1880  }
0x2f: {  	[sflag:s29] =	ssyncset.done $0x0  }
0x30: {  	s15 =	rddreg [dreg:$0x7];
	[sflag:s29] =	ssyncadd.s32 $0xFFFFE780  }
0x31: {  	[hbm4b:s15+s4] =	stream.linear.scatter [tilespmem:s28], [sflag:$0x9], $0x1880, $0x38;
	[tilespmem:$0x1C080] =	vst v63  }
0x32: {  	_ =	swait.ge [sflag:s29], $0x1880  }
0x33: {  	[sflag:s29] =	ssyncset.done $0x0  }
0x34: {  	s19 =	rddreg [dreg:$0x8];
	[sflag:s29] =	ssyncadd.s32 $0xFFFFE780  }
0x35: {  	[tilespmem:s28], [sflag:$0x9] =	stream.linear.gather [spmem:s19], $0x1880, $0x38;
	[tilespmem:$0x1C080] =	vst v63  }
0x36: {  	_ =	swait.ge [sflag:s29], $0x1880  }
0x37: {  	[sflag:s29] =	ssyncset.done $0x0  }
0x38: {  	s23 =	rddreg [dreg:$0x9];
	[sflag:s29] =	ssyncadd.s32 $0xFFFFE780  }
0x39: {  	[hbm4b:s23+s4] =	stream.linear.scatter [tilespmem:s28], [sflag:$0x9], $0x1880, $0x38;
	[tilespmem:$0x1C080] =	vst v63  }
0x3a: {  	_ =	swait.ge [sflag:s29], $0x1880  }
0x3b: {  	[sflag:s29] =	ssyncset.done $0x0  }
0x3c: {  	s25 =	rddreg [dreg:$0xa];
	[sflag:s29] =	ssyncadd.s32 $0xFFFFE780  }
0x3d: {  	[tilespmem:s28], [sflag:$0x9] =	stream.linear.gather [spmem:s25], $0x1880, $0x38;
	[tilespmem:$0x1C080] =	vst v63  }
0x3e: {  	_ =	swait.ge [sflag:s29], $0x1880  }
0x3f: {  	[sflag:s29] =	ssyncset.done $0x0  }
0x40: {  	s13 =	rddreg [dreg:$0xb];
	[sflag:s29] =	ssyncadd.s32 $0xFFFFE780  }
0x41: {  	[hbm4b:s13+s4] =	stream.linear.scatter [tilespmem:s28], [sflag:$0x9], $0x1880, $0x38;
	[tilespmem:$0x1C080] =	vst v63  }
0x42: {  	_ =	swait.ge [sflag:s29], $0x1880  }
0x43: {  	[sflag:s29] =	ssyncset.done $0x0  }
0x44: {  	s15 =	rddreg [dreg:$0xc];
	[sflag:s29] =	ssyncadd.s32 $0xFFFFE780  }
0x45: {  	[tilespmem:s28], [sflag:$0x9] =	stream.linear.gather [spmem:s15], $0x1880, $0x38;
	[tilespmem:$0x1C080] =	vst v63  }
0x46: {  	_ =	swait.ge [sflag:s29], $0x1880  }
0x47: {  	[sflag:s29] =	ssyncset.done $0x0  }
0x48: {  	s19 =	rddreg [dreg:$0xd];
	[sflag:s29] =	ssyncadd.s32 $0xFFFFE780  }
0x49: {  	[hbm4b:s19+s4] =	stream.linear.scatter [tilespmem:s28], [sflag:$0x9], $0x1880, $0x38;
	[tilespmem:$0x1C080] =	vst v63  }
0x4a: {  	_ =	swait.ge [sflag:s29], $0x1880  }
0x4b: {  	[sflag:s29] =	ssyncset.done $0x0  }
0x4c: {  	s23 =	rddreg [dreg:$0xe];
	[sflag:s29] =	ssyncadd.s32 $0xFFFFE780  }
0x4d: {  	[tilespmem:s28], [sflag:$0x9] =	stream.linear.gather [spmem:s23], $0x1880, $0x38;
	[tilespmem:$0x1C080] =	vst v63  }
0x4e: {  	_ =	swait.ge [sflag:s29], $0x1880  }
0x4f: {  	[sflag:s29] =	ssyncset.done $0x0  }
0x50: {  	s25 =	rddreg [dreg:$0xf];
	[sflag:s29] =	ssyncadd.s32 $0xFFFFE780  }
0x51: {  	[hbm4b:s25+s4] =	stream.linear.scatter [tilespmem:s28], [sflag:$0x9], $0x1880, $0x38;
	[tilespmem:$0x1C080] =	vst v63  }
0x52: {  	_ =	swait.ge [sflag:s29], $0x1880  }
0x53: {  	[sflag:s29] =	ssyncset.done $0x0  }
0x54: {  	s13 =	rddreg [dreg:$0x12];
	[sflag:s29] =	ssyncadd.s32 $0xFFFFE780  }
0x55: {  	[tilespmem:s28], [sflag:$0x9] =	stream.linear.gather [spmem:s13], $0x1880, $0x38;
	[tilespmem:$0x1C080] =	vst v63  }
0x56: {  	_ =	swait.ge [sflag:s29], $0x1880  }
0x57: {  	[sflag:s29] =	ssyncset.done $0x0  }
0x58: {  	s15 =	rddreg [dreg:$0x10];
	[sflag:s29] =	ssyncadd.s32 $0xFFFFE780  }
0x59: {  	[hbm4b:s15+s4] =	stream.linear.scatter [tilespmem:s28], [sflag:$0x9], $0x1880, $0x38;
	[tilespmem:$0x1C080] =	vst v63  }
0x5a: {  	_ =	swait.ge [sflag:s29], $0x1880  }
0x5b: {  	[sflag:s29] =	ssyncset.done $0x0  }
0x5c: {  	s19 =	rddreg [dreg:$0x13];
	[sflag:s29] =	ssyncadd.s32 $0xFFFFE780  }
0x5d: {  	[tilespmem:s28], [sflag:$0x9] =	stream.linear.gather [spmem:s19], $0x1880, $0x38;
	[tilespmem:$0x1C080] =	vst v63  }
0x5e: {  	_ =	swait.ge [sflag:s29], $0x1880  }
0x5f: {  	[sflag:s29] =	ssyncset.done $0x0  }
0x60: {  	s23 =	rddreg [dreg:$0x11];
	[sflag:s29] =	ssyncadd.s32 $0xFFFFE780  }
0x61: {  	[hbm4b:s23+s4] =	stream.linear.scatter [tilespmem:s28], [sflag:$0x9], $0x1880, $0x38;
	[tilespmem:$0x1C080] =	vst v63  }
0x62: {  	_ =	swait.ge [sflag:s29], $0x1880  }
0x63: {  	s13 =	rddreg [dreg:$0x17]  }
0x64: {  	s25 =	rddreg [dreg:$0x4];
	s13 =	sadd.s32 $0x1, s13  }
0x65: {  	p0 =	sne.s32 s13, s25  }
.Ltmp1:
0x66: {  	_ = 	snop;
	(pc) =	sbr.rel @!p0 .LBB2_8-.Ltmp1, $3  }
0x67: {  	_ =	sdelay $0x1  }
0x68: {  	[sflag:s29] =	ssyncset.done $0x0  }
0x69: {  	[sflag:s29] =	ssyncadd.s32 $0xFFFFE780  }
.LBB2_1:
0x6a: {  	[dreg:$0x17] =	wrdreg s13;
	s5 =	sadd.s32 $0x0, s22  }
0x6b: {  	[tilespmem:s28], [sflag:$0x9] =	stream.linear.gather [hbm4b:s5+s4], $0x1880, $0x38;
	[tilespmem:$0x1C080] =	vst v63  }
0x6c: {  	_ =	swait.ge [sflag:s29], $0x1880  }
0x6d: {  	[sflag:s29] =	ssyncset.done $0x0  }
0x6e: {  	[sflag:s29] =	ssyncadd.s32 $0xFFFFE780  }
0x6f: {  	[spmem:s10] =	stream.linear.scatter [tilespmem:s28], [sflag:$0x9], $0x1880, $0x38;
	[tilespmem:$0x1C080] =	vst v63  }
0x70: {  	_ =	swait.ge [sflag:s29], $0x1880  }
0x71: {  	[sflag:s29] =	ssyncset.done $0x0  }
0x72: {  	s15 =	sadd.s32 $0x0, s21;
	[sflag:s29] =	ssyncadd.s32 $0xFFFFE780  }
0x73: {  	[tilespmem:s28], [sflag:$0x9] =	stream.linear.gather [hbm4b:s15+s4], $0x1880, $0x38;
	[tilespmem:$0x1C080] =	vst v63  }
0x74: {  	_ =	swait.ge [sflag:s29], $0x1880  }
0x75: {  	[sflag:s29] =	ssyncset.done $0x0  }
0x76: {  	s19 =	rddreg [dreg:$0x15];
	[sflag:s29] =	ssyncadd.s32 $0xFFFFE780  }
0x77: {  	[spmem:s19] =	stream.linear.scatter [tilespmem:s28], [sflag:$0x9], $0x1880, $0x38;
	[tilespmem:$0x1C080] =	vst v63  }
0x78: {  	s25 =	simm.s32 $0x310;
	s23 =	sadd.s32 $0x1880, s10;
	_ =	swait.ge [sflag:s29], $0x1880  }
0x79: {  	s5 =	simm.s32 $0x620;
	s19 =	sadd.s32 $0x1880, s19;
	[sflag:s29] =	ssyncset.done $0x0  }
.LBB2_2:
0x7a: {  	s10 =	sadd.s32 s25, s22  }
0x7b: {  	[sflag:s29] =	ssyncadd.s32 $0xFFFFE780;
	s13 =	smov.u32 s5;
	s15 =	sadd.s32 $0x310, s5  }
0x7c: {  	[tilespmem:s28], [sflag:$0x9] =	stream.linear.gather [hbm4b:s10+s4], $0x1880, $0x38;
	[tilespmem:$0x1C080] =	vst v63  }
0x7d: {  	p0 =	sne.s32 s5, $0x1570;
	_ =	swait.ge [sflag:s29], $0x1880  }
0x7e: {  	[sflag:s29] =	ssyncset.done $0x0  }
0x7f: {  	[sflag:s29] =	ssyncadd.s32 $0xFFFFE780  }
0x80: {  	[spmem:s23] =	stream.linear.scatter [tilespmem:s28], [sflag:$0x9], $0x1880, $0x38;
	[tilespmem:$0x1C080] =	vst v63  }
0x81: {  	_ =	swait.ge [sflag:s29], $0x1880  }
0x82: {  	[sflag:s29] =	ssyncset.done $0x0  }
0x83: {  	s5 =	sadd.s32 s25, s21;
	s25 =	smov.u32 s13;
	[sflag:s29] =	ssyncadd.s32 $0xFFFFE780  }
0x84: {  	[tilespmem:s28], [sflag:$0x9] =	stream.linear.gather [hbm4b:s5+s4], $0x1880, $0x38;
	[tilespmem:$0x1C080] =	vst v63  }
0x85: {  	_ =	swait.ge [sflag:s29], $0x1880  }
.Ltmp2:
0x86: {  	[sflag:s29] =	ssyncset.done $0x0;
	(pc) =	sbr.rel @p0 .LBB2_2-.Ltmp2, $4  }
0x87: {  	[sflag:s29] =	ssyncadd.s32 $0xFFFFE780  }
0x88: {  	[spmem:s19] =	stream.linear.scatter [tilespmem:s28], [sflag:$0x9], $0x1880, $0x38;
	[tilespmem:$0x1C080] =	vst v63  }
0x89: {  	s23 =	sadd.s32 $0x1880, s23;
	_ =	swait.ge [sflag:s29], $0x1880  }
0x8a: {  	s5 =	smov.u32 s15;
	s19 =	sadd.s32 $0x1880, s19;
	[sflag:s29] =	ssyncset.done $0x0  }
0x8b: {  	s5 =	sadd.s32 s25, s22;
	[sflag:s29] =	ssyncadd.s32 $0xFFFFE780  }
0x8c: {  	[tilespmem:s28], [sflag:$0x9] =	stream.linear.gather [hbm4b:s5+s4], $0x1880, $0x38;
	[tilespmem:$0x1C080] =	vst v63  }
0x8d: {  	_ =	swait.ge [sflag:s29], $0x1880  }
0x8e: {  	[sflag:s29] =	ssyncset.done $0x0  }
0x8f: {  	[sflag:s29] =	ssyncadd.s32 $0xFFFFE780  }
0x90: {  	[spmem:s23] =	stream.linear.scatter [tilespmem:s28], [sflag:$0x9], $0x1880, $0x38;
	[tilespmem:$0x1C080] =	vst v63  }
0x91: {  	_ =	swait.ge [sflag:s29], $0x1880  }
0x92: {  	[sflag:s29] =	ssyncset.done $0x0  }
0x93: {  	s25 =	sadd.s32 s25, s21;
	[sflag:s29] =	ssyncadd.s32 $0xFFFFE780  }
0x94: {  	[tilespmem:s28], [sflag:$0x9] =	stream.linear.gather [hbm4b:s25+s4], $0x1880, $0x38;
	[tilespmem:$0x1C080] =	vst v63  }
0x95: {  	_ =	swait.ge [sflag:s29], $0x1880  }
0x96: {  	[sflag:s29] =	ssyncset.done $0x0  }
0x97: {  	[sflag:s29] =	ssyncadd.s32 $0xFFFFE780  }
0x98: {  	[spmem:s19] =	stream.linear.scatter [tilespmem:s28], [sflag:$0x9], $0x1880, $0x38;
	[tilespmem:$0x1C080] =	vst v63  }
0x99: {  	_ =	swait.ge [sflag:s29], $0x1880  }
.Ltmp3:
0x9a: {  	[sflag:s29] =	ssyncset.done $0x0;
	(pc) =	sbr.rel .LBB2_4-.Ltmp3, $4  }
0x9b: {  	[sflag:s29] =	ssyncadd.s32 $0xFFFFE780  }
0x9c: {  	[bflag:$0x0] =	sbarrier.arrive $0xFFFF  }
0x9d: {  	s13 =	simm.s32 $0x18880;
	s15 =	simm.s32 $0x18900;
	s25 =	rddreg [dreg:$0x16]  }
0x9e: {  	s23 =	simm.s32 $0x18980;
	s19 =	simm.s32 $0x0;
	s10 =	rddreg [dreg:$0x14]  }
.LBB2_6:
0x9f: {  	s19 =	sadd.s32 $0x20, s19  }
0xa0: {  	p0 =	sne.s32 s19, $0xC40  }
.Ltmp4:
0xa1: {  	_ = 	snop;
	(pc) =	sbr.rel @!p0 .LBB2_7-.Ltmp4, $2  }
0xa2: {  	_ =	sdelay $0x2  }
0xa3: {  	s25 =	sadd.s32 $0x2000, s25  }
.LBB2_4:
0xa4: {  	s5 =	sadd.s32 s19, s26  }
0xa5: {  	p0 =	sgt.u32 s5, $0xC34  }
.Ltmp5:
0xa6: {  	_ = 	snop;
	(pc) =	sbr.rel @p0 .LBB2_6-.Ltmp5, $1  }
0xa7: {  	_ =	sdelay $0x3  }
0xa8: {  	s5 =	sadd.s32 $0xFFF3CB00, s25  }
0xa9: {  	[tilespmem:s30], [sflag:$0x9] =	stream.linear.gather [hbm4b:s5+s4], $0x800, $0x38;
	[tilespmem:$0x1C080] =	vst v63  }
0xaa: {  	_ =	swait.ge [sflag:s29], $0x800  }
0xab: {  	[sflag:s29] =	ssyncset.done $0x0  }
0xac: {  	[sflag:s29] =	ssyncadd.s32 $0xFFFFF800  }
0xad: {  	[tilespmem:s31], [sflag:$0x9] =	stream.linear.gather [hbm4b:s25+s4], $0x800, $0x38;
	[tilespmem:$0x1C080] =	vst v63  }
0xae: {  	_ =	swait.ge [sflag:s29], $0x800  }
0xaf: {  	[sflag:s29] =	ssyncset.done $0x0  }
0xb0: {  	[sflag:s29] =	ssyncadd.s32 $0xFFFFF800  }
0xb1: {  	[tilespmem:s2], [sflag:$0x1] =	stream.indirect.gather [spmem:s3], $0x8, s30, s0, $0xb8;
	[tilespmem:$0x1C080] =	vst v63  }
0xb2: {  	_ = 	snop  }
0xb3: {  	[tilespmem:s6], [sflag:$0x2] =	stream.indirect.gather [spmem:s3], $0x8, s13, s0, $0xb8;
	[tilespmem:$0x1C080] =	vst v63  }
0xb4: {  	_ = 	snop  }
0xb5: {  	[tilespmem:s8], [sflag:$0x3] =	stream.indirect.gather [spmem:s3], $0x8, s15, s0, $0xb8;
	[tilespmem:$0x1C080] =	vst v63  }
0xb6: {  	_ =	swait.ge [sflag:s9], $0x400  }
0xb7: {  	[sflag:s9] =	ssyncset.done $0x0  }
0xb8: {  	[sflag:s9] =	ssyncadd.s32 $0xFFFFFC00  }
0xb9: {  	[spmem:s1] =	stream.indirect.scatter.add.f32 [tilespmem:s2], [sflag:$0x5], $0x8, s31, s0, $0xb8;
	[tilespmem:$0x1C080] =	vst v63  }
0xba: {  	_ = 	snop  }
0xbb: {  	[tilespmem:s11], [sflag:$0x4] =	stream.indirect.gather [spmem:s3], $0x8, s23, s0, $0xb8;
	[tilespmem:$0x1C080] =	vst v63  }
0xbc: {  	_ =	swait.ge [sflag:s12], $0x400  }
0xbd: {  	[sflag:s12] =	ssyncset.done $0x0  }
0xbe: {  	s5 =	simm.s32 $0x19080;
	[sflag:s12] =	ssyncadd.s32 $0xFFFFFC00  }
0xbf: {  	[spmem:s1] =	stream.indirect.scatter.add.f32 [tilespmem:s6], [sflag:$0x6], $0x8, s5, s0, $0xb8;
	[tilespmem:$0x1C080] =	vst v63  }
0xc0: {  	_ =	swait.ge [sflag:s14], $0x400  }
0xc1: {  	[sflag:s14] =	ssyncset.done $0x0  }
0xc2: {  	s5 =	simm.s32 $0x18A00;
	[sflag:s14] =	ssyncadd.s32 $0xFFFFFC00  }
0xc3: {  	[tilespmem:s2], [sflag:$0x1] =	stream.indirect.gather [spmem:s3], $0x8, s5, s0, $0xb8;
	[tilespmem:$0x1C080] =	vst v63  }
0xc4: {  	_ =	swait.ge [sflag:s16], $0x400  }
0xc5: {  	[sflag:s16] =	ssyncset.done $0x0  }
0xc6: {  	s5 =	simm.s32 $0x19100;
	[sflag:s16] =	ssyncadd.s32 $0xFFFFFC00  }
0xc7: {  	[spmem:s1] =	stream.indirect.scatter.add.f32 [tilespmem:s8], [sflag:$0x7], $0x8, s5, s0, $0xb8;
	[tilespmem:$0x1C080] =	vst v63  }
0xc8: {  	_ =	swait.ge [sflag:s18], $0x400  }
0xc9: {  	[sflag:s18] =	ssyncset.done $0x0  }
0xca: {  	s5 =	simm.s32 $0x18A80;
	[sflag:s18] =	ssyncadd.s32 $0xFFFFFC00  }
0xcb: {  	[tilespmem:s6], [sflag:$0x2] =	stream.indirect.gather [spmem:s3], $0x8, s5, s0, $0xb8;
	[tilespmem:$0x1C080] =	vst v63  }
0xcc: {  	_ =	swait.ge [sflag:s20], $0x400  }
0xcd: {  	[sflag:s20] =	ssyncset.done $0x0  }
0xce: {  	s5 =	simm.s32 $0x19180;
	[sflag:s20] =	ssyncadd.s32 $0xFFFFFC00  }
0xcf: {  	[spmem:s1] =	stream.indirect.scatter.add.f32 [tilespmem:s11], [sflag:$0x8], $0x8, s5, s0, $0xb8;
	[tilespmem:$0x1C080] =	vst v63  }
0xd0: {  	_ =	swait.ge [sflag:s24], $0x400  }
0xd1: {  	[sflag:s24] =	ssyncset.done $0x0  }
0xd2: {  	s5 =	simm.s32 $0x18B00;
	[sflag:s24] =	ssyncadd.s32 $0xFFFFFC00  }
0xd3: {  	[tilespmem:s8], [sflag:$0x3] =	stream.indirect.gather [spmem:s3], $0x8, s5, s0, $0xb8;
	[tilespmem:$0x1C080] =	vst v63  }
0xd4: {  	_ =	swait.ge [sflag:s9], $0x400  }
0xd5: {  	[sflag:s9] =	ssyncset.done $0x0  }
0xd6: {  	s5 =	simm.s32 $0x19200;
	[sflag:s9] =	ssyncadd.s32 $0xFFFFFC00  }
0xd7: {  	[spmem:s1] =	stream.indirect.scatter.add.f32 [tilespmem:s2], [sflag:$0x5], $0x8, s5, s0, $0xb8;
	[tilespmem:$0x1C080] =	vst v63  }
0xd8: {  	_ =	swait.ge [sflag:s7], $0x400  }
0xd9: {  	[sflag:s7] =	ssyncset.done $0x0  }
0xda: {  	s5 =	simm.s32 $0x18B80;
	[sflag:s7] =	ssyncadd.s32 $0xFFFFFC00  }
0xdb: {  	[tilespmem:s11], [sflag:$0x4] =	stream.indirect.gather [spmem:s3], $0x8, s5, s0, $0xb8;
	[tilespmem:$0x1C080] =	vst v63  }
0xdc: {  	_ =	swait.ge [sflag:s12], $0x400  }
0xdd: {  	[sflag:s12] =	ssyncset.done $0x0  }
0xde: {  	s5 =	simm.s32 $0x19280;
	[sflag:s12] =	ssyncadd.s32 $0xFFFFFC00  }
0xdf: {  	[spmem:s1] =	stream.indirect.scatter.add.f32 [tilespmem:s6], [sflag:$0x6], $0x8, s5, s0, $0xb8;
	[tilespmem:$0x1C080] =	vst v63  }
0xe0: {  	_ =	swait.ge [sflag:s14], $0x400  }
0xe1: {  	[sflag:s14] =	ssyncset.done $0x0  }
0xe2: {  	s5 =	simm.s32 $0x18C00;
	[sflag:s14] =	ssyncadd.s32 $0xFFFFFC00  }
0xe3: {  	[tilespmem:s2], [sflag:$0x1] =	stream.indirect.gather [spmem:s3], $0x8, s5, s0, $0xb8;
	[tilespmem:$0x1C080] =	vst v63  }
0xe4: {  	_ =	swait.ge [sflag:s16], $0x400  }
0xe5: {  	[sflag:s16] =	ssyncset.done $0x0  }
0xe6: {  	s5 =	simm.s32 $0x19300;
	[sflag:s16] =	ssyncadd.s32 $0xFFFFFC00  }
0xe7: {  	[spmem:s1] =	stream.indirect.scatter.add.f32 [tilespmem:s8], [sflag:$0x7], $0x8, s5, s0, $0xb8;
	[tilespmem:$0x1C080] =	vst v63  }
0xe8: {  	_ =	swait.ge [sflag:s18], $0x400  }
0xe9: {  	[sflag:s18] =	ssyncset.done $0x0  }
0xea: {  	s5 =	simm.s32 $0x18C80;
	[sflag:s18] =	ssyncadd.s32 $0xFFFFFC00  }
0xeb: {  	[tilespmem:s6], [sflag:$0x2] =	stream.indirect.gather [spmem:s3], $0x8, s5, s0, $0xb8;
	[tilespmem:$0x1C080] =	vst v63  }
0xec: {  	_ =	swait.ge [sflag:s20], $0x400  }
0xed: {  	[sflag:s20] =	ssyncset.done $0x0  }
0xee: {  	s5 =	simm.s32 $0x19380;
	[sflag:s20] =	ssyncadd.s32 $0xFFFFFC00  }
0xef: {  	[spmem:s1] =	stream.indirect.scatter.add.f32 [tilespmem:s11], [sflag:$0x8], $0x8, s5, s0, $0xb8;
	[tilespmem:$0x1C080] =	vst v63  }
0xf0: {  	_ =	swait.ge [sflag:s24], $0x400  }
0xf1: {  	[sflag:s24] =	ssyncset.done $0x0  }
0xf2: {  	s5 =	simm.s32 $0x18D00;
	[sflag:s24] =	ssyncadd.s32 $0xFFFFFC00  }
0xf3: {  	[tilespmem:s8], [sflag:$0x3] =	stream.indirect.gather [spmem:s3], $0x8, s5, s0, $0xb8;
	[tilespmem:$0x1C080] =	vst v63  }
0xf4: {  	_ =	swait.ge [sflag:s9], $0x400  }
0xf5: {  	[sflag:s9] =	ssyncset.done $0x0  }
0xf6: {  	s5 =	simm.s32 $0x19400;
	[sflag:s9] =	ssyncadd.s32 $0xFFFFFC00  }
0xf7: {  	[spmem:s1] =	stream.indirect.scatter.add.f32 [tilespmem:s2], [sflag:$0x5], $0x8, s5, s0, $0xb8;
	[tilespmem:$0x1C080] =	vst v63  }
0xf8: {  	_ =	swait.ge [sflag:s7], $0x400  }
0xf9: {  	[sflag:s7] =	ssyncset.done $0x0  }
0xfa: {  	s5 =	simm.s32 $0x18D80;
	[sflag:s7] =	ssyncadd.s32 $0xFFFFFC00  }
0xfb: {  	[tilespmem:s11], [sflag:$0x4] =	stream.indirect.gather [spmem:s3], $0x8, s5, s0, $0xb8;
	[tilespmem:$0x1C080] =	vst v63  }
0xfc: {  	_ =	swait.ge [sflag:s12], $0x400  }
0xfd: {  	[sflag:s12] =	ssyncset.done $0x0  }
0xfe: {  	s5 =	simm.s32 $0x19480;
	[sflag:s12] =	ssyncadd.s32 $0xFFFFFC00  }
0xff: {  	[spmem:s1] =	stream.indirect.scatter.add.f32 [tilespmem:s6], [sflag:$0x6], $0x8, s5, s0, $0xb8;
	[tilespmem:$0x1C080] =	vst v63  }
0x100: {  	_ =	swait.ge [sflag:s14], $0x400  }
0x101: {  	[sflag:s14] =	ssyncset.done $0x0  }
0x102: {  	s5 =	simm.s32 $0x18E00;
	[sflag:s14] =	ssyncadd.s32 $0xFFFFFC00  }
0x103: {  	[tilespmem:s2], [sflag:$0x1] =	stream.indirect.gather [spmem:s3], $0x8, s5, s0, $0xb8;
	[tilespmem:$0x1C080] =	vst v63  }
0x104: {  	_ =	swait.ge [sflag:s16], $0x400  }
0x105: {  	[sflag:s16] =	ssyncset.done $0x0  }
0x106: {  	s5 =	simm.s32 $0x19500;
	[sflag:s16] =	ssyncadd.s32 $0xFFFFFC00  }
0x107: {  	[spmem:s1] =	stream.indirect.scatter.add.f32 [tilespmem:s8], [sflag:$0x7], $0x8, s5, s0, $0xb8;
	[tilespmem:$0x1C080] =	vst v63  }
0x108: {  	_ =	swait.ge [sflag:s18], $0x400  }
0x109: {  	[sflag:s18] =	ssyncset.done $0x0  }
0x10a: {  	s5 =	simm.s32 $0x18E80;
	[sflag:s18] =	ssyncadd.s32 $0xFFFFFC00  }
0x10b: {  	[tilespmem:s6], [sflag:$0x2] =	stream.indirect.gather [spmem:s3], $0x8, s5, s0, $0xb8;
	[tilespmem:$0x1C080] =	vst v63  }
0x10c: {  	_ =	swait.ge [sflag:s20], $0x400  }
0x10d: {  	[sflag:s20] =	ssyncset.done $0x0  }
0x10e: {  	s5 =	simm.s32 $0x19580;
	[sflag:s20] =	ssyncadd.s32 $0xFFFFFC00  }
0x10f: {  	[spmem:s1] =	stream.indirect.scatter.add.f32 [tilespmem:s11], [sflag:$0x8], $0x8, s5, s0, $0xb8;
	[tilespmem:$0x1C080] =	vst v63  }
0x110: {  	_ =	swait.ge [sflag:s24], $0x400  }
0x111: {  	[sflag:s24] =	ssyncset.done $0x0  }
0x112: {  	s5 =	simm.s32 $0x18F00;
	[sflag:s24] =	ssyncadd.s32 $0xFFFFFC00  }
0x113: {  	[tilespmem:s8], [sflag:$0x3] =	stream.indirect.gather [spmem:s3], $0x8, s5, s0, $0xb8;
	[tilespmem:$0x1C080] =	vst v63  }
0x114: {  	_ =	swait.ge [sflag:s9], $0x400  }
0x115: {  	[sflag:s9] =	ssyncset.done $0x0  }
0x116: {  	s5 =	simm.s32 $0x19600;
	[sflag:s9] =	ssyncadd.s32 $0xFFFFFC00  }
0x117: {  	[spmem:s1] =	stream.indirect.scatter.add.f32 [tilespmem:s2], [sflag:$0x5], $0x8, s5, s0, $0xb8;
	[tilespmem:$0x1C080] =	vst v63  }
0x118: {  	_ =	swait.ge [sflag:s7], $0x400  }
0x119: {  	[sflag:s7] =	ssyncset.done $0x0  }
0x11a: {  	s5 =	simm.s32 $0x18F80;
	[sflag:s7] =	ssyncadd.s32 $0xFFFFFC00  }
0x11b: {  	[tilespmem:s11], [sflag:$0x4] =	stream.indirect.gather [spmem:s3], $0x8, s5, s0, $0xb8;
	[tilespmem:$0x1C080] =	vst v63  }
0x11c: {  	_ =	swait.ge [sflag:s12], $0x400  }
0x11d: {  	[sflag:s12] =	ssyncset.done $0x0  }
0x11e: {  	s5 =	simm.s32 $0x19680;
	[sflag:s12] =	ssyncadd.s32 $0xFFFFFC00  }
0x11f: {  	[spmem:s1] =	stream.indirect.scatter.add.f32 [tilespmem:s6], [sflag:$0x6], $0x8, s5, s0, $0xb8;
	[tilespmem:$0x1C080] =	vst v63  }
0x120: {  	_ =	swait.ge [sflag:s16], $0x400  }
0x121: {  	[sflag:s16] =	ssyncset.done $0x0  }
0x122: {  	s5 =	simm.s32 $0x19700;
	[sflag:s16] =	ssyncadd.s32 $0xFFFFFC00  }
0x123: {  	[spmem:s1] =	stream.indirect.scatter.add.f32 [tilespmem:s8], [sflag:$0x7], $0x8, s5, s0, $0xb8;
	[tilespmem:$0x1C080] =	vst v63  }
0x124: {  	_ =	swait.ge [sflag:s20], $0x400  }
0x125: {  	[sflag:s20] =	ssyncset.done $0x0  }
0x126: {  	[sflag:s20] =	ssyncadd.s32 $0xFFFFFC00  }
0x127: {  	[spmem:s1] =	stream.indirect.scatter.add.f32 [tilespmem:s11], [sflag:$0x8], $0x8, s17, s0, $0xb8;
	[tilespmem:$0x1C080] =	vst v63  }
0x128: {  	_ =	swait.ge [sflag:s14], $0x400  }
0x129: {  	[sflag:s14] =	ssyncset.done $0x0  }
0x12a: {  	[sflag:s14] =	ssyncadd.s32 $0xFFFFFC00  }
0x12b: {  	_ =	swait.ge [sflag:s18], $0x400  }
0x12c: {  	[sflag:s18] =	ssyncset.done $0x0  }
0x12d: {  	[sflag:s18] =	ssyncadd.s32 $0xFFFFFC00  }
0x12e: {  	_ =	swait.ge [sflag:s24], $0x400  }
.Ltmp6:
0x12f: {  	[sflag:s24] =	ssyncset.done $0x0;
	(pc) =	sbr.rel .LBB2_6-.Ltmp6, $4  }
0x130: {  	[sflag:s24] =	ssyncadd.s32 $0xFFFFFC00  }
0x131: {  	_ =	swait.ge [sflag:s7], $0x400  }
0x132: {  	[sflag:s7] =	ssyncset.done $0x0  }
0x133: {  	[sflag:s7] =	ssyncadd.s32 $0xFFFFFC00  }
.LBB2_8:
0x134: {  	_ =	sfence.sel $0x180000  }
0x135: {  	[bflag:$0x0] =	sbarrier.arrive $0xFFFF  }
0x136: {  	_ =	strace $0x9000004D  }
0x137: {  	s0 =	stileid.u32;
	[bflag:$0x2] =	sbarrier.arrive $0xFFFF  }
0x138: {  	p0 =	sne.s32 s0, $0x0;
	s0 =	rddreg [dreg:$0x3]  }
0x139: {  	s0 =	sadd.s32 @!p0 $0x100000, s0  }
0x13a: {  	[sflag:s0] =	ssyncadd.tile.s32 @!p0 $0x1;
	_ =	shalt  }
.Lfunc_end2:
_tile_overlayer_lowered:
.L_overlay_start_2:
0x13b: {  	(tag) =	ssettag $0x2  }
0x13c: {  	s0 =	rddreg [dreg:$0x0];
	s2 =	stileid.u32  }
0x13d: {  	s1 =	rddreg [dreg:$0x1];
	p0 =	sne.s32 s2, $0x0  }
0x13e: {  	s3 =	rddreg [dreg:$0x2];
	[bflag:$0x3] =	sbarrier.arrive $0xFFFF;
	s2 =	simm.s32 @!p0 $0x1C09  }
0x13f: {  	[timem:s3], [sflag:s2] =	dma.local @!p0 [hbm:s0], s1  }
0x140: {  	s0 =	simm.s32 @!p0 $0x9  }
0x141: {  	_ =	swait.ge @!p0 [sflag:s0], s1  }
0x142: {  	s1 =	ssub.s32 @!p0 $0x0, s1;
	[sflag:s0] =	ssyncset.done @!p0 $0x0  }
0x143: {  	[sflag:s0] =	ssyncadd.s32 @!p0 s1  }
0x144: {  	[bflag:$0x3] =	sbarrier.arrive $0xFFFF  }
0x145: {  	_ =	shalt  }

// kernel: kernel.14.cloned.1.call-start
scs
__scs_entry_jumppad:
0x0: {  	(pc) =	sbr.rel $0x88, $3  }
0x1: {  	(tag) =	ssettag $0x0;
	lr =	simm.s32 $0x1  }
0x2: {  	[smem:$0x3F99] =	sst lr;
	_ =	strace $0xD0000000  }
0x3: {  	_ = 	snop  }
0x4: {  	_ = 	snop  }
0x5: {  	_ = 	snop  }
0x6: {  	_ = 	snop  }
0x7: {  	_ = 	snop  }
__scs_overlays_trampoline_lowered:
0x8: {  	[smem:$0x3FA8] =	sst s0  }
0x9: {  	[smem:$0x3FA9] =	sst s1  }
0xa: {  	[smem:$0x3FAA] =	sst s2  }
0xb: {  	[smem:$0x3FAB] =	sst s3  }
0xc: {  	[smem:$0x3FAC] =	sst s4  }
0xd: {  	[smem:$0x3FAD] =	sst s5  }
0xe: {  	[smem:$0x3FAE] =	sst s6  }
0xf: {  	[smem:$0x3FAF] =	sst s7  }
0x10: {  	[smem:$0x3FB0] =	sst s8  }
0x11: {  	[smem:$0x3FB1] =	sst s9;
	s0 =	simm.s32 @!p0 $0x0  }
0x12: {  	s1 =	sld [smem:$0x3F97];
	s0 =	simm.s32 @p0 $0x1  }
0x13: {  	[smem:$0x3FB2] =	sst s0;
	s0 =	simm.s32 @!p1 $0x0  }
0x14: {  	s2 =	sld [smem:$0x3F96];
	s0 =	simm.s32 @p1 $0x1  }
0x15: {  	[smem:$0x3FB3] =	sst s0;
	s0 =	simm.s32 @!p2 $0x0  }
0x16: {  	s3 =	sld [smem:$0x3FDB];
	s0 =	simm.s32 @p2 $0x1  }
0x17: {  	s4 =	simm.s32 $0x1BF5;
	[smem:$0x3FB5] =	sst s0  }
0x18: {  	s0 =	sld [smem:$0x3F98];
	_ =	swait.ge [sflag:s4], $0x0  }
0x19: {  	s7 =	sld [smem:$0x3F99]  }
0x1a: {  	s8 =	sadd.s32 $0xFFFFE003, lr  }
0x1b: {  	s9 =	sadd.s32 $0xFFFFFEF7, lr;
	s5 =	simm.s32 $0xFFFFFFFF;
	p2 =	slt.u32 s8, $0xFFFFF086  }
0x1c: {  	p1 =	slt.u32 s9, $0xF7A;
	s5 =	simm.s32 @!p2 $0x0  }
0x1d: {  	s5 =	simm.s32 @p1 $0x1;
	p0 =	seq.s32 s7, s2  }
0x1e: {  	s7 =	smul.u32 @!p0 $0xF7A, s2;
	p2 =	seq.s32 @!p0 s5, $0x0  }
0x1f: {  	s9 =	smul.u32 $0xF7A, s1;
	s8 =	simm.s32 @!p0 $0x1BF5;
	p2 =	por !p2, p0  }
0x20: {  	[sflag:s8] =	ssyncset.s32 @!p0 $0xFFFFF086;
	s6 =	sadd.s32 @!p0 s3, s7;
	s7 =	simm.s32 @!p0 $0x108  }
0x21: {  	s3 =	sadd.s32 s3, s9;
	s6 =	sadd.s32 @!p0 $0x88, s6;
	s7 =	simm.s32 @p2 $0x1082  }
0x22: {  	[simem:s7], [sflag:s8] =	dma.local @!p0 [hbm:s6], $0xF7A  }
0x23: {  	s9 =	sor.u32 $0xD0000000, s2;
	s6 =	simm.s32 $0x108;
	_ =	swait.ge @!p0 [sflag:s8], $0x0  }
0x24: {  	s3 =	sadd.s32 $0x88, s3;
	s6 =	simm.s32 @!p1 $0x1082;
	[sflag:s4] =	ssyncset.s32 $0xFFFFF086  }
0x25: {  	[simem:s6], [sflag:s4] =	dma.local [hbm:s3], $0xF7A  }
0x26: {  	[smem:$0x3F99] =	sst s1;
	(tag) =	ssettag s2;
	_ =	strace s9  }
0x27: {  	s1 =	sld [smem:$0x3FA9]  }
0x28: {  	s2 =	sld [smem:$0x3FAA]  }
0x29: {  	s4 =	sld [smem:$0x3FAC]  }
0x2a: {  	p0 =	seq.s32 s5, $0x0;
	s5 =	sld [smem:$0x3FAD]  }
0x2b: {  	s6 =	sld [smem:$0x3FAE]  }
0x2c: {  	s7 =	sld [smem:$0x3FAF]  }
0x2d: {  	s3 =	simm.s32 $0x108;
	s8 =	sld [smem:$0x3FB0]  }
0x2e: {  	s3 =	simm.s32 @!p0 $0x1082;
	s9 =	sld [smem:$0x3FB1]  }
0x2f: {  	lr =	sadd.s32 s0, s3;
	s0 =	sld [smem:$0x3FA8]  }
0x30: {  	s3 =	sld [smem:$0x3FAB]  }
0x31: {  	[smem:$0x3FB4] =	sst s10  }
0x32: {  	s10 =	sld [smem:$0x3FB2];
	_ =	sdelay $0x3  }
0x33: {  	p0 =	seq.s32 s10, $0x1;
	s10 =	sld [smem:$0x3FB4];
	_ =	sdelay $0x3  }
0x34: {  	[smem:$0x3FB4] =	sst s10  }
0x35: {  	s10 =	sld [smem:$0x3FB3];
	_ =	sdelay $0x3  }
0x36: {  	p1 =	seq.s32 s10, $0x1;
	s10 =	sld [smem:$0x3FB4];
	_ =	sdelay $0x3  }
0x37: {  	[smem:$0x3FB4] =	sst s10  }
0x38: {  	s10 =	sld [smem:$0x3FB5]  }
0x39: {  	_ = 	snop;
	(pc) =	sbr.ind lr, $3  }
0x3a: {  	_ = 	snop  }
0x3b: {  	_ = 	snop  }
0x3c: {  	p2 =	seq.s32 s10, $0x1;
	s10 =	sld [smem:$0x3FB4]  }
0x3d: {  	_ =	shalt  }
0x3e: {  	_ =	shalt  }
0x3f: {  	_ =	shalt  }
0x40: {  	_ =	shalt  }
0x41: {  	_ =	shalt  }
0x42: {  	_ =	shalt  }
0x43: {  	_ =	shalt  }
0x44: {  	_ =	shalt  }
0x45: {  	_ =	shalt  }
0x46: {  	_ =	shalt  }
0x47: {  	_ =	shalt  }
0x48: {  	_ =	shalt  }
0x49: {  	_ =	shalt  }
0x4a: {  	_ =	shalt  }
0x4b: {  	_ =	shalt  }
0x4c: {  	_ =	shalt  }
0x4d: {  	_ =	shalt  }
0x4e: {  	_ =	shalt  }
0x4f: {  	_ =	shalt  }
0x50: {  	_ =	shalt  }
0x51: {  	_ =	shalt  }
0x52: {  	_ =	shalt  }
0x53: {  	_ =	shalt  }
0x54: {  	_ =	shalt  }
0x55: {  	_ =	shalt  }
0x56: {  	_ =	shalt  }
0x57: {  	_ =	shalt  }
0x58: {  	_ =	shalt  }
0x59: {  	_ =	shalt  }
0x5a: {  	_ =	shalt  }
0x5b: {  	_ =	shalt  }
0x5c: {  	_ =	shalt  }
0x5d: {  	_ =	shalt  }
0x5e: {  	_ =	shalt  }
0x5f: {  	_ =	shalt  }
0x60: {  	_ =	shalt  }
0x61: {  	_ =	shalt  }
0x62: {  	_ =	shalt  }
0x63: {  	_ =	shalt  }
0x64: {  	_ =	shalt  }
0x65: {  	_ =	shalt  }
0x66: {  	_ =	shalt  }
0x67: {  	_ =	shalt  }
0x68: {  	_ =	shalt  }
0x69: {  	_ =	shalt  }
0x6a: {  	_ =	shalt  }
0x6b: {  	_ =	shalt  }
0x6c: {  	_ =	shalt  }
0x6d: {  	_ =	shalt  }
0x6e: {  	_ =	shalt  }
0x6f: {  	_ =	shalt  }
0x70: {  	_ =	shalt  }
0x71: {  	_ =	shalt  }
0x72: {  	_ =	shalt  }
0x73: {  	_ =	shalt  }
0x74: {  	_ =	shalt  }
0x75: {  	_ =	shalt  }
0x76: {  	_ =	shalt  }
0x77: {  	_ =	shalt  }
0x78: {  	_ =	shalt  }
0x79: {  	_ =	shalt  }
0x7a: {  	_ =	shalt  }
0x7b: {  	_ =	shalt  }
0x7c: {  	_ =	shalt  }
0x7d: {  	_ =	shalt  }
0x7e: {  	_ =	shalt  }
0x7f: {  	_ =	shalt  }
0x80: {  	_ =	shalt  }
0x81: {  	_ =	shalt  }
0x82: {  	_ =	shalt  }
0x83: {  	_ =	shalt  }
0x84: {  	_ =	shalt  }
0x85: {  	_ =	shalt  }
0x86: {  	_ =	shalt  }
0x87: {  	_ =	shalt  }
.Lfunc_end0:
.L_simem_size_0:
called_computation.3_lowered:
.L_overlay_start_0:
0x88: {  	s2 =	sld [smem:$0x3FD9]  }
0x89: {  	s3 =	sld [smem:$0x3FFE];
	_ =	sdelay $0x1  }
0x8a: {  	s1 =	srdreg.scid  }
0x8b: {  	s0 =	sand.u32 $0x1, s1  }
0x8c: {  	s17 =	sshll.u32 s0, $0xA;
	s2 =	sadd.s32 s3, s2  }
0x8d: {  	s2 =	sadd.s32 s2, s17  }
0x8e: {  	[smem:$0x3FC0] =	sst s2  }
0x8f: {  	_ = 	snop  }
0x90: {  	s2 =	sld [smem:$0x3FC6];
	(tm) =	ssettm $0x1  }
0x91: {  	s18 =	sld [smem:$0x3FFB];
	_ =	sdelay $0x3  }
0x92: {  	_ =	strace s18  }
0x93: {  	s3 =	sld [smem:$0x3FFC];
	_ =	sdelay $0x3  }
0x94: {  	_ =	strace s3  }
0x95: {  	s3 =	sld [smem:$0x3FFD];
	_ =	sdelay $0x3  }
0x96: {  	_ =	strace s3  }
0x97: {  	_ =	strace $0x8FFFFFFF  }
0x98: {  	s19 =	sld [smem:$0x3FDB];
	_ =	sdelay $0x1  }
0x99: {  	s4 =	simm.s32 $_scs_section_size  }
0x9a: {  	s5 =	simm.s32 $_size__tile_overlayer_lowered;
	s6 =	simm.s32 $_tile_overlayer_lowered  }
0x9b: {  	s22 =	simm.s32 $0x1BFF;
	s21 =	sshll.u32 s6, $0x1;
	s3 =	sadd.s32 s4, s19  }
0x9c: {  	s7 =	simm.s32 $0x0;
	s20 =	sshll.u32 s5, $0x1;
	s5 =	sadd.s32 s21, s3  }
0x9d: {  	[timem:s7], [sflag:s22] =	dma.local [hbm:s5], s20  }
0x9e: {  	_ =	swait.ge [sflag:s22], s20  }
0x9f: {  	s4 =	ssub.s32 $0x0, s20;
	[sflag:s22] =	ssyncset.done $0x0  }
0xa0: {  	[sflag:s22] =	ssyncadd.s32 s4;
	_ =	sdelay $0x1  }
0xa1: {  	s23 =	simm.s32 $0x1B8B  }
0xa2: {  	_ =	swait.ge [sflag:s23], $0x1  }
0xa3: {  	[sflag:s23] =	ssyncset.done $0x0  }
0xa4: {  	s25 =	simm.s32 $0x1B8E;
	s24 =	sld [smem:$0x3FFE];
	[sflag:s23] =	ssyncadd.s32 $0xFFFFFFFF  }
0xa5: {  	s26 =	simm.s32 $execute0_lowered;
	[smem:$0x3FD2] =	sst s25  }
0xa6: {  	s5 =	sshll.u32 s26, $0x1;
	_ =	strace $0x8000004F;
	[dreg:$0x1] =	wrdreg $0xFFFFFFFF  }
0xa7: {  	s28 =	simm.s32 $_size_execute0_lowered;
	s3 =	sadd.s32 s3, s5;
	[dreg:$0x0] =	wrdreg $0x0  }
0xa8: {  	s5 =	sshll.u32 s28, $0x1;
	[dreg:$0x2] =	wrdreg s3  }
0xa9: {  	[dreg:$0x3] =	wrdreg s5  }
0xaa: {  	[dreg:$0x4] =	wrdreg $0xC0  }
0xab: {  	_ =	task [dreg:s7], $0x5FFFF  }
0xac: {  	[dreg:$0x1] =	wrdreg $0xFFFFFFFF  }
0xad: {  	[dreg:$0x0] =	wrdreg $0x60  }
0xae: {  	[dreg:$0x2] =	wrdreg s24  }
0xaf: {  	[dreg:$0x3] =	wrdreg s2  }
0xb0: {  	[dreg:$0x4] =	wrdreg $0xC4000  }
0xb1: {  	[dreg:$0x5] =	wrdreg $0x0  }
0xb2: {  	[dreg:$0x6] =	wrdreg $0x9  }
0xb3: {  	_ =	task.clear_ibuf [dreg:s7], $0x7FFFF;
	_ =	strace $0x9000004F  }
0xb4: {  	s29 =	simm.s32 $0x9;
	_ =	strace $0x80000051  }
0xb5: {  	_ =	swait.ge [sflag:s29], $0x1  }
0xb6: {  	[sflag:s29] =	ssyncadd.s32 $0xFFFFFFFF  }
0xb7: {  	_ =	strace $0x90000051  }
0xb8: {  	_ =	sfence  }
0xb9: {  	s30 =	sld [smem:$0x0];
	_ =	sdelay $0x2  }
0xba: {  	s31 =	sshll.u32 s1, $0xD;
	s1 =	sshrl.u32 s1, $0x2  }
0xbb: {  	s3 =	sand.u32 $0x4000, s31;
	s1 =	sadd.s32 s1, s30  }
0xbc: {  	s0 =	sor.u32 s3, s0;
	s1 =	sshll.u32 s1, $0x11  }
0xbd: {  	s0 =	sor.u32 s1, s0  }
0xbe: {  	s0 =	sadd.s32 $0x8F2B, s0  }
0xbf: {  	[sflag:s0] =	ssyncadd.remote.s32 $0x1  }
0xc0: {  	_ =	sfence.sel $0xFFFF  }
0xc1: {  	[dreg:$0x0] =	wrdreg $0xFFFFFFFF;
	(pc) =	sbr.abs _section_cstart, $3  }
0xc2: {  	[dreg:$0x1] =	wrdreg $0xFFFFFFFF  }
0xc3: {  	_ =	task.clear_ibuf [dreg:s7], $0x2FFFF;
	_ =	strace $0x9FFFFFFF  }
0xc4: {  	(tm) =	ssettm $0x7FFFFFFF  }
0xc5: {  	_ =	shalt  }
tec
execute0_lowered:
.L_overlay_start_1:
0x0: {  	(tag) =	ssettag $0x1  }
0x1: {  	s0 =	rddreg [dreg:$0x0]  }
0x2: {  	s2 =	rddreg [dreg:$0x2]  }
0x3: {  	s3 =	rddreg [dreg:$0x3]  }
0x4: {  	s4 =	simm.s32 $0x0;
	s18 =	srdreg.scid;
	s9 =	stileid.u32  }
0x5: {  	s17 =	simm.s32 $0x1CFD0;
	s28 =	simm.s32 $0x19800;
	s30 =	simm.s32 $0x19C00  }
0x6: {  	s12 =	simm.s32 $0x1A400;
	s13 =	simm.s32 $0x2;
	s29 =	simm.s32 $0x5  }
0x7: {  	s31 =	simm.s32 $0x6;
	s16 =	simm.s32 $0x4;
	[smem:$0x7FF] =	sst s4  }
0x8: {  	s1 =	sadd.s32 $0x341000, s0;
	s5 =	sadd.s32 $0x375200, s0;
	s19 =	sadd.s32 $0x372000, s0  }
0x9: {  	s8 =	sadd.s32 $0x328800, s0;
	_ =	strace $0x80000050;
	[dreg:$0x5] =	wrdreg s1  }
0xa: {  	s10 =	smul.u32 $0x1880, s9;
	s22 =	sshll.u32 s9, $0x8;
	[dreg:$0x6] =	wrdreg s5  }
0xb: {  	s24 =	smul.u32 $0x31000, s9;
	[dreg:$0x7] =	wrdreg s19;
	s1 =	sand.u32 $0x1, s18  }
0xc: {  	[dreg:$0x8] =	wrdreg s8;
	s18 =	simm.s32 $0x9;
	s19 =	simm.s32 $0x1A800  }
0xd: {  	s8 =	simm.s32 $0x1;
	s20 =	sshll.u32 s1, $0xC;
	s6 =	smul.u32 $0x18800, s1  }
0xe: {  	s7 =	ssub.s32 $0x2, s1;
	s1 =	sshll.u32 s1, $0x4;
	s11 =	smov.u32 s10  }
0xf: {  	s26 =	sshrl.u32 s24, $0x2;
	s24 =	simm.s32 $0x7;
	s5 =	sadd.s32 s20, s0  }
0x10: {  	s21 =	sshrl.u32 s7, $0x1;
	s14 =	sor.u32 s1, s9;
	s20 =	simm.s32 $0x1B440  }
0x11: {  	s1 =	simm.s32 $0x3;
	s6 =	sadd.s32 s6, s0;
	s7 =	ssub.s32 s7, s21  }
0x12: {  	s0 =	sadd.s32 $0x359800, s0;
	s23 =	sadd.s32 s22, s5;
	s21 =	simm.s32 $0x1C080  }
0x13: {  	s22 =	simm.s32 $0x1CCC0;
	[dreg:$0x9] =	wrdreg s0;
	s7 =	smax.u32 s7, $0x1  }
0x14: {  	s0 =	sadd.s32 $0xC4B00, s23;
	s25 =	sadd.s32 s10, s6;
	[dreg:$0xa] =	wrdreg s7  }
0x15: {  	v0 =	vlaneseq.u32;
	s23 =	simm.s32 $0x1CE48;
	s6 =	simm.s32 $0x0;
	[dreg:$0xb] =	wrdreg s0  }
0x16: {  	v1 =	vand.u32 $0x7, v0;
	s15 =	sadd.s32 $0x188000, s25;
	s0 =	sadd.s32 s26, s2;
	s26 =	simm.s32 $0x80  }
0x17: {  	v2 =	vor.u32 $0xFFFFFFF8, v1;
	s25 =	simm.s32 $0x8;
	[dreg:$0xc] =	wrdreg s0;
	s0 =	simm.s32 $0x1A000  }
.LBB2_1:
0x18: {  	[dreg:$0xd] =	wrdreg s6  }
0x19: {  	s5 =	rddreg [dreg:$0x1]  }
0x1a: {  	[tilespmem:s17], [sflag:$0x9] =	stream.linear.gather [hbm4b:s5+s4], $0x8, $0x38;
	[tilespmem:$0x1CFD8] =	vst v63  }
0x1b: {  	_ =	swait.ge [sflag:s18], $0x8  }
0x1c: {  	[sflag:s18] =	ssyncset.done $0x0  }
0x1d: {  	s5 =	simm.s32 $0x0;
	[sflag:s18] =	ssyncadd.s32 $0xFFFFFFF8  }
.LBB2_2:
0x1e: {  	s6 =	smul.u32 $0x188, s5;
	_ =	sdelay $0x1  }
0x1f: {  	s9 =	rddreg [dreg:$0x8];
	s7 =	sadd.s32 s11, s6  }
0x20: {  	s6 =	sadd.s32 s9, s7;
	s9 =	simm.s32 $0x0  }
0x21: {  	[tilespmem:s19], [sflag:$0x9] =	stream.linear.gather [hbm4b:s6+s9], $0xC40, $0x38;
	[tilespmem:$0x1CFD8] =	vst v63  }
0x22: {  	_ =	swait.ge [sflag:s18], $0xC40  }
0x23: {  	s6 =	sshll.u32 s7, $0x3;
	[sflag:s18] =	ssyncset.done $0x0  }
0x24: {  	s10 =	sadd.s32 s6, s2;
	[sflag:s18] =	ssyncadd.s32 $0xFFFFF3C0  }
0x25: {  	[spmem:s10] =	stream.linear.scatter [tilespmem:s19], [sflag:$0x9], $0xC40, $0x38;
	[tilespmem:$0x1CFD8] =	vst v63  }
0x26: {  	_ =	swait.ge [sflag:s18], $0xC40  }
0x27: {  	[sflag:s18] =	ssyncset.done $0x0;
	s10 =	rddreg [dreg:$0x5]  }
0x28: {  	[sflag:s18] =	ssyncadd.s32 $0xFFFFF3C0;
	s10 =	sadd.s32 s10, s7  }
0x29: {  	[tilespmem:s20], [sflag:$0x9] =	stream.linear.gather [hbm4b:s10+s9], $0xC40, $0x38;
	[tilespmem:$0x1CFD8] =	vst v63  }
0x2a: {  	_ =	swait.ge [sflag:s18], $0xC40  }
0x2b: {  	[sflag:s18] =	ssyncset.done $0x0;
	s10 =	rddreg [dreg:$0x9]  }
0x2c: {  	[sflag:s18] =	ssyncadd.s32 $0xFFFFF3C0;
	s10 =	sadd.s32 s7, s10  }
0x2d: {  	[tilespmem:s21], [sflag:$0x9] =	stream.linear.gather [hbm4b:s10+s9], $0xC40, $0x38;
	[tilespmem:$0x1CFD8] =	vst v63  }
0x2e: {  	_ =	swait.ge [sflag:s18], $0xC40  }
0x2f: {  	s7 =	sshrl.u32 s7, $0x3;
	[sflag:s18] =	ssyncset.done $0x0;
	s10 =	rddreg [dreg:$0x6]  }
0x30: {  	[sflag:s18] =	ssyncadd.s32 $0xFFFFF3C0;
	s10 =	sadd.s32 s10, s7  }
0x31: {  	[tilespmem:s22], [sflag:$0x9] =	stream.linear.gather [hbm4b:s10+s9], $0x188, $0x38;
	[tilespmem:$0x1CFD8] =	vst v63  }
0x32: {  	_ =	swait.ge [sflag:s18], $0x188  }
0x33: {  	v4 =	vor.u32 s9, v0;
	[sflag:s18] =	ssyncset.done $0x0;
	s10 =	rddreg [dreg:$0x7]  }
0x34: {  	v5 =	vmov s9;
	v3 =	vand.u32 v2, v4;
	[sflag:s18] =	ssyncadd.s32 $0xFFFFFE78;
	s7 =	sadd.s32 s10, s7  }
0x35: {  	v4 =	vshrl.u32 v4, $0x3;
	v5 =	vshrl.u32 v5, $0x3;
	[tilespmem:s23], [sflag:$0x9] =	stream.linear.gather [hbm4b:s7+s9], $0x188, $0x38;
	[tilespmem:$0x1CFD8] =	vst v63  }
0x36: {  	v4 =	vand.u32 $0x7, v4;
	v5 =	vand.u32 $0x1F8, v5;
	_ =	swait.ge [sflag:s18], $0x188  }
0x37: {  	v4 =	vor.u32 v5, v4;
	[sflag:s18] =	ssyncset.done $0x0  }
0x38: {  	[sflag:s18] =	ssyncadd.s32 $0xFFFFFE78  }
0x39: {  	v5 =	vld.idx.msk [tilespmem:v3+s21+$0x0], $0xffff  }
0x3a: {  	v6 =	vld.idx.msk [tilespmem:v3+s20+$0x0], $0xffff;
	_ =	sdelay $0x1  }
0x3b: {  	v7 =	vld.idx.msk [tilespmem:v4+s23+$0x0], $0xffff;
	_ =	sdelay $0x1  }
0x3c: {  	v8 =	vld.idx.msk [tilespmem:v1+s17+$0x0], $0xffff  }
0x3d: {  	v5 =	vadd.f32 v5, v6;
	_ =	sdelay $0x1  }
0x3e: {  	v6 =	vmul.f32 v7, v5;
	v5 =	vld.idx.msk [tilespmem:v4+s22+$0x0], $0xffff  }
0x3f: {  	s10 =	simm.s32 $0x10  }
0x40: {  	v7 =	vor.u32 s10, v0;
	v6 =	vadd.f32 v8, v6  }
0x41: {  	s7 =	simm.s32 $0x20;
	v4 =	vand.u32 v2, v7;
	v8 =	vmov s10  }
.LBB2_3:
0x42: {  	p0 =	sne.s32 s7, $0xC30;
	v7 =	vshrl.u32 v7, $0x3;
	v8 =	vshrl.u32 v8, $0x3;
	v6 =	vmax.f32 v6, $0.0e+00  }
0x43: {  	v7 =	vand.u32 $0x7, v7;
	v8 =	vand.u32 $0x1F8, v8;
	v5 =	vmul.f32 v6, v5  }
0x44: {  	v6 =	vor.u32 v8, v7  }
0x45: {  	[tilespmem:v3+s19+$0x0] =	vst.idx.msk $0xffff, v5;
	v3 =	vmov v4  }
0x46: {  	v5 =	vld.idx.msk [tilespmem:v4+s21+$0x0], $0xffff  }
0x47: {  	v4 =	vld.idx.msk [tilespmem:v4+s20+$0x0], $0xffff;
	_ =	sdelay $0x1  }
0x48: {  	v7 =	vld.idx.msk [tilespmem:v6+s23+$0x0], $0xffff;
	_ =	sdelay $0x1  }
0x49: {  	v8 =	vld.idx.msk [tilespmem:v1+s17+$0x0], $0xffff;
	_ =	sdelay $0x1  }
0x4a: {  	v4 =	vadd.f32 v5, v4  }
.Ltmp0:
0x4b: {  	v5 =	vld.idx.msk [tilespmem:v6+s22+$0x0], $0xffff;
	(pc) =	sbr.rel @p0 .LBB2_3-.Ltmp0, $3  }
0x4c: {  	v4 =	vmul.f32 v7, v4;
	_ =	sdelay $0x1  }
0x4d: {  	v7 =	vor.u32 s7, v0;
	v6 =	vadd.f32 v8, v4  }
0x4e: {  	v8 =	vmov s7;
	v4 =	vand.u32 v2, v7;
	s7 =	sadd.s32 $0x10, s7  }
0x4f: {  	_ = 	snop  }
0x50: {  	v7 =	vshrl.u32 v7, $0x3;
	v8 =	vshrl.u32 v8, $0x3;
	v6 =	vmax.f32 v6, $0.0e+00  }
0x51: {  	v7 =	vand.u32 $0x7, v7;
	v8 =	vand.u32 $0x1F8, v8;
	v5 =	vmul.f32 v6, v5  }
0x52: {  	v61 =	vor.u32 v8, v7  }
0x53: {  	[tilespmem:v3+s19+$0x0] =	vst.idx.msk $0xffff, v5  }
0x54: {  	v3 =	vld.idx.msk [tilespmem:v4+s21+$0x0], $0xffff  }
0x55: {  	v5 =	vld.idx.msk [tilespmem:v4+s20+$0x0], $0xffff;
	_ =	sdelay $0x1  }
0x56: {  	v7 =	vld.idx.msk [tilespmem:v61+s23+$0x0], $0xffff;
	_ =	sdelay $0x1  }
0x57: {  	v62 =	vld.idx.msk [tilespmem:v1+s17+$0x0], $0xffff  }
0x58: {  	v3 =	vadd.f32 v3, v5;
	_ =	sdelay $0x1  }
0x59: {  	v63 =	vld.idx.msk [tilespmem:v61+s22+$0x0], $0xffff;
	v3 =	vmul.f32 v7, v3;
	_ =	sdelay $0x1  }
0x5a: {  	v3 =	vadd.f32 v62, v3;
	_ =	sdelay $0x1  }
0x5b: {  	v3 =	vmax.f32 v3, $0.0e+00  }
0x5c: {  	s5 =	sadd.s32 $0x1, s5;
	v3 =	vmul.f32 v3, v63  }
0x5d: {  	p0 =	sne.s32 s5, $0x10  }
.Ltmp1:
0x5e: {  	s6 =	sadd.s32 s6, s3;
	[tilespmem:v4+s19+$0x0] =	vst.idx.msk $0xffff, v3;
	(pc) =	sbr.rel @p0 .LBB2_2-.Ltmp1, $4  }
0x5f: {  	[spmem:s6] =	stream.linear.scatter [tilespmem:s19], [sflag:$0x9], $0xC40, $0x38;
	[tilespmem:$0x1CFD8] =	vst v63  }
0x60: {  	_ =	swait.ge [sflag:s18], $0xC40  }
0x61: {  	[sflag:s18] =	ssyncset.done $0x0  }
0x62: {  	[sflag:s18] =	ssyncadd.s32 $0xFFFFF3C0  }
.Ltmp2:
0x63: {  	(pc) =	sbr.rel .LBB2_6-.Ltmp2, $3  }
0x64: {  	_ =	sdelay $0x1  }
0x65: {  	[bflag:$0x0] =	sbarrier.arrive $0xFFFF;
	s5 =	simm.s32 $0x0  }
0x66: {  	s9 =	simm.s32 $0x18800;
	s10 =	simm.s32 $0x19000;
	s6 =	rddreg [dreg:$0xb]  }
.LBB2_8:
0x67: {  	s5 =	sadd.s32 $0x20, s5  }
0x68: {  	p0 =	sne.s32 s5, $0xC40  }
.Ltmp3:
0x69: {  	_ = 	snop;
	(pc) =	sbr.rel @!p0 .LBB2_9-.Ltmp3, $2  }
0x6a: {  	_ =	sdelay $0x2  }
0x6b: {  	s6 =	sadd.s32 $0x2000, s6  }
.LBB2_6:
0x6c: {  	s7 =	sadd.s32 s5, s14  }
0x6d: {  	p0 =	sgt.u32 s7, $0xC34  }
.Ltmp4:
0x6e: {  	_ = 	snop;
	(pc) =	sbr.rel @p0 .LBB2_8-.Ltmp4, $1  }
0x6f: {  	_ =	sdelay $0x3  }
0x70: {  	s7 =	sadd.s32 $0xFFF3CB00, s6  }
0x71: {  	[tilespmem:s9], [sflag:$0x9] =	stream.linear.gather [hbm4b:s7+s4], $0x800, $0x38;
	[tilespmem:$0x1CFD8] =	vst v63  }
0x72: {  	_ =	swait.ge [sflag:s18], $0x800  }
0x73: {  	[sflag:s18] =	ssyncset.done $0x0  }
0x74: {  	[sflag:s18] =	ssyncadd.s32 $0xFFFFF800  }
0x75: {  	[tilespmem:s10], [sflag:$0x9] =	stream.linear.gather [hbm4b:s6+s4], $0x800, $0x38;
	[tilespmem:$0x1CFD8] =	vst v63  }
0x76: {  	_ =	swait.ge [sflag:s18], $0x800  }
0x77: {  	[sflag:s18] =	ssyncset.done $0x0  }
0x78: {  	[sflag:s18] =	ssyncadd.s32 $0xFFFFF800  }
0x79: {  	[tilespmem:s28], [sflag:$0x1] =	stream.indirect.gather [spmem:s3], $0x8, s9, s26, $0xb8;
	[tilespmem:$0x1CFD8] =	vst v63  }
0x7a: {  	s7 =	simm.s32 $0x18880  }
0x7b: {  	[tilespmem:s30], [sflag:$0x2] =	stream.indirect.gather [spmem:s3], $0x8, s7, s26, $0xb8;
	[tilespmem:$0x1CFD8] =	vst v63  }
0x7c: {  	s7 =	simm.s32 $0x18900  }
0x7d: {  	[tilespmem:s0], [sflag:$0x3] =	stream.indirect.gather [spmem:s3], $0x8, s7, s26, $0xb8;
	[tilespmem:$0x1CFD8] =	vst v63  }
0x7e: {  	_ =	swait.ge [sflag:s8], $0x400  }
0x7f: {  	[sflag:s8] =	ssyncset.done $0x0  }
0x80: {  	[sflag:s8] =	ssyncadd.s32 $0xFFFFFC00  }
0x81: {  	[spmem:s2] =	stream.indirect.scatter.add.f32 [tilespmem:s28], [sflag:$0x5], $0x8, s10, s26, $0xb8;
	[tilespmem:$0x1CFD8] =	vst v63  }
0x82: {  	s7 =	simm.s32 $0x18980  }
0x83: {  	[tilespmem:s12], [sflag:$0x4] =	stream.indirect.gather [spmem:s3], $0x8, s7, s26, $0xb8;
	[tilespmem:$0x1CFD8] =	vst v63  }
0x84: {  	_ =	swait.ge [sflag:s13], $0x400  }
0x85: {  	[sflag:s13] =	ssyncset.done $0x0  }
0x86: {  	s7 =	simm.s32 $0x19080;
	[sflag:s13] =	ssyncadd.s32 $0xFFFFFC00  }
0x87: {  	[spmem:s2] =	stream.indirect.scatter.add.f32 [tilespmem:s30], [sflag:$0x6], $0x8, s7, s26, $0xb8;
	[tilespmem:$0x1CFD8] =	vst v63  }
0x88: {  	_ =	swait.ge [sflag:s29], $0x400  }
0x89: {  	[sflag:s29] =	ssyncset.done $0x0  }
0x8a: {  	s7 =	simm.s32 $0x18A00;
	[sflag:s29] =	ssyncadd.s32 $0xFFFFFC00  }
0x8b: {  	[tilespmem:s28], [sflag:$0x1] =	stream.indirect.gather [spmem:s3], $0x8, s7, s26, $0xb8;
	[tilespmem:$0x1CFD8] =	vst v63  }
0x8c: {  	_ =	swait.ge [sflag:s1], $0x400  }
0x8d: {  	[sflag:s1] =	ssyncset.done $0x0  }
0x8e: {  	s7 =	simm.s32 $0x19100;
	[sflag:s1] =	ssyncadd.s32 $0xFFFFFC00  }
0x8f: {  	[spmem:s2] =	stream.indirect.scatter.add.f32 [tilespmem:s0], [sflag:$0x7], $0x8, s7, s26, $0xb8;
	[tilespmem:$0x1CFD8] =	vst v63  }
0x90: {  	_ =	swait.ge [sflag:s31], $0x400  }
0x91: {  	[sflag:s31] =	ssyncset.done $0x0  }
0x92: {  	s7 =	simm.s32 $0x18A80;
	[sflag:s31] =	ssyncadd.s32 $0xFFFFFC00  }
0x93: {  	[tilespmem:s30], [sflag:$0x2] =	stream.indirect.gather [spmem:s3], $0x8, s7, s26, $0xb8;
	[tilespmem:$0x1CFD8] =	vst v63  }
0x94: {  	_ =	swait.ge [sflag:s16], $0x400  }
0x95: {  	[sflag:s16] =	ssyncset.done $0x0  }
0x96: {  	s7 =	simm.s32 $0x19180;
	[sflag:s16] =	ssyncadd.s32 $0xFFFFFC00  }
0x97: {  	[spmem:s2] =	stream.indirect.scatter.add.f32 [tilespmem:s12], [sflag:$0x8], $0x8, s7, s26, $0xb8;
	[tilespmem:$0x1CFD8] =	vst v63  }
0x98: {  	_ =	swait.ge [sflag:s24], $0x400  }
0x99: {  	[sflag:s24] =	ssyncset.done $0x0  }
0x9a: {  	s7 =	simm.s32 $0x18B00;
	[sflag:s24] =	ssyncadd.s32 $0xFFFFFC00  }
0x9b: {  	[tilespmem:s0], [sflag:$0x3] =	stream.indirect.gather [spmem:s3], $0x8, s7, s26, $0xb8;
	[tilespmem:$0x1CFD8] =	vst v63  }
0x9c: {  	_ =	swait.ge [sflag:s8], $0x400  }
0x9d: {  	[sflag:s8] =	ssyncset.done $0x0  }
0x9e: {  	s7 =	simm.s32 $0x19200;
	[sflag:s8] =	ssyncadd.s32 $0xFFFFFC00  }
0x9f: {  	[spmem:s2] =	stream.indirect.scatter.add.f32 [tilespmem:s28], [sflag:$0x5], $0x8, s7, s26, $0xb8;
	[tilespmem:$0x1CFD8] =	vst v63  }
0xa0: {  	_ =	swait.ge [sflag:s25], $0x400  }
0xa1: {  	[sflag:s25] =	ssyncset.done $0x0  }
0xa2: {  	s7 =	simm.s32 $0x18B80;
	[sflag:s25] =	ssyncadd.s32 $0xFFFFFC00  }
0xa3: {  	[tilespmem:s12], [sflag:$0x4] =	stream.indirect.gather [spmem:s3], $0x8, s7, s26, $0xb8;
	[tilespmem:$0x1CFD8] =	vst v63  }
0xa4: {  	_ =	swait.ge [sflag:s13], $0x400  }
0xa5: {  	[sflag:s13] =	ssyncset.done $0x0  }
0xa6: {  	s7 =	simm.s32 $0x19280;
	[sflag:s13] =	ssyncadd.s32 $0xFFFFFC00  }
0xa7: {  	[spmem:s2] =	stream.indirect.scatter.add.f32 [tilespmem:s30], [sflag:$0x6], $0x8, s7, s26, $0xb8;
	[tilespmem:$0x1CFD8] =	vst v63  }
0xa8: {  	_ =	swait.ge [sflag:s29], $0x400  }
0xa9: {  	[sflag:s29] =	ssyncset.done $0x0  }
0xaa: {  	s7 =	simm.s32 $0x18C00;
	[sflag:s29] =	ssyncadd.s32 $0xFFFFFC00  }
0xab: {  	[tilespmem:s28], [sflag:$0x1] =	stream.indirect.gather [spmem:s3], $0x8, s7, s26, $0xb8;
	[tilespmem:$0x1CFD8] =	vst v63  }
0xac: {  	_ =	swait.ge [sflag:s1], $0x400  }
0xad: {  	[sflag:s1] =	ssyncset.done $0x0  }
0xae: {  	s7 =	simm.s32 $0x19300;
	[sflag:s1] =	ssyncadd.s32 $0xFFFFFC00  }
0xaf: {  	[spmem:s2] =	stream.indirect.scatter.add.f32 [tilespmem:s0], [sflag:$0x7], $0x8, s7, s26, $0xb8;
	[tilespmem:$0x1CFD8] =	vst v63  }
0xb0: {  	_ =	swait.ge [sflag:s31], $0x400  }
0xb1: {  	[sflag:s31] =	ssyncset.done $0x0  }
0xb2: {  	s7 =	simm.s32 $0x18C80;
	[sflag:s31] =	ssyncadd.s32 $0xFFFFFC00  }
0xb3: {  	[tilespmem:s30], [sflag:$0x2] =	stream.indirect.gather [spmem:s3], $0x8, s7, s26, $0xb8;
	[tilespmem:$0x1CFD8] =	vst v63  }
0xb4: {  	_ =	swait.ge [sflag:s16], $0x400  }
0xb5: {  	[sflag:s16] =	ssyncset.done $0x0  }
0xb6: {  	s7 =	simm.s32 $0x19380;
	[sflag:s16] =	ssyncadd.s32 $0xFFFFFC00  }
0xb7: {  	[spmem:s2] =	stream.indirect.scatter.add.f32 [tilespmem:s12], [sflag:$0x8], $0x8, s7, s26, $0xb8;
	[tilespmem:$0x1CFD8] =	vst v63  }
0xb8: {  	_ =	swait.ge [sflag:s24], $0x400  }
0xb9: {  	[sflag:s24] =	ssyncset.done $0x0  }
0xba: {  	s7 =	simm.s32 $0x18D00;
	[sflag:s24] =	ssyncadd.s32 $0xFFFFFC00  }
0xbb: {  	[tilespmem:s0], [sflag:$0x3] =	stream.indirect.gather [spmem:s3], $0x8, s7, s26, $0xb8;
	[tilespmem:$0x1CFD8] =	vst v63  }
0xbc: {  	_ =	swait.ge [sflag:s8], $0x400  }
0xbd: {  	[sflag:s8] =	ssyncset.done $0x0  }
0xbe: {  	s7 =	simm.s32 $0x19400;
	[sflag:s8] =	ssyncadd.s32 $0xFFFFFC00  }
0xbf: {  	[spmem:s2] =	stream.indirect.scatter.add.f32 [tilespmem:s28], [sflag:$0x5], $0x8, s7, s26, $0xb8;
	[tilespmem:$0x1CFD8] =	vst v63  }
0xc0: {  	_ =	swait.ge [sflag:s25], $0x400  }
0xc1: {  	[sflag:s25] =	ssyncset.done $0x0  }
0xc2: {  	s7 =	simm.s32 $0x18D80;
	[sflag:s25] =	ssyncadd.s32 $0xFFFFFC00  }
0xc3: {  	[tilespmem:s12], [sflag:$0x4] =	stream.indirect.gather [spmem:s3], $0x8, s7, s26, $0xb8;
	[tilespmem:$0x1CFD8] =	vst v63  }
0xc4: {  	_ =	swait.ge [sflag:s13], $0x400  }
0xc5: {  	[sflag:s13] =	ssyncset.done $0x0  }
0xc6: {  	s7 =	simm.s32 $0x19480;
	[sflag:s13] =	ssyncadd.s32 $0xFFFFFC00  }
0xc7: {  	[spmem:s2] =	stream.indirect.scatter.add.f32 [tilespmem:s30], [sflag:$0x6], $0x8, s7, s26, $0xb8;
	[tilespmem:$0x1CFD8] =	vst v63  }
0xc8: {  	_ =	swait.ge [sflag:s29], $0x400  }
0xc9: {  	[sflag:s29] =	ssyncset.done $0x0  }
0xca: {  	s7 =	simm.s32 $0x18E00;
	[sflag:s29] =	ssyncadd.s32 $0xFFFFFC00  }
0xcb: {  	[tilespmem:s28], [sflag:$0x1] =	stream.indirect.gather [spmem:s3], $0x8, s7, s26, $0xb8;
	[tilespmem:$0x1CFD8] =	vst v63  }
0xcc: {  	_ =	swait.ge [sflag:s1], $0x400  }
0xcd: {  	[sflag:s1] =	ssyncset.done $0x0  }
0xce: {  	s7 =	simm.s32 $0x19500;
	[sflag:s1] =	ssyncadd.s32 $0xFFFFFC00  }
0xcf: {  	[spmem:s2] =	stream.indirect.scatter.add.f32 [tilespmem:s0], [sflag:$0x7], $0x8, s7, s26, $0xb8;
	[tilespmem:$0x1CFD8] =	vst v63  }
0xd0: {  	_ =	swait.ge [sflag:s31], $0x400  }
0xd1: {  	[sflag:s31] =	ssyncset.done $0x0  }
0xd2: {  	s7 =	simm.s32 $0x18E80;
	[sflag:s31] =	ssyncadd.s32 $0xFFFFFC00  }
0xd3: {  	[tilespmem:s30], [sflag:$0x2] =	stream.indirect.gather [spmem:s3], $0x8, s7, s26, $0xb8;
	[tilespmem:$0x1CFD8] =	vst v63  }
0xd4: {  	_ =	swait.ge [sflag:s16], $0x400  }
0xd5: {  	[sflag:s16] =	ssyncset.done $0x0  }
0xd6: {  	s7 =	simm.s32 $0x19580;
	[sflag:s16] =	ssyncadd.s32 $0xFFFFFC00  }
0xd7: {  	[spmem:s2] =	stream.indirect.scatter.add.f32 [tilespmem:s12], [sflag:$0x8], $0x8, s7, s26, $0xb8;
	[tilespmem:$0x1CFD8] =	vst v63  }
0xd8: {  	_ =	swait.ge [sflag:s24], $0x400  }
0xd9: {  	[sflag:s24] =	ssyncset.done $0x0  }
0xda: {  	s7 =	simm.s32 $0x18F00;
	[sflag:s24] =	ssyncadd.s32 $0xFFFFFC00  }
0xdb: {  	[tilespmem:s0], [sflag:$0x3] =	stream.indirect.gather [spmem:s3], $0x8, s7, s26, $0xb8;
	[tilespmem:$0x1CFD8] =	vst v63  }
0xdc: {  	_ =	swait.ge [sflag:s8], $0x400  }
0xdd: {  	[sflag:s8] =	ssyncset.done $0x0  }
0xde: {  	s7 =	simm.s32 $0x19600;
	[sflag:s8] =	ssyncadd.s32 $0xFFFFFC00  }
0xdf: {  	[spmem:s2] =	stream.indirect.scatter.add.f32 [tilespmem:s28], [sflag:$0x5], $0x8, s7, s26, $0xb8;
	[tilespmem:$0x1CFD8] =	vst v63  }
0xe0: {  	_ =	swait.ge [sflag:s25], $0x400  }
0xe1: {  	[sflag:s25] =	ssyncset.done $0x0  }
0xe2: {  	s7 =	simm.s32 $0x18F80;
	[sflag:s25] =	ssyncadd.s32 $0xFFFFFC00  }
0xe3: {  	[tilespmem:s12], [sflag:$0x4] =	stream.indirect.gather [spmem:s3], $0x8, s7, s26, $0xb8;
	[tilespmem:$0x1CFD8] =	vst v63  }
0xe4: {  	_ =	swait.ge [sflag:s13], $0x400  }
0xe5: {  	[sflag:s13] =	ssyncset.done $0x0  }
0xe6: {  	s7 =	simm.s32 $0x19680;
	[sflag:s13] =	ssyncadd.s32 $0xFFFFFC00  }
0xe7: {  	[spmem:s2] =	stream.indirect.scatter.add.f32 [tilespmem:s30], [sflag:$0x6], $0x8, s7, s26, $0xb8;
	[tilespmem:$0x1CFD8] =	vst v63  }
0xe8: {  	_ =	swait.ge [sflag:s1], $0x400  }
0xe9: {  	[sflag:s1] =	ssyncset.done $0x0  }
0xea: {  	s7 =	simm.s32 $0x19700;
	[sflag:s1] =	ssyncadd.s32 $0xFFFFFC00  }
0xeb: {  	[spmem:s2] =	stream.indirect.scatter.add.f32 [tilespmem:s0], [sflag:$0x7], $0x8, s7, s26, $0xb8;
	[tilespmem:$0x1CFD8] =	vst v63  }
0xec: {  	_ =	swait.ge [sflag:s16], $0x400  }
0xed: {  	[sflag:s16] =	ssyncset.done $0x0  }
0xee: {  	s7 =	simm.s32 $0x19780;
	[sflag:s16] =	ssyncadd.s32 $0xFFFFFC00  }
0xef: {  	[spmem:s2] =	stream.indirect.scatter.add.f32 [tilespmem:s12], [sflag:$0x8], $0x8, s7, s26, $0xb8;
	[tilespmem:$0x1CFD8] =	vst v63  }
0xf0: {  	_ =	swait.ge [sflag:s29], $0x400  }
0xf1: {  	[sflag:s29] =	ssyncset.done $0x0  }
0xf2: {  	[sflag:s29] =	ssyncadd.s32 $0xFFFFFC00  }
0xf3: {  	_ =	swait.ge [sflag:s31], $0x400  }
0xf4: {  	[sflag:s31] =	ssyncset.done $0x0  }
0xf5: {  	[sflag:s31] =	ssyncadd.s32 $0xFFFFFC00  }
0xf6: {  	_ =	swait.ge [sflag:s24], $0x400  }
.Ltmp5:
0xf7: {  	[sflag:s24] =	ssyncset.done $0x0;
	(pc) =	sbr.rel .LBB2_8-.Ltmp5, $4  }
0xf8: {  	[sflag:s24] =	ssyncadd.s32 $0xFFFFFC00  }
0xf9: {  	_ =	swait.ge [sflag:s25], $0x400  }
0xfa: {  	[sflag:s25] =	ssyncset.done $0x0  }
0xfb: {  	[sflag:s25] =	ssyncadd.s32 $0xFFFFFC00  }
.LBB2_9:
0xfc: {  	[bflag:$0x0] =	sbarrier.arrive $0xFFFF  }
0xfd: {  	s6 =	rddreg [dreg:$0xc]  }
0xfe: {  	[tilespmem:s19], [sflag:$0x9] =	stream.linear.gather [spmem:s6], $0xC40, $0x38;
	[tilespmem:$0x1CFD8] =	vst v63  }
0xff: {  	_ =	swait.ge [sflag:s18], $0xC40  }
0x100: {  	[sflag:s18] =	ssyncset.done $0x0  }
0x101: {  	s5 =	sadd.s32 $0x0, s15;
	[sflag:s18] =	ssyncadd.s32 $0xFFFFF3C0  }
0x102: {  	[hbm4b:s5+s4] =	stream.linear.scatter [tilespmem:s19], [sflag:$0x9], $0xC40, $0x38;
	[tilespmem:$0x1CFD8] =	vst v63  }
0x103: {  	_ =	swait.ge [sflag:s18], $0xC40  }
0x104: {  	s5 =	simm.s32 $0x188;
	[sflag:s18] =	ssyncset.done $0x0  }
.LBB2_10:
0x105: {  	p0 =	sne.s32 s5, $0x16F8;
	[sflag:s18] =	ssyncadd.s32 $0xFFFFF3C0;
	s6 =	sadd.s32 $0xC40, s6  }
0x106: {  	[tilespmem:s19], [sflag:$0x9] =	stream.linear.gather [spmem:s6], $0xC40, $0x38;
	[tilespmem:$0x1CFD8] =	vst v63  }
0x107: {  	s7 =	smov.u32 s5;
	s5 =	sadd.s32 $0x188, s5;
	_ =	swait.ge [sflag:s18], $0xC40  }
.Ltmp6:
0x108: {  	[sflag:s18] =	ssyncset.done $0x0;
	(pc) =	sbr.rel @p0 .LBB2_10-.Ltmp6, $4  }
0x109: {  	s7 =	sadd.s32 s7, s15;
	[sflag:s18] =	ssyncadd.s32 $0xFFFFF3C0  }
0x10a: {  	[hbm4b:s7+s4] =	stream.linear.scatter [tilespmem:s19], [sflag:$0x9], $0xC40, $0x38;
	[tilespmem:$0x1CFD8] =	vst v63  }
0x10b: {  	_ =	swait.ge [sflag:s18], $0xC40  }
0x10c: {  	[sflag:s18] =	ssyncset.done $0x0  }
0x10d: {  	s6 =	rddreg [dreg:$0xd]  }
0x10e: {  	s5 =	rddreg [dreg:$0xa];
	s6 =	sadd.s32 $0x1, s6  }
0x10f: {  	p0 =	sne.s32 s6, s5  }
.Ltmp7:
0x110: {  	_ = 	snop;
	(pc) =	sbr.rel @p0 .LBB2_1-.Ltmp7, $2  }
0x111: {  	_ =	sdelay $0x2  }
0x112: {  	[sflag:s18] =	ssyncadd.s32 $0xFFFFF3C0  }
0x113: {  	_ =	sfence.sel $0x180000  }
0x114: {  	[bflag:$0x0] =	sbarrier.arrive $0xFFFF  }
0x115: {  	_ =	strace $0x90000050  }
0x116: {  	s0 =	stileid.u32;
	[bflag:$0x2] =	sbarrier.arrive $0xFFFF  }
0x117: {  	p0 =	sne.s32 s0, $0x0;
	s0 =	rddreg [dreg:$0x4]  }
0x118: {  	s0 =	sadd.s32 @!p0 $0x100000, s0  }
0x119: {  	[sflag:s0] =	ssyncadd.tile.s32 @!p0 $0x1;
	_ =	shalt  }
.Lfunc_end2:
_tile_overlayer_lowered:
.L_overlay_start_2:
0x11a: {  	(tag) =	ssettag $0x2  }
0x11b: {  	s0 =	rddreg [dreg:$0x0];
	s2 =	stileid.u32  }
0x11c: {  	s1 =	rddreg [dreg:$0x1];
	p0 =	sne.s32 s2, $0x0  }
0x11d: {  	s3 =	rddreg [dreg:$0x2];
	[bflag:$0x3] =	sbarrier.arrive $0xFFFF;
	s2 =	simm.s32 @!p0 $0x1C09  }
0x11e: {  	[timem:s3], [sflag:s2] =	dma.local @!p0 [hbm:s0], s1  }
0x11f: {  	s0 =	simm.s32 @!p0 $0x9  }
0x120: {  	_ =	swait.ge @!p0 [sflag:s0], s1  }
0x121: {  	s1 =	ssub.s32 @!p0 $0x0, s1;
	[sflag:s0] =	ssyncset.done @!p0 $0x0  }
0x122: {  	[sflag:s0] =	ssyncadd.s32 @!p0 s1  }
0x123: {  	[bflag:$0x3] =	sbarrier.arrive $0xFFFF  }
0x124: {  	_ =	shalt  }

// kernel: kernel.8.cloned.1.call-start
scs
__scs_entry_jumppad:
0x0: {  	(pc) =	sbr.rel $0x88, $3  }
0x1: {  	(tag) =	ssettag $0x0;
	lr =	simm.s32 $0x1  }
0x2: {  	[smem:$0x3F99] =	sst lr;
	_ =	strace $0xD0000000  }
0x3: {  	_ = 	snop  }
0x4: {  	_ = 	snop  }
0x5: {  	_ = 	snop  }
0x6: {  	_ = 	snop  }
0x7: {  	_ = 	snop  }
__scs_overlays_trampoline_lowered:
0x8: {  	[smem:$0x3FA8] =	sst s0  }
0x9: {  	[smem:$0x3FA9] =	sst s1  }
0xa: {  	[smem:$0x3FAA] =	sst s2  }
0xb: {  	[smem:$0x3FAB] =	sst s3  }
0xc: {  	[smem:$0x3FAC] =	sst s4  }
0xd: {  	[smem:$0x3FAD] =	sst s5  }
0xe: {  	[smem:$0x3FAE] =	sst s6  }
0xf: {  	[smem:$0x3FAF] =	sst s7  }
0x10: {  	[smem:$0x3FB0] =	sst s8  }
0x11: {  	[smem:$0x3FB1] =	sst s9;
	s0 =	simm.s32 @!p0 $0x0  }
0x12: {  	s1 =	sld [smem:$0x3F97];
	s0 =	simm.s32 @p0 $0x1  }
0x13: {  	[smem:$0x3FB2] =	sst s0;
	s0 =	simm.s32 @!p1 $0x0  }
0x14: {  	s2 =	sld [smem:$0x3F96];
	s0 =	simm.s32 @p1 $0x1  }
0x15: {  	[smem:$0x3FB3] =	sst s0;
	s0 =	simm.s32 @!p2 $0x0  }
0x16: {  	s3 =	sld [smem:$0x3FDB];
	s0 =	simm.s32 @p2 $0x1  }
0x17: {  	s4 =	simm.s32 $0x1BF5;
	[smem:$0x3FB5] =	sst s0  }
0x18: {  	s0 =	sld [smem:$0x3F98];
	_ =	swait.ge [sflag:s4], $0x0  }
0x19: {  	s7 =	sld [smem:$0x3F99]  }
0x1a: {  	s8 =	sadd.s32 $0xFFFFE003, lr  }
0x1b: {  	s9 =	sadd.s32 $0xFFFFFEF7, lr;
	s5 =	simm.s32 $0xFFFFFFFF;
	p2 =	slt.u32 s8, $0xFFFFF086  }
0x1c: {  	p1 =	slt.u32 s9, $0xF7A;
	s5 =	simm.s32 @!p2 $0x0  }
0x1d: {  	s5 =	simm.s32 @p1 $0x1;
	p0 =	seq.s32 s7, s2  }
0x1e: {  	s7 =	smul.u32 @!p0 $0xF7A, s2;
	p2 =	seq.s32 @!p0 s5, $0x0  }
0x1f: {  	s9 =	smul.u32 $0xF7A, s1;
	s8 =	simm.s32 @!p0 $0x1BF5;
	p2 =	por !p2, p0  }
0x20: {  	[sflag:s8] =	ssyncset.s32 @!p0 $0xFFFFF086;
	s6 =	sadd.s32 @!p0 s3, s7;
	s7 =	simm.s32 @!p0 $0x108  }
0x21: {  	s3 =	sadd.s32 s3, s9;
	s6 =	sadd.s32 @!p0 $0x88, s6;
	s7 =	simm.s32 @p2 $0x1082  }
0x22: {  	[simem:s7], [sflag:s8] =	dma.local @!p0 [hbm:s6], $0xF7A  }
0x23: {  	s9 =	sor.u32 $0xD0000000, s2;
	s6 =	simm.s32 $0x108;
	_ =	swait.ge @!p0 [sflag:s8], $0x0  }
0x24: {  	s3 =	sadd.s32 $0x88, s3;
	s6 =	simm.s32 @!p1 $0x1082;
	[sflag:s4] =	ssyncset.s32 $0xFFFFF086  }
0x25: {  	[simem:s6], [sflag:s4] =	dma.local [hbm:s3], $0xF7A  }
0x26: {  	[smem:$0x3F99] =	sst s1;
	(tag) =	ssettag s2;
	_ =	strace s9  }
0x27: {  	s1 =	sld [smem:$0x3FA9]  }
0x28: {  	s2 =	sld [smem:$0x3FAA]  }
0x29: {  	s4 =	sld [smem:$0x3FAC]  }
0x2a: {  	p0 =	seq.s32 s5, $0x0;
	s5 =	sld [smem:$0x3FAD]  }
0x2b: {  	s6 =	sld [smem:$0x3FAE]  }
0x2c: {  	s7 =	sld [smem:$0x3FAF]  }
0x2d: {  	s3 =	simm.s32 $0x108;
	s8 =	sld [smem:$0x3FB0]  }
0x2e: {  	s3 =	simm.s32 @!p0 $0x1082;
	s9 =	sld [smem:$0x3FB1]  }
0x2f: {  	lr =	sadd.s32 s0, s3;
	s0 =	sld [smem:$0x3FA8]  }
0x30: {  	s3 =	sld [smem:$0x3FAB]  }
0x31: {  	[smem:$0x3FB4] =	sst s10  }
0x32: {  	s10 =	sld [smem:$0x3FB2];
	_ =	sdelay $0x3  }
0x33: {  	p0 =	seq.s32 s10, $0x1;
	s10 =	sld [smem:$0x3FB4];
	_ =	sdelay $0x3  }
0x34: {  	[smem:$0x3FB4] =	sst s10  }
0x35: {  	s10 =	sld [smem:$0x3FB3];
	_ =	sdelay $0x3  }
0x36: {  	p1 =	seq.s32 s10, $0x1;
	s10 =	sld [smem:$0x3FB4];
	_ =	sdelay $0x3  }
0x37: {  	[smem:$0x3FB4] =	sst s10  }
0x38: {  	s10 =	sld [smem:$0x3FB5]  }
0x39: {  	_ = 	snop;
	(pc) =	sbr.ind lr, $3  }
0x3a: {  	_ = 	snop  }
0x3b: {  	_ = 	snop  }
0x3c: {  	p2 =	seq.s32 s10, $0x1;
	s10 =	sld [smem:$0x3FB4]  }
0x3d: {  	_ =	shalt  }
0x3e: {  	_ =	shalt  }
0x3f: {  	_ =	shalt  }
0x40: {  	_ =	shalt  }
0x41: {  	_ =	shalt  }
0x42: {  	_ =	shalt  }
0x43: {  	_ =	shalt  }
0x44: {  	_ =	shalt  }
0x45: {  	_ =	shalt  }
0x46: {  	_ =	shalt  }
0x47: {  	_ =	shalt  }
0x48: {  	_ =	shalt  }
0x49: {  	_ =	shalt  }
0x4a: {  	_ =	shalt  }
0x4b: {  	_ =	shalt  }
0x4c: {  	_ =	shalt  }
0x4d: {  	_ =	shalt  }
0x4e: {  	_ =	shalt  }
0x4f: {  	_ =	shalt  }
0x50: {  	_ =	shalt  }
0x51: {  	_ =	shalt  }
0x52: {  	_ =	shalt  }
0x53: {  	_ =	shalt  }
0x54: {  	_ =	shalt  }
0x55: {  	_ =	shalt  }
0x56: {  	_ =	shalt  }
0x57: {  	_ =	shalt  }
0x58: {  	_ =	shalt  }
0x59: {  	_ =	shalt  }
0x5a: {  	_ =	shalt  }
0x5b: {  	_ =	shalt  }
0x5c: {  	_ =	shalt  }
0x5d: {  	_ =	shalt  }
0x5e: {  	_ =	shalt  }
0x5f: {  	_ =	shalt  }
0x60: {  	_ =	shalt  }
0x61: {  	_ =	shalt  }
0x62: {  	_ =	shalt  }
0x63: {  	_ =	shalt  }
0x64: {  	_ =	shalt  }
0x65: {  	_ =	shalt  }
0x66: {  	_ =	shalt  }
0x67: {  	_ =	shalt  }
0x68: {  	_ =	shalt  }
0x69: {  	_ =	shalt  }
0x6a: {  	_ =	shalt  }
0x6b: {  	_ =	shalt  }
0x6c: {  	_ =	shalt  }
0x6d: {  	_ =	shalt  }
0x6e: {  	_ =	shalt  }
0x6f: {  	_ =	shalt  }
0x70: {  	_ =	shalt  }
0x71: {  	_ =	shalt  }
0x72: {  	_ =	shalt  }
0x73: {  	_ =	shalt  }
0x74: {  	_ =	shalt  }
0x75: {  	_ =	shalt  }
0x76: {  	_ =	shalt  }
0x77: {  	_ =	shalt  }
0x78: {  	_ =	shalt  }
0x79: {  	_ =	shalt  }
0x7a: {  	_ =	shalt  }
0x7b: {  	_ =	shalt  }
0x7c: {  	_ =	shalt  }
0x7d: {  	_ =	shalt  }
0x7e: {  	_ =	shalt  }
0x7f: {  	_ =	shalt  }
0x80: {  	_ =	shalt  }
0x81: {  	_ =	shalt  }
0x82: {  	_ =	shalt  }
0x83: {  	_ =	shalt  }
0x84: {  	_ =	shalt  }
0x85: {  	_ =	shalt  }
0x86: {  	_ =	shalt  }
0x87: {  	_ =	shalt  }
.Lfunc_end0:
.L_simem_size_0:
called_computation.1_lowered:
.L_overlay_start_0:
0x88: {  	s2 =	sld [smem:$0x3FD9]  }
0x89: {  	s3 =	sld [smem:$0x3FFE];
	_ =	sdelay $0x1  }
0x8a: {  	s1 =	srdreg.scid  }
0x8b: {  	s0 =	sand.u32 $0x1, s1  }
0x8c: {  	s16 =	sshll.u32 s0, $0xA;
	s2 =	sadd.s32 s3, s2  }
0x8d: {  	s2 =	sadd.s32 s2, s16  }
0x8e: {  	[smem:$0x3FC0] =	sst s2  }
0x8f: {  	_ = 	snop  }
0x90: {  	(tm) =	ssettm $0x1  }
0x91: {  	s17 =	sld [smem:$0x3FFB];
	_ =	sdelay $0x3  }
0x92: {  	_ =	strace s17  }
0x93: {  	s2 =	sld [smem:$0x3FFC];
	_ =	sdelay $0x3  }
0x94: {  	_ =	strace s2  }
0x95: {  	s2 =	sld [smem:$0x3FFD];
	_ =	sdelay $0x3  }
0x96: {  	_ =	strace s2  }
0x97: {  	_ =	strace $0x8FFFFFFF  }
0x98: {  	s18 =	sld [smem:$0x3FDB];
	_ =	sdelay $0x1  }
0x99: {  	s19 =	simm.s32 $_scs_section_size  }
0x9a: {  	s4 =	simm.s32 $_size__tile_overlayer_lowered;
	s5 =	simm.s32 $_tile_overlayer_lowered  }
0x9b: {  	s22 =	simm.s32 $0x1BFF;
	s21 =	sshll.u32 s5, $0x1;
	s2 =	sadd.s32 s19, s18  }
0x9c: {  	s6 =	simm.s32 $0x0;
	s20 =	sshll.u32 s4, $0x1;
	s4 =	sadd.s32 s21, s2  }
0x9d: {  	[timem:s6], [sflag:s22] =	dma.local [hbm:s4], s20  }
0x9e: {  	_ =	swait.ge [sflag:s22], s20  }
0x9f: {  	s3 =	ssub.s32 $0x0, s20;
	[sflag:s22] =	ssyncset.done $0x0  }
0xa0: {  	[sflag:s22] =	ssyncadd.s32 s3;
	_ =	sdelay $0x1  }
0xa1: {  	s23 =	simm.s32 $0x1B8B  }
0xa2: {  	_ =	swait.ge [sflag:s23], $0x1  }
0xa3: {  	[sflag:s23] =	ssyncset.done $0x0  }
0xa4: {  	s25 =	simm.s32 $0x1B8E;
	s24 =	sld [smem:$0x3FFE];
	[sflag:s23] =	ssyncadd.s32 $0xFFFFFFFF  }
0xa5: {  	s26 =	simm.s32 $execute0_lowered;
	[smem:$0x3FD2] =	sst s25  }
0xa6: {  	s4 =	sshll.u32 s26, $0x1;
	_ =	strace $0x80000049;
	[dreg:$0x1] =	wrdreg $0xFFFFFFFF  }
0xa7: {  	s28 =	simm.s32 $_size_execute0_lowered;
	s2 =	sadd.s32 s2, s4;
	[dreg:$0x0] =	wrdreg $0x0  }
0xa8: {  	s4 =	sshll.u32 s28, $0x1;
	[dreg:$0x2] =	wrdreg s2  }
0xa9: {  	[dreg:$0x3] =	wrdreg s4  }
0xaa: {  	[dreg:$0x4] =	wrdreg $0xC0  }
0xab: {  	_ =	task [dreg:s6], $0x5FFFF  }
0xac: {  	[dreg:$0x1] =	wrdreg $0xFFFFFFFF  }
0xad: {  	[dreg:$0x0] =	wrdreg $0x60  }
0xae: {  	[dreg:$0x2] =	wrdreg s24  }
0xaf: {  	[dreg:$0x3] =	wrdreg $0x0  }
0xb0: {  	[dreg:$0x4] =	wrdreg $0x18800  }
0xb1: {  	[dreg:$0x5] =	wrdreg $0x9  }
0xb2: {  	_ =	task.clear_ibuf [dreg:s6], $0x6FFFF;
	_ =	strace $0x90000049  }
0xb3: {  	s29 =	simm.s32 $0x9;
	_ =	strace $0x8000004B  }
0xb4: {  	_ =	swait.ge [sflag:s29], $0x1  }
0xb5: {  	[sflag:s29] =	ssyncadd.s32 $0xFFFFFFFF  }
0xb6: {  	_ =	strace $0x9000004B  }
0xb7: {  	_ =	sfence  }
0xb8: {  	s30 =	sld [smem:$0x0];
	_ =	sdelay $0x2  }
0xb9: {  	s31 =	sshll.u32 s1, $0xD;
	s1 =	sshrl.u32 s1, $0x2  }
0xba: {  	s3 =	sand.u32 $0x4000, s31;
	s1 =	sadd.s32 s1, s30  }
0xbb: {  	s0 =	sor.u32 s3, s0;
	s1 =	sshll.u32 s1, $0x11  }
0xbc: {  	s0 =	sor.u32 s1, s0  }
0xbd: {  	s0 =	sadd.s32 $0x8F2B, s0  }
0xbe: {  	[sflag:s0] =	ssyncadd.remote.s32 $0x1  }
0xbf: {  	_ =	sfence.sel $0xFFFF  }
0xc0: {  	[dreg:$0x0] =	wrdreg $0xFFFFFFFF;
	(pc) =	sbr.abs _section_cstart, $3  }
0xc1: {  	[dreg:$0x1] =	wrdreg $0xFFFFFFFF  }
0xc2: {  	_ =	task.clear_ibuf [dreg:s6], $0x2FFFF;
	_ =	strace $0x9FFFFFFF  }
0xc3: {  	(tm) =	ssettm $0x7FFFFFFF  }
tec
execute0_lowered:
.L_overlay_start_1:
0x0: {  	(tag) =	ssettag $0x1  }
0x1: {  	s0 =	rddreg [dreg:$0x0]  }
0x2: {  	s2 =	rddreg [dreg:$0x1]  }
0x3: {  	s1 =	srdreg.scid;
	s10 =	stileid.u32  }
0x4: {  	s3 =	rddreg [dreg:$0x2];
	s4 =	simm.s32 $0x0;
	s13 =	simm.s32 $0x2  }
0x5: {  	s14 =	simm.s32 $0x3100;
	s15 =	simm.s32 $0x3900;
	s16 =	simm.s32 $0x80  }
0x6: {  	s17 =	simm.s32 $0x4100;
	s31 =	simm.s32 $0x3480;
	s12 =	simm.s32 $0x3E80  }
0x7: {  	s18 =	simm.s32 $0x3700;
	s19 =	simm.s32 $0x3F00;
	s20 =	simm.s32 $0x3780  }
0x8: {  	s21 =	simm.s32 $0x3F80;
	s29 =	simm.s32 $0x0;
	s1 =	sand.u32 $0x1, s1  }
0x9: {  	s5 =	smul.u32 $0x1880, s10;
	[smem:$0x7FF] =	sst s4;
	s23 =	sshll.u32 s10, $0x8  }
0xa: {  	s6 =	smul.u32 $0x18800, s1;
	_ =	strace $0x8000004A;
	s7 =	ssub.s32 $0x2, s1  }
0xb: {  	s8 =	sshll.u32 s1, $0xC;
	s1 =	sshll.u32 s1, $0x4;
	s9 =	sshrl.u32 s7, $0x1  }
0xc: {  	s8 =	sadd.s32 s8, s0;
	s30 =	sadd.s32 s5, s2;
	s11 =	sor.u32 s1, s10  }
0xd: {  	s1 =	simm.s32 $0x3C80;
	s10 =	simm.s32 $0x3600;
	s6 =	sadd.s32 s5, s6  }
0xe: {  	s22 =	ssub.s32 s7, s9;
	s5 =	sadd.s32 s5, s3;
	s25 =	sadd.s32 s23, s8  }
0xf: {  	s7 =	simm.s32 $0x3D00;
	s8 =	simm.s32 $0x3580;
	s9 =	simm.s32 $0x3D80  }
0x10: {  	s23 =	simm.s32 $0x4000;
	[dreg:$0x4] =	wrdreg s30;
	s6 =	sshrl.u32 s6, $0x3  }
0x11: {  	[dreg:$0x5] =	wrdreg s5;
	s26 =	smax.u32 s22, $0x1;
	s28 =	sadd.s32 $0xC4B00, s25  }
.Ltmp0:
0x12: {  	s5 =	simm.s32 $0x3E00;
	s22 =	simm.s32 $0x3800;
	(pc) =	sbr.rel .LBB2_1-.Ltmp0, $4  }
0x13: {  	s25 =	simm.s32 $0x4080;
	s0 =	sadd.s32 s6, s0;
	[dreg:$0x8] =	wrdreg s26  }
0x14: {  	[dreg:$0x9] =	wrdreg s28;
	s6 =	simm.s32 $0x3680;
	s24 =	sadd.s32 $0x18E200, s0  }
0x15: {  	s26 =	simm.s32 $0x1;
	s0 =	sadd.s32 $0x188000, s0;
	[dreg:$0x6] =	wrdreg s24  }
0x16: {  	v0 =	vimm.f32 $0.0e+00;
	v1 =	vimm.f32 $1.000000000e+00;
	[dreg:$0x7] =	wrdreg s0;
	s0 =	simm.s32 $0x3500;
	s24 =	simm.s32 $0x3880  }
.LBB2_7:
0x17: {  	[bflag:$0x0] =	sbarrier.arrive $0xFFFF  }
0x18: {  	s29 =	simm.s32 $0x4180;
	s30 =	rddreg [dreg:$0x4]  }
0x19: {  	[tilespmem:s29], [sflag:$0x2] =	stream.linear.gather [spmem:s30], $0x1880, $0x38;
	[tilespmem:$0x5A00] =	vst v63  }
0x1a: {  	_ =	swait.ge [sflag:s13], $0x1880  }
0x1b: {  	[sflag:s13] =	ssyncset.done $0x0  }
0x1c: {  	s28 =	rddreg [dreg:$0x6];
	[sflag:s13] =	ssyncadd.s32 $0xFFFFE780  }
0x1d: {  	[hbm4b:s28+s4] =	stream.linear.scatter [tilespmem:s29], [sflag:$0x2], $0x1880, $0x38;
	[tilespmem:$0x5A00] =	vst v63  }
0x1e: {  	_ =	swait.ge [sflag:s13], $0x1880  }
0x1f: {  	[sflag:s13] =	ssyncset.done $0x0  }
0x20: {  	s28 =	rddreg [dreg:$0x5];
	[sflag:s13] =	ssyncadd.s32 $0xFFFFE780  }
0x21: {  	[tilespmem:s29], [sflag:$0x2] =	stream.linear.gather [spmem:s28], $0x1880, $0x38;
	[tilespmem:$0x5A00] =	vst v63  }
0x22: {  	_ =	swait.ge [sflag:s13], $0x1880  }
0x23: {  	[sflag:s13] =	ssyncset.done $0x0  }
0x24: {  	s28 =	rddreg [dreg:$0x7];
	[sflag:s13] =	ssyncadd.s32 $0xFFFFE780  }
0x25: {  	[hbm4b:s28+s4] =	stream.linear.scatter [tilespmem:s29], [sflag:$0x2], $0x1880, $0x38;
	[tilespmem:$0x5A00] =	vst v63  }
0x26: {  	_ =	swait.ge [sflag:s13], $0x1880  }
0x27: {  	s29 =	rddreg [dreg:$0xa]  }
0x28: {  	s28 =	rddreg [dreg:$0x8];
	s29 =	sadd.s32 $0x1, s29  }
0x29: {  	p0 =	sne.s32 s29, s28  }
.Ltmp1:
0x2a: {  	_ = 	snop;
	(pc) =	sbr.rel @!p0 .LBB2_8-.Ltmp1, $3  }
0x2b: {  	_ =	sdelay $0x1  }
0x2c: {  	[sflag:s13] =	ssyncset.done $0x0  }
0x2d: {  	[sflag:s13] =	ssyncadd.s32 $0xFFFFE780  }
.LBB2_1:
0x2e: {  	[dreg:$0xa] =	wrdreg s29;
	s28 =	simm.s32 $0x40;
	s29 =	simm.s32 $0x0  }
.LBB2_2:
0x2f: {  	p0 =	sne.s32 s28, $0x61C0;
	[tilespmem:s29+$0x4180] =	vst v0;
	s29 =	smov.u32 s28;
	s28 =	sadd.s32 $0x40, s28  }
.Ltmp2:
0x30: {  	(pc) =	sbr.rel @p0 .LBB2_2-.Ltmp2, $2  }
0x31: {  	_ =	sdelay $0x2  }
0x32: {  	s29 =	sshra.s32 s29, $0x2  }
0x33: {  	[tilespmem:s29+$0x4180] =	vst v0  }
0x34: {  	[tilespmem:$0x4100] =	vst v1  }
0x35: {  	[tilespmem:$0x4110] =	vst v1  }
0x36: {  	[tilespmem:$0x4120] =	vst v1  }
0x37: {  	[tilespmem:$0x4130] =	vst v1  }
0x38: {  	[tilespmem:$0x4140] =	vst v1  }
0x39: {  	[tilespmem:$0x4150] =	vst v1  }
0x3a: {  	[tilespmem:$0x4160] =	vst v1  }
0x3b: {  	s29 =	simm.s32 $0x4180;
	[tilespmem:$0x4170] =	vst v1  }
0x3c: {  	[spmem:s30] =	stream.linear.scatter [tilespmem:s29], [sflag:$0x2], $0x1880, $0x38;
	[tilespmem:$0x5A00] =	vst v63  }
0x3d: {  	_ =	swait.ge [sflag:s13], $0x1880  }
0x3e: {  	[sflag:s13] =	ssyncset.done $0x0  }
0x3f: {  	s28 =	rddreg [dreg:$0x5];
	[sflag:s13] =	ssyncadd.s32 $0xFFFFE780  }
0x40: {  	[spmem:s28] =	stream.linear.scatter [tilespmem:s29], [sflag:$0x2], $0x1880, $0x38;
	[tilespmem:$0x5A00] =	vst v63  }
.Ltmp3:
0x41: {  	_ =	swait.ge [sflag:s13], $0x1880;
	(pc) =	sbr.rel .LBB2_4-.Ltmp3, $4  }
0x42: {  	[sflag:s13] =	ssyncset.done $0x0  }
0x43: {  	[sflag:s13] =	ssyncadd.s32 $0xFFFFE780  }
0x44: {  	[bflag:$0x0] =	sbarrier.arrive $0xFFFF  }
0x45: {  	s28 =	simm.s32 $0x0;
	s29 =	rddreg [dreg:$0x9]  }
.LBB2_6:
0x46: {  	s28 =	sadd.s32 $0x20, s28  }
0x47: {  	p0 =	sne.s32 s28, $0xC40  }
.Ltmp4:
0x48: {  	_ = 	snop;
	(pc) =	sbr.rel @!p0 .LBB2_7-.Ltmp4, $2  }
0x49: {  	_ =	sdelay $0x2  }
0x4a: {  	s29 =	sadd.s32 $0x2000, s29  }
.LBB2_4:
0x4b: {  	s30 =	sadd.s32 s28, s11  }
0x4c: {  	p0 =	sgt.u32 s30, $0xC34  }
.Ltmp5:
0x4d: {  	_ = 	snop;
	(pc) =	sbr.rel @p0 .LBB2_6-.Ltmp5, $1  }
0x4e: {  	_ =	sdelay $0x3  }
0x4f: {  	s30 =	sadd.s32 $0xFFF3CB00, s29  }
0x50: {  	[tilespmem:s14], [sflag:$0x2] =	stream.linear.gather [hbm4b:s30+s4], $0x800, $0x38;
	[tilespmem:$0x5A00] =	vst v63  }
0x51: {  	_ =	swait.ge [sflag:s13], $0x800  }
0x52: {  	[sflag:s13] =	ssyncset.done $0x0  }
0x53: {  	[sflag:s13] =	ssyncadd.s32 $0xFFFFF800  }
0x54: {  	[tilespmem:s15], [sflag:$0x2] =	stream.linear.gather [hbm4b:s29+s4], $0x800, $0x38;
	[tilespmem:$0x5A00] =	vst v63  }
0x55: {  	_ =	swait.ge [sflag:s13], $0x800  }
0x56: {  	[sflag:s13] =	ssyncset.done $0x0  }
0x57: {  	[sflag:s13] =	ssyncadd.s32 $0xFFFFF800  }
0x58: {  	[spmem:s2] =	stream.indirect.scatter.add.f32 [tilespmem:s17], [sflag:$0x1], $0x1, s14, s16, $0xb8;
	[tilespmem:$0x5A00] =	vst v63  }
0x59: {  	_ = 	snop  }
0x5a: {  	[spmem:s3] =	stream.indirect.scatter.add.f32 [tilespmem:s17], [sflag:$0x1], $0x1, s15, s16, $0xb8;
	[tilespmem:$0x5A00] =	vst v63  }
0x5b: {  	s30 =	simm.s32 $0x3180  }
0x5c: {  	[spmem:s2] =	stream.indirect.scatter.add.f32 [tilespmem:s17], [sflag:$0x1], $0x1, s30, s16, $0xb8;
	[tilespmem:$0x5A00] =	vst v63  }
0x5d: {  	s30 =	simm.s32 $0x3980  }
0x5e: {  	[spmem:s3] =	stream.indirect.scatter.add.f32 [tilespmem:s17], [sflag:$0x1], $0x1, s30, s16, $0xb8;
	[tilespmem:$0x5A00] =	vst v63  }
0x5f: {  	s30 =	simm.s32 $0x3200  }
0x60: {  	[spmem:s2] =	stream.indirect.scatter.add.f32 [tilespmem:s17], [sflag:$0x1], $0x1, s30, s16, $0xb8;
	[tilespmem:$0x5A00] =	vst v63  }
0x61: {  	s30 =	simm.s32 $0x3A00  }
0x62: {  	[spmem:s3] =	stream.indirect.scatter.add.f32 [tilespmem:s17], [sflag:$0x1], $0x1, s30, s16, $0xb8;
	[tilespmem:$0x5A00] =	vst v63  }
0x63: {  	s30 =	simm.s32 $0x3280  }
0x64: {  	[spmem:s2] =	stream.indirect.scatter.add.f32 [tilespmem:s17], [sflag:$0x1], $0x1, s30, s16, $0xb8;
	[tilespmem:$0x5A00] =	vst v63  }
0x65: {  	s30 =	simm.s32 $0x3A80  }
0x66: {  	[spmem:s3] =	stream.indirect.scatter.add.f32 [tilespmem:s17], [sflag:$0x1], $0x1, s30, s16, $0xb8;
	[tilespmem:$0x5A00] =	vst v63  }
0x67: {  	s30 =	simm.s32 $0x3300  }
0x68: {  	[spmem:s2] =	stream.indirect.scatter.add.f32 [tilespmem:s17], [sflag:$0x1], $0x1, s30, s16, $0xb8;
	[tilespmem:$0x5A00] =	vst v63  }
0x69: {  	s30 =	simm.s32 $0x3B00  }
0x6a: {  	[spmem:s3] =	stream.indirect.scatter.add.f32 [tilespmem:s17], [sflag:$0x1], $0x1, s30, s16, $0xb8;
	[tilespmem:$0x5A00] =	vst v63  }
0x6b: {  	s30 =	simm.s32 $0x3380  }
0x6c: {  	[spmem:s2] =	stream.indirect.scatter.add.f32 [tilespmem:s17], [sflag:$0x1], $0x1, s30, s16, $0xb8;
	[tilespmem:$0x5A00] =	vst v63  }
0x6d: {  	s30 =	simm.s32 $0x3B80  }
0x6e: {  	[spmem:s3] =	stream.indirect.scatter.add.f32 [tilespmem:s17], [sflag:$0x1], $0x1, s30, s16, $0xb8;
	[tilespmem:$0x5A00] =	vst v63  }
0x6f: {  	s30 =	simm.s32 $0x3400  }
0x70: {  	[spmem:s2] =	stream.indirect.scatter.add.f32 [tilespmem:s17], [sflag:$0x1], $0x1, s30, s16, $0xb8;
	[tilespmem:$0x5A00] =	vst v63  }
0x71: {  	s30 =	simm.s32 $0x3C00  }
0x72: {  	[spmem:s3] =	stream.indirect.scatter.add.f32 [tilespmem:s17], [sflag:$0x1], $0x1, s30, s16, $0xb8;
	[tilespmem:$0x5A00] =	vst v63  }
0x73: {  	_ = 	snop  }
0x74: {  	[spmem:s2] =	stream.indirect.scatter.add.f32 [tilespmem:s17], [sflag:$0x1], $0x1, s31, s16, $0xb8;
	[tilespmem:$0x5A00] =	vst v63  }
0x75: {  	_ = 	snop  }
0x76: {  	[spmem:s3] =	stream.indirect.scatter.add.f32 [tilespmem:s17], [sflag:$0x1], $0x1, s1, s16, $0xb8;
	[tilespmem:$0x5A00] =	vst v63  }
0x77: {  	_ = 	snop  }
0x78: {  	[spmem:s2] =	stream.indirect.scatter.add.f32 [tilespmem:s17], [sflag:$0x1], $0x1, s0, s16, $0xb8;
	[tilespmem:$0x5A00] =	vst v63  }
0x79: {  	_ = 	snop  }
0x7a: {  	[spmem:s3] =	stream.indirect.scatter.add.f32 [tilespmem:s17], [sflag:$0x1], $0x1, s7, s16, $0xb8;
	[tilespmem:$0x5A00] =	vst v63  }
0x7b: {  	_ = 	snop  }
0x7c: {  	[spmem:s2] =	stream.indirect.scatter.add.f32 [tilespmem:s17], [sflag:$0x1], $0x1, s8, s16, $0xb8;
	[tilespmem:$0x5A00] =	vst v63  }
0x7d: {  	_ = 	snop  }
0x7e: {  	[spmem:s3] =	stream.indirect.scatter.add.f32 [tilespmem:s17], [sflag:$0x1], $0x1, s9, s16, $0xb8;
	[tilespmem:$0x5A00] =	vst v63  }
0x7f: {  	_ = 	snop  }
0x80: {  	[spmem:s2] =	stream.indirect.scatter.add.f32 [tilespmem:s17], [sflag:$0x1], $0x1, s10, s16, $0xb8;
	[tilespmem:$0x5A00] =	vst v63  }
0x81: {  	_ = 	snop  }
0x82: {  	[spmem:s3] =	stream.indirect.scatter.add.f32 [tilespmem:s17], [sflag:$0x1], $0x1, s5, s16, $0xb8;
	[tilespmem:$0x5A00] =	vst v63  }
0x83: {  	_ = 	snop  }
0x84: {  	[spmem:s2] =	stream.indirect.scatter.add.f32 [tilespmem:s17], [sflag:$0x1], $0x1, s6, s16, $0xb8;
	[tilespmem:$0x5A00] =	vst v63  }
0x85: {  	_ = 	snop  }
0x86: {  	[spmem:s3] =	stream.indirect.scatter.add.f32 [tilespmem:s17], [sflag:$0x1], $0x1, s12, s16, $0xb8;
	[tilespmem:$0x5A00] =	vst v63  }
0x87: {  	_ = 	snop  }
0x88: {  	[spmem:s2] =	stream.indirect.scatter.add.f32 [tilespmem:s17], [sflag:$0x1], $0x1, s18, s16, $0xb8;
	[tilespmem:$0x5A00] =	vst v63  }
0x89: {  	_ = 	snop  }
0x8a: {  	[spmem:s3] =	stream.indirect.scatter.add.f32 [tilespmem:s17], [sflag:$0x1], $0x1, s19, s16, $0xb8;
	[tilespmem:$0x5A00] =	vst v63  }
0x8b: {  	_ = 	snop  }
0x8c: {  	[spmem:s2] =	stream.indirect.scatter.add.f32 [tilespmem:s17], [sflag:$0x1], $0x1, s20, s16, $0xb8;
	[tilespmem:$0x5A00] =	vst v63  }
0x8d: {  	_ = 	snop  }
0x8e: {  	[spmem:s3] =	stream.indirect.scatter.add.f32 [tilespmem:s17], [sflag:$0x1], $0x1, s21, s16, $0xb8;
	[tilespmem:$0x5A00] =	vst v63  }
0x8f: {  	_ = 	snop  }
0x90: {  	[spmem:s2] =	stream.indirect.scatter.add.f32 [tilespmem:s17], [sflag:$0x1], $0x1, s22, s16, $0xb8;
	[tilespmem:$0x5A00] =	vst v63  }
0x91: {  	_ = 	snop  }
0x92: {  	[spmem:s3] =	stream.indirect.scatter.add.f32 [tilespmem:s17], [sflag:$0x1], $0x1, s23, s16, $0xb8;
	[tilespmem:$0x5A00] =	vst v63  }
0x93: {  	_ = 	snop  }
0x94: {  	[spmem:s2] =	stream.indirect.scatter.add.f32 [tilespmem:s17], [sflag:$0x1], $0x1, s24, s16, $0xb8;
	[tilespmem:$0x5A00] =	vst v63  }
0x95: {  	_ = 	snop  }
0x96: {  	[spmem:s3] =	stream.indirect.scatter.add.f32 [tilespmem:s17], [sflag:$0x1], $0x1, s25, s16, $0xb8;
	[tilespmem:$0x5A00] =	vst v63  }
0x97: {  	_ =	swait.ge [sflag:s26], $0x80  }
0x98: {  	[sflag:s26] =	ssyncset.done $0x0  }
0x99: {  	[sflag:s26] =	ssyncadd.s32 $0xFFFFFF80  }
0x9a: {  	_ =	swait.ge [sflag:s26], $0x80  }
0x9b: {  	[sflag:s26] =	ssyncset.done $0x0  }
0x9c: {  	[sflag:s26] =	ssyncadd.s32 $0xFFFFFF80  }
0x9d: {  	_ =	swait.ge [sflag:s26], $0x80  }
0x9e: {  	[sflag:s26] =	ssyncset.done $0x0  }
0x9f: {  	[sflag:s26] =	ssyncadd.s32 $0xFFFFFF80  }
0xa0: {  	_ =	swait.ge [sflag:s26], $0x80  }
0xa1: {  	[sflag:s26] =	ssyncset.done $0x0  }
0xa2: {  	[sflag:s26] =	ssyncadd.s32 $0xFFFFFF80  }
0xa3: {  	_ =	swait.ge [sflag:s26], $0x80  }
0xa4: {  	[sflag:s26] =	ssyncset.done $0x0  }
0xa5: {  	[sflag:s26] =	ssyncadd.s32 $0xFFFFFF80  }
0xa6: {  	_ =	swait.ge [sflag:s26], $0x80  }
0xa7: {  	[sflag:s26] =	ssyncset.done $0x0  }
0xa8: {  	[sflag:s26] =	ssyncadd.s32 $0xFFFFFF80  }
0xa9: {  	_ =	swait.ge [sflag:s26], $0x80  }
0xaa: {  	[sflag:s26] =	ssyncset.done $0x0  }
0xab: {  	[sflag:s26] =	ssyncadd.s32 $0xFFFFFF80  }
0xac: {  	_ =	swait.ge [sflag:s26], $0x80  }
0xad: {  	[sflag:s26] =	ssyncset.done $0x0  }
0xae: {  	[sflag:s26] =	ssyncadd.s32 $0xFFFFFF80  }
0xaf: {  	_ =	swait.ge [sflag:s26], $0x80  }
0xb0: {  	[sflag:s26] =	ssyncset.done $0x0  }
0xb1: {  	[sflag:s26] =	ssyncadd.s32 $0xFFFFFF80  }
0xb2: {  	_ =	swait.ge [sflag:s26], $0x80  }
0xb3: {  	[sflag:s26] =	ssyncset.done $0x0  }
0xb4: {  	[sflag:s26] =	ssyncadd.s32 $0xFFFFFF80  }
0xb5: {  	_ =	swait.ge [sflag:s26], $0x80  }
0xb6: {  	[sflag:s26] =	ssyncset.done $0x0  }
0xb7: {  	[sflag:s26] =	ssyncadd.s32 $0xFFFFFF80  }
0xb8: {  	_ =	swait.ge [sflag:s26], $0x80  }
0xb9: {  	[sflag:s26] =	ssyncset.done $0x0  }
0xba: {  	[sflag:s26] =	ssyncadd.s32 $0xFFFFFF80  }
0xbb: {  	_ =	swait.ge [sflag:s26], $0x80  }
0xbc: {  	[sflag:s26] =	ssyncset.done $0x0  }
0xbd: {  	[sflag:s26] =	ssyncadd.s32 $0xFFFFFF80  }
0xbe: {  	_ =	swait.ge [sflag:s26], $0x80  }
0xbf: {  	[sflag:s26] =	ssyncset.done $0x0  }
0xc0: {  	[sflag:s26] =	ssyncadd.s32 $0xFFFFFF80  }
0xc1: {  	_ =	swait.ge [sflag:s26], $0x80  }
0xc2: {  	[sflag:s26] =	ssyncset.done $0x0  }
0xc3: {  	[sflag:s26] =	ssyncadd.s32 $0xFFFFFF80  }
0xc4: {  	_ =	swait.ge [sflag:s26], $0x80  }
0xc5: {  	[sflag:s26] =	ssyncset.done $0x0  }
0xc6: {  	[sflag:s26] =	ssyncadd.s32 $0xFFFFFF80  }
0xc7: {  	_ =	swait.ge [sflag:s26], $0x80  }
0xc8: {  	[sflag:s26] =	ssyncset.done $0x0  }
0xc9: {  	[sflag:s26] =	ssyncadd.s32 $0xFFFFFF80  }
0xca: {  	_ =	swait.ge [sflag:s26], $0x80  }
0xcb: {  	[sflag:s26] =	ssyncset.done $0x0  }
0xcc: {  	[sflag:s26] =	ssyncadd.s32 $0xFFFFFF80  }
0xcd: {  	_ =	swait.ge [sflag:s26], $0x80  }
0xce: {  	[sflag:s26] =	ssyncset.done $0x0  }
0xcf: {  	[sflag:s26] =	ssyncadd.s32 $0xFFFFFF80  }
0xd0: {  	_ =	swait.ge [sflag:s26], $0x80  }
0xd1: {  	[sflag:s26] =	ssyncset.done $0x0  }
0xd2: {  	[sflag:s26] =	ssyncadd.s32 $0xFFFFFF80  }
0xd3: {  	_ =	swait.ge [sflag:s26], $0x80  }
0xd4: {  	[sflag:s26] =	ssyncset.done $0x0  }
0xd5: {  	[sflag:s26] =	ssyncadd.s32 $0xFFFFFF80  }
0xd6: {  	_ =	swait.ge [sflag:s26], $0x80  }
0xd7: {  	[sflag:s26] =	ssyncset.done $0x0  }
0xd8: {  	[sflag:s26] =	ssyncadd.s32 $0xFFFFFF80  }
0xd9: {  	_ =	swait.ge [sflag:s26], $0x80  }
0xda: {  	[sflag:s26] =	ssyncset.done $0x0  }
0xdb: {  	[sflag:s26] =	ssyncadd.s32 $0xFFFFFF80  }
0xdc: {  	_ =	swait.ge [sflag:s26], $0x80  }
0xdd: {  	[sflag:s26] =	ssyncset.done $0x0  }
0xde: {  	[sflag:s26] =	ssyncadd.s32 $0xFFFFFF80  }
0xdf: {  	_ =	swait.ge [sflag:s26], $0x80  }
0xe0: {  	[sflag:s26] =	ssyncset.done $0x0  }
0xe1: {  	[sflag:s26] =	ssyncadd.s32 $0xFFFFFF80  }
0xe2: {  	_ =	swait.ge [sflag:s26], $0x80  }
0xe3: {  	[sflag:s26] =	ssyncset.done $0x0  }
0xe4: {  	[sflag:s26] =	ssyncadd.s32 $0xFFFFFF80  }
0xe5: {  	_ =	swait.ge [sflag:s26], $0x80  }
0xe6: {  	[sflag:s26] =	ssyncset.done $0x0  }
0xe7: {  	[sflag:s26] =	ssyncadd.s32 $0xFFFFFF80  }
0xe8: {  	_ =	swait.ge [sflag:s26], $0x80  }
0xe9: {  	[sflag:s26] =	ssyncset.done $0x0  }
0xea: {  	[sflag:s26] =	ssyncadd.s32 $0xFFFFFF80  }
0xeb: {  	_ =	swait.ge [sflag:s26], $0x80  }
0xec: {  	[sflag:s26] =	ssyncset.done $0x0  }
0xed: {  	[sflag:s26] =	ssyncadd.s32 $0xFFFFFF80  }
0xee: {  	_ =	swait.ge [sflag:s26], $0x80  }
0xef: {  	[sflag:s26] =	ssyncset.done $0x0  }
0xf0: {  	[sflag:s26] =	ssyncadd.s32 $0xFFFFFF80  }
0xf1: {  	_ =	swait.ge [sflag:s26], $0x80  }
.Ltmp6:
0xf2: {  	[sflag:s26] =	ssyncset.done $0x0;
	(pc) =	sbr.rel .LBB2_6-.Ltmp6, $4  }
0xf3: {  	[sflag:s26] =	ssyncadd.s32 $0xFFFFFF80  }
0xf4: {  	_ =	swait.ge [sflag:s26], $0x80  }
0xf5: {  	[sflag:s26] =	ssyncset.done $0x0  }
0xf6: {  	[sflag:s26] =	ssyncadd.s32 $0xFFFFFF80  }
.LBB2_8:
0xf7: {  	_ =	sfence.sel $0x180000  }
0xf8: {  	[bflag:$0x0] =	sbarrier.arrive $0xFFFF  }
0xf9: {  	_ =	strace $0x9000004A  }
0xfa: {  	s0 =	stileid.u32;
	[bflag:$0x2] =	sbarrier.arrive $0xFFFF  }
0xfb: {  	p0 =	sne.s32 s0, $0x0;
	s0 =	rddreg [dreg:$0x3]  }
0xfc: {  	s0 =	sadd.s32 @!p0 $0x100000, s0  }
0xfd: {  	[sflag:s0] =	ssyncadd.tile.s32 @!p0 $0x1;
	_ =	shalt  }
.Lfunc_end2:
_tile_overlayer_lowered:
.L_overlay_start_2:
0xfe: {  	(tag) =	ssettag $0x2  }
0xff: {  	s0 =	rddreg [dreg:$0x0];
	s2 =	stileid.u32  }
0x100: {  	s1 =	rddreg [dreg:$0x1];
	p0 =	sne.s32 s2, $0x0  }
0x101: {  	s3 =	rddreg [dreg:$0x2];
	[bflag:$0x3] =	sbarrier.arrive $0xFFFF;
	s2 =	simm.s32 @!p0 $0x1C02  }
0x102: {  	[timem:s3], [sflag:s2] =	dma.local @!p0 [hbm:s0], s1  }
0x103: {  	s0 =	simm.s32 @!p0 $0x2  }
0x104: {  	_ =	swait.ge @!p0 [sflag:s0], s1  }
0x105: {  	s1 =	ssub.s32 @!p0 $0x0, s1;
	[sflag:s0] =	ssyncset.done @!p0 $0x0  }
0x106: {  	[sflag:s0] =	ssyncadd.s32 @!p0 s1  }
0x107: {  	[bflag:$0x3] =	sbarrier.arrive $0xFFFF  }
0x108: {  	_ =	shalt  }

// kernel: sparse-core-data-format-call.cloned.1.call-start
scs
called_computation_lowered:
.L_overlay_start_0:
0x0: {  	s2 =	sld [smem:$0x3FD9]  }
0x1: {  	s3 =	sld [smem:$0x3FFE];
	_ =	sdelay $0x1  }
0x2: {  	s1 =	srdreg.scid  }
0x3: {  	s0 =	sand.u32 $0x1, s1  }
0x4: {  	s18 =	sshll.u32 s0, $0xA;
	s2 =	sadd.s32 s3, s2  }
0x5: {  	s2 =	sadd.s32 s2, s18  }
0x6: {  	[smem:$0x3FC0] =	sst s2  }
0x7: {  	_ = 	snop  }
0x8: {  	s2 =	sld [smem:$0x3FC8];
	(tm) =	ssettm $0x1  }
0x9: {  	s19 =	sld [smem:$0x3FFB];
	_ =	sdelay $0x3  }
0xa: {  	_ =	strace s19  }
0xb: {  	s3 =	sld [smem:$0x3FFC];
	_ =	sdelay $0x3  }
0xc: {  	_ =	strace s3  }
0xd: {  	s3 =	sld [smem:$0x3FFD];
	_ =	sdelay $0x3  }
0xe: {  	_ =	strace s3  }
0xf: {  	_ =	strace $0x8FFFFFFF  }
0x10: {  	s20 =	sld [smem:$0x3FDB];
	_ =	sdelay $0x1  }
0x11: {  	s4 =	simm.s32 $_scs_section_size  }
0x12: {  	s5 =	simm.s32 $_size__tile_overlayer_lowered;
	s6 =	simm.s32 $_tile_overlayer_lowered  }
0x13: {  	s23 =	simm.s32 $0x1BFF;
	s22 =	sshll.u32 s6, $0x1;
	s3 =	sadd.s32 s4, s20  }
0x14: {  	s7 =	simm.s32 $0x0;
	s21 =	sshll.u32 s5, $0x1;
	s5 =	sadd.s32 s22, s3  }
0x15: {  	[timem:s7], [sflag:s23] =	dma.local [hbm:s5], s21  }
0x16: {  	_ =	swait.ge [sflag:s23], s21  }
0x17: {  	s4 =	ssub.s32 $0x0, s21;
	[sflag:s23] =	ssyncset.done $0x0  }
0x18: {  	[sflag:s23] =	ssyncadd.s32 s4;
	_ =	sdelay $0x1  }
0x19: {  	s24 =	simm.s32 $0x1B8B  }
0x1a: {  	_ =	swait.ge [sflag:s24], $0x1  }
0x1b: {  	[sflag:s24] =	ssyncset.done $0x0  }
0x1c: {  	s26 =	simm.s32 $0x1B8E;
	s25 =	sld [smem:$0x3FFE];
	[sflag:s24] =	ssyncadd.s32 $0xFFFFFFFF  }
0x1d: {  	s27 =	simm.s32 $execute0_lowered;
	[smem:$0x3FD2] =	sst s26  }
0x1e: {  	s5 =	sshll.u32 s27, $0x1;
	_ =	strace $0x80000046;
	[dreg:$0x1] =	wrdreg $0xFFFFFFFF  }
0x1f: {  	s28 =	simm.s32 $_size_execute0_lowered;
	s3 =	sadd.s32 s3, s5;
	[dreg:$0x0] =	wrdreg $0x0  }
0x20: {  	s5 =	sshll.u32 s28, $0x1;
	[dreg:$0x2] =	wrdreg s3  }
0x21: {  	[dreg:$0x3] =	wrdreg s5  }
0x22: {  	[dreg:$0x4] =	wrdreg $0xC0  }
0x23: {  	_ =	task [dreg:s7], $0x5FFFF  }
0x24: {  	[dreg:$0x1] =	wrdreg $0xFFFFFFFF  }
0x25: {  	[dreg:$0x0] =	wrdreg $0x60  }
0x26: {  	[dreg:$0x2] =	wrdreg s2  }
0x27: {  	[dreg:$0x3] =	wrdreg s25  }
0x28: {  	[dreg:$0x4] =	wrdreg $0x9  }
0x29: {  	_ =	task.clear_ibuf [dreg:s7], $0x5FFFF;
	_ =	strace $0x90000046  }
0x2a: {  	s29 =	simm.s32 $0x9;
	_ =	strace $0x80000048  }
0x2b: {  	_ =	swait.ge [sflag:s29], $0x1  }
0x2c: {  	[sflag:s29] =	ssyncadd.s32 $0xFFFFFFFF  }
0x2d: {  	_ =	strace $0x90000048  }
0x2e: {  	_ =	sfence  }
0x2f: {  	s30 =	sld [smem:$0x0];
	_ =	sdelay $0x2  }
0x30: {  	s31 =	sshll.u32 s1, $0xD;
	s1 =	sshrl.u32 s1, $0x2  }
0x31: {  	s3 =	sand.u32 $0x4000, s31;
	s1 =	sadd.s32 s1, s30  }
0x32: {  	s0 =	sor.u32 s3, s0;
	s1 =	sshll.u32 s1, $0x11  }
0x33: {  	s0 =	sor.u32 s1, s0  }
0x34: {  	s0 =	sadd.s32 $0x8F2B, s0  }
0x35: {  	[sflag:s0] =	ssyncadd.remote.s32 $0x1  }
0x36: {  	_ =	sfence.sel $0xFFFF  }
0x37: {  	[dreg:$0x0] =	wrdreg $0xFFFFFFFF;
	(pc) =	sbr.abs _section_cstart, $3  }
0x38: {  	[dreg:$0x1] =	wrdreg $0xFFFFFFFF  }
0x39: {  	_ =	task.clear_ibuf [dreg:s7], $0x2FFFF;
	_ =	strace $0x9FFFFFFF  }
0x3a: {  	(tm) =	ssettm $0x7FFFFFFF  }
0x3b: {  	_ =	shalt  }
tec
execute0_lowered:
.L_overlay_start_1:
0x0: {  	(tag) =	ssettag $0x1  }
0x1: {  	s0 =	stileid.u32;
	s7 =	rddreg [dreg:$0x0]  }
0x2: {  	s1 =	srdreg.scid;
	s4 =	rddreg [dreg:$0x1]  }
0x3: {  	s30 =	simm.s32 $0x2;
	s10 =	simm.s32 $0x0;
	s14 =	simm.s32 $0x0  }
0x4: {  	s15 =	simm.s32 $0x0;
	s11 =	simm.s32 $0x0;
	s13 =	simm.s32 $0x0  }
0x5: {  	s2 =	sand.u32 $0x1, s1;
	s3 =	sshll.u32 s0, $0x7;
	s1 =	rddreg [dreg:$0x2]  }
0x6: {  	_ =	strace $0x80000047;
	s5 =	ssub.s32 $0xC300, s3;
	s6 =	ssub.s32 $0x2, s2  }
.Ltmp0:
0x7: {  	s5 =	sshrl.u32 s5, $0xB;
	s8 =	sshrl.u32 s6, $0x1;
	(pc) =	sbr.rel .LBB1_1-.Ltmp0, $4  }
0x8: {  	s4 =	sadd.s32 $0x1600, s4;
	s9 =	sadd.s32 $0x1, s5;
	s6 =	ssub.s32 s6, s8  }
0x9: {  	s31 =	sshll.u32 s2, $0x4;
	s5 =	simm.s32 $0x1;
	s6 =	smul.u32 s9, s6  }
0xa: {  	s12 =	smov.u32 s3;
	s7 =	sadd.s32 s7, s31;
	[sflag:s5] =	ssyncpa.u1 $0x0  }
0xb: {  	s9 =	simm.s32 $0x0;
	[sflag:s30] =	ssyncpa.u1 $0x0;
	s8 =	sadd.s32 $0x1, s6  }
.LBB1_4:
0xc: {  	s21 =	simm.s32 $0x0  }
.LBB1_8:
0xd: {  	_ =	sdelay $0x3  }
0xe: {  	v6 =	vld [tilespmem:s18+$0xFFFFFFC0];
	[tilespmem:v0+s20+$0x30 ss:$0x1] =	vst.idx.msk @p0 $0xffff, v2  }
0xf: {  	v58 =	vld [tilespmem:s18+$0xFFFFFFD0];
	[tilespmem:v0+s20+$0x40 ss:$0x1] =	vst.idx.msk @p0 $0xffff, v3;
	s21 =	sadd.s32 @p0 $0x80, s21  }
0x10: {  	v59 =	vld [tilespmem:s18+$0xFFFFFFE0];
	[tilespmem:v0+s20+$0x50 ss:$0x1] =	vst.idx.msk @p0 $0xffff, v5;
	s19 =	smov.u32 @p0 s21  }
0x11: {  	v60 =	vld [tilespmem:s18+$0xFFFFFFF0];
	[tilespmem:v0+s20+$0x60 ss:$0x1] =	vst.idx.msk @p0 $0xffff, v4;
	s19 =	sand.u32 $0x3F80, s19  }
0x12: {  	v61 =	vld [tilespmem:s18+$0x0];
	[tilespmem:v0+s19+$0x70 ss:$0x1] =	vst.idx.msk $0xffff, v1  }
0x13: {  	v62 =	vld [tilespmem:s18+$0x10];
	[tilespmem:v0+s19+$0x0 ss:$0x1] =	vst.idx.msk $0xffff, v6  }
0x14: {  	v63 =	vld [tilespmem:s18+$0x20];
	[tilespmem:v0+s19+$0x10 ss:$0x1] =	vst.idx.msk $0xffff, v58  }
0x15: {  	[tilespmem:v0+s19+$0x20 ss:$0x1] =	vst.idx.msk $0xffff, v59  }
0x16: {  	[tilespmem:v0+s19+$0x30 ss:$0x1] =	vst.idx.msk $0xffff, v60  }
0x17: {  	[tilespmem:v0+s19+$0x40 ss:$0x1] =	vst.idx.msk $0xffff, v61  }
0x18: {  	[tilespmem:v0+s19+$0x50 ss:$0x1] =	vst.idx.msk $0xffff, v62  }
0x19: {  	[tilespmem:v0+s19+$0x60 ss:$0x1] =	vst.idx.msk $0xffff, v63  }
.LBB1_9:
0x1a: {  	s18 =	sand.u32 $0x1FFFFFF, s11  }
0x1b: {  	s19 =	smulhi.u32 $0x14F8B59, s18;
	_ =	sdelay $0x1  }
0x1c: {  	s19 =	sshrl.u32 s19, $0x8  }
0x1d: {  	s19 =	smul.u32 $0xC350, s19  }
0x1e: {  	s15 =	smul.u32 $0xC3500, s15  }
0x1f: {  	s18 =	ssub.s32 s18, s19  }
0x20: {  	s15 =	sadd.s32 s4, s15;
	s18 =	sshll.u32 s18, $0x4  }
0x21: {  	s15 =	sadd.s32 s18, s15  }
0x22: {  	[hbm4b:s15+s9] =	stream.linear.scatter [tilespmem:s17], [sflag:$0x2], s16, $0x38;
	[tilespmem:$0x10000] =	vst v63  }
.LBB1_10:
0x23: {  	p0 =	slt.u32 s13, $0x2  }
0x24: {  	p1 =	sgt.s32 @!p0 s14, $0xC2D0  }
0x25: {  	s15 =	smov.u32 s14;
	s16 =	sshra.s32 @!p0 s14, $0x1F;
	p1 =	por !p1, p0  }
0x26: {  	s14 =	sand.u32 @!p0 s16, s14;
	s15 =	simm.s32 @p1 $0xC2D0  }
0x27: {  	s14 =	ssub.s32 @!p0 s15, s14  }
0x28: {  	s14 =	sadd.s32 @!p0 $0xFFFF3D30, s14  }
0x29: {  	s15 =	sshll.u32 @!p0 s14, $0x7  }
0x2a: {  	p1 =	sgt.s32 @!p0 s14, $0x7F;
	s14 =	ssub.s32 @!p0 $0x4000, s15  }
0x2b: {  	s16 =	sadd.s32 $0x800, s12;
	p1 =	por !p1, p0;
	s14 =	sand.u32 @!p0 $0x3FFFFF80, s14  }
0x2c: {  	s14 =	simm.s32 @!p1 $0x0;
	p1 =	sgt.s32 s16, $0xC34F  }
0x2d: {  	s16 =	smov.u32 @p1 s3;
	p1 =	sne.s32 s13, s8  }
.Ltmp1:
0x2e: {  	_ = 	snop;
	(pc) =	sbr.rel @!p1 .LBB1_11-.Ltmp1, $4  }
0x2f: {  	s10 =	sadd.s32 $0x4000, s10;
	s15 =	simm.s32 @!p0 $0x2  }
0x30: {  	_ =	swait.ge @!p0 [sflag:s15], s14;
	s17 =	ssub.s32 @!p0 $0x0, s14;
	s14 =	smov.u32 s11  }
0x31: {  	s13 =	sadd.s32 $0x1, s13;
	s11 =	smov.u32 s12;
	[sflag:s15] =	ssyncset.done @!p0 $0x0  }
0x32: {  	s12 =	smov.u32 s16;
	[sflag:s15] =	ssyncadd.s32 @!p0 s17;
	s15 =	smov.u32 s2  }
.LBB1_1:
0x33: {  	p0 =	sge.u32 s13, s6  }
0x34: {  	p1 =	sgt.s32 @!p0 s12, $0xC2D0  }
0x35: {  	s16 =	smov.u32 s12;
	s17 =	sshra.s32 @!p0 s12, $0x1F;
	p1 =	por !p1, p0  }
0x36: {  	s17 =	sand.u32 @!p0 s17, s12;
	s16 =	simm.s32 @p1 $0xC2D0  }
0x37: {  	s16 =	ssub.s32 @!p0 s16, s17  }
0x38: {  	s31 =	sadd.s32 $0xFFFFFFFF, s13;
	s18 =	sxor.u32 @!p0 $0xFFFFFFFF, s13;
	s16 =	sadd.s32 @!p0 $0xFFFF3D30, s16  }
0x39: {  	s19 =	simm.s32 @!p0 $0x80;
	s20 =	simm.s32 @!p0 $0x100;
	s17 =	sshll.u32 @!p0 s16, $0x7  }
0x3a: {  	p1 =	sgt.s32 @!p0 s16, $0x7F;
	s16 =	ssub.s32 @!p0 $0x4000, s17;
	s17 =	sshll.u32 @!p0 s18, $0xE  }
0x3b: {  	p1 =	por !p1, p0;
	s18 =	sshll.u32 @!p0 s12, $0x5;
	s16 =	sand.u32 @!p0 $0x3FFFFF80, s16  }
0x3c: {  	s17 =	sand.u32 @!p0 $0x4000, s17;
	s18 =	sadd.s32 @!p0 s18, s7;
	s16 =	simm.s32 @!p1 $0x0  }
0x3d: {  	[tilespmem:s17], [sflag:$0x1] =	stream.strided.gather @!p0 [hbm4b:s18+s19], s16, s20, s19, $0x38;
	[tilespmem:$0x10000] =	vst v63  }
0x3e: {  	p0 =	sge.u32 s31, s6  }
.Ltmp2:
0x3f: {  	_ = 	snop;
	(pc) =	sbr.rel @p0 .LBB1_10-.Ltmp2, $1  }
0x40: {  	_ =	sdelay $0x3  }
0x41: {  	p0 =	sgt.s32 s11, $0xC2D0;
	s16 =	smov.u32 s11;
	s17 =	sshra.s32 s11, $0x1F  }
0x42: {  	s16 =	simm.s32 @!p0 $0xC2D0;
	s17 =	sand.u32 s17, s11  }
0x43: {  	s16 =	ssub.s32 s16, s17  }
0x44: {  	s16 =	sadd.s32 $0xFFFF3D30, s16  }
0x45: {  	s30 =	sshll.u32 s16, $0x7  }
0x46: {  	s17 =	ssub.s32 $0x4000, s30  }
0x47: {  	p0 =	sgt.s32 s16, $0x7F;
	s16 =	sand.u32 $0x3FFFFF80, s17;
	s17 =	sadd.s32 $0x80, s11  }
0x48: {  	s16 =	simm.s32 @p0 $0x0;
	p0 =	slt.s32 s17, $0xC350  }
0x49: {  	s17 =	simm.s32 @!p0 $0xC350  }
0x4a: {  	s20 =	ssub.s32 s17, s11  }
0x4b: {  	p0 =	slt.s32 s20, $0x1  }
.Ltmp3:
0x4c: {  	_ = 	snop;
	(pc) =	sbr.rel @p0 .LBB1_9-.Ltmp3, $4  }
0x4d: {  	_ = 	snop  }
0x4e: {  	s19 =	sshll.u32 s13, $0xE;
	_ =	swait.ge [sflag:s5], s16  }
0x4f: {  	s31 =	sand.u32 $0x4000, s19;
	s18 =	ssub.s32 $0x0, s16;
	[sflag:s5] =	ssyncset.done $0x0  }
0x50: {  	s17 =	sor.u32 $0x8000, s31;
	[sflag:s5] =	ssyncadd.s32 s18  }
0x51: {  	p1 =	sne.s32 s20, $0x1  }
.Ltmp4:
0x52: {  	v0 =	vmov s17;
	(pc) =	sbr.rel @!p1 .LBB1_4-.Ltmp4, $4  }
0x53: {  	_ = 	snop  }
0x54: {  	s18 =	sand.u32 $0x4000, s10  }
0x55: {  	s18 =	sor.u32 $0x40, s18  }
0x56: {  	s19 =	simm.s32 $0x0;
	s21 =	sadd.s32 $0xFFFFFFFF, s20;
	p0 =	por $0x0, $0x0;
	v1 =	vld [tilespmem:s18+$0x30]  }
0x57: {  	v4 =	vld [tilespmem:s18+$0xFFFFFFC0]  }
0x58: {  	v6 =	vld [tilespmem:s18+$0xFFFFFFD0]  }
0x59: {  	v7 =	vld [tilespmem:s18+$0xFFFFFFE0];
	p1 =	sne.s32 s21, $0x1  }
.Ltmp5:
0x5a: {  	v2 =	vld [tilespmem:s18+$0xFFFFFFF0];
	s20 =	sand.u32 $0x3F80, s19;
	(pc) =	sbr.rel @!p1 .LBB1_6-.Ltmp5, $4  }
0x5b: {  	v3 =	vld [tilespmem:s18+$0x0];
	[tilespmem:v0+s20+$0x70 ss:$0x1] =	vst.idx.msk $0xffff, v1  }
0x5c: {  	v5 =	vld [tilespmem:s18+$0x10];
	[tilespmem:v0+s20+$0x0 ss:$0x1] =	vst.idx.msk $0xffff, v4  }
0x5d: {  	v4 =	vld [tilespmem:s18+$0x20];
	[tilespmem:v0+s20+$0x10 ss:$0x1] =	vst.idx.msk $0xffff, v6;
	s18 =	sadd.s32 $0x80, s18  }
0x5e: {  	s22 =	sadd.s32 $0xFFFFFFFF, s21;
	p0 =	por $0x1, $0x1;
	s21 =	simm.s32 $0x0;
	[tilespmem:v0+s20+$0x20 ss:$0x1] =	vst.idx.msk $0xffff, v7;
	v1 =	vld [tilespmem:s18+$0x30]  }
.LBB1_7:
0x5f: {  	p1 =	sne.s32 s22, $0x1;
	v6 =	vld [tilespmem:s18+$0xFFFFFFC0];
	[tilespmem:v0+s20+$0x30 ss:$0x1] =	vst.idx.msk $0xffff, v2  }
0x60: {  	v7 =	vld [tilespmem:s18+$0xFFFFFFD0];
	[tilespmem:v0+s20+$0x40 ss:$0x1] =	vst.idx.msk $0xffff, v3  }
0x61: {  	s21 =	sadd.s32 $0x80, s21;
	v8 =	vld [tilespmem:s18+$0xFFFFFFE0];
	[tilespmem:v0+s20+$0x50 ss:$0x1] =	vst.idx.msk $0xffff, v5  }
.Ltmp6:
0x62: {  	v2 =	vld [tilespmem:s18+$0xFFFFFFF0];
	[tilespmem:v0+s20+$0x60 ss:$0x1] =	vst.idx.msk $0xffff, v4;
	s20 =	sand.u32 $0x3F80, s21;
	(pc) =	sbr.rel @p1 .LBB1_7-.Ltmp6, $4  }
0x63: {  	v3 =	vld [tilespmem:s18+$0x0];
	[tilespmem:v0+s20+$0x70 ss:$0x1] =	vst.idx.msk $0xffff, v1  }
0x64: {  	[tilespmem:v0+s20+$0x0 ss:$0x1] =	vst.idx.msk $0xffff, v6;
	v5 =	vld [tilespmem:s18+$0x10]  }
0x65: {  	[tilespmem:v0+s20+$0x10 ss:$0x1] =	vst.idx.msk $0xffff, v7;
	v4 =	vld [tilespmem:s18+$0x20];
	s18 =	sadd.s32 $0x80, s18  }
0x66: {  	s22 =	sadd.s32 $0xFFFFFFFF, s22;
	v1 =	vld [tilespmem:s18+$0x30];
	[tilespmem:v0+s20+$0x20 ss:$0x1] =	vst.idx.msk $0xffff, v8  }
.Ltmp7:
0x67: {  	_ = 	snop;
	(pc) =	sbr.rel .LBB1_8-.Ltmp7, $1  }
0x68: {  	_ =	sdelay $0x3  }
.LBB1_6:
.Ltmp8:
0x69: {  	(pc) =	sbr.rel .LBB1_8-.Ltmp8, $2  }
0x6a: {  	_ =	sdelay $0x2  }
0x6b: {  	s21 =	simm.s32 $0x0  }
.LBB1_11:
0x6c: {  	_ =	sfence.sel $0x180000  }
0x6d: {  	s2 =	simm.s32 $0x1;
	[bflag:$0x0] =	sbarrier.arrive $0xFFFF  }
0x6e: {  	s31 =	simm.s32 $0x2;
	[sflag:s2] =	ssyncpa.u1 $0x1  }
0x6f: {  	[sflag:s31] =	ssyncpa.u1 $0x1  }
0x70: {  	p0 =	sne.s32 s0, $0x0;
	_ =	strace $0x90000047  }
0x71: {  	s0 =	sadd.s32 @!p0 $0x100000, s1;
	[bflag:$0x2] =	sbarrier.arrive $0xFFFF  }
0x72: {  	[sflag:s0] =	ssyncadd.tile.s32 @!p0 $0x1;
	_ =	shalt  }
.Lfunc_end1:
_tile_overlayer_lowered:
.L_overlay_start_2:
0x73: {  	(tag) =	ssettag $0x2  }
0x74: {  	s0 =	rddreg [dreg:$0x0];
	s2 =	stileid.u32  }
0x75: {  	s1 =	rddreg [dreg:$0x1];
	p0 =	sne.s32 s2, $0x0  }
0x76: {  	s3 =	rddreg [dreg:$0x2];
	[bflag:$0x3] =	sbarrier.arrive $0xFFFF;
	s2 =	simm.s32 @!p0 $0x1C01  }
0x77: {  	[timem:s3], [sflag:s2] =	dma.local @!p0 [hbm:s0], s1  }
0x78: {  	s0 =	simm.s32 @!p0 $0x1  }
0x79: {  	_ =	swait.ge @!p0 [sflag:s0], s1  }
0x7a: {  	s1 =	ssub.s32 @!p0 $0x0, s1;
	[sflag:s0] =	ssyncset.done @!p0 $0x0  }
0x7b: {  	[sflag:s0] =	ssyncadd.s32 @!p0 s1  }
0x7c: {  	[bflag:$0x3] =	sbarrier.arrive $0xFFFF  }
0x7d: {  	_ =	shalt  }

</sc_bundles>
